<compile_context>
chip_gen: v7x
topology: tpu7x:2x2x1
jax: 0.10.2.dev20260603
libtpu: 0.0.44.dev20260713+nightly
codegen_flags: <defaults>
</compile_context>

<pallas_src>
import functools
import jax
import jax.numpy as jnp
from jax import lax
from jax.experimental import pallas as pl
from jax.experimental.pallas import tpu as pltpu
from jax.experimental.pallas import tpu_sc as plsc

_TOPK_POS = 8
_TOPK_NEG = 64
_TEMP = 0.07
_INVT = 1.0 / 0.07
_BISECT_ITERS = 13
_SC_ROWS = 1280
_NBUC = 128
_BOUND = 1.002
_SCALE = _NBUC / (2 * _BOUND)
_INV_SCALE = (2 * _BOUND) / _NBUC
_NW = 32
_LN2 = 0.6931471805599453


def _make_tc_body(B, BR):
    kp_f = float(_TOPK_POS)
    kn_f = float(_TOPK_NEG)

    def body(new_ref, oldt_ref, trow_ref, tcol_ref, loss_ref, nz_ref):
        i = pl.program_id(0)
        new = new_ref[...]
        oldt = oldt_ref[...]
        nn = new / jnp.maximum(
            jnp.sqrt(jnp.sum(new * new, axis=1, keepdims=True)), 1e-12)
        on = oldt / jnp.maximum(
            jnp.sqrt(jnp.sum(oldt * oldt, axis=0, keepdims=True)), 1e-12)
        sim = jnp.dot(nn, on, preferred_element_type=jnp.float32)

        pm = trow_ref[...] == tcol_ref[...]
        spos = jnp.where(pm, sim, 2.0)
        sneg = jnp.where(pm, -2.0, sim)
        n_pos = jnp.sum(jnp.where(pm, 1.0, 0.0), axis=1, keepdims=True)
        k_p = jnp.minimum(n_pos, kp_f)
        k_n = jnp.minimum(float(B) - n_pos, kn_f)

        lo0 = jnp.full((BR, 1), -1.002, jnp.float32)
        hi0 = jnp.full((BR, 1), 1.002, jnp.float32)

        def it(_, c):
            lo_p, hi_p, lo_n, hi_n = c
            mid_p = 0.5 * (lo_p + hi_p)
            mid_n = 0.5 * (lo_n + hi_n)
            c_le = jnp.sum(jnp.where(spos <= mid_p, 1.0, 0.0),
                           axis=1, keepdims=True)
            c_ge = jnp.sum(jnp.where(sneg >= mid_n, 1.0, 0.0),
                           axis=1, keepdims=True)
            ok_p = c_le >= k_p
            hi_p = jnp.where(ok_p, mid_p, hi_p)
            lo_p = jnp.where(ok_p, lo_p, mid_p)
            ok_n = c_ge >= k_n
            lo_n = jnp.where(ok_n, mid_n, lo_n)
            hi_n = jnp.where(ok_n, hi_n, mid_n)
            return lo_p, hi_p, lo_n, hi_n

        lo_p, hi_p, lo_n, hi_n = jax.lax.fori_loop(
            0, _BISECT_ITERS, it, (lo0, hi0, lo0, hi0))

        e = jnp.exp((sim - 1.0) / _TEMP)
        selp = spos <= hi_p
        cnt_p = jnp.sum(jnp.where(selp, 1.0, 0.0), axis=1, keepdims=True)
        xs_p = cnt_p - k_p
        s_pos = (jnp.sum(jnp.where(selp, sim, 0.0), axis=1, keepdims=True)
                 - xs_p * hi_p)
        e_pos = (jnp.sum(jnp.where(selp, e, 0.0), axis=1, keepdims=True)
                 - xs_p * jnp.exp((hi_p - 1.0) / _TEMP))
        seln = sneg >= lo_n
        cnt_n = jnp.sum(jnp.where(seln, 1.0, 0.0), axis=1, keepdims=True)
        e_neg = (jnp.sum(jnp.where(seln, e, 0.0), axis=1, keepdims=True)
                 - (cnt_n - k_n) * jnp.exp((lo_n - 1.0) / _TEMP))

        lse = 1.0 / _TEMP + jnp.log(jnp.maximum(e_pos + e_neg, 1e-37))
        loss_rows = k_p * lse - s_pos / _TEMP
        nz_rows = jnp.where(loss_rows != 0.0, 1.0, 0.0)
        part_loss = jnp.sum(loss_rows, axis=0, keepdims=True)
        part_nz = jnp.sum(nz_rows, axis=0, keepdims=True)

        @pl.when(i == 0)
        def _():
            loss_ref[...] = part_loss
            nz_ref[...] = part_nz

        @pl.when(i != 0)
        def _():
            loss_ref[...] = loss_ref[...] + part_loss
            nz_ref[...] = nz_ref[...] + part_nz

    return body


def _tc_fused(old_feat, new_feat, trow, tcol, n_rows):
    B, D = old_feat.shape
    BR = 256
    return pl.pallas_call(
        _make_tc_body(B, BR),
        grid=(n_rows // BR,),
        in_specs=[
            pl.BlockSpec((BR, D), lambda i: (i, 0)),
            pl.BlockSpec((D, B), lambda i: (0, 0)),
            pl.BlockSpec((BR, 1), lambda i: (i, 0)),
            pl.BlockSpec((1, B), lambda i: (0, 0)),
        ],
        out_specs=[
            pl.BlockSpec((1, 1), lambda i: (0, 0)),
            pl.BlockSpec((1, 1), lambda i: (0, 0)),
        ],
        out_shape=[
            jax.ShapeDtypeStruct((1, 1), jnp.float32),
            jax.ShapeDtypeStruct((1, 1), jnp.float32),
        ],
        compiler_params=pltpu.CompilerParams(
            dimension_semantics=("arbitrary",)),
    )(new_feat, old_feat.T, trow, tcol)


def _tc_sim_body(new_ref, oldt_ref, sim_ref):
    new = new_ref[...]
    oldt = oldt_ref[...]
    nn = new / jnp.maximum(
        jnp.sqrt(jnp.sum(new * new, axis=1, keepdims=True)), 1e-12)
    on = oldt / jnp.maximum(
        jnp.sqrt(jnp.sum(oldt * oldt, axis=0, keepdims=True)), 1e-12)
    sim_ref[...] = jnp.dot(nn, on, preferred_element_type=jnp.float32)


def _tc_sim(old_feat, new_tail):
    B, D = old_feat.shape
    n_rows = new_tail.shape[0]
    BR = 256
    return pl.pallas_call(
        _tc_sim_body,
        grid=(n_rows // BR,),
        in_specs=[
            pl.BlockSpec((BR, D), lambda i: (i, 0)),
            pl.BlockSpec((D, B), lambda i: (0, 0)),
        ],
        out_specs=pl.BlockSpec((BR, B), lambda i: (i, 0)),
        out_shape=jax.ShapeDtypeStruct((n_rows, B), jnp.float32),
        compiler_params=pltpu.CompilerParams(
            dimension_semantics=("arbitrary",)),
    )(new_tail, old_feat.T)


def _vln(x):
    bits = plsc.bitcast(x, jnp.int32)
    ex = ((bits >> 23) & 0xFF) - 127
    m = plsc.bitcast((bits & 0x7FFFFF) | 0x3F800000, jnp.float32)
    t = (m - 1.0) / (m + 1.0)
    t2 = t * t
    ln_m = 2.0 * t * (1.0 + t2 * (1.0 / 3.0 + t2 * (0.2 + t2 * (1.0 / 7.0 + t2 / 9.0))))
    return ex.astype(jnp.float32) * _LN2 + ln_m


def _lane0(v):
    iota = lax.iota(jnp.int32, 16)
    return jnp.sum(jnp.where(iota == 0, v + iota * 0, 0 * v))


def _make_sc(B, sc_rows, row_off):
    rows_per_tile = sc_rows // _NW
    nvec4 = B // 64
    hc_words = 2 * _NBUC * 16
    mesh = plsc.VectorSubcoreMesh(core_axis_name="c", subcore_axis_name="s")

    @functools.partial(
        pl.kernel,
        mesh=mesh,
        out_type=jax.ShapeDtypeStruct((_NW, 16), jnp.float32),
        scratch_types=[
            pltpu.VMEM((B,), jnp.int32),
            pltpu.VMEM((B,), jnp.float32),
            pltpu.VMEM((B,), jnp.float32),
            pltpu.VMEM((hc_words,), jnp.float32),
            pltpu.VMEM((256,), jnp.float32),
            pltpu.VMEM((16,), jnp.float32),
            pltpu.SemaphoreType.DMA,
            pltpu.SemaphoreType.DMA,
        ],
        compiler_params=pltpu.CompilerParams(needs_layout_passes=False),
    )
    def sc_sel(sim_hbm, tcol_hbm, out_hbm, tcol_v, row0_v, row1_v, hc, hg,
               stage_v, sem0, sem1):
        wid = lax.axis_index("s") * 2 + lax.axis_index("c")
        base_row = wid * rows_per_tile
        pltpu.sync_copy(tcol_hbm, tcol_v)
        iota = lax.iota(jnp.int32, 16)
        zero16 = jnp.zeros((16,), jnp.float32)
        one16 = jnp.ones((16,), jnp.float32)

        def zh(j, _):
            base = pl.multiple_of(j * 64, 8)
            for u in range(4):
                hc[pl.ds(base + u * 16, 16)] = zero16
            return 0
        lax.fori_loop(0, hc_words // 64, zh, 0)
        for u in range(16):
            hg[pl.ds(u * 16, 16)] = zero16

        pltpu.async_copy(sim_hbm.at[base_row], row0_v, sem0)
        pltpu.async_copy(sim_hbm.at[base_row + 1], row1_v, sem1)

        def process_row(buf, row_abs):
            trow = plsc.load_gather(
                tcol_v, [jnp.full((16,), row_off + row_abs, jnp.int32)])

            def p1(j, _):
                base = pl.multiple_of(j * 64, 8)
                for u in range(4):
                    off = base + u * 16
                    s = buf[pl.ds(off, 16)]
                    tc = tcol_v[pl.ds(off, 16)]
                    pm = tc == trow
                    q = jnp.clip((s + _BOUND) * _SCALE, 0.0,
                                 float(_NBUC - 1)).astype(jnp.int32)
                    qq = jnp.where(pm, q, q + _NBUC)
                    plsc.addupdate_scatter(hc, [qq * 16 + iota], one16)
                    plsc.addupdate_scatter(hg, [(qq >> 4) * 16 + iota], one16)
                return 0
            lax.fori_loop(0, nvec4, p1, 0)

            gc = zero16
            for g in range(16):
                sg = jnp.sum(hg[pl.ds(g * 16, 16)])
                gc = jnp.where(iota == g, sg, gc)
            npos = jnp.sum(jnp.where(iota < 8, gc, 0.0))
            nneg = jnp.sum(jnp.where(iota >= 8, gc, 0.0))

            gpos_v = jnp.where(iota < 8, gc, 0.0)
            cumg_p = plsc.cumsum(gpos_v)
            crg_p = cumg_p >= float(_TOPK_POS)
            dp = jnp.sum(jnp.where(crg_p, 1, 0)) > 0
            gsp = jnp.minimum(_lane0(plsc.all_reduce_ffs(crg_p)), 7)
            cbg_p = jnp.sum(jnp.where(crg_p, zero16, gpos_v))
            bc_p = zero16
            for t in range(16):
                sb = jnp.sum(hc[pl.ds(pl.multiple_of(gsp * 256, 8) + t * 16,
                                      16)])
                bc_p = jnp.where(iota == t, sb, bc_p)
            lcum_p = plsc.cumsum(bc_p) + cbg_p
            crp = lcum_p >= float(_TOPK_POS)
            lp = _lane0(plsc.all_reduce_ffs(crp))
            bp = gsp * 16 + lp
            cbp = cbg_p + jnp.sum(jnp.where(crp, zero16, bc_p))

            rgc = lax.rev(gc, (0,))
            gneg_r = jnp.where(iota < 8, rgc, 0.0)
            cumg_n = plsc.cumsum(gneg_r)
            crg_n = cumg_n >= float(_TOPK_NEG)
            dn = jnp.sum(jnp.where(crg_n, 1, 0)) > 0
            gsn = jnp.clip(15 - _lane0(plsc.all_reduce_ffs(crg_n)), 8, 15)
            cag_n = jnp.sum(jnp.where(crg_n, zero16, gneg_r))
            bc_n = zero16
            for t in range(16):
                sb = jnp.sum(hc[pl.ds(pl.multiple_of(gsn * 256, 8) + t * 16,
                                      16)])
                bc_n = jnp.where(iota == t, sb, bc_n)
            rbc_n = lax.rev(bc_n, (0,))
            lcum_n = plsc.cumsum(rbc_n) + cag_n
            crn = lcum_n >= float(_TOPK_NEG)
            lu = _lane0(plsc.all_reduce_ffs(crn))
            bn = (gsn - 8) * 16 + (15 - lu)
            can = cag_n + jnp.sum(jnp.where(crn, zero16, rbc_n))

            k_p = jnp.where(dp, float(_TOPK_POS), npos)
            k_n = jnp.where(dn, float(_TOPK_NEG), nneg)
            bp_eff = jnp.where(dp, bp, _NBUC)
            bn_eff = jnp.where(dn, bn, -1)

            def zh2(j, _):
                base = pl.multiple_of(j * 64, 8)
                for u in range(4):
                    hc[pl.ds(base + u * 16, 16)] = zero16
                return 0
            lax.fori_loop(0, hc_words // 64, zh2, 0)
            for u in range(16):
                hg[pl.ds(u * 16, 16)] = zero16

            def p2(j, c):
                sacc, eaccp, eaccn = c
                base = pl.multiple_of(j * 64, 8)
                for u in range(4):
                    off = base + u * 16
                    s = buf[pl.ds(off, 16)]
                    tc = tcol_v[pl.ds(off, 16)]
                    pm = tc == trow
                    q = jnp.clip((s + _BOUND) * _SCALE, 0.0,
                                 float(_NBUC - 1)).astype(jnp.int32)
                    e = jnp.exp((s - 1.0) * _INVT)
                    selp = jnp.logical_and(pm, q < bp_eff)
                    seln = jnp.logical_and(jnp.logical_not(pm), q > bn_eff)
                    sacc = sacc + jnp.where(selp, s, 0.0)
                    eaccp = eaccp + jnp.where(selp, e, 0.0)
                    eaccn = eaccn + jnp.where(seln, e, 0.0)
                return sacc, eaccp, eaccn

            sacc, eaccp, eaccn = lax.fori_loop(
                0, nvec4, p2, (zero16, zero16, zero16))
            s_below = jnp.sum(sacc)
            e_below = jnp.sum(eaccp)
            e_above = jnp.sum(eaccn)

            mid_p = (bp_eff.astype(jnp.float32) + 0.5) * _INV_SCALE - _BOUND
            mid_n = (bn_eff.astype(jnp.float32) + 0.5) * _INV_SCALE - _BOUND
            r_p = jnp.where(dp, k_p - cbp, 0.0)
            r_n = jnp.where(dn, k_n - can, 0.0)
            ep_mid = _lane0(jnp.exp(jnp.full((16,), (mid_p - 1.0) * _INVT)))
            en_mid = _lane0(jnp.exp(jnp.full((16,), (mid_n - 1.0) * _INVT)))
            s_pos = s_below + r_p * mid_p
            e_all = jnp.maximum(
                e_below + r_p * ep_mid + e_above + r_n * en_mid, 1e-37)
            ln_e = _lane0(_vln(jnp.full((16,), e_all)))
            loss_row = k_p * (_INVT + ln_e) - s_pos * _INVT
            nz_row = jnp.where(loss_row != 0.0, 1.0, 0.0)
            return loss_row, nz_row

        def pair_body(i, acc):
            loss_acc, nz_acc = acc
            r0 = base_row + 2 * i
            pltpu.make_async_copy(sim_hbm.at[r0], row0_v, sem0).wait()
            l0, n0 = process_row(row0_v, r0)

            @pl.when(i < rows_per_tile // 2 - 1)
            def _():
                pltpu.async_copy(sim_hbm.at[r0 + 2], row0_v, sem0)

            pltpu.make_async_copy(sim_hbm.at[r0 + 1], row1_v, sem1).wait()
            l1, n1 = process_row(row1_v, r0 + 1)

            @pl.when(i < rows_per_tile // 2 - 1)
            def _():
                pltpu.async_copy(sim_hbm.at[r0 + 3], row1_v, sem1)

            return loss_acc + l0 + l1, nz_acc + n0 + n1

        loss_sum, nz_sum = lax.fori_loop(0, rows_per_tile // 2, pair_body,
                                         (0.0, 0.0))
        out_vec = jnp.where(iota == 0, loss_sum,
                            jnp.where(iota == 1, nz_sum, 0.0))
        stage_v[...] = out_vec
        pltpu.sync_copy(stage_v, out_hbm.at[wid])

    return sc_sel


def kernel(old_feat, new_feat, target):
    B, D = old_feat.shape
    tc_rows = B - _SC_ROWS
    tgt = target.astype(jnp.int32)
    trow = tgt.astype(jnp.float32).reshape(B, 1)
    tcol = tgt.astype(jnp.float32).reshape(1, B)
    sim_tail = _tc_sim(old_feat, new_feat[tc_rows:])
    parts_sc = _make_sc(B, _SC_ROWS, tc_rows)(sim_tail, tgt)
    tc_loss, tc_nz = _tc_fused(old_feat, new_feat, trow, tcol, tc_rows)
    loss = tc_loss[0, 0] + jnp.sum(parts_sc[:, 0])
    nz = tc_nz[0, 0] + jnp.sum(parts_sc[:, 1])
    return loss / jnp.maximum(nz, 1.0)

# --- scband reference (transcript-rebuilt; emitter-appended) ---
"""Pipeline reference for scband-metric-loss-22402549416619 (READ-ONLY COPY).

The authoritative reference and input builder live on the scoring server;
editing this copy changes nothing except your own understanding.
"""

import jax
import jax.numpy as jnp
import numpy as np

TOPK_POS = 8
TOPK_NEG = 64
TEMP = 0.07
B = 4096
D = 128
NUM_CLASSES = 64


def setup_inputs(seed: int = 0) -> dict:
    key = jax.random.key(seed)
    k1, k2, k3 = jax.random.split(key, 3)
    old_feat = jax.random.normal(k1, (B, D), dtype=jnp.float32)
    new_feat = jax.random.normal(k2, (B, D), dtype=jnp.float32)
    target = jax.random.randint(k3, (B,), 0, NUM_CLASSES, dtype=jnp.int32)
    return {"old_feat": old_feat, "new_feat": new_feat, "target": target}


def _l2_normalize(x, axis=1, eps=1e-12):
    n = jnp.linalg.norm(x, axis=axis, keepdims=True)
    return x / jnp.maximum(n, eps)


def reference(old_feat, new_feat, target):
    old_n = _l2_normalize(old_feat, axis=1)
    new_n = _l2_normalize(new_feat, axis=1)
    sim = new_n @ old_n.T  # [B, B]
    # classwise positive mask (includes diagonal/self)
    pos_mask = target[:, None] == target[None, :]
    # get_topk_pos (default path): mask non-positives with +inf, take k smallest (hardest positives)
    sim_pos_masked = jnp.where(pos_mask, sim, jnp.inf)
    sim_pos = -jax.lax.top_k(-sim_pos_masked, TOPK_POS)[0]
    # get_topk_neg (default path): mask positives with -inf, take k largest (hardest negatives)
    sim_neg_masked = jnp.where(pos_mask, -jnp.inf, sim)
    sim_neg = jax.lax.top_k(sim_neg_masked, TOPK_NEG)[0]
    # logits and multi-label targets fed to MultiLabelCrossEntropyLoss
    logits = jnp.concatenate([sim_pos, sim_neg], axis=1) / TEMP
    # criterion: input[input == inf] = -inf
    logits = jnp.where(jnp.isposinf(logits), -jnp.inf, logits)
    tgt = jnp.concatenate(
        [jnp.ones((logits.shape[0], TOPK_POS), jnp.float32),
         jnp.zeros((logits.shape[0], TOPK_NEG), jnp.float32)], axis=1)
    log_probs = jax.nn.log_softmax(logits, axis=1)
    loss_ = -tgt * log_probs
    loss_ = jnp.where(jnp.isinf(loss_) | jnp.isnan(loss_), 0.0, loss_)
    loss = loss_.sum(axis=1)
    non_zero_cnt = jnp.maximum(jnp.sum(loss != 0), 1).astype(jnp.float32)
    return loss.sum() / non_zero_cnt

if __name__ == "__main__":
    import jax
    _d = setup_inputs()
    print(jax.jit(kernel)(*tuple(_d.values())))

</pallas_src>

<mosaic_0001>
#map = affine_map<(d0, d1) -> (0, 0)>
#map1 = affine_map<(d0, d1) -> (0)>
module attributes {stable_mosaic.version = 14 : i64} {
  func.func @sc_sel(%arg0: i32, %arg1: i32, %arg2: memref<1280x4096xf32, #tpu.memory_space<hbm>>, %arg3: memref<4096xi32, #tpu.memory_space<hbm>>, %arg4: memref<32x16xf32, #tpu.memory_space<hbm>>, %arg5: memref<4096xi32, #tpu.memory_space<vmem>>, %arg6: memref<4096xf32, #tpu.memory_space<vmem>>, %arg7: memref<4096xf32, #tpu.memory_space<vmem>>, %arg8: memref<4096xf32, #tpu.memory_space<vmem>>, %arg9: memref<256xf32, #tpu.memory_space<vmem>>, %arg10: memref<16xf32, #tpu.memory_space<vmem>>, %arg11: memref<!tpu.dma_semaphore, #tpu.memory_space<semaphore_mem>>, %arg12: memref<!tpu.dma_semaphore, #tpu.memory_space<semaphore_mem>>) attributes {dimension_semantics = [#tpu.dimension_semantics<core_parallel>, #tpu.dimension_semantics<subcore_parallel>], iteration_bounds = array<i64: 2, 16>, scalar_prefetch = 0 : i64, scratch_operands = 8 : i64, tpu.core_type = #tpu.core_type<sc_vector_subcore>, window_params = [{transform_indices = #map}, {transform_indices = #map1}, {transform_indices = #map}]} {
    %mul3A = arith.constant 2 : i32
    %mul3A_0 = arith.muli %arg1, %mul3A : i32
    %add3A = arith.addi %mul3A_0, %arg0 : i32
    %mul3A_1 = arith.constant 40 : i32
    %mul3A_2 = arith.muli %add3A, %mul3A_1 : i32
    "tpu.region"() ({
      %run_scoped3A = tpu.sem_alloc : memref<!tpu.dma_semaphore, #tpu.memory_space<semaphore_mem>>
      tpu.enqueue_dma source(%arg3 : memref<4096xi32, #tpu.memory_space<hbm>>) target(%arg5 : memref<4096xi32, #tpu.memory_space<vmem>>) target_semaphore(%run_scoped3A : memref<!tpu.dma_semaphore, #tpu.memory_space<semaphore_mem>>)
      tpu.wait_dma2 semaphore(%run_scoped3A : memref<!tpu.dma_semaphore, #tpu.memory_space<semaphore_mem>>) src(%arg3 : memref<4096xi32, #tpu.memory_space<hbm>>) dst(%arg5 : memref<4096xi32, #tpu.memory_space<vmem>>)
      tpu.yield
    }) : () -> ()
    %iota3A = tpu.iota {dimensions = array<i32: 0>} : vector<16xi32>
    %broadcast_in_dim3A = arith.constant 0.000000e+00 : f32
    %broadcast_in_dim3A_3 = vector.broadcast %broadcast_in_dim3A : f32 to vector<16xf32>
    %broadcast_in_dim3A_4 = arith.constant 1.000000e+00 : f32
    %broadcast_in_dim3A_5 = vector.broadcast %broadcast_in_dim3A_4 : f32 to vector<16xf32>
    %scan3A = arith.constant 0 : i32
    %scan3A_6 = arith.constant 0 : i32
    %scan3A_7 = arith.constant 64 : i32
    %scan3A_8 = arith.addi %scan3A_6, %scan3A_7 : i32
    %scan3A_9 = arith.constant 1 : i32
    %scan3A_10 = scf.for %scan3A_75 = %scan3A_6 to %scan3A_8 step %scan3A_9 iter_args(%scan3A_76 = %scan3A) -> (i32)  : i32 {
      %mul3A_77 = arith.constant 64 : i32
      %mul3A_78 = arith.muli %scan3A_75, %mul3A_77 : i32
      %multiple_of3A = tpu.assume_multiple %mul3A_78, 8 : i32
      %add3A_79 = arith.constant 0 : i32
      %add3A_80 = arith.addi %multiple_of3A, %add3A_79 : i32
      %swap3A_81 = arith.index_cast %add3A_80 : i32 to index
      %swap3A_82 = tpu.vector_load %arg8[%swap3A_81] {strides = array<i32>} : memref<4096xf32, #tpu.memory_space<vmem>>, vector<16xf32>,
      tpu.vector_store %arg8[%swap3A_81], %broadcast_in_dim3A_3 {strides = array<i32>} : memref<4096xf32, #tpu.memory_space<vmem>>, vector<16xf32>,
      %add3A_83 = arith.constant 16 : i32
      %add3A_84 = arith.addi %multiple_of3A, %add3A_83 : i32
      %swap3A_85 = arith.index_cast %add3A_84 : i32 to index
      %swap3A_86 = tpu.vector_load %arg8[%swap3A_85] {strides = array<i32>} : memref<4096xf32, #tpu.memory_space<vmem>>, vector<16xf32>,
      tpu.vector_store %arg8[%swap3A_85], %broadcast_in_dim3A_3 {strides = array<i32>} : memref<4096xf32, #tpu.memory_space<vmem>>, vector<16xf32>,
      %add3A_87 = arith.constant 32 : i32
      %add3A_88 = arith.addi %multiple_of3A, %add3A_87 : i32
      %swap3A_89 = arith.index_cast %add3A_88 : i32 to index
      %swap3A_90 = tpu.vector_load %arg8[%swap3A_89] {strides = array<i32>} : memref<4096xf32, #tpu.memory_space<vmem>>, vector<16xf32>,
      tpu.vector_store %arg8[%swap3A_89], %broadcast_in_dim3A_3 {strides = array<i32>} : memref<4096xf32, #tpu.memory_space<vmem>>, vector<16xf32>,
      %add3A_91 = arith.constant 48 : i32
      %add3A_92 = arith.addi %multiple_of3A, %add3A_91 : i32
      %swap3A_93 = arith.index_cast %add3A_92 : i32 to index
      %swap3A_94 = tpu.vector_load %arg8[%swap3A_93] {strides = array<i32>} : memref<4096xf32, #tpu.memory_space<vmem>>, vector<16xf32>,
      tpu.vector_store %arg8[%swap3A_93], %broadcast_in_dim3A_3 {strides = array<i32>} : memref<4096xf32, #tpu.memory_space<vmem>>, vector<16xf32>,
      %scan3A_95 = arith.constant 0 : i32
      scf.yield %scan3A_95 : i32
    }
    %scan3A_11 = arith.constant 64 : i32
    %swap3A = arith.constant 0 : index
    %swap3A_12 = tpu.vector_load %arg9[%swap3A] {strides = array<i32>} : memref<256xf32, #tpu.memory_space<vmem>>, vector<16xf32>,
    tpu.vector_store %arg9[%swap3A], %broadcast_in_dim3A_3 {strides = array<i32>} : memref<256xf32, #tpu.memory_space<vmem>>, vector<16xf32>,
    %swap3A_13 = arith.constant 16 : index
    %swap3A_14 = tpu.vector_load %arg9[%swap3A_13] {strides = array<i32>} : memref<256xf32, #tpu.memory_space<vmem>>, vector<16xf32>,
    tpu.vector_store %arg9[%swap3A_13], %broadcast_in_dim3A_3 {strides = array<i32>} : memref<256xf32, #tpu.memory_space<vmem>>, vector<16xf32>,
    %swap3A_15 = arith.constant 32 : index
    %swap3A_16 = tpu.vector_load %arg9[%swap3A_15] {strides = array<i32>} : memref<256xf32, #tpu.memory_space<vmem>>, vector<16xf32>,
    tpu.vector_store %arg9[%swap3A_15], %broadcast_in_dim3A_3 {strides = array<i32>} : memref<256xf32, #tpu.memory_space<vmem>>, vector<16xf32>,
    %swap3A_17 = arith.constant 48 : index
    %swap3A_18 = tpu.vector_load %arg9[%swap3A_17] {strides = array<i32>} : memref<256xf32, #tpu.memory_space<vmem>>, vector<16xf32>,
    tpu.vector_store %arg9[%swap3A_17], %broadcast_in_dim3A_3 {strides = array<i32>} : memref<256xf32, #tpu.memory_space<vmem>>, vector<16xf32>,
    %swap3A_19 = arith.constant 64 : index
    %swap3A_20 = tpu.vector_load %arg9[%swap3A_19] {strides = array<i32>} : memref<256xf32, #tpu.memory_space<vmem>>, vector<16xf32>,
    tpu.vector_store %arg9[%swap3A_19], %broadcast_in_dim3A_3 {strides = array<i32>} : memref<256xf32, #tpu.memory_space<vmem>>, vector<16xf32>,
    %swap3A_21 = arith.constant 80 : index
    %swap3A_22 = tpu.vector_load %arg9[%swap3A_21] {strides = array<i32>} : memref<256xf32, #tpu.memory_space<vmem>>, vector<16xf32>,
    tpu.vector_store %arg9[%swap3A_21], %broadcast_in_dim3A_3 {strides = array<i32>} : memref<256xf32, #tpu.memory_space<vmem>>, vector<16xf32>,
    %swap3A_23 = arith.constant 96 : index
    %swap3A_24 = tpu.vector_load %arg9[%swap3A_23] {strides = array<i32>} : memref<256xf32, #tpu.memory_space<vmem>>, vector<16xf32>,
    tpu.vector_store %arg9[%swap3A_23], %broadcast_in_dim3A_3 {strides = array<i32>} : memref<256xf32, #tpu.memory_space<vmem>>, vector<16xf32>,
    %swap3A_25 = arith.constant 112 : index
    %swap3A_26 = tpu.vector_load %arg9[%swap3A_25] {strides = array<i32>} : memref<256xf32, #tpu.memory_space<vmem>>, vector<16xf32>,
    tpu.vector_store %arg9[%swap3A_25], %broadcast_in_dim3A_3 {strides = array<i32>} : memref<256xf32, #tpu.memory_space<vmem>>, vector<16xf32>,
    %swap3A_27 = arith.constant 128 : index
    %swap3A_28 = tpu.vector_load %arg9[%swap3A_27] {strides = array<i32>} : memref<256xf32, #tpu.memory_space<vmem>>, vector<16xf32>,
    tpu.vector_store %arg9[%swap3A_27], %broadcast_in_dim3A_3 {strides = array<i32>} : memref<256xf32, #tpu.memory_space<vmem>>, vector<16xf32>,
    %swap3A_29 = arith.constant 144 : index
    %swap3A_30 = tpu.vector_load %arg9[%swap3A_29] {strides = array<i32>} : memref<256xf32, #tpu.memory_space<vmem>>, vector<16xf32>,
    tpu.vector_store %arg9[%swap3A_29], %broadcast_in_dim3A_3 {strides = array<i32>} : memref<256xf32, #tpu.memory_space<vmem>>, vector<16xf32>,
    %swap3A_31 = arith.constant 160 : index
    %swap3A_32 = tpu.vector_load %arg9[%swap3A_31] {strides = array<i32>} : memref<256xf32, #tpu.memory_space<vmem>>, vector<16xf32>,
    tpu.vector_store %arg9[%swap3A_31], %broadcast_in_dim3A_3 {strides = array<i32>} : memref<256xf32, #tpu.memory_space<vmem>>, vector<16xf32>,
    %swap3A_33 = arith.constant 176 : index
    %swap3A_34 = tpu.vector_load %arg9[%swap3A_33] {strides = array<i32>} : memref<256xf32, #tpu.memory_space<vmem>>, vector<16xf32>,
    tpu.vector_store %arg9[%swap3A_33], %broadcast_in_dim3A_3 {strides = array<i32>} : memref<256xf32, #tpu.memory_space<vmem>>, vector<16xf32>,
    %swap3A_35 = arith.constant 192 : index
    %swap3A_36 = tpu.vector_load %arg9[%swap3A_35] {strides = array<i32>} : memref<256xf32, #tpu.memory_space<vmem>>, vector<16xf32>,
    tpu.vector_store %arg9[%swap3A_35], %broadcast_in_dim3A_3 {strides = array<i32>} : memref<256xf32, #tpu.memory_space<vmem>>, vector<16xf32>,
    %swap3A_37 = arith.constant 208 : index
    %swap3A_38 = tpu.vector_load %arg9[%swap3A_37] {strides = array<i32>} : memref<256xf32, #tpu.memory_space<vmem>>, vector<16xf32>,
    tpu.vector_store %arg9[%swap3A_37], %broadcast_in_dim3A_3 {strides = array<i32>} : memref<256xf32, #tpu.memory_space<vmem>>, vector<16xf32>,
    %swap3A_39 = arith.constant 224 : index
    %swap3A_40 = tpu.vector_load %arg9[%swap3A_39] {strides = array<i32>} : memref<256xf32, #tpu.memory_space<vmem>>, vector<16xf32>,
    tpu.vector_store %arg9[%swap3A_39], %broadcast_in_dim3A_3 {strides = array<i32>} : memref<256xf32, #tpu.memory_space<vmem>>, vector<16xf32>,
    %swap3A_41 = arith.constant 240 : index
    %swap3A_42 = tpu.vector_load %arg9[%swap3A_41] {strides = array<i32>} : memref<256xf32, #tpu.memory_space<vmem>>, vector<16xf32>,
    tpu.vector_store %arg9[%swap3A_41], %broadcast_in_dim3A_3 {strides = array<i32>} : memref<256xf32, #tpu.memory_space<vmem>>, vector<16xf32>,
    %dma_start3A = arith.constant 0 : i32
    %dma_start3A_43 = tpu.memref_slice %arg2[%mul3A_2, %dma_start3A] : memref<1280x4096xf32, #tpu.memory_space<hbm>> -> memref<1x4096xf32, #tpu.memory_space<hbm>>
    %dma_start3A_44 = tpu.memref_squeeze %dma_start3A_43 : memref<1x4096xf32, #tpu.memory_space<hbm>> -> memref<4096xf32, #tpu.memory_space<hbm>>
    %dma_start3A_45 = arith.constant 0 : i32
    %dma_start3A_46 = tpu.memref_slice %arg2[%mul3A_2, %dma_start3A_45] : memref<1280x4096xf32, #tpu.memory_space<hbm>> -> memref<1x4096xf32, #tpu.memory_space<hbm>>
    %dma_start3A_47 = tpu.memref_squeeze %dma_start3A_46 : memref<1x4096xf32, #tpu.memory_space<hbm>> -> memref<4096xf32, #tpu.memory_space<hbm>>
    tpu.enqueue_dma source(%dma_start3A_47 : memref<4096xf32, #tpu.memory_space<hbm>>) target(%arg6 : memref<4096xf32, #tpu.memory_space<vmem>>) target_semaphore(%arg11 : memref<!tpu.dma_semaphore, #tpu.memory_space<semaphore_mem>>)
    %add3A_48 = arith.constant 1 : i32
    %add3A_49 = arith.addi %mul3A_2, %add3A_48 : i32
    %dma_start3A_50 = arith.constant 0 : i32
    %dma_start3A_51 = tpu.memref_slice %arg2[%add3A_49, %dma_start3A_50] : memref<1280x4096xf32, #tpu.memory_space<hbm>> -> memref<1x4096xf32, #tpu.memory_space<hbm>>
    %dma_start3A_52 = tpu.memref_squeeze %dma_start3A_51 : memref<1x4096xf32, #tpu.memory_space<hbm>> -> memref<4096xf32, #tpu.memory_space<hbm>>
    %dma_start3A_53 = arith.constant 0 : i32
    %dma_start3A_54 = tpu.memref_slice %arg2[%add3A_49, %dma_start3A_53] : memref<1280x4096xf32, #tpu.memory_space<hbm>> -> memref<1x4096xf32, #tpu.memory_space<hbm>>
    %dma_start3A_55 = tpu.memref_squeeze %dma_start3A_54 : memref<1x4096xf32, #tpu.memory_space<hbm>> -> memref<4096xf32, #tpu.memory_space<hbm>>
    tpu.enqueue_dma source(%dma_start3A_55 : memref<4096xf32, #tpu.memory_space<hbm>>) target(%arg7 : memref<4096xf32, #tpu.memory_space<vmem>>) target_semaphore(%arg12 : memref<!tpu.dma_semaphore, #tpu.memory_space<semaphore_mem>>)
    %scan3A_56 = arith.constant 0.000000e+00 : f32
    %scan3A_57 = arith.constant 0.000000e+00 : f32
    %scan3A_58 = arith.constant 0 : i32
    %scan3A_59 = arith.constant 20 : i32
    %scan3A_60 = arith.addi %scan3A_58, %scan3A_59 : i32
    %scan3A_61 = arith.constant 1 : i32
    %scan3A_62:2 = scf.for %scan3A_75 = %scan3A_58 to %scan3A_60 step %scan3A_61 iter_args(%scan3A_76 = %scan3A_56, %scan3A_77 = %scan3A_57) -> (f32, f32)  : i32 {
      %mul3A_78 = arith.constant 2 : i32
      %mul3A_79 = arith.muli %mul3A_78, %scan3A_75 : i32
      %add3A_80 = arith.addi %mul3A_2, %mul3A_79 : i32
      %dma_wait3A = arith.constant 0 : i32
      %dma_wait3A_81 = tpu.memref_slice %arg2[%add3A_80, %dma_wait3A] : memref<1280x4096xf32, #tpu.memory_space<hbm>> -> memref<1x4096xf32, #tpu.memory_space<hbm>>
      %dma_wait3A_82 = tpu.memref_squeeze %dma_wait3A_81 : memref<1x4096xf32, #tpu.memory_space<hbm>> -> memref<4096xf32, #tpu.memory_space<hbm>>
      %dma_wait3A_83 = arith.constant 0 : i32
      %dma_wait3A_84 = tpu.memref_slice %arg2[%add3A_80, %dma_wait3A_83] : memref<1280x4096xf32, #tpu.memory_space<hbm>> -> memref<1x4096xf32, #tpu.memory_space<hbm>>
      %dma_wait3A_85 = tpu.memref_squeeze %dma_wait3A_84 : memref<1x4096xf32, #tpu.memory_space<hbm>> -> memref<4096xf32, #tpu.memory_space<hbm>>
      tpu.wait_dma2 semaphore(%arg11 : memref<!tpu.dma_semaphore, #tpu.memory_space<semaphore_mem>>) src(%dma_wait3A_85 : memref<4096xf32, #tpu.memory_space<hbm>>) dst(%arg6 : memref<4096xf32, #tpu.memory_space<vmem>>)
      %add3A_86 = arith.constant 2816 : i32
      %add3A_87 = arith.addi %add3A_86, %add3A_80 : i32
      %broadcast_in_dim3A_88 = vector.broadcast %add3A_87 : i32 to vector<16xi32>
      %gather3A = tpu.vector_load_idx %arg5[%broadcast_in_dim3A_88] : memref<4096xi32, #tpu.memory_space<vmem>>[vector<16xi32>], vector<16xi32>,
      %scan3A_89 = arith.constant 0 : i32
      %scan3A_90 = arith.constant 0 : i32
      %scan3A_91 = arith.constant 64 : i32
      %scan3A_92 = arith.addi %scan3A_90, %scan3A_91 : i32
      %scan3A_93 = arith.constant 1 : i32
      %scan3A_94 = scf.for %scan3A_2328 = %scan3A_90 to %scan3A_92 step %scan3A_93 iter_args(%scan3A_2329 = %scan3A_89) -> (i32)  : i32 {
        %mul3A_2330 = arith.constant 64 : i32
        %mul3A_2331 = arith.muli %scan3A_2328, %mul3A_2330 : i32
        %multiple_of3A_2332 = tpu.assume_multiple %mul3A_2331, 8 : i32
        %add3A_2333 = arith.constant 0 : i32
        %add3A_2334 = arith.addi %multiple_of3A_2332, %add3A_2333 : i32
        %get3A_2335 = arith.index_cast %add3A_2334 : i32 to index
        %get3A_2336 = tpu.vector_load %arg6[%get3A_2335] {strides = array<i32>} : memref<4096xf32, #tpu.memory_space<vmem>>, vector<16xf32>,
        %get3A_2337 = arith.index_cast %add3A_2334 : i32 to index
        %get3A_2338 = tpu.vector_load %arg5[%get3A_2337] {strides = array<i32>} : memref<4096xi32, #tpu.memory_space<vmem>>, vector<16xi32>,
        %eq3A_2339 = arith.cmpi eq, %get3A_2338, %gather3A : vector<16xi32>
        %add3A_2340 = arith.constant 1.002000e+00 : f32
        %add3A_2341 = vector.broadcast %add3A_2340 : f32 to vector<16xf32>
        %add3A_2342 = arith.addf %get3A_2336, %add3A_2341 : vector<16xf32>
        %mul3A_2343 = arith.constant 63.8722572 : f32
        %mul3A_2344 = vector.broadcast %mul3A_2343 : f32 to vector<16xf32>
        %mul3A_2345 = arith.mulf %add3A_2342, %mul3A_2344 : vector<16xf32>
        %jit3A_2346 = arith.constant 0.000000e+00 : f32
        %jit3A_2347 = arith.constant 1.270000e+02 : f32
        %max3A_2348 = vector.broadcast %jit3A_2346 : f32 to vector<16xf32>
        %max3A_2349 = arith.maximumf %max3A_2348, %mul3A_2345 : vector<16xf32>
        %min3A_2350 = vector.broadcast %jit3A_2347 : f32 to vector<16xf32>
        %min3A_2351 = arith.minimumf %min3A_2350, %max3A_2349 : vector<16xf32>
        %convert_element_type3A_2352 = arith.fptosi %min3A_2351 : vector<16xf32> to vector<16xi32>
        %add3A_2353 = arith.constant 128 : i32
        %add3A_2354 = vector.broadcast %add3A_2353 : i32 to vector<16xi32>
        %add3A_2355 = arith.addi %convert_element_type3A_2352, %add3A_2354 : vector<16xi32>
        %select_n3A_2356 = arith.select %eq3A_2339, %convert_element_type3A_2352, %add3A_2355 : vector<16xi1>, vector<16xi32>
        %mul3A_2357 = arith.constant 16 : i32
        %mul3A_2358 = vector.broadcast %mul3A_2357 : i32 to vector<16xi32>
        %mul3A_2359 = arith.muli %select_n3A_2356, %mul3A_2358 : vector<16xi32>
        %add3A_2360 = arith.addi %mul3A_2359, %iota3A : vector<16xi32>
        tpu.vector_store_idx %arg8[%add3A_2360], %broadcast_in_dim3A_5 {add = true} : memref<4096xf32, #tpu.memory_space<vmem>>[vector<16xi32>], vector<16xf32>,
        %shift_right_arithmetic3A_2361 = arith.constant 4 : i32
        %shift_right_arithmetic3A_2362 = vector.broadcast %shift_right_arithmetic3A_2361 : i32 to vector<16xi32>
        %shift_right_arithmetic3A_2363 = arith.shrsi %select_n3A_2356, %shift_right_arithmetic3A_2362 : vector<16xi32>
        %mul3A_2364 = arith.constant 16 : i32
        %mul3A_2365 = vector.broadcast %mul3A_2364 : i32 to vector<16xi32>
        %mul3A_2366 = arith.muli %shift_right_arithmetic3A_2363, %mul3A_2365 : vector<16xi32>
        %add3A_2367 = arith.addi %mul3A_2366, %iota3A : vector<16xi32>
        tpu.vector_store_idx %arg9[%add3A_2367], %broadcast_in_dim3A_5 {add = true} : memref<256xf32, #tpu.memory_space<vmem>>[vector<16xi32>], vector<16xf32>,
        %add3A_2368 = arith.constant 16 : i32
        %add3A_2369 = arith.addi %multiple_of3A_2332, %add3A_2368 : i32
        %get3A_2370 = arith.index_cast %add3A_2369 : i32 to index
        %get3A_2371 = tpu.vector_load %arg6[%get3A_2370] {strides = array<i32>} : memref<4096xf32, #tpu.memory_space<vmem>>, vector<16xf32>,
        %get3A_2372 = arith.index_cast %add3A_2369 : i32 to index
        %get3A_2373 = tpu.vector_load %arg5[%get3A_2372] {strides = array<i32>} : memref<4096xi32, #tpu.memory_space<vmem>>, vector<16xi32>,
        %eq3A_2374 = arith.cmpi eq, %get3A_2373, %gather3A : vector<16xi32>
        %add3A_2375 = arith.constant 1.002000e+00 : f32
        %add3A_2376 = vector.broadcast %add3A_2375 : f32 to vector<16xf32>
        %add3A_2377 = arith.addf %get3A_2371, %add3A_2376 : vector<16xf32>
        %mul3A_2378 = arith.constant 63.8722572 : f32
        %mul3A_2379 = vector.broadcast %mul3A_2378 : f32 to vector<16xf32>
        %mul3A_2380 = arith.mulf %add3A_2377, %mul3A_2379 : vector<16xf32>
        %jit3A_2381 = arith.constant 0.000000e+00 : f32
        %jit3A_2382 = arith.constant 1.270000e+02 : f32
        %max3A_2383 = vector.broadcast %jit3A_2381 : f32 to vector<16xf32>
        %max3A_2384 = arith.maximumf %max3A_2383, %mul3A_2380 : vector<16xf32>
        %min3A_2385 = vector.broadcast %jit3A_2382 : f32 to vector<16xf32>
        %min3A_2386 = arith.minimumf %min3A_2385, %max3A_2384 : vector<16xf32>
        %convert_element_type3A_2387 = arith.fptosi %min3A_2386 : vector<16xf32> to vector<16xi32>
        %add3A_2388 = arith.constant 128 : i32
        %add3A_2389 = vector.broadcast %add3A_2388 : i32 to vector<16xi32>
        %add3A_2390 = arith.addi %convert_element_type3A_2387, %add3A_2389 : vector<16xi32>
        %select_n3A_2391 = arith.select %eq3A_2374, %convert_element_type3A_2387, %add3A_2390 : vector<16xi1>, vector<16xi32>
        %mul3A_2392 = arith.constant 16 : i32
        %mul3A_2393 = vector.broadcast %mul3A_2392 : i32 to vector<16xi32>
        %mul3A_2394 = arith.muli %select_n3A_2391, %mul3A_2393 : vector<16xi32>
        %add3A_2395 = arith.addi %mul3A_2394, %iota3A : vector<16xi32>
        tpu.vector_store_idx %arg8[%add3A_2395], %broadcast_in_dim3A_5 {add = true} : memref<4096xf32, #tpu.memory_space<vmem>>[vector<16xi32>], vector<16xf32>,
        %shift_right_arithmetic3A_2396 = arith.constant 4 : i32
        %shift_right_arithmetic3A_2397 = vector.broadcast %shift_right_arithmetic3A_2396 : i32 to vector<16xi32>
        %shift_right_arithmetic3A_2398 = arith.shrsi %select_n3A_2391, %shift_right_arithmetic3A_2397 : vector<16xi32>
        %mul3A_2399 = arith.constant 16 : i32
        %mul3A_2400 = vector.broadcast %mul3A_2399 : i32 to vector<16xi32>
        %mul3A_2401 = arith.muli %shift_right_arithmetic3A_2398, %mul3A_2400 : vector<16xi32>
        %add3A_2402 = arith.addi %mul3A_2401, %iota3A : vector<16xi32>
        tpu.vector_store_idx %arg9[%add3A_2402], %broadcast_in_dim3A_5 {add = true} : memref<256xf32, #tpu.memory_space<vmem>>[vector<16xi32>], vector<16xf32>,
        %add3A_2403 = arith.constant 32 : i32
        %add3A_2404 = arith.addi %multiple_of3A_2332, %add3A_2403 : i32
        %get3A_2405 = arith.index_cast %add3A_2404 : i32 to index
        %get3A_2406 = tpu.vector_load %arg6[%get3A_2405] {strides = array<i32>} : memref<4096xf32, #tpu.memory_space<vmem>>, vector<16xf32>,
        %get3A_2407 = arith.index_cast %add3A_2404 : i32 to index
        %get3A_2408 = tpu.vector_load %arg5[%get3A_2407] {strides = array<i32>} : memref<4096xi32, #tpu.memory_space<vmem>>, vector<16xi32>,
        %eq3A_2409 = arith.cmpi eq, %get3A_2408, %gather3A : vector<16xi32>
        %add3A_2410 = arith.constant 1.002000e+00 : f32
        %add3A_2411 = vector.broadcast %add3A_2410 : f32 to vector<16xf32>
        %add3A_2412 = arith.addf %get3A_2406, %add3A_2411 : vector<16xf32>
        %mul3A_2413 = arith.constant 63.8722572 : f32
        %mul3A_2414 = vector.broadcast %mul3A_2413 : f32 to vector<16xf32>
        %mul3A_2415 = arith.mulf %add3A_2412, %mul3A_2414 : vector<16xf32>
        %jit3A_2416 = arith.constant 0.000000e+00 : f32
        %jit3A_2417 = arith.constant 1.270000e+02 : f32
        %max3A_2418 = vector.broadcast %jit3A_2416 : f32 to vector<16xf32>
        %max3A_2419 = arith.maximumf %max3A_2418, %mul3A_2415 : vector<16xf32>
        %min3A_2420 = vector.broadcast %jit3A_2417 : f32 to vector<16xf32>
        %min3A_2421 = arith.minimumf %min3A_2420, %max3A_2419 : vector<16xf32>
        %convert_element_type3A_2422 = arith.fptosi %min3A_2421 : vector<16xf32> to vector<16xi32>
        %add3A_2423 = arith.constant 128 : i32
        %add3A_2424 = vector.broadcast %add3A_2423 : i32 to vector<16xi32>
        %add3A_2425 = arith.addi %convert_element_type3A_2422, %add3A_2424 : vector<16xi32>
        %select_n3A_2426 = arith.select %eq3A_2409, %convert_element_type3A_2422, %add3A_2425 : vector<16xi1>, vector<16xi32>
        %mul3A_2427 = arith.constant 16 : i32
        %mul3A_2428 = vector.broadcast %mul3A_2427 : i32 to vector<16xi32>
        %mul3A_2429 = arith.muli %select_n3A_2426, %mul3A_2428 : vector<16xi32>
        %add3A_2430 = arith.addi %mul3A_2429, %iota3A : vector<16xi32>
        tpu.vector_store_idx %arg8[%add3A_2430], %broadcast_in_dim3A_5 {add = true} : memref<4096xf32, #tpu.memory_space<vmem>>[vector<16xi32>], vector<16xf32>,
        %shift_right_arithmetic3A_2431 = arith.constant 4 : i32
        %shift_right_arithmetic3A_2432 = vector.broadcast %shift_right_arithmetic3A_2431 : i32 to vector<16xi32>
        %shift_right_arithmetic3A_2433 = arith.shrsi %select_n3A_2426, %shift_right_arithmetic3A_2432 : vector<16xi32>
        %mul3A_2434 = arith.constant 16 : i32
        %mul3A_2435 = vector.broadcast %mul3A_2434 : i32 to vector<16xi32>
        %mul3A_2436 = arith.muli %shift_right_arithmetic3A_2433, %mul3A_2435 : vector<16xi32>
        %add3A_2437 = arith.addi %mul3A_2436, %iota3A : vector<16xi32>
        tpu.vector_store_idx %arg9[%add3A_2437], %broadcast_in_dim3A_5 {add = true} : memref<256xf32, #tpu.memory_space<vmem>>[vector<16xi32>], vector<16xf32>,
        %add3A_2438 = arith.constant 48 : i32
        %add3A_2439 = arith.addi %multiple_of3A_2332, %add3A_2438 : i32
        %get3A_2440 = arith.index_cast %add3A_2439 : i32 to index
        %get3A_2441 = tpu.vector_load %arg6[%get3A_2440] {strides = array<i32>} : memref<4096xf32, #tpu.memory_space<vmem>>, vector<16xf32>,
        %get3A_2442 = arith.index_cast %add3A_2439 : i32 to index
        %get3A_2443 = tpu.vector_load %arg5[%get3A_2442] {strides = array<i32>} : memref<4096xi32, #tpu.memory_space<vmem>>, vector<16xi32>,
        %eq3A_2444 = arith.cmpi eq, %get3A_2443, %gather3A : vector<16xi32>
        %add3A_2445 = arith.constant 1.002000e+00 : f32
        %add3A_2446 = vector.broadcast %add3A_2445 : f32 to vector<16xf32>
        %add3A_2447 = arith.addf %get3A_2441, %add3A_2446 : vector<16xf32>
        %mul3A_2448 = arith.constant 63.8722572 : f32
        %mul3A_2449 = vector.broadcast %mul3A_2448 : f32 to vector<16xf32>
        %mul3A_2450 = arith.mulf %add3A_2447, %mul3A_2449 : vector<16xf32>
        %jit3A_2451 = arith.constant 0.000000e+00 : f32
        %jit3A_2452 = arith.constant 1.270000e+02 : f32
        %max3A_2453 = vector.broadcast %jit3A_2451 : f32 to vector<16xf32>
        %max3A_2454 = arith.maximumf %max3A_2453, %mul3A_2450 : vector<16xf32>
        %min3A_2455 = vector.broadcast %jit3A_2452 : f32 to vector<16xf32>
        %min3A_2456 = arith.minimumf %min3A_2455, %max3A_2454 : vector<16xf32>
        %convert_element_type3A_2457 = arith.fptosi %min3A_2456 : vector<16xf32> to vector<16xi32>
        %add3A_2458 = arith.constant 128 : i32
        %add3A_2459 = vector.broadcast %add3A_2458 : i32 to vector<16xi32>
        %add3A_2460 = arith.addi %convert_element_type3A_2457, %add3A_2459 : vector<16xi32>
        %select_n3A_2461 = arith.select %eq3A_2444, %convert_element_type3A_2457, %add3A_2460 : vector<16xi1>, vector<16xi32>
        %mul3A_2462 = arith.constant 16 : i32
        %mul3A_2463 = vector.broadcast %mul3A_2462 : i32 to vector<16xi32>
        %mul3A_2464 = arith.muli %select_n3A_2461, %mul3A_2463 : vector<16xi32>
        %add3A_2465 = arith.addi %mul3A_2464, %iota3A : vector<16xi32>
        tpu.vector_store_idx %arg8[%add3A_2465], %broadcast_in_dim3A_5 {add = true} : memref<4096xf32, #tpu.memory_space<vmem>>[vector<16xi32>], vector<16xf32>,
        %shift_right_arithmetic3A_2466 = arith.constant 4 : i32
        %shift_right_arithmetic3A_2467 = vector.broadcast %shift_right_arithmetic3A_2466 : i32 to vector<16xi32>
        %shift_right_arithmetic3A_2468 = arith.shrsi %select_n3A_2461, %shift_right_arithmetic3A_2467 : vector<16xi32>
        %mul3A_2469 = arith.constant 16 : i32
        %mul3A_2470 = vector.broadcast %mul3A_2469 : i32 to vector<16xi32>
        %mul3A_2471 = arith.muli %shift_right_arithmetic3A_2468, %mul3A_2470 : vector<16xi32>
        %add3A_2472 = arith.addi %mul3A_2471, %iota3A : vector<16xi32>
        tpu.vector_store_idx %arg9[%add3A_2472], %broadcast_in_dim3A_5 {add = true} : memref<256xf32, #tpu.memory_space<vmem>>[vector<16xi32>], vector<16xf32>,
        %scan3A_2473 = arith.constant 0 : i32
        scf.yield %scan3A_2473 : i32
      }
      %scan3A_95 = arith.constant 64 : i32
      %get3A = arith.constant 0 : index
      %get3A_96 = tpu.vector_load %arg9[%get3A] {strides = array<i32>} : memref<256xf32, #tpu.memory_space<vmem>>, vector<16xf32>,
      %reduce_sum3A = arith.constant true
      %reduce_sum3A_97 = vector.broadcast %reduce_sum3A : i1 to vector<16xi1>
      %reduce_sum3A_98 = tpu.scan <sum>, %get3A_96 masked %reduce_sum3A_97 : vector<16xf32>, vector<16xi1> -> vector<16xf32>
      %reduce_sum3A_99 = vector.extract %reduce_sum3A_98[15] : f32 from vector<16xf32>
      %eq3A_100 = arith.constant 0 : i32
      %eq3A_101 = vector.broadcast %eq3A_100 : i32 to vector<16xi32>
      %eq3A_102 = arith.cmpi eq, %iota3A, %eq3A_101 : vector<16xi32>
      %broadcast_in_dim3A_103 = vector.broadcast %reduce_sum3A_99 : f32 to vector<16xf32>
      %select_n3A_104 = arith.select %eq3A_102, %broadcast_in_dim3A_103, %broadcast_in_dim3A_3 : vector<16xi1>, vector<16xf32>
      %get3A_105 = arith.constant 16 : index
      %get3A_106 = tpu.vector_load %arg9[%get3A_105] {strides = array<i32>} : memref<256xf32, #tpu.memory_space<vmem>>, vector<16xf32>,
      %reduce_sum3A_107 = arith.constant true
      %reduce_sum3A_108 = vector.broadcast %reduce_sum3A_107 : i1 to vector<16xi1>
      %reduce_sum3A_109 = tpu.scan <sum>, %get3A_106 masked %reduce_sum3A_108 : vector<16xf32>, vector<16xi1> -> vector<16xf32>
      %reduce_sum3A_110 = vector.extract %reduce_sum3A_109[15] : f32 from vector<16xf32>
      %eq3A_111 = arith.constant 1 : i32
      %eq3A_112 = vector.broadcast %eq3A_111 : i32 to vector<16xi32>
      %eq3A_113 = arith.cmpi eq, %iota3A, %eq3A_112 : vector<16xi32>
      %broadcast_in_dim3A_114 = vector.broadcast %reduce_sum3A_110 : f32 to vector<16xf32>
      %select_n3A_115 = arith.select %eq3A_113, %broadcast_in_dim3A_114, %select_n3A_104 : vector<16xi1>, vector<16xf32>
      %get3A_116 = arith.constant 32 : index
      %get3A_117 = tpu.vector_load %arg9[%get3A_116] {strides = array<i32>} : memref<256xf32, #tpu.memory_space<vmem>>, vector<16xf32>,
      %reduce_sum3A_118 = arith.constant true
      %reduce_sum3A_119 = vector.broadcast %reduce_sum3A_118 : i1 to vector<16xi1>
      %reduce_sum3A_120 = tpu.scan <sum>, %get3A_117 masked %reduce_sum3A_119 : vector<16xf32>, vector<16xi1> -> vector<16xf32>
      %reduce_sum3A_121 = vector.extract %reduce_sum3A_120[15] : f32 from vector<16xf32>
      %eq3A_122 = arith.constant 2 : i32
      %eq3A_123 = vector.broadcast %eq3A_122 : i32 to vector<16xi32>
      %eq3A_124 = arith.cmpi eq, %iota3A, %eq3A_123 : vector<16xi32>
      %broadcast_in_dim3A_125 = vector.broadcast %reduce_sum3A_121 : f32 to vector<16xf32>
      %select_n3A_126 = arith.select %eq3A_124, %broadcast_in_dim3A_125, %select_n3A_115 : vector<16xi1>, vector<16xf32>
      %get3A_127 = arith.constant 48 : index
      %get3A_128 = tpu.vector_load %arg9[%get3A_127] {strides = array<i32>} : memref<256xf32, #tpu.memory_space<vmem>>, vector<16xf32>,
      %reduce_sum3A_129 = arith.constant true
      %reduce_sum3A_130 = vector.broadcast %reduce_sum3A_129 : i1 to vector<16xi1>
      %reduce_sum3A_131 = tpu.scan <sum>, %get3A_128 masked %reduce_sum3A_130 : vector<16xf32>, vector<16xi1> -> vector<16xf32>
      %reduce_sum3A_132 = vector.extract %reduce_sum3A_131[15] : f32 from vector<16xf32>
      %eq3A_133 = arith.constant 3 : i32
      %eq3A_134 = vector.broadcast %eq3A_133 : i32 to vector<16xi32>
      %eq3A_135 = arith.cmpi eq, %iota3A, %eq3A_134 : vector<16xi32>
      %broadcast_in_dim3A_136 = vector.broadcast %reduce_sum3A_132 : f32 to vector<16xf32>
      %select_n3A_137 = arith.select %eq3A_135, %broadcast_in_dim3A_136, %select_n3A_126 : vector<16xi1>, vector<16xf32>
      %get3A_138 = arith.constant 64 : index
      %get3A_139 = tpu.vector_load %arg9[%get3A_138] {strides = array<i32>} : memref<256xf32, #tpu.memory_space<vmem>>, vector<16xf32>,
      %reduce_sum3A_140 = arith.constant true
      %reduce_sum3A_141 = vector.broadcast %reduce_sum3A_140 : i1 to vector<16xi1>
      %reduce_sum3A_142 = tpu.scan <sum>, %get3A_139 masked %reduce_sum3A_141 : vector<16xf32>, vector<16xi1> -> vector<16xf32>
      %reduce_sum3A_143 = vector.extract %reduce_sum3A_142[15] : f32 from vector<16xf32>
      %eq3A_144 = arith.constant 4 : i32
      %eq3A_145 = vector.broadcast %eq3A_144 : i32 to vector<16xi32>
      %eq3A_146 = arith.cmpi eq, %iota3A, %eq3A_145 : vector<16xi32>
      %broadcast_in_dim3A_147 = vector.broadcast %reduce_sum3A_143 : f32 to vector<16xf32>
      %select_n3A_148 = arith.select %eq3A_146, %broadcast_in_dim3A_147, %select_n3A_137 : vector<16xi1>, vector<16xf32>
      %get3A_149 = arith.constant 80 : index
      %get3A_150 = tpu.vector_load %arg9[%get3A_149] {strides = array<i32>} : memref<256xf32, #tpu.memory_space<vmem>>, vector<16xf32>,
      %reduce_sum3A_151 = arith.constant true
      %reduce_sum3A_152 = vector.broadcast %reduce_sum3A_151 : i1 to vector<16xi1>
      %reduce_sum3A_153 = tpu.scan <sum>, %get3A_150 masked %reduce_sum3A_152 : vector<16xf32>, vector<16xi1> -> vector<16xf32>
      %reduce_sum3A_154 = vector.extract %reduce_sum3A_153[15] : f32 from vector<16xf32>
      %eq3A_155 = arith.constant 5 : i32
      %eq3A_156 = vector.broadcast %eq3A_155 : i32 to vector<16xi32>
      %eq3A_157 = arith.cmpi eq, %iota3A, %eq3A_156 : vector<16xi32>
      %broadcast_in_dim3A_158 = vector.broadcast %reduce_sum3A_154 : f32 to vector<16xf32>
      %select_n3A_159 = arith.select %eq3A_157, %broadcast_in_dim3A_158, %select_n3A_148 : vector<16xi1>, vector<16xf32>
      %get3A_160 = arith.constant 96 : index
      %get3A_161 = tpu.vector_load %arg9[%get3A_160] {strides = array<i32>} : memref<256xf32, #tpu.memory_space<vmem>>, vector<16xf32>,
      %reduce_sum3A_162 = arith.constant true
      %reduce_sum3A_163 = vector.broadcast %reduce_sum3A_162 : i1 to vector<16xi1>
      %reduce_sum3A_164 = tpu.scan <sum>, %get3A_161 masked %reduce_sum3A_163 : vector<16xf32>, vector<16xi1> -> vector<16xf32>
      %reduce_sum3A_165 = vector.extract %reduce_sum3A_164[15] : f32 from vector<16xf32>
      %eq3A_166 = arith.constant 6 : i32
      %eq3A_167 = vector.broadcast %eq3A_166 : i32 to vector<16xi32>
      %eq3A_168 = arith.cmpi eq, %iota3A, %eq3A_167 : vector<16xi32>
      %broadcast_in_dim3A_169 = vector.broadcast %reduce_sum3A_165 : f32 to vector<16xf32>
      %select_n3A_170 = arith.select %eq3A_168, %broadcast_in_dim3A_169, %select_n3A_159 : vector<16xi1>, vector<16xf32>
      %get3A_171 = arith.constant 112 : index
      %get3A_172 = tpu.vector_load %arg9[%get3A_171] {strides = array<i32>} : memref<256xf32, #tpu.memory_space<vmem>>, vector<16xf32>,
      %reduce_sum3A_173 = arith.constant true
      %reduce_sum3A_174 = vector.broadcast %reduce_sum3A_173 : i1 to vector<16xi1>
      %reduce_sum3A_175 = tpu.scan <sum>, %get3A_172 masked %reduce_sum3A_174 : vector<16xf32>, vector<16xi1> -> vector<16xf32>
      %reduce_sum3A_176 = vector.extract %reduce_sum3A_175[15] : f32 from vector<16xf32>
      %eq3A_177 = arith.constant 7 : i32
      %eq3A_178 = vector.broadcast %eq3A_177 : i32 to vector<16xi32>
      %eq3A_179 = arith.cmpi eq, %iota3A, %eq3A_178 : vector<16xi32>
      %broadcast_in_dim3A_180 = vector.broadcast %reduce_sum3A_176 : f32 to vector<16xf32>
      %select_n3A_181 = arith.select %eq3A_179, %broadcast_in_dim3A_180, %select_n3A_170 : vector<16xi1>, vector<16xf32>
      %get3A_182 = arith.constant 128 : index
      %get3A_183 = tpu.vector_load %arg9[%get3A_182] {strides = array<i32>} : memref<256xf32, #tpu.memory_space<vmem>>, vector<16xf32>,
      %reduce_sum3A_184 = arith.constant true
      %reduce_sum3A_185 = vector.broadcast %reduce_sum3A_184 : i1 to vector<16xi1>
      %reduce_sum3A_186 = tpu.scan <sum>, %get3A_183 masked %reduce_sum3A_185 : vector<16xf32>, vector<16xi1> -> vector<16xf32>
      %reduce_sum3A_187 = vector.extract %reduce_sum3A_186[15] : f32 from vector<16xf32>
      %eq3A_188 = arith.constant 8 : i32
      %eq3A_189 = vector.broadcast %eq3A_188 : i32 to vector<16xi32>
      %eq3A_190 = arith.cmpi eq, %iota3A, %eq3A_189 : vector<16xi32>
      %broadcast_in_dim3A_191 = vector.broadcast %reduce_sum3A_187 : f32 to vector<16xf32>
      %select_n3A_192 = arith.select %eq3A_190, %broadcast_in_dim3A_191, %select_n3A_181 : vector<16xi1>, vector<16xf32>
      %get3A_193 = arith.constant 144 : index
      %get3A_194 = tpu.vector_load %arg9[%get3A_193] {strides = array<i32>} : memref<256xf32, #tpu.memory_space<vmem>>, vector<16xf32>,
      %reduce_sum3A_195 = arith.constant true
      %reduce_sum3A_196 = vector.broadcast %reduce_sum3A_195 : i1 to vector<16xi1>
      %reduce_sum3A_197 = tpu.scan <sum>, %get3A_194 masked %reduce_sum3A_196 : vector<16xf32>, vector<16xi1> -> vector<16xf32>
      %reduce_sum3A_198 = vector.extract %reduce_sum3A_197[15] : f32 from vector<16xf32>
      %eq3A_199 = arith.constant 9 : i32
      %eq3A_200 = vector.broadcast %eq3A_199 : i32 to vector<16xi32>
      %eq3A_201 = arith.cmpi eq, %iota3A, %eq3A_200 : vector<16xi32>
      %broadcast_in_dim3A_202 = vector.broadcast %reduce_sum3A_198 : f32 to vector<16xf32>
      %select_n3A_203 = arith.select %eq3A_201, %broadcast_in_dim3A_202, %select_n3A_192 : vector<16xi1>, vector<16xf32>
      %get3A_204 = arith.constant 160 : index
      %get3A_205 = tpu.vector_load %arg9[%get3A_204] {strides = array<i32>} : memref<256xf32, #tpu.memory_space<vmem>>, vector<16xf32>,
      %reduce_sum3A_206 = arith.constant true
      %reduce_sum3A_207 = vector.broadcast %reduce_sum3A_206 : i1 to vector<16xi1>
      %reduce_sum3A_208 = tpu.scan <sum>, %get3A_205 masked %reduce_sum3A_207 : vector<16xf32>, vector<16xi1> -> vector<16xf32>
      %reduce_sum3A_209 = vector.extract %reduce_sum3A_208[15] : f32 from vector<16xf32>
      %eq3A_210 = arith.constant 10 : i32
      %eq3A_211 = vector.broadcast %eq3A_210 : i32 to vector<16xi32>
      %eq3A_212 = arith.cmpi eq, %iota3A, %eq3A_211 : vector<16xi32>
      %broadcast_in_dim3A_213 = vector.broadcast %reduce_sum3A_209 : f32 to vector<16xf32>
      %select_n3A_214 = arith.select %eq3A_212, %broadcast_in_dim3A_213, %select_n3A_203 : vector<16xi1>, vector<16xf32>
      %get3A_215 = arith.constant 176 : index
      %get3A_216 = tpu.vector_load %arg9[%get3A_215] {strides = array<i32>} : memref<256xf32, #tpu.memory_space<vmem>>, vector<16xf32>,
      %reduce_sum3A_217 = arith.constant true
      %reduce_sum3A_218 = vector.broadcast %reduce_sum3A_217 : i1 to vector<16xi1>
      %reduce_sum3A_219 = tpu.scan <sum>, %get3A_216 masked %reduce_sum3A_218 : vector<16xf32>, vector<16xi1> -> vector<16xf32>
      %reduce_sum3A_220 = vector.extract %reduce_sum3A_219[15] : f32 from vector<16xf32>
      %eq3A_221 = arith.constant 11 : i32
      %eq3A_222 = vector.broadcast %eq3A_221 : i32 to vector<16xi32>
      %eq3A_223 = arith.cmpi eq, %iota3A, %eq3A_222 : vector<16xi32>
      %broadcast_in_dim3A_224 = vector.broadcast %reduce_sum3A_220 : f32 to vector<16xf32>
      %select_n3A_225 = arith.select %eq3A_223, %broadcast_in_dim3A_224, %select_n3A_214 : vector<16xi1>, vector<16xf32>
      %get3A_226 = arith.constant 192 : index
      %get3A_227 = tpu.vector_load %arg9[%get3A_226] {strides = array<i32>} : memref<256xf32, #tpu.memory_space<vmem>>, vector<16xf32>,
      %reduce_sum3A_228 = arith.constant true
      %reduce_sum3A_229 = vector.broadcast %reduce_sum3A_228 : i1 to vector<16xi1>
      %reduce_sum3A_230 = tpu.scan <sum>, %get3A_227 masked %reduce_sum3A_229 : vector<16xf32>, vector<16xi1> -> vector<16xf32>
      %reduce_sum3A_231 = vector.extract %reduce_sum3A_230[15] : f32 from vector<16xf32>
      %eq3A_232 = arith.constant 12 : i32
      %eq3A_233 = vector.broadcast %eq3A_232 : i32 to vector<16xi32>
      %eq3A_234 = arith.cmpi eq, %iota3A, %eq3A_233 : vector<16xi32>
      %broadcast_in_dim3A_235 = vector.broadcast %reduce_sum3A_231 : f32 to vector<16xf32>
      %select_n3A_236 = arith.select %eq3A_234, %broadcast_in_dim3A_235, %select_n3A_225 : vector<16xi1>, vector<16xf32>
      %get3A_237 = arith.constant 208 : index
      %get3A_238 = tpu.vector_load %arg9[%get3A_237] {strides = array<i32>} : memref<256xf32, #tpu.memory_space<vmem>>, vector<16xf32>,
      %reduce_sum3A_239 = arith.constant true
      %reduce_sum3A_240 = vector.broadcast %reduce_sum3A_239 : i1 to vector<16xi1>
      %reduce_sum3A_241 = tpu.scan <sum>, %get3A_238 masked %reduce_sum3A_240 : vector<16xf32>, vector<16xi1> -> vector<16xf32>
      %reduce_sum3A_242 = vector.extract %reduce_sum3A_241[15] : f32 from vector<16xf32>
      %eq3A_243 = arith.constant 13 : i32
      %eq3A_244 = vector.broadcast %eq3A_243 : i32 to vector<16xi32>
      %eq3A_245 = arith.cmpi eq, %iota3A, %eq3A_244 : vector<16xi32>
      %broadcast_in_dim3A_246 = vector.broadcast %reduce_sum3A_242 : f32 to vector<16xf32>
      %select_n3A_247 = arith.select %eq3A_245, %broadcast_in_dim3A_246, %select_n3A_236 : vector<16xi1>, vector<16xf32>
      %get3A_248 = arith.constant 224 : index
      %get3A_249 = tpu.vector_load %arg9[%get3A_248] {strides = array<i32>} : memref<256xf32, #tpu.memory_space<vmem>>, vector<16xf32>,
      %reduce_sum3A_250 = arith.constant true
      %reduce_sum3A_251 = vector.broadcast %reduce_sum3A_250 : i1 to vector<16xi1>
      %reduce_sum3A_252 = tpu.scan <sum>, %get3A_249 masked %reduce_sum3A_251 : vector<16xf32>, vector<16xi1> -> vector<16xf32>
      %reduce_sum3A_253 = vector.extract %reduce_sum3A_252[15] : f32 from vector<16xf32>
      %eq3A_254 = arith.constant 14 : i32
      %eq3A_255 = vector.broadcast %eq3A_254 : i32 to vector<16xi32>
      %eq3A_256 = arith.cmpi eq, %iota3A, %eq3A_255 : vector<16xi32>
      %broadcast_in_dim3A_257 = vector.broadcast %reduce_sum3A_253 : f32 to vector<16xf32>
      %select_n3A_258 = arith.select %eq3A_256, %broadcast_in_dim3A_257, %select_n3A_247 : vector<16xi1>, vector<16xf32>
      %get3A_259 = arith.constant 240 : index
      %get3A_260 = tpu.vector_load %arg9[%get3A_259] {strides = array<i32>} : memref<256xf32, #tpu.memory_space<vmem>>, vector<16xf32>,
      %reduce_sum3A_261 = arith.constant true
      %reduce_sum3A_262 = vector.broadcast %reduce_sum3A_261 : i1 to vector<16xi1>
      %reduce_sum3A_263 = tpu.scan <sum>, %get3A_260 masked %reduce_sum3A_262 : vector<16xf32>, vector<16xi1> -> vector<16xf32>
      %reduce_sum3A_264 = vector.extract %reduce_sum3A_263[15] : f32 from vector<16xf32>
      %eq3A_265 = arith.constant 15 : i32
      %eq3A_266 = vector.broadcast %eq3A_265 : i32 to vector<16xi32>
      %eq3A_267 = arith.cmpi eq, %iota3A, %eq3A_266 : vector<16xi32>
      %broadcast_in_dim3A_268 = vector.broadcast %reduce_sum3A_264 : f32 to vector<16xf32>
      %select_n3A_269 = arith.select %eq3A_267, %broadcast_in_dim3A_268, %select_n3A_258 : vector<16xi1>, vector<16xf32>
      %lt3A = arith.constant 8 : i32
      %lt3A_270 = vector.broadcast %lt3A : i32 to vector<16xi32>
      %lt3A_271 = arith.cmpi slt, %iota3A, %lt3A_270 : vector<16xi32>
      %jit3A_272 = arith.constant 0.000000e+00 : f32
      %broadcast_in_dim3A_273 = vector.broadcast %jit3A_272 : f32 to vector<16xf32>
      %select_n3A_274 = arith.select %lt3A_271, %select_n3A_269, %broadcast_in_dim3A_273 : vector<16xi1>, vector<16xf32>
      %reduce_sum3A_275 = arith.constant true
      %reduce_sum3A_276 = vector.broadcast %reduce_sum3A_275 : i1 to vector<16xi1>
      %reduce_sum3A_277 = tpu.scan <sum>, %select_n3A_274 masked %reduce_sum3A_276 : vector<16xf32>, vector<16xi1> -> vector<16xf32>
      %reduce_sum3A_278 = vector.extract %reduce_sum3A_277[15] : f32 from vector<16xf32>
      %ge3A = arith.constant 8 : i32
      %ge3A_279 = vector.broadcast %ge3A : i32 to vector<16xi32>
      %ge3A_280 = arith.cmpi sge, %iota3A, %ge3A_279 : vector<16xi32>
      %jit3A_281 = arith.constant 0.000000e+00 : f32
      %broadcast_in_dim3A_282 = vector.broadcast %jit3A_281 : f32 to vector<16xf32>
      %select_n3A_283 = arith.select %ge3A_280, %select_n3A_269, %broadcast_in_dim3A_282 : vector<16xi1>, vector<16xf32>
      %reduce_sum3A_284 = arith.constant true
      %reduce_sum3A_285 = vector.broadcast %reduce_sum3A_284 : i1 to vector<16xi1>
      %reduce_sum3A_286 = tpu.scan <sum>, %select_n3A_283 masked %reduce_sum3A_285 : vector<16xf32>, vector<16xi1> -> vector<16xf32>
      %reduce_sum3A_287 = vector.extract %reduce_sum3A_286[15] : f32 from vector<16xf32>
      %lt3A_288 = arith.constant 8 : i32
      %lt3A_289 = vector.broadcast %lt3A_288 : i32 to vector<16xi32>
      %lt3A_290 = arith.cmpi slt, %iota3A, %lt3A_289 : vector<16xi32>
      %jit3A_291 = arith.constant 0.000000e+00 : f32
      %broadcast_in_dim3A_292 = vector.broadcast %jit3A_291 : f32 to vector<16xf32>
      %select_n3A_293 = arith.select %lt3A_290, %select_n3A_269, %broadcast_in_dim3A_292 : vector<16xi1>, vector<16xf32>
      %broadcast_in_dim3A_294 = arith.constant true
      %broadcast_in_dim3A_295 = vector.broadcast %broadcast_in_dim3A_294 : i1 to vector<16xi1>
      %masked_cumsum3A = tpu.scan <sum>, %select_n3A_293 masked %broadcast_in_dim3A_295 : vector<16xf32>, vector<16xi1> -> vector<16xf32>
      %ge3A_296 = arith.constant 8.000000e+00 : f32
      %ge3A_297 = vector.broadcast %ge3A_296 : f32 to vector<16xf32>
      %ge3A_298 = arith.cmpf oge, %masked_cumsum3A, %ge3A_297 : vector<16xf32>
      %jit3A_299 = arith.constant 1 : i32
      %jit3A_300 = arith.constant 0 : i32
      %broadcast_in_dim3A_301 = vector.broadcast %jit3A_299 : i32 to vector<16xi32>
      %broadcast_in_dim3A_302 = vector.broadcast %jit3A_300 : i32 to vector<16xi32>
      %select_n3A_303 = arith.select %ge3A_298, %broadcast_in_dim3A_301, %broadcast_in_dim3A_302 : vector<16xi1>, vector<16xi32>
      %reduce_sum3A_304 = arith.constant true
      %reduce_sum3A_305 = vector.broadcast %reduce_sum3A_304 : i1 to vector<16xi1>
      %reduce_sum3A_306 = tpu.scan <sum>, %select_n3A_303 masked %reduce_sum3A_305 : vector<16xi32>, vector<16xi1> -> vector<16xi32>
      %reduce_sum3A_307 = vector.extract %reduce_sum3A_306[15] : i32 from vector<16xi32>
      %gt3A = arith.constant 0 : i32
      %gt3A_308 = arith.cmpi sgt, %reduce_sum3A_307, %gt3A : i32
      %all_reduce_ffs3A = tpu.all_reduce %ge3A_298 {dim = 0 : i64, kind = #tpu.reduction_kind<find_first_set>} : vector<16xi1> -> vector<16xi32>
      %iota3A_309 = tpu.iota {dimensions = array<i32: 0>} : vector<16xi32>
      %eq3A_310 = arith.constant 0 : i32
      %eq3A_311 = vector.broadcast %eq3A_310 : i32 to vector<16xi32>
      %eq3A_312 = arith.cmpi eq, %iota3A_309, %eq3A_311 : vector<16xi32>
      %mul3A_313 = arith.constant 0 : i32
      %mul3A_314 = vector.broadcast %mul3A_313 : i32 to vector<16xi32>
      %mul3A_315 = arith.muli %iota3A_309, %mul3A_314 : vector<16xi32>
      %add3A_316 = arith.addi %all_reduce_ffs3A, %mul3A_315 : vector<16xi32>
      %mul3A_317 = arith.constant 0 : i32
      %mul3A_318 = vector.broadcast %mul3A_317 : i32 to vector<16xi32>
      %mul3A_319 = arith.muli %mul3A_318, %all_reduce_ffs3A : vector<16xi32>
      %select_n3A_320 = arith.select %eq3A_312, %add3A_316, %mul3A_319 : vector<16xi1>, vector<16xi32>
      %reduce_sum3A_321 = arith.constant true
      %reduce_sum3A_322 = vector.broadcast %reduce_sum3A_321 : i1 to vector<16xi1>
      %reduce_sum3A_323 = tpu.scan <sum>, %select_n3A_320 masked %reduce_sum3A_322 : vector<16xi32>, vector<16xi1> -> vector<16xi32>
      %reduce_sum3A_324 = vector.extract %reduce_sum3A_323[15] : i32 from vector<16xi32>
      %min3A = arith.constant 7 : i32
      %min3A_325 = arith.minsi %reduce_sum3A_324, %min3A : i32
      %select_n3A_326 = arith.select %ge3A_298, %broadcast_in_dim3A_3, %select_n3A_293 : vector<16xi1>, vector<16xf32>
      %reduce_sum3A_327 = arith.constant true
      %reduce_sum3A_328 = vector.broadcast %reduce_sum3A_327 : i1 to vector<16xi1>
      %reduce_sum3A_329 = tpu.scan <sum>, %select_n3A_326 masked %reduce_sum3A_328 : vector<16xf32>, vector<16xi1> -> vector<16xf32>
      %reduce_sum3A_330 = vector.extract %reduce_sum3A_329[15] : f32 from vector<16xf32>
      %mul3A_331 = arith.constant 256 : i32
      %mul3A_332 = arith.muli %min3A_325, %mul3A_331 : i32
      %multiple_of3A = tpu.assume_multiple %mul3A_332, 8 : i32
      %add3A_333 = arith.constant 0 : i32
      %add3A_334 = arith.addi %multiple_of3A, %add3A_333 : i32
      %get3A_335 = arith.index_cast %add3A_334 : i32 to index
      %get3A_336 = tpu.vector_load %arg8[%get3A_335] {strides = array<i32>} : memref<4096xf32, #tpu.memory_space<vmem>>, vector<16xf32>,
      %reduce_sum3A_337 = arith.constant true
      %reduce_sum3A_338 = vector.broadcast %reduce_sum3A_337 : i1 to vector<16xi1>
      %reduce_sum3A_339 = tpu.scan <sum>, %get3A_336 masked %reduce_sum3A_338 : vector<16xf32>, vector<16xi1> -> vector<16xf32>
      %reduce_sum3A_340 = vector.extract %reduce_sum3A_339[15] : f32 from vector<16xf32>
      %eq3A_341 = arith.constant 0 : i32
      %eq3A_342 = vector.broadcast %eq3A_341 : i32 to vector<16xi32>
      %eq3A_343 = arith.cmpi eq, %iota3A, %eq3A_342 : vector<16xi32>
      %broadcast_in_dim3A_344 = vector.broadcast %reduce_sum3A_340 : f32 to vector<16xf32>
      %select_n3A_345 = arith.select %eq3A_343, %broadcast_in_dim3A_344, %broadcast_in_dim3A_3 : vector<16xi1>, vector<16xf32>
      %mul3A_346 = arith.constant 256 : i32
      %mul3A_347 = arith.muli %min3A_325, %mul3A_346 : i32
      %multiple_of3A_348 = tpu.assume_multiple %mul3A_347, 8 : i32
      %add3A_349 = arith.constant 16 : i32
      %add3A_350 = arith.addi %multiple_of3A_348, %add3A_349 : i32
      %get3A_351 = arith.index_cast %add3A_350 : i32 to index
      %get3A_352 = tpu.vector_load %arg8[%get3A_351] {strides = array<i32>} : memref<4096xf32, #tpu.memory_space<vmem>>, vector<16xf32>,
      %reduce_sum3A_353 = arith.constant true
      %reduce_sum3A_354 = vector.broadcast %reduce_sum3A_353 : i1 to vector<16xi1>
      %reduce_sum3A_355 = tpu.scan <sum>, %get3A_352 masked %reduce_sum3A_354 : vector<16xf32>, vector<16xi1> -> vector<16xf32>
      %reduce_sum3A_356 = vector.extract %reduce_sum3A_355[15] : f32 from vector<16xf32>
      %eq3A_357 = arith.constant 1 : i32
      %eq3A_358 = vector.broadcast %eq3A_357 : i32 to vector<16xi32>
      %eq3A_359 = arith.cmpi eq, %iota3A, %eq3A_358 : vector<16xi32>
      %broadcast_in_dim3A_360 = vector.broadcast %reduce_sum3A_356 : f32 to vector<16xf32>
      %select_n3A_361 = arith.select %eq3A_359, %broadcast_in_dim3A_360, %select_n3A_345 : vector<16xi1>, vector<16xf32>
      %mul3A_362 = arith.constant 256 : i32
      %mul3A_363 = arith.muli %min3A_325, %mul3A_362 : i32
      %multiple_of3A_364 = tpu.assume_multiple %mul3A_363, 8 : i32
      %add3A_365 = arith.constant 32 : i32
      %add3A_366 = arith.addi %multiple_of3A_364, %add3A_365 : i32
      %get3A_367 = arith.index_cast %add3A_366 : i32 to index
      %get3A_368 = tpu.vector_load %arg8[%get3A_367] {strides = array<i32>} : memref<4096xf32, #tpu.memory_space<vmem>>, vector<16xf32>,
      %reduce_sum3A_369 = arith.constant true
      %reduce_sum3A_370 = vector.broadcast %reduce_sum3A_369 : i1 to vector<16xi1>
      %reduce_sum3A_371 = tpu.scan <sum>, %get3A_368 masked %reduce_sum3A_370 : vector<16xf32>, vector<16xi1> -> vector<16xf32>
      %reduce_sum3A_372 = vector.extract %reduce_sum3A_371[15] : f32 from vector<16xf32>
      %eq3A_373 = arith.constant 2 : i32
      %eq3A_374 = vector.broadcast %eq3A_373 : i32 to vector<16xi32>
      %eq3A_375 = arith.cmpi eq, %iota3A, %eq3A_374 : vector<16xi32>
      %broadcast_in_dim3A_376 = vector.broadcast %reduce_sum3A_372 : f32 to vector<16xf32>
      %select_n3A_377 = arith.select %eq3A_375, %broadcast_in_dim3A_376, %select_n3A_361 : vector<16xi1>, vector<16xf32>
      %mul3A_378 = arith.constant 256 : i32
      %mul3A_379 = arith.muli %min3A_325, %mul3A_378 : i32
      %multiple_of3A_380 = tpu.assume_multiple %mul3A_379, 8 : i32
      %add3A_381 = arith.constant 48 : i32
      %add3A_382 = arith.addi %multiple_of3A_380, %add3A_381 : i32
      %get3A_383 = arith.index_cast %add3A_382 : i32 to index
      %get3A_384 = tpu.vector_load %arg8[%get3A_383] {strides = array<i32>} : memref<4096xf32, #tpu.memory_space<vmem>>, vector<16xf32>,
      %reduce_sum3A_385 = arith.constant true
      %reduce_sum3A_386 = vector.broadcast %reduce_sum3A_385 : i1 to vector<16xi1>
      %reduce_sum3A_387 = tpu.scan <sum>, %get3A_384 masked %reduce_sum3A_386 : vector<16xf32>, vector<16xi1> -> vector<16xf32>
      %reduce_sum3A_388 = vector.extract %reduce_sum3A_387[15] : f32 from vector<16xf32>
      %eq3A_389 = arith.constant 3 : i32
      %eq3A_390 = vector.broadcast %eq3A_389 : i32 to vector<16xi32>
      %eq3A_391 = arith.cmpi eq, %iota3A, %eq3A_390 : vector<16xi32>
      %broadcast_in_dim3A_392 = vector.broadcast %reduce_sum3A_388 : f32 to vector<16xf32>
      %select_n3A_393 = arith.select %eq3A_391, %broadcast_in_dim3A_392, %select_n3A_377 : vector<16xi1>, vector<16xf32>
      %mul3A_394 = arith.constant 256 : i32
      %mul3A_395 = arith.muli %min3A_325, %mul3A_394 : i32
      %multiple_of3A_396 = tpu.assume_multiple %mul3A_395, 8 : i32
      %add3A_397 = arith.constant 64 : i32
      %add3A_398 = arith.addi %multiple_of3A_396, %add3A_397 : i32
      %get3A_399 = arith.index_cast %add3A_398 : i32 to index
      %get3A_400 = tpu.vector_load %arg8[%get3A_399] {strides = array<i32>} : memref<4096xf32, #tpu.memory_space<vmem>>, vector<16xf32>,
      %reduce_sum3A_401 = arith.constant true
      %reduce_sum3A_402 = vector.broadcast %reduce_sum3A_401 : i1 to vector<16xi1>
      %reduce_sum3A_403 = tpu.scan <sum>, %get3A_400 masked %reduce_sum3A_402 : vector<16xf32>, vector<16xi1> -> vector<16xf32>
      %reduce_sum3A_404 = vector.extract %reduce_sum3A_403[15] : f32 from vector<16xf32>
      %eq3A_405 = arith.constant 4 : i32
      %eq3A_406 = vector.broadcast %eq3A_405 : i32 to vector<16xi32>
      %eq3A_407 = arith.cmpi eq, %iota3A, %eq3A_406 : vector<16xi32>
      %broadcast_in_dim3A_408 = vector.broadcast %reduce_sum3A_404 : f32 to vector<16xf32>
      %select_n3A_409 = arith.select %eq3A_407, %broadcast_in_dim3A_408, %select_n3A_393 : vector<16xi1>, vector<16xf32>
      %mul3A_410 = arith.constant 256 : i32
      %mul3A_411 = arith.muli %min3A_325, %mul3A_410 : i32
      %multiple_of3A_412 = tpu.assume_multiple %mul3A_411, 8 : i32
      %add3A_413 = arith.constant 80 : i32
      %add3A_414 = arith.addi %multiple_of3A_412, %add3A_413 : i32
      %get3A_415 = arith.index_cast %add3A_414 : i32 to index
      %get3A_416 = tpu.vector_load %arg8[%get3A_415] {strides = array<i32>} : memref<4096xf32, #tpu.memory_space<vmem>>, vector<16xf32>,
      %reduce_sum3A_417 = arith.constant true
      %reduce_sum3A_418 = vector.broadcast %reduce_sum3A_417 : i1 to vector<16xi1>
      %reduce_sum3A_419 = tpu.scan <sum>, %get3A_416 masked %reduce_sum3A_418 : vector<16xf32>, vector<16xi1> -> vector<16xf32>
      %reduce_sum3A_420 = vector.extract %reduce_sum3A_419[15] : f32 from vector<16xf32>
      %eq3A_421 = arith.constant 5 : i32
      %eq3A_422 = vector.broadcast %eq3A_421 : i32 to vector<16xi32>
      %eq3A_423 = arith.cmpi eq, %iota3A, %eq3A_422 : vector<16xi32>
      %broadcast_in_dim3A_424 = vector.broadcast %reduce_sum3A_420 : f32 to vector<16xf32>
      %select_n3A_425 = arith.select %eq3A_423, %broadcast_in_dim3A_424, %select_n3A_409 : vector<16xi1>, vector<16xf32>
      %mul3A_426 = arith.constant 256 : i32
      %mul3A_427 = arith.muli %min3A_325, %mul3A_426 : i32
      %multiple_of3A_428 = tpu.assume_multiple %mul3A_427, 8 : i32
      %add3A_429 = arith.constant 96 : i32
      %add3A_430 = arith.addi %multiple_of3A_428, %add3A_429 : i32
      %get3A_431 = arith.index_cast %add3A_430 : i32 to index
      %get3A_432 = tpu.vector_load %arg8[%get3A_431] {strides = array<i32>} : memref<4096xf32, #tpu.memory_space<vmem>>, vector<16xf32>,
      %reduce_sum3A_433 = arith.constant true
      %reduce_sum3A_434 = vector.broadcast %reduce_sum3A_433 : i1 to vector<16xi1>
      %reduce_sum3A_435 = tpu.scan <sum>, %get3A_432 masked %reduce_sum3A_434 : vector<16xf32>, vector<16xi1> -> vector<16xf32>
      %reduce_sum3A_436 = vector.extract %reduce_sum3A_435[15] : f32 from vector<16xf32>
      %eq3A_437 = arith.constant 6 : i32
      %eq3A_438 = vector.broadcast %eq3A_437 : i32 to vector<16xi32>
      %eq3A_439 = arith.cmpi eq, %iota3A, %eq3A_438 : vector<16xi32>
      %broadcast_in_dim3A_440 = vector.broadcast %reduce_sum3A_436 : f32 to vector<16xf32>
      %select_n3A_441 = arith.select %eq3A_439, %broadcast_in_dim3A_440, %select_n3A_425 : vector<16xi1>, vector<16xf32>
      %mul3A_442 = arith.constant 256 : i32
      %mul3A_443 = arith.muli %min3A_325, %mul3A_442 : i32
      %multiple_of3A_444 = tpu.assume_multiple %mul3A_443, 8 : i32
      %add3A_445 = arith.constant 112 : i32
      %add3A_446 = arith.addi %multiple_of3A_444, %add3A_445 : i32
      %get3A_447 = arith.index_cast %add3A_446 : i32 to index
      %get3A_448 = tpu.vector_load %arg8[%get3A_447] {strides = array<i32>} : memref<4096xf32, #tpu.memory_space<vmem>>, vector<16xf32>,
      %reduce_sum3A_449 = arith.constant true
      %reduce_sum3A_450 = vector.broadcast %reduce_sum3A_449 : i1 to vector<16xi1>
      %reduce_sum3A_451 = tpu.scan <sum>, %get3A_448 masked %reduce_sum3A_450 : vector<16xf32>, vector<16xi1> -> vector<16xf32>
      %reduce_sum3A_452 = vector.extract %reduce_sum3A_451[15] : f32 from vector<16xf32>
      %eq3A_453 = arith.constant 7 : i32
      %eq3A_454 = vector.broadcast %eq3A_453 : i32 to vector<16xi32>
      %eq3A_455 = arith.cmpi eq, %iota3A, %eq3A_454 : vector<16xi32>
      %broadcast_in_dim3A_456 = vector.broadcast %reduce_sum3A_452 : f32 to vector<16xf32>
      %select_n3A_457 = arith.select %eq3A_455, %broadcast_in_dim3A_456, %select_n3A_441 : vector<16xi1>, vector<16xf32>
      %mul3A_458 = arith.constant 256 : i32
      %mul3A_459 = arith.muli %min3A_325, %mul3A_458 : i32
      %multiple_of3A_460 = tpu.assume_multiple %mul3A_459, 8 : i32
      %add3A_461 = arith.constant 128 : i32
      %add3A_462 = arith.addi %multiple_of3A_460, %add3A_461 : i32
      %get3A_463 = arith.index_cast %add3A_462 : i32 to index
      %get3A_464 = tpu.vector_load %arg8[%get3A_463] {strides = array<i32>} : memref<4096xf32, #tpu.memory_space<vmem>>, vector<16xf32>,
      %reduce_sum3A_465 = arith.constant true
      %reduce_sum3A_466 = vector.broadcast %reduce_sum3A_465 : i1 to vector<16xi1>
      %reduce_sum3A_467 = tpu.scan <sum>, %get3A_464 masked %reduce_sum3A_466 : vector<16xf32>, vector<16xi1> -> vector<16xf32>
      %reduce_sum3A_468 = vector.extract %reduce_sum3A_467[15] : f32 from vector<16xf32>
      %eq3A_469 = arith.constant 8 : i32
      %eq3A_470 = vector.broadcast %eq3A_469 : i32 to vector<16xi32>
      %eq3A_471 = arith.cmpi eq, %iota3A, %eq3A_470 : vector<16xi32>
      %broadcast_in_dim3A_472 = vector.broadcast %reduce_sum3A_468 : f32 to vector<16xf32>
      %select_n3A_473 = arith.select %eq3A_471, %broadcast_in_dim3A_472, %select_n3A_457 : vector<16xi1>, vector<16xf32>
      %mul3A_474 = arith.constant 256 : i32
      %mul3A_475 = arith.muli %min3A_325, %mul3A_474 : i32
      %multiple_of3A_476 = tpu.assume_multiple %mul3A_475, 8 : i32
      %add3A_477 = arith.constant 144 : i32
      %add3A_478 = arith.addi %multiple_of3A_476, %add3A_477 : i32
      %get3A_479 = arith.index_cast %add3A_478 : i32 to index
      %get3A_480 = tpu.vector_load %arg8[%get3A_479] {strides = array<i32>} : memref<4096xf32, #tpu.memory_space<vmem>>, vector<16xf32>,
      %reduce_sum3A_481 = arith.constant true
      %reduce_sum3A_482 = vector.broadcast %reduce_sum3A_481 : i1 to vector<16xi1>
      %reduce_sum3A_483 = tpu.scan <sum>, %get3A_480 masked %reduce_sum3A_482 : vector<16xf32>, vector<16xi1> -> vector<16xf32>
      %reduce_sum3A_484 = vector.extract %reduce_sum3A_483[15] : f32 from vector<16xf32>
      %eq3A_485 = arith.constant 9 : i32
      %eq3A_486 = vector.broadcast %eq3A_485 : i32 to vector<16xi32>
      %eq3A_487 = arith.cmpi eq, %iota3A, %eq3A_486 : vector<16xi32>
      %broadcast_in_dim3A_488 = vector.broadcast %reduce_sum3A_484 : f32 to vector<16xf32>
      %select_n3A_489 = arith.select %eq3A_487, %broadcast_in_dim3A_488, %select_n3A_473 : vector<16xi1>, vector<16xf32>
      %mul3A_490 = arith.constant 256 : i32
      %mul3A_491 = arith.muli %min3A_325, %mul3A_490 : i32
      %multiple_of3A_492 = tpu.assume_multiple %mul3A_491, 8 : i32
      %add3A_493 = arith.constant 160 : i32
      %add3A_494 = arith.addi %multiple_of3A_492, %add3A_493 : i32
      %get3A_495 = arith.index_cast %add3A_494 : i32 to index
      %get3A_496 = tpu.vector_load %arg8[%get3A_495] {strides = array<i32>} : memref<4096xf32, #tpu.memory_space<vmem>>, vector<16xf32>,
      %reduce_sum3A_497 = arith.constant true
      %reduce_sum3A_498 = vector.broadcast %reduce_sum3A_497 : i1 to vector<16xi1>
      %reduce_sum3A_499 = tpu.scan <sum>, %get3A_496 masked %reduce_sum3A_498 : vector<16xf32>, vector<16xi1> -> vector<16xf32>
      %reduce_sum3A_500 = vector.extract %reduce_sum3A_499[15] : f32 from vector<16xf32>
      %eq3A_501 = arith.constant 10 : i32
      %eq3A_502 = vector.broadcast %eq3A_501 : i32 to vector<16xi32>
      %eq3A_503 = arith.cmpi eq, %iota3A, %eq3A_502 : vector<16xi32>
      %broadcast_in_dim3A_504 = vector.broadcast %reduce_sum3A_500 : f32 to vector<16xf32>
      %select_n3A_505 = arith.select %eq3A_503, %broadcast_in_dim3A_504, %select_n3A_489 : vector<16xi1>, vector<16xf32>
      %mul3A_506 = arith.constant 256 : i32
      %mul3A_507 = arith.muli %min3A_325, %mul3A_506 : i32
      %multiple_of3A_508 = tpu.assume_multiple %mul3A_507, 8 : i32
      %add3A_509 = arith.constant 176 : i32
      %add3A_510 = arith.addi %multiple_of3A_508, %add3A_509 : i32
      %get3A_511 = arith.index_cast %add3A_510 : i32 to index
      %get3A_512 = tpu.vector_load %arg8[%get3A_511] {strides = array<i32>} : memref<4096xf32, #tpu.memory_space<vmem>>, vector<16xf32>,
      %reduce_sum3A_513 = arith.constant true
      %reduce_sum3A_514 = vector.broadcast %reduce_sum3A_513 : i1 to vector<16xi1>
      %reduce_sum3A_515 = tpu.scan <sum>, %get3A_512 masked %reduce_sum3A_514 : vector<16xf32>, vector<16xi1> -> vector<16xf32>
      %reduce_sum3A_516 = vector.extract %reduce_sum3A_515[15] : f32 from vector<16xf32>
      %eq3A_517 = arith.constant 11 : i32
      %eq3A_518 = vector.broadcast %eq3A_517 : i32 to vector<16xi32>
      %eq3A_519 = arith.cmpi eq, %iota3A, %eq3A_518 : vector<16xi32>
      %broadcast_in_dim3A_520 = vector.broadcast %reduce_sum3A_516 : f32 to vector<16xf32>
      %select_n3A_521 = arith.select %eq3A_519, %broadcast_in_dim3A_520, %select_n3A_505 : vector<16xi1>, vector<16xf32>
      %mul3A_522 = arith.constant 256 : i32
      %mul3A_523 = arith.muli %min3A_325, %mul3A_522 : i32
      %multiple_of3A_524 = tpu.assume_multiple %mul3A_523, 8 : i32
      %add3A_525 = arith.constant 192 : i32
      %add3A_526 = arith.addi %multiple_of3A_524, %add3A_525 : i32
      %get3A_527 = arith.index_cast %add3A_526 : i32 to index
      %get3A_528 = tpu.vector_load %arg8[%get3A_527] {strides = array<i32>} : memref<4096xf32, #tpu.memory_space<vmem>>, vector<16xf32>,
      %reduce_sum3A_529 = arith.constant true
      %reduce_sum3A_530 = vector.broadcast %reduce_sum3A_529 : i1 to vector<16xi1>
      %reduce_sum3A_531 = tpu.scan <sum>, %get3A_528 masked %reduce_sum3A_530 : vector<16xf32>, vector<16xi1> -> vector<16xf32>
      %reduce_sum3A_532 = vector.extract %reduce_sum3A_531[15] : f32 from vector<16xf32>
      %eq3A_533 = arith.constant 12 : i32
      %eq3A_534 = vector.broadcast %eq3A_533 : i32 to vector<16xi32>
      %eq3A_535 = arith.cmpi eq, %iota3A, %eq3A_534 : vector<16xi32>
      %broadcast_in_dim3A_536 = vector.broadcast %reduce_sum3A_532 : f32 to vector<16xf32>
      %select_n3A_537 = arith.select %eq3A_535, %broadcast_in_dim3A_536, %select_n3A_521 : vector<16xi1>, vector<16xf32>
      %mul3A_538 = arith.constant 256 : i32
      %mul3A_539 = arith.muli %min3A_325, %mul3A_538 : i32
      %multiple_of3A_540 = tpu.assume_multiple %mul3A_539, 8 : i32
      %add3A_541 = arith.constant 208 : i32
      %add3A_542 = arith.addi %multiple_of3A_540, %add3A_541 : i32
      %get3A_543 = arith.index_cast %add3A_542 : i32 to index
      %get3A_544 = tpu.vector_load %arg8[%get3A_543] {strides = array<i32>} : memref<4096xf32, #tpu.memory_space<vmem>>, vector<16xf32>,
      %reduce_sum3A_545 = arith.constant true
      %reduce_sum3A_546 = vector.broadcast %reduce_sum3A_545 : i1 to vector<16xi1>
      %reduce_sum3A_547 = tpu.scan <sum>, %get3A_544 masked %reduce_sum3A_546 : vector<16xf32>, vector<16xi1> -> vector<16xf32>
      %reduce_sum3A_548 = vector.extract %reduce_sum3A_547[15] : f32 from vector<16xf32>
      %eq3A_549 = arith.constant 13 : i32
      %eq3A_550 = vector.broadcast %eq3A_549 : i32 to vector<16xi32>
      %eq3A_551 = arith.cmpi eq, %iota3A, %eq3A_550 : vector<16xi32>
      %broadcast_in_dim3A_552 = vector.broadcast %reduce_sum3A_548 : f32 to vector<16xf32>
      %select_n3A_553 = arith.select %eq3A_551, %broadcast_in_dim3A_552, %select_n3A_537 : vector<16xi1>, vector<16xf32>
      %mul3A_554 = arith.constant 256 : i32
      %mul3A_555 = arith.muli %min3A_325, %mul3A_554 : i32
      %multiple_of3A_556 = tpu.assume_multiple %mul3A_555, 8 : i32
      %add3A_557 = arith.constant 224 : i32
      %add3A_558 = arith.addi %multiple_of3A_556, %add3A_557 : i32
      %get3A_559 = arith.index_cast %add3A_558 : i32 to index
      %get3A_560 = tpu.vector_load %arg8[%get3A_559] {strides = array<i32>} : memref<4096xf32, #tpu.memory_space<vmem>>, vector<16xf32>,
      %reduce_sum3A_561 = arith.constant true
      %reduce_sum3A_562 = vector.broadcast %reduce_sum3A_561 : i1 to vector<16xi1>
      %reduce_sum3A_563 = tpu.scan <sum>, %get3A_560 masked %reduce_sum3A_562 : vector<16xf32>, vector<16xi1> -> vector<16xf32>
      %reduce_sum3A_564 = vector.extract %reduce_sum3A_563[15] : f32 from vector<16xf32>
      %eq3A_565 = arith.constant 14 : i32
      %eq3A_566 = vector.broadcast %eq3A_565 : i32 to vector<16xi32>
      %eq3A_567 = arith.cmpi eq, %iota3A, %eq3A_566 : vector<16xi32>
      %broadcast_in_dim3A_568 = vector.broadcast %reduce_sum3A_564 : f32 to vector<16xf32>
      %select_n3A_569 = arith.select %eq3A_567, %broadcast_in_dim3A_568, %select_n3A_553 : vector<16xi1>, vector<16xf32>
      %mul3A_570 = arith.constant 256 : i32
      %mul3A_571 = arith.muli %min3A_325, %mul3A_570 : i32
      %multiple_of3A_572 = tpu.assume_multiple %mul3A_571, 8 : i32
      %add3A_573 = arith.constant 240 : i32
      %add3A_574 = arith.addi %multiple_of3A_572, %add3A_573 : i32
      %get3A_575 = arith.index_cast %add3A_574 : i32 to index
      %get3A_576 = tpu.vector_load %arg8[%get3A_575] {strides = array<i32>} : memref<4096xf32, #tpu.memory_space<vmem>>, vector<16xf32>,
      %reduce_sum3A_577 = arith.constant true
      %reduce_sum3A_578 = vector.broadcast %reduce_sum3A_577 : i1 to vector<16xi1>
      %reduce_sum3A_579 = tpu.scan <sum>, %get3A_576 masked %reduce_sum3A_578 : vector<16xf32>, vector<16xi1> -> vector<16xf32>
      %reduce_sum3A_580 = vector.extract %reduce_sum3A_579[15] : f32 from vector<16xf32>
      %eq3A_581 = arith.constant 15 : i32
      %eq3A_582 = vector.broadcast %eq3A_581 : i32 to vector<16xi32>
      %eq3A_583 = arith.cmpi eq, %iota3A, %eq3A_582 : vector<16xi32>
      %broadcast_in_dim3A_584 = vector.broadcast %reduce_sum3A_580 : f32 to vector<16xf32>
      %select_n3A_585 = arith.select %eq3A_583, %broadcast_in_dim3A_584, %select_n3A_569 : vector<16xi1>, vector<16xf32>
      %broadcast_in_dim3A_586 = arith.constant true
      %broadcast_in_dim3A_587 = vector.broadcast %broadcast_in_dim3A_586 : i1 to vector<16xi1>
      %masked_cumsum3A_588 = tpu.scan <sum>, %select_n3A_585 masked %broadcast_in_dim3A_587 : vector<16xf32>, vector<16xi1> -> vector<16xf32>
      %add3A_589 = vector.broadcast %reduce_sum3A_330 : f32 to vector<16xf32>
      %add3A_590 = arith.addf %masked_cumsum3A_588, %add3A_589 : vector<16xf32>
      %ge3A_591 = arith.constant 8.000000e+00 : f32
      %ge3A_592 = vector.broadcast %ge3A_591 : f32 to vector<16xf32>
      %ge3A_593 = arith.cmpf oge, %add3A_590, %ge3A_592 : vector<16xf32>
      %all_reduce_ffs3A_594 = tpu.all_reduce %ge3A_593 {dim = 0 : i64, kind = #tpu.reduction_kind<find_first_set>} : vector<16xi1> -> vector<16xi32>
      %iota3A_595 = tpu.iota {dimensions = array<i32: 0>} : vector<16xi32>
      %eq3A_596 = arith.constant 0 : i32
      %eq3A_597 = vector.broadcast %eq3A_596 : i32 to vector<16xi32>
      %eq3A_598 = arith.cmpi eq, %iota3A_595, %eq3A_597 : vector<16xi32>
      %mul3A_599 = arith.constant 0 : i32
      %mul3A_600 = vector.broadcast %mul3A_599 : i32 to vector<16xi32>
      %mul3A_601 = arith.muli %iota3A_595, %mul3A_600 : vector<16xi32>
      %add3A_602 = arith.addi %all_reduce_ffs3A_594, %mul3A_601 : vector<16xi32>
      %mul3A_603 = arith.constant 0 : i32
      %mul3A_604 = vector.broadcast %mul3A_603 : i32 to vector<16xi32>
      %mul3A_605 = arith.muli %mul3A_604, %all_reduce_ffs3A_594 : vector<16xi32>
      %select_n3A_606 = arith.select %eq3A_598, %add3A_602, %mul3A_605 : vector<16xi1>, vector<16xi32>
      %reduce_sum3A_607 = arith.constant true
      %reduce_sum3A_608 = vector.broadcast %reduce_sum3A_607 : i1 to vector<16xi1>
      %reduce_sum3A_609 = tpu.scan <sum>, %select_n3A_606 masked %reduce_sum3A_608 : vector<16xi32>, vector<16xi1> -> vector<16xi32>
      %reduce_sum3A_610 = vector.extract %reduce_sum3A_609[15] : i32 from vector<16xi32>
      %mul3A_611 = arith.constant 16 : i32
      %mul3A_612 = arith.muli %min3A_325, %mul3A_611 : i32
      %add3A_613 = arith.addi %mul3A_612, %reduce_sum3A_610 : i32
      %select_n3A_614 = arith.select %ge3A_593, %broadcast_in_dim3A_3, %select_n3A_585 : vector<16xi1>, vector<16xf32>
      %reduce_sum3A_615 = arith.constant true
      %reduce_sum3A_616 = vector.broadcast %reduce_sum3A_615 : i1 to vector<16xi1>
      %reduce_sum3A_617 = tpu.scan <sum>, %select_n3A_614 masked %reduce_sum3A_616 : vector<16xf32>, vector<16xi1> -> vector<16xf32>
      %reduce_sum3A_618 = vector.extract %reduce_sum3A_617[15] : f32 from vector<16xf32>
      %add3A_619 = arith.addf %reduce_sum3A_330, %reduce_sum3A_618 : f32
      %rev3A = arith.constant 15 : i32
      %rev3A_620 = vector.broadcast %rev3A : i32 to vector<16xi32>
      %rev3A_621 = tpu.iota {dimensions = array<i32: 0>} : vector<16xi32>
      %rev3A_622 = arith.subi %rev3A_620, %rev3A_621 : vector<16xi32>
      %rev3A_623 = tpu.dynamic_gather %select_n3A_269[%rev3A_622] in [0] : vector<16xf32>, vector<16xi32> -> vector<16xf32>
      %lt3A_624 = arith.constant 8 : i32
      %lt3A_625 = vector.broadcast %lt3A_624 : i32 to vector<16xi32>
      %lt3A_626 = arith.cmpi slt, %iota3A, %lt3A_625 : vector<16xi32>
      %jit3A_627 = arith.constant 0.000000e+00 : f32
      %broadcast_in_dim3A_628 = vector.broadcast %jit3A_627 : f32 to vector<16xf32>
      %select_n3A_629 = arith.select %lt3A_626, %rev3A_623, %broadcast_in_dim3A_628 : vector<16xi1>, vector<16xf32>
      %broadcast_in_dim3A_630 = arith.constant true
      %broadcast_in_dim3A_631 = vector.broadcast %broadcast_in_dim3A_630 : i1 to vector<16xi1>
      %masked_cumsum3A_632 = tpu.scan <sum>, %select_n3A_629 masked %broadcast_in_dim3A_631 : vector<16xf32>, vector<16xi1> -> vector<16xf32>
      %ge3A_633 = arith.constant 6.400000e+01 : f32
      %ge3A_634 = vector.broadcast %ge3A_633 : f32 to vector<16xf32>
      %ge3A_635 = arith.cmpf oge, %masked_cumsum3A_632, %ge3A_634 : vector<16xf32>
      %jit3A_636 = arith.constant 1 : i32
      %jit3A_637 = arith.constant 0 : i32
      %broadcast_in_dim3A_638 = vector.broadcast %jit3A_636 : i32 to vector<16xi32>
      %broadcast_in_dim3A_639 = vector.broadcast %jit3A_637 : i32 to vector<16xi32>
      %select_n3A_640 = arith.select %ge3A_635, %broadcast_in_dim3A_638, %broadcast_in_dim3A_639 : vector<16xi1>, vector<16xi32>
      %reduce_sum3A_641 = arith.constant true
      %reduce_sum3A_642 = vector.broadcast %reduce_sum3A_641 : i1 to vector<16xi1>
      %reduce_sum3A_643 = tpu.scan <sum>, %select_n3A_640 masked %reduce_sum3A_642 : vector<16xi32>, vector<16xi1> -> vector<16xi32>
      %reduce_sum3A_644 = vector.extract %reduce_sum3A_643[15] : i32 from vector<16xi32>
      %gt3A_645 = arith.constant 0 : i32
      %gt3A_646 = arith.cmpi sgt, %reduce_sum3A_644, %gt3A_645 : i32
      %all_reduce_ffs3A_647 = tpu.all_reduce %ge3A_635 {dim = 0 : i64, kind = #tpu.reduction_kind<find_first_set>} : vector<16xi1> -> vector<16xi32>
      %iota3A_648 = tpu.iota {dimensions = array<i32: 0>} : vector<16xi32>
      %eq3A_649 = arith.constant 0 : i32
      %eq3A_650 = vector.broadcast %eq3A_649 : i32 to vector<16xi32>
      %eq3A_651 = arith.cmpi eq, %iota3A_648, %eq3A_650 : vector<16xi32>
      %mul3A_652 = arith.constant 0 : i32
      %mul3A_653 = vector.broadcast %mul3A_652 : i32 to vector<16xi32>
      %mul3A_654 = arith.muli %iota3A_648, %mul3A_653 : vector<16xi32>
      %add3A_655 = arith.addi %all_reduce_ffs3A_647, %mul3A_654 : vector<16xi32>
      %mul3A_656 = arith.constant 0 : i32
      %mul3A_657 = vector.broadcast %mul3A_656 : i32 to vector<16xi32>
      %mul3A_658 = arith.muli %mul3A_657, %all_reduce_ffs3A_647 : vector<16xi32>
      %select_n3A_659 = arith.select %eq3A_651, %add3A_655, %mul3A_658 : vector<16xi1>, vector<16xi32>
      %reduce_sum3A_660 = arith.constant true
      %reduce_sum3A_661 = vector.broadcast %reduce_sum3A_660 : i1 to vector<16xi1>
      %reduce_sum3A_662 = tpu.scan <sum>, %select_n3A_659 masked %reduce_sum3A_661 : vector<16xi32>, vector<16xi1> -> vector<16xi32>
      %reduce_sum3A_663 = vector.extract %reduce_sum3A_662[15] : i32 from vector<16xi32>
      %sub3A = arith.constant 15 : i32
      %sub3A_664 = arith.subi %sub3A, %reduce_sum3A_663 : i32
      %jit3A_665 = arith.constant 8 : i32
      %jit3A_666 = arith.constant 15 : i32
      %max3A = arith.maxsi %jit3A_665, %sub3A_664 : i32
      %min3A_667 = arith.minsi %jit3A_666, %max3A : i32
      %select_n3A_668 = arith.select %ge3A_635, %broadcast_in_dim3A_3, %select_n3A_629 : vector<16xi1>, vector<16xf32>
      %reduce_sum3A_669 = arith.constant true
      %reduce_sum3A_670 = vector.broadcast %reduce_sum3A_669 : i1 to vector<16xi1>
      %reduce_sum3A_671 = tpu.scan <sum>, %select_n3A_668 masked %reduce_sum3A_670 : vector<16xf32>, vector<16xi1> -> vector<16xf32>
      %reduce_sum3A_672 = vector.extract %reduce_sum3A_671[15] : f32 from vector<16xf32>
      %mul3A_673 = arith.constant 256 : i32
      %mul3A_674 = arith.muli %min3A_667, %mul3A_673 : i32
      %multiple_of3A_675 = tpu.assume_multiple %mul3A_674, 8 : i32
      %add3A_676 = arith.constant 0 : i32
      %add3A_677 = arith.addi %multiple_of3A_675, %add3A_676 : i32
      %get3A_678 = arith.index_cast %add3A_677 : i32 to index
      %get3A_679 = tpu.vector_load %arg8[%get3A_678] {strides = array<i32>} : memref<4096xf32, #tpu.memory_space<vmem>>, vector<16xf32>,
      %reduce_sum3A_680 = arith.constant true
      %reduce_sum3A_681 = vector.broadcast %reduce_sum3A_680 : i1 to vector<16xi1>
      %reduce_sum3A_682 = tpu.scan <sum>, %get3A_679 masked %reduce_sum3A_681 : vector<16xf32>, vector<16xi1> -> vector<16xf32>
      %reduce_sum3A_683 = vector.extract %reduce_sum3A_682[15] : f32 from vector<16xf32>
      %eq3A_684 = arith.constant 0 : i32
      %eq3A_685 = vector.broadcast %eq3A_684 : i32 to vector<16xi32>
      %eq3A_686 = arith.cmpi eq, %iota3A, %eq3A_685 : vector<16xi32>
      %broadcast_in_dim3A_687 = vector.broadcast %reduce_sum3A_683 : f32 to vector<16xf32>
      %select_n3A_688 = arith.select %eq3A_686, %broadcast_in_dim3A_687, %broadcast_in_dim3A_3 : vector<16xi1>, vector<16xf32>
      %mul3A_689 = arith.constant 256 : i32
      %mul3A_690 = arith.muli %min3A_667, %mul3A_689 : i32
      %multiple_of3A_691 = tpu.assume_multiple %mul3A_690, 8 : i32
      %add3A_692 = arith.constant 16 : i32
      %add3A_693 = arith.addi %multiple_of3A_691, %add3A_692 : i32
      %get3A_694 = arith.index_cast %add3A_693 : i32 to index
      %get3A_695 = tpu.vector_load %arg8[%get3A_694] {strides = array<i32>} : memref<4096xf32, #tpu.memory_space<vmem>>, vector<16xf32>,
      %reduce_sum3A_696 = arith.constant true
      %reduce_sum3A_697 = vector.broadcast %reduce_sum3A_696 : i1 to vector<16xi1>
      %reduce_sum3A_698 = tpu.scan <sum>, %get3A_695 masked %reduce_sum3A_697 : vector<16xf32>, vector<16xi1> -> vector<16xf32>
      %reduce_sum3A_699 = vector.extract %reduce_sum3A_698[15] : f32 from vector<16xf32>
      %eq3A_700 = arith.constant 1 : i32
      %eq3A_701 = vector.broadcast %eq3A_700 : i32 to vector<16xi32>
      %eq3A_702 = arith.cmpi eq, %iota3A, %eq3A_701 : vector<16xi32>
      %broadcast_in_dim3A_703 = vector.broadcast %reduce_sum3A_699 : f32 to vector<16xf32>
      %select_n3A_704 = arith.select %eq3A_702, %broadcast_in_dim3A_703, %select_n3A_688 : vector<16xi1>, vector<16xf32>
      %mul3A_705 = arith.constant 256 : i32
      %mul3A_706 = arith.muli %min3A_667, %mul3A_705 : i32
      %multiple_of3A_707 = tpu.assume_multiple %mul3A_706, 8 : i32
      %add3A_708 = arith.constant 32 : i32
      %add3A_709 = arith.addi %multiple_of3A_707, %add3A_708 : i32
      %get3A_710 = arith.index_cast %add3A_709 : i32 to index
      %get3A_711 = tpu.vector_load %arg8[%get3A_710] {strides = array<i32>} : memref<4096xf32, #tpu.memory_space<vmem>>, vector<16xf32>,
      %reduce_sum3A_712 = arith.constant true
      %reduce_sum3A_713 = vector.broadcast %reduce_sum3A_712 : i1 to vector<16xi1>
      %reduce_sum3A_714 = tpu.scan <sum>, %get3A_711 masked %reduce_sum3A_713 : vector<16xf32>, vector<16xi1> -> vector<16xf32>
      %reduce_sum3A_715 = vector.extract %reduce_sum3A_714[15] : f32 from vector<16xf32>
      %eq3A_716 = arith.constant 2 : i32
      %eq3A_717 = vector.broadcast %eq3A_716 : i32 to vector<16xi32>
      %eq3A_718 = arith.cmpi eq, %iota3A, %eq3A_717 : vector<16xi32>
      %broadcast_in_dim3A_719 = vector.broadcast %reduce_sum3A_715 : f32 to vector<16xf32>
      %select_n3A_720 = arith.select %eq3A_718, %broadcast_in_dim3A_719, %select_n3A_704 : vector<16xi1>, vector<16xf32>
      %mul3A_721 = arith.constant 256 : i32
      %mul3A_722 = arith.muli %min3A_667, %mul3A_721 : i32
      %multiple_of3A_723 = tpu.assume_multiple %mul3A_722, 8 : i32
      %add3A_724 = arith.constant 48 : i32
      %add3A_725 = arith.addi %multiple_of3A_723, %add3A_724 : i32
      %get3A_726 = arith.index_cast %add3A_725 : i32 to index
      %get3A_727 = tpu.vector_load %arg8[%get3A_726] {strides = array<i32>} : memref<4096xf32, #tpu.memory_space<vmem>>, vector<16xf32>,
      %reduce_sum3A_728 = arith.constant true
      %reduce_sum3A_729 = vector.broadcast %reduce_sum3A_728 : i1 to vector<16xi1>
      %reduce_sum3A_730 = tpu.scan <sum>, %get3A_727 masked %reduce_sum3A_729 : vector<16xf32>, vector<16xi1> -> vector<16xf32>
      %reduce_sum3A_731 = vector.extract %reduce_sum3A_730[15] : f32 from vector<16xf32>
      %eq3A_732 = arith.constant 3 : i32
      %eq3A_733 = vector.broadcast %eq3A_732 : i32 to vector<16xi32>
      %eq3A_734 = arith.cmpi eq, %iota3A, %eq3A_733 : vector<16xi32>
      %broadcast_in_dim3A_735 = vector.broadcast %reduce_sum3A_731 : f32 to vector<16xf32>
      %select_n3A_736 = arith.select %eq3A_734, %broadcast_in_dim3A_735, %select_n3A_720 : vector<16xi1>, vector<16xf32>
      %mul3A_737 = arith.constant 256 : i32
      %mul3A_738 = arith.muli %min3A_667, %mul3A_737 : i32
      %multiple_of3A_739 = tpu.assume_multiple %mul3A_738, 8 : i32
      %add3A_740 = arith.constant 64 : i32
      %add3A_741 = arith.addi %multiple_of3A_739, %add3A_740 : i32
      %get3A_742 = arith.index_cast %add3A_741 : i32 to index
      %get3A_743 = tpu.vector_load %arg8[%get3A_742] {strides = array<i32>} : memref<4096xf32, #tpu.memory_space<vmem>>, vector<16xf32>,
      %reduce_sum3A_744 = arith.constant true
      %reduce_sum3A_745 = vector.broadcast %reduce_sum3A_744 : i1 to vector<16xi1>
      %reduce_sum3A_746 = tpu.scan <sum>, %get3A_743 masked %reduce_sum3A_745 : vector<16xf32>, vector<16xi1> -> vector<16xf32>
      %reduce_sum3A_747 = vector.extract %reduce_sum3A_746[15] : f32 from vector<16xf32>
      %eq3A_748 = arith.constant 4 : i32
      %eq3A_749 = vector.broadcast %eq3A_748 : i32 to vector<16xi32>
      %eq3A_750 = arith.cmpi eq, %iota3A, %eq3A_749 : vector<16xi32>
      %broadcast_in_dim3A_751 = vector.broadcast %reduce_sum3A_747 : f32 to vector<16xf32>
      %select_n3A_752 = arith.select %eq3A_750, %broadcast_in_dim3A_751, %select_n3A_736 : vector<16xi1>, vector<16xf32>
      %mul3A_753 = arith.constant 256 : i32
      %mul3A_754 = arith.muli %min3A_667, %mul3A_753 : i32
      %multiple_of3A_755 = tpu.assume_multiple %mul3A_754, 8 : i32
      %add3A_756 = arith.constant 80 : i32
      %add3A_757 = arith.addi %multiple_of3A_755, %add3A_756 : i32
      %get3A_758 = arith.index_cast %add3A_757 : i32 to index
      %get3A_759 = tpu.vector_load %arg8[%get3A_758] {strides = array<i32>} : memref<4096xf32, #tpu.memory_space<vmem>>, vector<16xf32>,
      %reduce_sum3A_760 = arith.constant true
      %reduce_sum3A_761 = vector.broadcast %reduce_sum3A_760 : i1 to vector<16xi1>
      %reduce_sum3A_762 = tpu.scan <sum>, %get3A_759 masked %reduce_sum3A_761 : vector<16xf32>, vector<16xi1> -> vector<16xf32>
      %reduce_sum3A_763 = vector.extract %reduce_sum3A_762[15] : f32 from vector<16xf32>
      %eq3A_764 = arith.constant 5 : i32
      %eq3A_765 = vector.broadcast %eq3A_764 : i32 to vector<16xi32>
      %eq3A_766 = arith.cmpi eq, %iota3A, %eq3A_765 : vector<16xi32>
      %broadcast_in_dim3A_767 = vector.broadcast %reduce_sum3A_763 : f32 to vector<16xf32>
      %select_n3A_768 = arith.select %eq3A_766, %broadcast_in_dim3A_767, %select_n3A_752 : vector<16xi1>, vector<16xf32>
      %mul3A_769 = arith.constant 256 : i32
      %mul3A_770 = arith.muli %min3A_667, %mul3A_769 : i32
      %multiple_of3A_771 = tpu.assume_multiple %mul3A_770, 8 : i32
      %add3A_772 = arith.constant 96 : i32
      %add3A_773 = arith.addi %multiple_of3A_771, %add3A_772 : i32
      %get3A_774 = arith.index_cast %add3A_773 : i32 to index
      %get3A_775 = tpu.vector_load %arg8[%get3A_774] {strides = array<i32>} : memref<4096xf32, #tpu.memory_space<vmem>>, vector<16xf32>,
      %reduce_sum3A_776 = arith.constant true
      %reduce_sum3A_777 = vector.broadcast %reduce_sum3A_776 : i1 to vector<16xi1>
      %reduce_sum3A_778 = tpu.scan <sum>, %get3A_775 masked %reduce_sum3A_777 : vector<16xf32>, vector<16xi1> -> vector<16xf32>
      %reduce_sum3A_779 = vector.extract %reduce_sum3A_778[15] : f32 from vector<16xf32>
      %eq3A_780 = arith.constant 6 : i32
      %eq3A_781 = vector.broadcast %eq3A_780 : i32 to vector<16xi32>
      %eq3A_782 = arith.cmpi eq, %iota3A, %eq3A_781 : vector<16xi32>
      %broadcast_in_dim3A_783 = vector.broadcast %reduce_sum3A_779 : f32 to vector<16xf32>
      %select_n3A_784 = arith.select %eq3A_782, %broadcast_in_dim3A_783, %select_n3A_768 : vector<16xi1>, vector<16xf32>
      %mul3A_785 = arith.constant 256 : i32
      %mul3A_786 = arith.muli %min3A_667, %mul3A_785 : i32
      %multiple_of3A_787 = tpu.assume_multiple %mul3A_786, 8 : i32
      %add3A_788 = arith.constant 112 : i32
      %add3A_789 = arith.addi %multiple_of3A_787, %add3A_788 : i32
      %get3A_790 = arith.index_cast %add3A_789 : i32 to index
      %get3A_791 = tpu.vector_load %arg8[%get3A_790] {strides = array<i32>} : memref<4096xf32, #tpu.memory_space<vmem>>, vector<16xf32>,
      %reduce_sum3A_792 = arith.constant true
      %reduce_sum3A_793 = vector.broadcast %reduce_sum3A_792 : i1 to vector<16xi1>
      %reduce_sum3A_794 = tpu.scan <sum>, %get3A_791 masked %reduce_sum3A_793 : vector<16xf32>, vector<16xi1> -> vector<16xf32>
      %reduce_sum3A_795 = vector.extract %reduce_sum3A_794[15] : f32 from vector<16xf32>
      %eq3A_796 = arith.constant 7 : i32
      %eq3A_797 = vector.broadcast %eq3A_796 : i32 to vector<16xi32>
      %eq3A_798 = arith.cmpi eq, %iota3A, %eq3A_797 : vector<16xi32>
      %broadcast_in_dim3A_799 = vector.broadcast %reduce_sum3A_795 : f32 to vector<16xf32>
      %select_n3A_800 = arith.select %eq3A_798, %broadcast_in_dim3A_799, %select_n3A_784 : vector<16xi1>, vector<16xf32>
      %mul3A_801 = arith.constant 256 : i32
      %mul3A_802 = arith.muli %min3A_667, %mul3A_801 : i32
      %multiple_of3A_803 = tpu.assume_multiple %mul3A_802, 8 : i32
      %add3A_804 = arith.constant 128 : i32
      %add3A_805 = arith.addi %multiple_of3A_803, %add3A_804 : i32
      %get3A_806 = arith.index_cast %add3A_805 : i32 to index
      %get3A_807 = tpu.vector_load %arg8[%get3A_806] {strides = array<i32>} : memref<4096xf32, #tpu.memory_space<vmem>>, vector<16xf32>,
      %reduce_sum3A_808 = arith.constant true
      %reduce_sum3A_809 = vector.broadcast %reduce_sum3A_808 : i1 to vector<16xi1>
      %reduce_sum3A_810 = tpu.scan <sum>, %get3A_807 masked %reduce_sum3A_809 : vector<16xf32>, vector<16xi1> -> vector<16xf32>
      %reduce_sum3A_811 = vector.extract %reduce_sum3A_810[15] : f32 from vector<16xf32>
      %eq3A_812 = arith.constant 8 : i32
      %eq3A_813 = vector.broadcast %eq3A_812 : i32 to vector<16xi32>
      %eq3A_814 = arith.cmpi eq, %iota3A, %eq3A_813 : vector<16xi32>
      %broadcast_in_dim3A_815 = vector.broadcast %reduce_sum3A_811 : f32 to vector<16xf32>
      %select_n3A_816 = arith.select %eq3A_814, %broadcast_in_dim3A_815, %select_n3A_800 : vector<16xi1>, vector<16xf32>
      %mul3A_817 = arith.constant 256 : i32
      %mul3A_818 = arith.muli %min3A_667, %mul3A_817 : i32
      %multiple_of3A_819 = tpu.assume_multiple %mul3A_818, 8 : i32
      %add3A_820 = arith.constant 144 : i32
      %add3A_821 = arith.addi %multiple_of3A_819, %add3A_820 : i32
      %get3A_822 = arith.index_cast %add3A_821 : i32 to index
      %get3A_823 = tpu.vector_load %arg8[%get3A_822] {strides = array<i32>} : memref<4096xf32, #tpu.memory_space<vmem>>, vector<16xf32>,
      %reduce_sum3A_824 = arith.constant true
      %reduce_sum3A_825 = vector.broadcast %reduce_sum3A_824 : i1 to vector<16xi1>
      %reduce_sum3A_826 = tpu.scan <sum>, %get3A_823 masked %reduce_sum3A_825 : vector<16xf32>, vector<16xi1> -> vector<16xf32>
      %reduce_sum3A_827 = vector.extract %reduce_sum3A_826[15] : f32 from vector<16xf32>
      %eq3A_828 = arith.constant 9 : i32
      %eq3A_829 = vector.broadcast %eq3A_828 : i32 to vector<16xi32>
      %eq3A_830 = arith.cmpi eq, %iota3A, %eq3A_829 : vector<16xi32>
      %broadcast_in_dim3A_831 = vector.broadcast %reduce_sum3A_827 : f32 to vector<16xf32>
      %select_n3A_832 = arith.select %eq3A_830, %broadcast_in_dim3A_831, %select_n3A_816 : vector<16xi1>, vector<16xf32>
      %mul3A_833 = arith.constant 256 : i32
      %mul3A_834 = arith.muli %min3A_667, %mul3A_833 : i32
      %multiple_of3A_835 = tpu.assume_multiple %mul3A_834, 8 : i32
      %add3A_836 = arith.constant 160 : i32
      %add3A_837 = arith.addi %multiple_of3A_835, %add3A_836 : i32
      %get3A_838 = arith.index_cast %add3A_837 : i32 to index
      %get3A_839 = tpu.vector_load %arg8[%get3A_838] {strides = array<i32>} : memref<4096xf32, #tpu.memory_space<vmem>>, vector<16xf32>,
      %reduce_sum3A_840 = arith.constant true
      %reduce_sum3A_841 = vector.broadcast %reduce_sum3A_840 : i1 to vector<16xi1>
      %reduce_sum3A_842 = tpu.scan <sum>, %get3A_839 masked %reduce_sum3A_841 : vector<16xf32>, vector<16xi1> -> vector<16xf32>
      %reduce_sum3A_843 = vector.extract %reduce_sum3A_842[15] : f32 from vector<16xf32>
      %eq3A_844 = arith.constant 10 : i32
      %eq3A_845 = vector.broadcast %eq3A_844 : i32 to vector<16xi32>
      %eq3A_846 = arith.cmpi eq, %iota3A, %eq3A_845 : vector<16xi32>
      %broadcast_in_dim3A_847 = vector.broadcast %reduce_sum3A_843 : f32 to vector<16xf32>
      %select_n3A_848 = arith.select %eq3A_846, %broadcast_in_dim3A_847, %select_n3A_832 : vector<16xi1>, vector<16xf32>
      %mul3A_849 = arith.constant 256 : i32
      %mul3A_850 = arith.muli %min3A_667, %mul3A_849 : i32
      %multiple_of3A_851 = tpu.assume_multiple %mul3A_850, 8 : i32
      %add3A_852 = arith.constant 176 : i32
      %add3A_853 = arith.addi %multiple_of3A_851, %add3A_852 : i32
      %get3A_854 = arith.index_cast %add3A_853 : i32 to index
      %get3A_855 = tpu.vector_load %arg8[%get3A_854] {strides = array<i32>} : memref<4096xf32, #tpu.memory_space<vmem>>, vector<16xf32>,
      %reduce_sum3A_856 = arith.constant true
      %reduce_sum3A_857 = vector.broadcast %reduce_sum3A_856 : i1 to vector<16xi1>
      %reduce_sum3A_858 = tpu.scan <sum>, %get3A_855 masked %reduce_sum3A_857 : vector<16xf32>, vector<16xi1> -> vector<16xf32>
      %reduce_sum3A_859 = vector.extract %reduce_sum3A_858[15] : f32 from vector<16xf32>
      %eq3A_860 = arith.constant 11 : i32
      %eq3A_861 = vector.broadcast %eq3A_860 : i32 to vector<16xi32>
      %eq3A_862 = arith.cmpi eq, %iota3A, %eq3A_861 : vector<16xi32>
      %broadcast_in_dim3A_863 = vector.broadcast %reduce_sum3A_859 : f32 to vector<16xf32>
      %select_n3A_864 = arith.select %eq3A_862, %broadcast_in_dim3A_863, %select_n3A_848 : vector<16xi1>, vector<16xf32>
      %mul3A_865 = arith.constant 256 : i32
      %mul3A_866 = arith.muli %min3A_667, %mul3A_865 : i32
      %multiple_of3A_867 = tpu.assume_multiple %mul3A_866, 8 : i32
      %add3A_868 = arith.constant 192 : i32
      %add3A_869 = arith.addi %multiple_of3A_867, %add3A_868 : i32
      %get3A_870 = arith.index_cast %add3A_869 : i32 to index
      %get3A_871 = tpu.vector_load %arg8[%get3A_870] {strides = array<i32>} : memref<4096xf32, #tpu.memory_space<vmem>>, vector<16xf32>,
      %reduce_sum3A_872 = arith.constant true
      %reduce_sum3A_873 = vector.broadcast %reduce_sum3A_872 : i1 to vector<16xi1>
      %reduce_sum3A_874 = tpu.scan <sum>, %get3A_871 masked %reduce_sum3A_873 : vector<16xf32>, vector<16xi1> -> vector<16xf32>
      %reduce_sum3A_875 = vector.extract %reduce_sum3A_874[15] : f32 from vector<16xf32>
      %eq3A_876 = arith.constant 12 : i32
      %eq3A_877 = vector.broadcast %eq3A_876 : i32 to vector<16xi32>
      %eq3A_878 = arith.cmpi eq, %iota3A, %eq3A_877 : vector<16xi32>
      %broadcast_in_dim3A_879 = vector.broadcast %reduce_sum3A_875 : f32 to vector<16xf32>
      %select_n3A_880 = arith.select %eq3A_878, %broadcast_in_dim3A_879, %select_n3A_864 : vector<16xi1>, vector<16xf32>
      %mul3A_881 = arith.constant 256 : i32
      %mul3A_882 = arith.muli %min3A_667, %mul3A_881 : i32
      %multiple_of3A_883 = tpu.assume_multiple %mul3A_882, 8 : i32
      %add3A_884 = arith.constant 208 : i32
      %add3A_885 = arith.addi %multiple_of3A_883, %add3A_884 : i32
      %get3A_886 = arith.index_cast %add3A_885 : i32 to index
      %get3A_887 = tpu.vector_load %arg8[%get3A_886] {strides = array<i32>} : memref<4096xf32, #tpu.memory_space<vmem>>, vector<16xf32>,
      %reduce_sum3A_888 = arith.constant true
      %reduce_sum3A_889 = vector.broadcast %reduce_sum3A_888 : i1 to vector<16xi1>
      %reduce_sum3A_890 = tpu.scan <sum>, %get3A_887 masked %reduce_sum3A_889 : vector<16xf32>, vector<16xi1> -> vector<16xf32>
      %reduce_sum3A_891 = vector.extract %reduce_sum3A_890[15] : f32 from vector<16xf32>
      %eq3A_892 = arith.constant 13 : i32
      %eq3A_893 = vector.broadcast %eq3A_892 : i32 to vector<16xi32>
      %eq3A_894 = arith.cmpi eq, %iota3A, %eq3A_893 : vector<16xi32>
      %broadcast_in_dim3A_895 = vector.broadcast %reduce_sum3A_891 : f32 to vector<16xf32>
      %select_n3A_896 = arith.select %eq3A_894, %broadcast_in_dim3A_895, %select_n3A_880 : vector<16xi1>, vector<16xf32>
      %mul3A_897 = arith.constant 256 : i32
      %mul3A_898 = arith.muli %min3A_667, %mul3A_897 : i32
      %multiple_of3A_899 = tpu.assume_multiple %mul3A_898, 8 : i32
      %add3A_900 = arith.constant 224 : i32
      %add3A_901 = arith.addi %multiple_of3A_899, %add3A_900 : i32
      %get3A_902 = arith.index_cast %add3A_901 : i32 to index
      %get3A_903 = tpu.vector_load %arg8[%get3A_902] {strides = array<i32>} : memref<4096xf32, #tpu.memory_space<vmem>>, vector<16xf32>,
      %reduce_sum3A_904 = arith.constant true
      %reduce_sum3A_905 = vector.broadcast %reduce_sum3A_904 : i1 to vector<16xi1>
      %reduce_sum3A_906 = tpu.scan <sum>, %get3A_903 masked %reduce_sum3A_905 : vector<16xf32>, vector<16xi1> -> vector<16xf32>
      %reduce_sum3A_907 = vector.extract %reduce_sum3A_906[15] : f32 from vector<16xf32>
      %eq3A_908 = arith.constant 14 : i32
      %eq3A_909 = vector.broadcast %eq3A_908 : i32 to vector<16xi32>
      %eq3A_910 = arith.cmpi eq, %iota3A, %eq3A_909 : vector<16xi32>
      %broadcast_in_dim3A_911 = vector.broadcast %reduce_sum3A_907 : f32 to vector<16xf32>
      %select_n3A_912 = arith.select %eq3A_910, %broadcast_in_dim3A_911, %select_n3A_896 : vector<16xi1>, vector<16xf32>
      %mul3A_913 = arith.constant 256 : i32
      %mul3A_914 = arith.muli %min3A_667, %mul3A_913 : i32
      %multiple_of3A_915 = tpu.assume_multiple %mul3A_914, 8 : i32
      %add3A_916 = arith.constant 240 : i32
      %add3A_917 = arith.addi %multiple_of3A_915, %add3A_916 : i32
      %get3A_918 = arith.index_cast %add3A_917 : i32 to index
      %get3A_919 = tpu.vector_load %arg8[%get3A_918] {strides = array<i32>} : memref<4096xf32, #tpu.memory_space<vmem>>, vector<16xf32>,
      %reduce_sum3A_920 = arith.constant true
      %reduce_sum3A_921 = vector.broadcast %reduce_sum3A_920 : i1 to vector<16xi1>
      %reduce_sum3A_922 = tpu.scan <sum>, %get3A_919 masked %reduce_sum3A_921 : vector<16xf32>, vector<16xi1> -> vector<16xf32>
      %reduce_sum3A_923 = vector.extract %reduce_sum3A_922[15] : f32 from vector<16xf32>
      %eq3A_924 = arith.constant 15 : i32
      %eq3A_925 = vector.broadcast %eq3A_924 : i32 to vector<16xi32>
      %eq3A_926 = arith.cmpi eq, %iota3A, %eq3A_925 : vector<16xi32>
      %broadcast_in_dim3A_927 = vector.broadcast %reduce_sum3A_923 : f32 to vector<16xf32>
      %select_n3A_928 = arith.select %eq3A_926, %broadcast_in_dim3A_927, %select_n3A_912 : vector<16xi1>, vector<16xf32>
      %rev3A_929 = arith.constant 15 : i32
      %rev3A_930 = vector.broadcast %rev3A_929 : i32 to vector<16xi32>
      %rev3A_931 = tpu.iota {dimensions = array<i32: 0>} : vector<16xi32>
      %rev3A_932 = arith.subi %rev3A_930, %rev3A_931 : vector<16xi32>
      %rev3A_933 = tpu.dynamic_gather %select_n3A_928[%rev3A_932] in [0] : vector<16xf32>, vector<16xi32> -> vector<16xf32>
      %broadcast_in_dim3A_934 = arith.constant true
      %broadcast_in_dim3A_935 = vector.broadcast %broadcast_in_dim3A_934 : i1 to vector<16xi1>
      %masked_cumsum3A_936 = tpu.scan <sum>, %rev3A_933 masked %broadcast_in_dim3A_935 : vector<16xf32>, vector<16xi1> -> vector<16xf32>
      %add3A_937 = vector.broadcast %reduce_sum3A_672 : f32 to vector<16xf32>
      %add3A_938 = arith.addf %masked_cumsum3A_936, %add3A_937 : vector<16xf32>
      %ge3A_939 = arith.constant 6.400000e+01 : f32
      %ge3A_940 = vector.broadcast %ge3A_939 : f32 to vector<16xf32>
      %ge3A_941 = arith.cmpf oge, %add3A_938, %ge3A_940 : vector<16xf32>
      %all_reduce_ffs3A_942 = tpu.all_reduce %ge3A_941 {dim = 0 : i64, kind = #tpu.reduction_kind<find_first_set>} : vector<16xi1> -> vector<16xi32>
      %iota3A_943 = tpu.iota {dimensions = array<i32: 0>} : vector<16xi32>
      %eq3A_944 = arith.constant 0 : i32
      %eq3A_945 = vector.broadcast %eq3A_944 : i32 to vector<16xi32>
      %eq3A_946 = arith.cmpi eq, %iota3A_943, %eq3A_945 : vector<16xi32>
      %mul3A_947 = arith.constant 0 : i32
      %mul3A_948 = vector.broadcast %mul3A_947 : i32 to vector<16xi32>
      %mul3A_949 = arith.muli %iota3A_943, %mul3A_948 : vector<16xi32>
      %add3A_950 = arith.addi %all_reduce_ffs3A_942, %mul3A_949 : vector<16xi32>
      %mul3A_951 = arith.constant 0 : i32
      %mul3A_952 = vector.broadcast %mul3A_951 : i32 to vector<16xi32>
      %mul3A_953 = arith.muli %mul3A_952, %all_reduce_ffs3A_942 : vector<16xi32>
      %select_n3A_954 = arith.select %eq3A_946, %add3A_950, %mul3A_953 : vector<16xi1>, vector<16xi32>
      %reduce_sum3A_955 = arith.constant true
      %reduce_sum3A_956 = vector.broadcast %reduce_sum3A_955 : i1 to vector<16xi1>
      %reduce_sum3A_957 = tpu.scan <sum>, %select_n3A_954 masked %reduce_sum3A_956 : vector<16xi32>, vector<16xi1> -> vector<16xi32>
      %reduce_sum3A_958 = vector.extract %reduce_sum3A_957[15] : i32 from vector<16xi32>
      %sub3A_959 = arith.constant 8 : i32
      %sub3A_960 = arith.subi %min3A_667, %sub3A_959 : i32
      %mul3A_961 = arith.constant 16 : i32
      %mul3A_962 = arith.muli %sub3A_960, %mul3A_961 : i32
      %sub3A_963 = arith.constant 15 : i32
      %sub3A_964 = arith.subi %sub3A_963, %reduce_sum3A_958 : i32
      %add3A_965 = arith.addi %mul3A_962, %sub3A_964 : i32
      %select_n3A_966 = arith.select %ge3A_941, %broadcast_in_dim3A_3, %rev3A_933 : vector<16xi1>, vector<16xf32>
      %reduce_sum3A_967 = arith.constant true
      %reduce_sum3A_968 = vector.broadcast %reduce_sum3A_967 : i1 to vector<16xi1>
      %reduce_sum3A_969 = tpu.scan <sum>, %select_n3A_966 masked %reduce_sum3A_968 : vector<16xf32>, vector<16xi1> -> vector<16xf32>
      %reduce_sum3A_970 = vector.extract %reduce_sum3A_969[15] : f32 from vector<16xf32>
      %add3A_971 = arith.addf %reduce_sum3A_672, %reduce_sum3A_970 : f32
      %jit3A_972 = arith.constant 8.000000e+00 : f32
      %select_n3A_973 = arith.select %gt3A_308, %jit3A_972, %reduce_sum3A_278 : f32
      %jit3A_974 = arith.constant 6.400000e+01 : f32
      %select_n3A_975 = arith.select %gt3A_646, %jit3A_974, %reduce_sum3A_287 : f32
      %jit3A_976 = arith.constant 128 : i32
      %select_n3A_977 = arith.select %gt3A_308, %add3A_613, %jit3A_976 : i32
      %jit3A_978 = arith.constant -1 : i32
      %select_n3A_979 = arith.select %gt3A_646, %add3A_965, %jit3A_978 : i32
      %scan3A_980 = arith.constant 0 : i32
      %scan3A_981 = arith.constant 0 : i32
      %scan3A_982 = arith.constant 64 : i32
      %scan3A_983 = arith.addi %scan3A_981, %scan3A_982 : i32
      %scan3A_984 = arith.constant 1 : i32
      %scan3A_985 = scf.for %scan3A_2328 = %scan3A_981 to %scan3A_983 step %scan3A_984 iter_args(%scan3A_2329 = %scan3A_980) -> (i32)  : i32 {
        %mul3A_2330 = arith.constant 64 : i32
        %mul3A_2331 = arith.muli %scan3A_2328, %mul3A_2330 : i32
        %multiple_of3A_2332 = tpu.assume_multiple %mul3A_2331, 8 : i32
        %add3A_2333 = arith.constant 0 : i32
        %add3A_2334 = arith.addi %multiple_of3A_2332, %add3A_2333 : i32
        %swap3A_2335 = arith.index_cast %add3A_2334 : i32 to index
        %swap3A_2336 = tpu.vector_load %arg8[%swap3A_2335] {strides = array<i32>} : memref<4096xf32, #tpu.memory_space<vmem>>, vector<16xf32>,
        tpu.vector_store %arg8[%swap3A_2335], %broadcast_in_dim3A_3 {strides = array<i32>} : memref<4096xf32, #tpu.memory_space<vmem>>, vector<16xf32>,
        %add3A_2337 = arith.constant 16 : i32
        %add3A_2338 = arith.addi %multiple_of3A_2332, %add3A_2337 : i32
        %swap3A_2339 = arith.index_cast %add3A_2338 : i32 to index
        %swap3A_2340 = tpu.vector_load %arg8[%swap3A_2339] {strides = array<i32>} : memref<4096xf32, #tpu.memory_space<vmem>>, vector<16xf32>,
        tpu.vector_store %arg8[%swap3A_2339], %broadcast_in_dim3A_3 {strides = array<i32>} : memref<4096xf32, #tpu.memory_space<vmem>>, vector<16xf32>,
        %add3A_2341 = arith.constant 32 : i32
        %add3A_2342 = arith.addi %multiple_of3A_2332, %add3A_2341 : i32
        %swap3A_2343 = arith.index_cast %add3A_2342 : i32 to index
        %swap3A_2344 = tpu.vector_load %arg8[%swap3A_2343] {strides = array<i32>} : memref<4096xf32, #tpu.memory_space<vmem>>, vector<16xf32>,
        tpu.vector_store %arg8[%swap3A_2343], %broadcast_in_dim3A_3 {strides = array<i32>} : memref<4096xf32, #tpu.memory_space<vmem>>, vector<16xf32>,
        %add3A_2345 = arith.constant 48 : i32
        %add3A_2346 = arith.addi %multiple_of3A_2332, %add3A_2345 : i32
        %swap3A_2347 = arith.index_cast %add3A_2346 : i32 to index
        %swap3A_2348 = tpu.vector_load %arg8[%swap3A_2347] {strides = array<i32>} : memref<4096xf32, #tpu.memory_space<vmem>>, vector<16xf32>,
        tpu.vector_store %arg8[%swap3A_2347], %broadcast_in_dim3A_3 {strides = array<i32>} : memref<4096xf32, #tpu.memory_space<vmem>>, vector<16xf32>,
        %scan3A_2349 = arith.constant 0 : i32
        scf.yield %scan3A_2349 : i32
      }
      %scan3A_986 = arith.constant 64 : i32
      %swap3A_987 = arith.constant 0 : index
      %swap3A_988 = tpu.vector_load %arg9[%swap3A_987] {strides = array<i32>} : memref<256xf32, #tpu.memory_space<vmem>>, vector<16xf32>,
      tpu.vector_store %arg9[%swap3A_987], %broadcast_in_dim3A_3 {strides = array<i32>} : memref<256xf32, #tpu.memory_space<vmem>>, vector<16xf32>,
      %swap3A_989 = arith.constant 16 : index
      %swap3A_990 = tpu.vector_load %arg9[%swap3A_989] {strides = array<i32>} : memref<256xf32, #tpu.memory_space<vmem>>, vector<16xf32>,
      tpu.vector_store %arg9[%swap3A_989], %broadcast_in_dim3A_3 {strides = array<i32>} : memref<256xf32, #tpu.memory_space<vmem>>, vector<16xf32>,
      %swap3A_991 = arith.constant 32 : index
      %swap3A_992 = tpu.vector_load %arg9[%swap3A_991] {strides = array<i32>} : memref<256xf32, #tpu.memory_space<vmem>>, vector<16xf32>,
      tpu.vector_store %arg9[%swap3A_991], %broadcast_in_dim3A_3 {strides = array<i32>} : memref<256xf32, #tpu.memory_space<vmem>>, vector<16xf32>,
      %swap3A_993 = arith.constant 48 : index
      %swap3A_994 = tpu.vector_load %arg9[%swap3A_993] {strides = array<i32>} : memref<256xf32, #tpu.memory_space<vmem>>, vector<16xf32>,
      tpu.vector_store %arg9[%swap3A_993], %broadcast_in_dim3A_3 {strides = array<i32>} : memref<256xf32, #tpu.memory_space<vmem>>, vector<16xf32>,
      %swap3A_995 = arith.constant 64 : index
      %swap3A_996 = tpu.vector_load %arg9[%swap3A_995] {strides = array<i32>} : memref<256xf32, #tpu.memory_space<vmem>>, vector<16xf32>,
      tpu.vector_store %arg9[%swap3A_995], %broadcast_in_dim3A_3 {strides = array<i32>} : memref<256xf32, #tpu.memory_space<vmem>>, vector<16xf32>,
      %swap3A_997 = arith.constant 80 : index
      %swap3A_998 = tpu.vector_load %arg9[%swap3A_997] {strides = array<i32>} : memref<256xf32, #tpu.memory_space<vmem>>, vector<16xf32>,
      tpu.vector_store %arg9[%swap3A_997], %broadcast_in_dim3A_3 {strides = array<i32>} : memref<256xf32, #tpu.memory_space<vmem>>, vector<16xf32>,
      %swap3A_999 = arith.constant 96 : index
      %swap3A_1000 = tpu.vector_load %arg9[%swap3A_999] {strides = array<i32>} : memref<256xf32, #tpu.memory_space<vmem>>, vector<16xf32>,
      tpu.vector_store %arg9[%swap3A_999], %broadcast_in_dim3A_3 {strides = array<i32>} : memref<256xf32, #tpu.memory_space<vmem>>, vector<16xf32>,
      %swap3A_1001 = arith.constant 112 : index
      %swap3A_1002 = tpu.vector_load %arg9[%swap3A_1001] {strides = array<i32>} : memref<256xf32, #tpu.memory_space<vmem>>, vector<16xf32>,
      tpu.vector_store %arg9[%swap3A_1001], %broadcast_in_dim3A_3 {strides = array<i32>} : memref<256xf32, #tpu.memory_space<vmem>>, vector<16xf32>,
      %swap3A_1003 = arith.constant 128 : index
      %swap3A_1004 = tpu.vector_load %arg9[%swap3A_1003] {strides = array<i32>} : memref<256xf32, #tpu.memory_space<vmem>>, vector<16xf32>,
      tpu.vector_store %arg9[%swap3A_1003], %broadcast_in_dim3A_3 {strides = array<i32>} : memref<256xf32, #tpu.memory_space<vmem>>, vector<16xf32>,
      %swap3A_1005 = arith.constant 144 : index
      %swap3A_1006 = tpu.vector_load %arg9[%swap3A_1005] {strides = array<i32>} : memref<256xf32, #tpu.memory_space<vmem>>, vector<16xf32>,
      tpu.vector_store %arg9[%swap3A_1005], %broadcast_in_dim3A_3 {strides = array<i32>} : memref<256xf32, #tpu.memory_space<vmem>>, vector<16xf32>,
      %swap3A_1007 = arith.constant 160 : index
      %swap3A_1008 = tpu.vector_load %arg9[%swap3A_1007] {strides = array<i32>} : memref<256xf32, #tpu.memory_space<vmem>>, vector<16xf32>,
      tpu.vector_store %arg9[%swap3A_1007], %broadcast_in_dim3A_3 {strides = array<i32>} : memref<256xf32, #tpu.memory_space<vmem>>, vector<16xf32>,
      %swap3A_1009 = arith.constant 176 : index
      %swap3A_1010 = tpu.vector_load %arg9[%swap3A_1009] {strides = array<i32>} : memref<256xf32, #tpu.memory_space<vmem>>, vector<16xf32>,
      tpu.vector_store %arg9[%swap3A_1009], %broadcast_in_dim3A_3 {strides = array<i32>} : memref<256xf32, #tpu.memory_space<vmem>>, vector<16xf32>,
      %swap3A_1011 = arith.constant 192 : index
      %swap3A_1012 = tpu.vector_load %arg9[%swap3A_1011] {strides = array<i32>} : memref<256xf32, #tpu.memory_space<vmem>>, vector<16xf32>,
      tpu.vector_store %arg9[%swap3A_1011], %broadcast_in_dim3A_3 {strides = array<i32>} : memref<256xf32, #tpu.memory_space<vmem>>, vector<16xf32>,
      %swap3A_1013 = arith.constant 208 : index
      %swap3A_1014 = tpu.vector_load %arg9[%swap3A_1013] {strides = array<i32>} : memref<256xf32, #tpu.memory_space<vmem>>, vector<16xf32>,
      tpu.vector_store %arg9[%swap3A_1013], %broadcast_in_dim3A_3 {strides = array<i32>} : memref<256xf32, #tpu.memory_space<vmem>>, vector<16xf32>,
      %swap3A_1015 = arith.constant 224 : index
      %swap3A_1016 = tpu.vector_load %arg9[%swap3A_1015] {strides = array<i32>} : memref<256xf32, #tpu.memory_space<vmem>>, vector<16xf32>,
      tpu.vector_store %arg9[%swap3A_1015], %broadcast_in_dim3A_3 {strides = array<i32>} : memref<256xf32, #tpu.memory_space<vmem>>, vector<16xf32>,
      %swap3A_1017 = arith.constant 240 : index
      %swap3A_1018 = tpu.vector_load %arg9[%swap3A_1017] {strides = array<i32>} : memref<256xf32, #tpu.memory_space<vmem>>, vector<16xf32>,
      tpu.vector_store %arg9[%swap3A_1017], %broadcast_in_dim3A_3 {strides = array<i32>} : memref<256xf32, #tpu.memory_space<vmem>>, vector<16xf32>,
      %scan3A_1019 = arith.constant 0 : i32
      %scan3A_1020 = arith.constant 64 : i32
      %scan3A_1021 = arith.addi %scan3A_1019, %scan3A_1020 : i32
      %scan3A_1022 = arith.constant 1 : i32
      %scan3A_1023:3 = scf.for %scan3A_2328 = %scan3A_1019 to %scan3A_1021 step %scan3A_1022 iter_args(%scan3A_2329 = %broadcast_in_dim3A_3, %scan3A_2330 = %broadcast_in_dim3A_3, %scan3A_2331 = %broadcast_in_dim3A_3) -> (vector<16xf32>, vector<16xf32>, vector<16xf32>)  : i32 {
        %mul3A_2332 = arith.constant 64 : i32
        %mul3A_2333 = arith.muli %scan3A_2328, %mul3A_2332 : i32
        %multiple_of3A_2334 = tpu.assume_multiple %mul3A_2333, 8 : i32
        %add3A_2335 = arith.constant 0 : i32
        %add3A_2336 = arith.addi %multiple_of3A_2334, %add3A_2335 : i32
        %get3A_2337 = arith.index_cast %add3A_2336 : i32 to index
        %get3A_2338 = tpu.vector_load %arg6[%get3A_2337] {strides = array<i32>} : memref<4096xf32, #tpu.memory_space<vmem>>, vector<16xf32>,
        %get3A_2339 = arith.index_cast %add3A_2336 : i32 to index
        %get3A_2340 = tpu.vector_load %arg5[%get3A_2339] {strides = array<i32>} : memref<4096xi32, #tpu.memory_space<vmem>>, vector<16xi32>,
        %eq3A_2341 = arith.cmpi eq, %get3A_2340, %gather3A : vector<16xi32>
        %add3A_2342 = arith.constant 1.002000e+00 : f32
        %add3A_2343 = vector.broadcast %add3A_2342 : f32 to vector<16xf32>
        %add3A_2344 = arith.addf %get3A_2338, %add3A_2343 : vector<16xf32>
        %mul3A_2345 = arith.constant 63.8722572 : f32
        %mul3A_2346 = vector.broadcast %mul3A_2345 : f32 to vector<16xf32>
        %mul3A_2347 = arith.mulf %add3A_2344, %mul3A_2346 : vector<16xf32>
        %jit3A_2348 = arith.constant 0.000000e+00 : f32
        %jit3A_2349 = arith.constant 1.270000e+02 : f32
        %max3A_2350 = vector.broadcast %jit3A_2348 : f32 to vector<16xf32>
        %max3A_2351 = arith.maximumf %max3A_2350, %mul3A_2347 : vector<16xf32>
        %min3A_2352 = vector.broadcast %jit3A_2349 : f32 to vector<16xf32>
        %min3A_2353 = arith.minimumf %min3A_2352, %max3A_2351 : vector<16xf32>
        %convert_element_type3A_2354 = arith.fptosi %min3A_2353 : vector<16xf32> to vector<16xi32>
        %sub3A_2355 = arith.constant 1.000000e+00 : f32
        %sub3A_2356 = vector.broadcast %sub3A_2355 : f32 to vector<16xf32>
        %sub3A_2357 = arith.subf %get3A_2338, %sub3A_2356 : vector<16xf32>
        %mul3A_2358 = arith.constant 14.2857141 : f32
        %mul3A_2359 = vector.broadcast %mul3A_2358 : f32 to vector<16xf32>
        %mul3A_2360 = arith.mulf %sub3A_2357, %mul3A_2359 : vector<16xf32>
        %exp3A_2361 = math.exp %mul3A_2360 : vector<16xf32>
        %lt3A_2362 = vector.broadcast %select_n3A_977 : i32 to vector<16xi32>
        %lt3A_2363 = arith.cmpi slt, %convert_element_type3A_2354, %lt3A_2362 : vector<16xi32>
        %and3A_2364 = arith.andi %eq3A_2341, %lt3A_2363 : vector<16xi1>
        %not3A = arith.constant dense<true> : vector<16xi1>
        %not3A_2365 = arith.xori %eq3A_2341, %not3A : vector<16xi1>
        %gt3A_2366 = vector.broadcast %select_n3A_979 : i32 to vector<16xi32>
        %gt3A_2367 = arith.cmpi sgt, %convert_element_type3A_2354, %gt3A_2366 : vector<16xi32>
        %and3A_2368 = arith.andi %not3A_2365, %gt3A_2367 : vector<16xi1>
        %jit3A_2369 = arith.constant 0.000000e+00 : f32
        %broadcast_in_dim3A_2370 = vector.broadcast %jit3A_2369 : f32 to vector<16xf32>
        %select_n3A_2371 = arith.select %and3A_2364, %get3A_2338, %broadcast_in_dim3A_2370 : vector<16xi1>, vector<16xf32>
        %add3A_2372 = arith.addf %scan3A_2329, %select_n3A_2371 : vector<16xf32>
        %jit3A_2373 = arith.constant 0.000000e+00 : f32
        %broadcast_in_dim3A_2374 = vector.broadcast %jit3A_2373 : f32 to vector<16xf32>
        %select_n3A_2375 = arith.select %and3A_2364, %exp3A_2361, %broadcast_in_dim3A_2374 : vector<16xi1>, vector<16xf32>
        %add3A_2376 = arith.addf %scan3A_2330, %select_n3A_2375 : vector<16xf32>
        %jit3A_2377 = arith.constant 0.000000e+00 : f32
        %broadcast_in_dim3A_2378 = vector.broadcast %jit3A_2377 : f32 to vector<16xf32>
        %select_n3A_2379 = arith.select %and3A_2368, %exp3A_2361, %broadcast_in_dim3A_2378 : vector<16xi1>, vector<16xf32>
        %add3A_2380 = arith.addf %scan3A_2331, %select_n3A_2379 : vector<16xf32>
        %add3A_2381 = arith.constant 16 : i32
        %add3A_2382 = arith.addi %multiple_of3A_2334, %add3A_2381 : i32
        %get3A_2383 = arith.index_cast %add3A_2382 : i32 to index
        %get3A_2384 = tpu.vector_load %arg6[%get3A_2383] {strides = array<i32>} : memref<4096xf32, #tpu.memory_space<vmem>>, vector<16xf32>,
        %get3A_2385 = arith.index_cast %add3A_2382 : i32 to index
        %get3A_2386 = tpu.vector_load %arg5[%get3A_2385] {strides = array<i32>} : memref<4096xi32, #tpu.memory_space<vmem>>, vector<16xi32>,
        %eq3A_2387 = arith.cmpi eq, %get3A_2386, %gather3A : vector<16xi32>
        %add3A_2388 = arith.constant 1.002000e+00 : f32
        %add3A_2389 = vector.broadcast %add3A_2388 : f32 to vector<16xf32>
        %add3A_2390 = arith.addf %get3A_2384, %add3A_2389 : vector<16xf32>
        %mul3A_2391 = arith.constant 63.8722572 : f32
        %mul3A_2392 = vector.broadcast %mul3A_2391 : f32 to vector<16xf32>
        %mul3A_2393 = arith.mulf %add3A_2390, %mul3A_2392 : vector<16xf32>
        %jit3A_2394 = arith.constant 0.000000e+00 : f32
        %jit3A_2395 = arith.constant 1.270000e+02 : f32
        %max3A_2396 = vector.broadcast %jit3A_2394 : f32 to vector<16xf32>
        %max3A_2397 = arith.maximumf %max3A_2396, %mul3A_2393 : vector<16xf32>
        %min3A_2398 = vector.broadcast %jit3A_2395 : f32 to vector<16xf32>
        %min3A_2399 = arith.minimumf %min3A_2398, %max3A_2397 : vector<16xf32>
        %convert_element_type3A_2400 = arith.fptosi %min3A_2399 : vector<16xf32> to vector<16xi32>
        %sub3A_2401 = arith.constant 1.000000e+00 : f32
        %sub3A_2402 = vector.broadcast %sub3A_2401 : f32 to vector<16xf32>
        %sub3A_2403 = arith.subf %get3A_2384, %sub3A_2402 : vector<16xf32>
        %mul3A_2404 = arith.constant 14.2857141 : f32
        %mul3A_2405 = vector.broadcast %mul3A_2404 : f32 to vector<16xf32>
        %mul3A_2406 = arith.mulf %sub3A_2403, %mul3A_2405 : vector<16xf32>
        %exp3A_2407 = math.exp %mul3A_2406 : vector<16xf32>
        %lt3A_2408 = vector.broadcast %select_n3A_977 : i32 to vector<16xi32>
        %lt3A_2409 = arith.cmpi slt, %convert_element_type3A_2400, %lt3A_2408 : vector<16xi32>
        %and3A_2410 = arith.andi %eq3A_2387, %lt3A_2409 : vector<16xi1>
        %not3A_2411 = arith.constant dense<true> : vector<16xi1>
        %not3A_2412 = arith.xori %eq3A_2387, %not3A_2411 : vector<16xi1>
        %gt3A_2413 = vector.broadcast %select_n3A_979 : i32 to vector<16xi32>
        %gt3A_2414 = arith.cmpi sgt, %convert_element_type3A_2400, %gt3A_2413 : vector<16xi32>
        %and3A_2415 = arith.andi %not3A_2412, %gt3A_2414 : vector<16xi1>
        %jit3A_2416 = arith.constant 0.000000e+00 : f32
        %broadcast_in_dim3A_2417 = vector.broadcast %jit3A_2416 : f32 to vector<16xf32>
        %select_n3A_2418 = arith.select %and3A_2410, %get3A_2384, %broadcast_in_dim3A_2417 : vector<16xi1>, vector<16xf32>
        %add3A_2419 = arith.addf %add3A_2372, %select_n3A_2418 : vector<16xf32>
        %jit3A_2420 = arith.constant 0.000000e+00 : f32
        %broadcast_in_dim3A_2421 = vector.broadcast %jit3A_2420 : f32 to vector<16xf32>
        %select_n3A_2422 = arith.select %and3A_2410, %exp3A_2407, %broadcast_in_dim3A_2421 : vector<16xi1>, vector<16xf32>
        %add3A_2423 = arith.addf %add3A_2376, %select_n3A_2422 : vector<16xf32>
        %jit3A_2424 = arith.constant 0.000000e+00 : f32
        %broadcast_in_dim3A_2425 = vector.broadcast %jit3A_2424 : f32 to vector<16xf32>
        %select_n3A_2426 = arith.select %and3A_2415, %exp3A_2407, %broadcast_in_dim3A_2425 : vector<16xi1>, vector<16xf32>
        %add3A_2427 = arith.addf %add3A_2380, %select_n3A_2426 : vector<16xf32>
        %add3A_2428 = arith.constant 32 : i32
        %add3A_2429 = arith.addi %multiple_of3A_2334, %add3A_2428 : i32
        %get3A_2430 = arith.index_cast %add3A_2429 : i32 to index
        %get3A_2431 = tpu.vector_load %arg6[%get3A_2430] {strides = array<i32>} : memref<4096xf32, #tpu.memory_space<vmem>>, vector<16xf32>,
        %get3A_2432 = arith.index_cast %add3A_2429 : i32 to index
        %get3A_2433 = tpu.vector_load %arg5[%get3A_2432] {strides = array<i32>} : memref<4096xi32, #tpu.memory_space<vmem>>, vector<16xi32>,
        %eq3A_2434 = arith.cmpi eq, %get3A_2433, %gather3A : vector<16xi32>
        %add3A_2435 = arith.constant 1.002000e+00 : f32
        %add3A_2436 = vector.broadcast %add3A_2435 : f32 to vector<16xf32>
        %add3A_2437 = arith.addf %get3A_2431, %add3A_2436 : vector<16xf32>
        %mul3A_2438 = arith.constant 63.8722572 : f32
        %mul3A_2439 = vector.broadcast %mul3A_2438 : f32 to vector<16xf32>
        %mul3A_2440 = arith.mulf %add3A_2437, %mul3A_2439 : vector<16xf32>
        %jit3A_2441 = arith.constant 0.000000e+00 : f32
        %jit3A_2442 = arith.constant 1.270000e+02 : f32
        %max3A_2443 = vector.broadcast %jit3A_2441 : f32 to vector<16xf32>
        %max3A_2444 = arith.maximumf %max3A_2443, %mul3A_2440 : vector<16xf32>
        %min3A_2445 = vector.broadcast %jit3A_2442 : f32 to vector<16xf32>
        %min3A_2446 = arith.minimumf %min3A_2445, %max3A_2444 : vector<16xf32>
        %convert_element_type3A_2447 = arith.fptosi %min3A_2446 : vector<16xf32> to vector<16xi32>
        %sub3A_2448 = arith.constant 1.000000e+00 : f32
        %sub3A_2449 = vector.broadcast %sub3A_2448 : f32 to vector<16xf32>
        %sub3A_2450 = arith.subf %get3A_2431, %sub3A_2449 : vector<16xf32>
        %mul3A_2451 = arith.constant 14.2857141 : f32
        %mul3A_2452 = vector.broadcast %mul3A_2451 : f32 to vector<16xf32>
        %mul3A_2453 = arith.mulf %sub3A_2450, %mul3A_2452 : vector<16xf32>
        %exp3A_2454 = math.exp %mul3A_2453 : vector<16xf32>
        %lt3A_2455 = vector.broadcast %select_n3A_977 : i32 to vector<16xi32>
        %lt3A_2456 = arith.cmpi slt, %convert_element_type3A_2447, %lt3A_2455 : vector<16xi32>
        %and3A_2457 = arith.andi %eq3A_2434, %lt3A_2456 : vector<16xi1>
        %not3A_2458 = arith.constant dense<true> : vector<16xi1>
        %not3A_2459 = arith.xori %eq3A_2434, %not3A_2458 : vector<16xi1>
        %gt3A_2460 = vector.broadcast %select_n3A_979 : i32 to vector<16xi32>
        %gt3A_2461 = arith.cmpi sgt, %convert_element_type3A_2447, %gt3A_2460 : vector<16xi32>
        %and3A_2462 = arith.andi %not3A_2459, %gt3A_2461 : vector<16xi1>
        %jit3A_2463 = arith.constant 0.000000e+00 : f32
        %broadcast_in_dim3A_2464 = vector.broadcast %jit3A_2463 : f32 to vector<16xf32>
        %select_n3A_2465 = arith.select %and3A_2457, %get3A_2431, %broadcast_in_dim3A_2464 : vector<16xi1>, vector<16xf32>
        %add3A_2466 = arith.addf %add3A_2419, %select_n3A_2465 : vector<16xf32>
        %jit3A_2467 = arith.constant 0.000000e+00 : f32
        %broadcast_in_dim3A_2468 = vector.broadcast %jit3A_2467 : f32 to vector<16xf32>
        %select_n3A_2469 = arith.select %and3A_2457, %exp3A_2454, %broadcast_in_dim3A_2468 : vector<16xi1>, vector<16xf32>
        %add3A_2470 = arith.addf %add3A_2423, %select_n3A_2469 : vector<16xf32>
        %jit3A_2471 = arith.constant 0.000000e+00 : f32
        %broadcast_in_dim3A_2472 = vector.broadcast %jit3A_2471 : f32 to vector<16xf32>
        %select_n3A_2473 = arith.select %and3A_2462, %exp3A_2454, %broadcast_in_dim3A_2472 : vector<16xi1>, vector<16xf32>
        %add3A_2474 = arith.addf %add3A_2427, %select_n3A_2473 : vector<16xf32>
        %add3A_2475 = arith.constant 48 : i32
        %add3A_2476 = arith.addi %multiple_of3A_2334, %add3A_2475 : i32
        %get3A_2477 = arith.index_cast %add3A_2476 : i32 to index
        %get3A_2478 = tpu.vector_load %arg6[%get3A_2477] {strides = array<i32>} : memref<4096xf32, #tpu.memory_space<vmem>>, vector<16xf32>,
        %get3A_2479 = arith.index_cast %add3A_2476 : i32 to index
        %get3A_2480 = tpu.vector_load %arg5[%get3A_2479] {strides = array<i32>} : memref<4096xi32, #tpu.memory_space<vmem>>, vector<16xi32>,
        %eq3A_2481 = arith.cmpi eq, %get3A_2480, %gather3A : vector<16xi32>
        %add3A_2482 = arith.constant 1.002000e+00 : f32
        %add3A_2483 = vector.broadcast %add3A_2482 : f32 to vector<16xf32>
        %add3A_2484 = arith.addf %get3A_2478, %add3A_2483 : vector<16xf32>
        %mul3A_2485 = arith.constant 63.8722572 : f32
        %mul3A_2486 = vector.broadcast %mul3A_2485 : f32 to vector<16xf32>
        %mul3A_2487 = arith.mulf %add3A_2484, %mul3A_2486 : vector<16xf32>
        %jit3A_2488 = arith.constant 0.000000e+00 : f32
        %jit3A_2489 = arith.constant 1.270000e+02 : f32
        %max3A_2490 = vector.broadcast %jit3A_2488 : f32 to vector<16xf32>
        %max3A_2491 = arith.maximumf %max3A_2490, %mul3A_2487 : vector<16xf32>
        %min3A_2492 = vector.broadcast %jit3A_2489 : f32 to vector<16xf32>
        %min3A_2493 = arith.minimumf %min3A_2492, %max3A_2491 : vector<16xf32>
        %convert_element_type3A_2494 = arith.fptosi %min3A_2493 : vector<16xf32> to vector<16xi32>
        %sub3A_2495 = arith.constant 1.000000e+00 : f32
        %sub3A_2496 = vector.broadcast %sub3A_2495 : f32 to vector<16xf32>
        %sub3A_2497 = arith.subf %get3A_2478, %sub3A_2496 : vector<16xf32>
        %mul3A_2498 = arith.constant 14.2857141 : f32
        %mul3A_2499 = vector.broadcast %mul3A_2498 : f32 to vector<16xf32>
        %mul3A_2500 = arith.mulf %sub3A_2497, %mul3A_2499 : vector<16xf32>
        %exp3A_2501 = math.exp %mul3A_2500 : vector<16xf32>
        %lt3A_2502 = vector.broadcast %select_n3A_977 : i32 to vector<16xi32>
        %lt3A_2503 = arith.cmpi slt, %convert_element_type3A_2494, %lt3A_2502 : vector<16xi32>
        %and3A_2504 = arith.andi %eq3A_2481, %lt3A_2503 : vector<16xi1>
        %not3A_2505 = arith.constant dense<true> : vector<16xi1>
        %not3A_2506 = arith.xori %eq3A_2481, %not3A_2505 : vector<16xi1>
        %gt3A_2507 = vector.broadcast %select_n3A_979 : i32 to vector<16xi32>
        %gt3A_2508 = arith.cmpi sgt, %convert_element_type3A_2494, %gt3A_2507 : vector<16xi32>
        %and3A_2509 = arith.andi %not3A_2506, %gt3A_2508 : vector<16xi1>
        %jit3A_2510 = arith.constant 0.000000e+00 : f32
        %broadcast_in_dim3A_2511 = vector.broadcast %jit3A_2510 : f32 to vector<16xf32>
        %select_n3A_2512 = arith.select %and3A_2504, %get3A_2478, %broadcast_in_dim3A_2511 : vector<16xi1>, vector<16xf32>
        %add3A_2513 = arith.addf %add3A_2466, %select_n3A_2512 : vector<16xf32>
        %jit3A_2514 = arith.constant 0.000000e+00 : f32
        %broadcast_in_dim3A_2515 = vector.broadcast %jit3A_2514 : f32 to vector<16xf32>
        %select_n3A_2516 = arith.select %and3A_2504, %exp3A_2501, %broadcast_in_dim3A_2515 : vector<16xi1>, vector<16xf32>
        %add3A_2517 = arith.addf %add3A_2470, %select_n3A_2516 : vector<16xf32>
        %jit3A_2518 = arith.constant 0.000000e+00 : f32
        %broadcast_in_dim3A_2519 = vector.broadcast %jit3A_2518 : f32 to vector<16xf32>
        %select_n3A_2520 = arith.select %and3A_2509, %exp3A_2501, %broadcast_in_dim3A_2519 : vector<16xi1>, vector<16xf32>
        %add3A_2521 = arith.addf %add3A_2474, %select_n3A_2520 : vector<16xf32>
        scf.yield %add3A_2513, %add3A_2517, %add3A_2521 : vector<16xf32>, vector<16xf32>, vector<16xf32>
      }
      %scan3A_1024 = arith.constant 64 : i32
      %reduce_sum3A_1025 = arith.constant true
      %reduce_sum3A_1026 = vector.broadcast %reduce_sum3A_1025 : i1 to vector<16xi1>
      %reduce_sum3A_1027 = tpu.scan <sum>, %scan3A_1023#0 masked %reduce_sum3A_1026 : vector<16xf32>, vector<16xi1> -> vector<16xf32>
      %reduce_sum3A_1028 = vector.extract %reduce_sum3A_1027[15] : f32 from vector<16xf32>
      %reduce_sum3A_1029 = arith.constant true
      %reduce_sum3A_1030 = vector.broadcast %reduce_sum3A_1029 : i1 to vector<16xi1>
      %reduce_sum3A_1031 = tpu.scan <sum>, %scan3A_1023#1 masked %reduce_sum3A_1030 : vector<16xf32>, vector<16xi1> -> vector<16xf32>
      %reduce_sum3A_1032 = vector.extract %reduce_sum3A_1031[15] : f32 from vector<16xf32>
      %reduce_sum3A_1033 = arith.constant true
      %reduce_sum3A_1034 = vector.broadcast %reduce_sum3A_1033 : i1 to vector<16xi1>
      %reduce_sum3A_1035 = tpu.scan <sum>, %scan3A_1023#2 masked %reduce_sum3A_1034 : vector<16xf32>, vector<16xi1> -> vector<16xf32>
      %reduce_sum3A_1036 = vector.extract %reduce_sum3A_1035[15] : f32 from vector<16xf32>
      %convert_element_type3A = arith.sitofp %select_n3A_977 : i32 to f32
      %add3A_1037 = arith.constant 5.000000e-01 : f32
      %add3A_1038 = arith.addf %convert_element_type3A, %add3A_1037 : f32
      %mul3A_1039 = arith.constant 0.0156562496 : f32
      %mul3A_1040 = arith.mulf %add3A_1038, %mul3A_1039 : f32
      %sub3A_1041 = arith.constant 1.002000e+00 : f32
      %sub3A_1042 = arith.subf %mul3A_1040, %sub3A_1041 : f32
      %convert_element_type3A_1043 = arith.sitofp %select_n3A_979 : i32 to f32
      %add3A_1044 = arith.constant 5.000000e-01 : f32
      %add3A_1045 = arith.addf %convert_element_type3A_1043, %add3A_1044 : f32
      %mul3A_1046 = arith.constant 0.0156562496 : f32
      %mul3A_1047 = arith.mulf %add3A_1045, %mul3A_1046 : f32
      %sub3A_1048 = arith.constant 1.002000e+00 : f32
      %sub3A_1049 = arith.subf %mul3A_1047, %sub3A_1048 : f32
      %sub3A_1050 = arith.subf %select_n3A_973, %add3A_619 : f32
      %jit3A_1051 = arith.constant 0.000000e+00 : f32
      %select_n3A_1052 = arith.select %gt3A_308, %sub3A_1050, %jit3A_1051 : f32
      %sub3A_1053 = arith.subf %select_n3A_975, %add3A_971 : f32
      %jit3A_1054 = arith.constant 0.000000e+00 : f32
      %select_n3A_1055 = arith.select %gt3A_646, %sub3A_1053, %jit3A_1054 : f32
      %sub3A_1056 = arith.constant 1.000000e+00 : f32
      %sub3A_1057 = arith.subf %sub3A_1042, %sub3A_1056 : f32
      %mul3A_1058 = arith.constant 14.2857141 : f32
      %mul3A_1059 = arith.mulf %sub3A_1057, %mul3A_1058 : f32
      %broadcast_in_dim3A_1060 = vector.broadcast %mul3A_1059 : f32 to vector<16xf32>
      %exp3A = math.exp %broadcast_in_dim3A_1060 : vector<16xf32>
      %iota3A_1061 = tpu.iota {dimensions = array<i32: 0>} : vector<16xi32>
      %eq3A_1062 = arith.constant 0 : i32
      %eq3A_1063 = vector.broadcast %eq3A_1062 : i32 to vector<16xi32>
      %eq3A_1064 = arith.cmpi eq, %iota3A_1061, %eq3A_1063 : vector<16xi32>
      %mul3A_1065 = arith.constant 0 : i32
      %mul3A_1066 = vector.broadcast %mul3A_1065 : i32 to vector<16xi32>
      %mul3A_1067 = arith.muli %iota3A_1061, %mul3A_1066 : vector<16xi32>
      %convert_element_type3A_1068 = arith.sitofp %mul3A_1067 : vector<16xi32> to vector<16xf32>
      %add3A_1069 = arith.addf %exp3A, %convert_element_type3A_1068 : vector<16xf32>
      %mul3A_1070 = arith.constant 0.000000e+00 : f32
      %mul3A_1071 = vector.broadcast %mul3A_1070 : f32 to vector<16xf32>
      %mul3A_1072 = arith.mulf %mul3A_1071, %exp3A : vector<16xf32>
      %select_n3A_1073 = arith.select %eq3A_1064, %add3A_1069, %mul3A_1072 : vector<16xi1>, vector<16xf32>
      %reduce_sum3A_1074 = arith.constant true
      %reduce_sum3A_1075 = vector.broadcast %reduce_sum3A_1074 : i1 to vector<16xi1>
      %reduce_sum3A_1076 = tpu.scan <sum>, %select_n3A_1073 masked %reduce_sum3A_1075 : vector<16xf32>, vector<16xi1> -> vector<16xf32>
      %reduce_sum3A_1077 = vector.extract %reduce_sum3A_1076[15] : f32 from vector<16xf32>
      %sub3A_1078 = arith.constant 1.000000e+00 : f32
      %sub3A_1079 = arith.subf %sub3A_1049, %sub3A_1078 : f32
      %mul3A_1080 = arith.constant 14.2857141 : f32
      %mul3A_1081 = arith.mulf %sub3A_1079, %mul3A_1080 : f32
      %broadcast_in_dim3A_1082 = vector.broadcast %mul3A_1081 : f32 to vector<16xf32>
      %exp3A_1083 = math.exp %broadcast_in_dim3A_1082 : vector<16xf32>
      %iota3A_1084 = tpu.iota {dimensions = array<i32: 0>} : vector<16xi32>
      %eq3A_1085 = arith.constant 0 : i32
      %eq3A_1086 = vector.broadcast %eq3A_1085 : i32 to vector<16xi32>
      %eq3A_1087 = arith.cmpi eq, %iota3A_1084, %eq3A_1086 : vector<16xi32>
      %mul3A_1088 = arith.constant 0 : i32
      %mul3A_1089 = vector.broadcast %mul3A_1088 : i32 to vector<16xi32>
      %mul3A_1090 = arith.muli %iota3A_1084, %mul3A_1089 : vector<16xi32>
      %convert_element_type3A_1091 = arith.sitofp %mul3A_1090 : vector<16xi32> to vector<16xf32>
      %add3A_1092 = arith.addf %exp3A_1083, %convert_element_type3A_1091 : vector<16xf32>
      %mul3A_1093 = arith.constant 0.000000e+00 : f32
      %mul3A_1094 = vector.broadcast %mul3A_1093 : f32 to vector<16xf32>
      %mul3A_1095 = arith.mulf %mul3A_1094, %exp3A_1083 : vector<16xf32>
      %select_n3A_1096 = arith.select %eq3A_1087, %add3A_1092, %mul3A_1095 : vector<16xi1>, vector<16xf32>
      %reduce_sum3A_1097 = arith.constant true
      %reduce_sum3A_1098 = vector.broadcast %reduce_sum3A_1097 : i1 to vector<16xi1>
      %reduce_sum3A_1099 = tpu.scan <sum>, %select_n3A_1096 masked %reduce_sum3A_1098 : vector<16xf32>, vector<16xi1> -> vector<16xf32>
      %reduce_sum3A_1100 = vector.extract %reduce_sum3A_1099[15] : f32 from vector<16xf32>
      %mul3A_1101 = arith.mulf %select_n3A_1052, %sub3A_1042 : f32
      %add3A_1102 = arith.addf %reduce_sum3A_1028, %mul3A_1101 : f32
      %mul3A_1103 = arith.mulf %select_n3A_1052, %reduce_sum3A_1077 : f32
      %add3A_1104 = arith.addf %reduce_sum3A_1032, %mul3A_1103 : f32
      %add3A_1105 = arith.addf %add3A_1104, %reduce_sum3A_1036 : f32
      %mul3A_1106 = arith.mulf %select_n3A_1055, %reduce_sum3A_1100 : f32
      %add3A_1107 = arith.addf %add3A_1105, %mul3A_1106 : f32
      %max3A_1108 = arith.constant 9.99999991E-38 : f32
      %max3A_1109 = arith.maximumf %add3A_1107, %max3A_1108 : f32
      %broadcast_in_dim3A_1110 = vector.broadcast %max3A_1109 : f32 to vector<16xf32>
      %bitcast3A = vector.bitcast %broadcast_in_dim3A_1110 : vector<16xf32> to vector<16xi32>
      %shift_right_arithmetic3A = arith.constant 23 : i32
      %shift_right_arithmetic3A_1111 = vector.broadcast %shift_right_arithmetic3A : i32 to vector<16xi32>
      %shift_right_arithmetic3A_1112 = arith.shrsi %bitcast3A, %shift_right_arithmetic3A_1111 : vector<16xi32>
      %and3A = arith.constant 255 : i32
      %and3A_1113 = vector.broadcast %and3A : i32 to vector<16xi32>
      %and3A_1114 = arith.andi %shift_right_arithmetic3A_1112, %and3A_1113 : vector<16xi32>
      %sub3A_1115 = arith.constant 127 : i32
      %sub3A_1116 = vector.broadcast %sub3A_1115 : i32 to vector<16xi32>
      %sub3A_1117 = arith.subi %and3A_1114, %sub3A_1116 : vector<16xi32>
      %and3A_1118 = arith.constant 8388607 : i32
      %and3A_1119 = vector.broadcast %and3A_1118 : i32 to vector<16xi32>
      %and3A_1120 = arith.andi %bitcast3A, %and3A_1119 : vector<16xi32>
      %or3A = arith.constant 1065353216 : i32
      %or3A_1121 = vector.broadcast %or3A : i32 to vector<16xi32>
      %or3A_1122 = arith.ori %and3A_1120, %or3A_1121 : vector<16xi32>
      %bitcast3A_1123 = vector.bitcast %or3A_1122 : vector<16xi32> to vector<16xf32>
      %sub3A_1124 = arith.constant 1.000000e+00 : f32
      %sub3A_1125 = vector.broadcast %sub3A_1124 : f32 to vector<16xf32>
      %sub3A_1126 = arith.subf %bitcast3A_1123, %sub3A_1125 : vector<16xf32>
      %add3A_1127 = arith.constant 1.000000e+00 : f32
      %add3A_1128 = vector.broadcast %add3A_1127 : f32 to vector<16xf32>
      %add3A_1129 = arith.addf %bitcast3A_1123, %add3A_1128 : vector<16xf32>
      %div3A = arith.divf %sub3A_1126, %add3A_1129 : vector<16xf32>
      %mul3A_1130 = arith.mulf %div3A, %div3A : vector<16xf32>
      %mul3A_1131 = arith.constant 2.000000e+00 : f32
      %mul3A_1132 = vector.broadcast %mul3A_1131 : f32 to vector<16xf32>
      %mul3A_1133 = arith.mulf %mul3A_1132, %div3A : vector<16xf32>
      %div3A_1134 = arith.constant 9.000000e+00 : f32
      %div3A_1135 = vector.broadcast %div3A_1134 : f32 to vector<16xf32>
      %div3A_1136 = arith.divf %mul3A_1130, %div3A_1135 : vector<16xf32>
      %add3A_1137 = arith.constant 0.142857149 : f32
      %add3A_1138 = vector.broadcast %add3A_1137 : f32 to vector<16xf32>
      %add3A_1139 = arith.addf %add3A_1138, %div3A_1136 : vector<16xf32>
      %mul3A_1140 = arith.mulf %mul3A_1130, %add3A_1139 : vector<16xf32>
      %add3A_1141 = arith.constant 2.000000e-01 : f32
      %add3A_1142 = vector.broadcast %add3A_1141 : f32 to vector<16xf32>
      %add3A_1143 = arith.addf %add3A_1142, %mul3A_1140 : vector<16xf32>
      %mul3A_1144 = arith.mulf %mul3A_1130, %add3A_1143 : vector<16xf32>
      %add3A_1145 = arith.constant 0.333333343 : f32
      %add3A_1146 = vector.broadcast %add3A_1145 : f32 to vector<16xf32>
      %add3A_1147 = arith.addf %add3A_1146, %mul3A_1144 : vector<16xf32>
      %mul3A_1148 = arith.mulf %mul3A_1130, %add3A_1147 : vector<16xf32>
      %add3A_1149 = arith.constant 1.000000e+00 : f32
      %add3A_1150 = vector.broadcast %add3A_1149 : f32 to vector<16xf32>
      %add3A_1151 = arith.addf %add3A_1150, %mul3A_1148 : vector<16xf32>
      %mul3A_1152 = arith.mulf %mul3A_1133, %add3A_1151 : vector<16xf32>
      %convert_element_type3A_1153 = arith.sitofp %sub3A_1117 : vector<16xi32> to vector<16xf32>
      %mul3A_1154 = arith.constant 0.693147182 : f32
      %mul3A_1155 = vector.broadcast %mul3A_1154 : f32 to vector<16xf32>
      %mul3A_1156 = arith.mulf %convert_element_type3A_1153, %mul3A_1155 : vector<16xf32>
      %add3A_1157 = arith.addf %mul3A_1156, %mul3A_1152 : vector<16xf32>
      %iota3A_1158 = tpu.iota {dimensions = array<i32: 0>} : vector<16xi32>
      %eq3A_1159 = arith.constant 0 : i32
      %eq3A_1160 = vector.broadcast %eq3A_1159 : i32 to vector<16xi32>
      %eq3A_1161 = arith.cmpi eq, %iota3A_1158, %eq3A_1160 : vector<16xi32>
      %mul3A_1162 = arith.constant 0 : i32
      %mul3A_1163 = vector.broadcast %mul3A_1162 : i32 to vector<16xi32>
      %mul3A_1164 = arith.muli %iota3A_1158, %mul3A_1163 : vector<16xi32>
      %convert_element_type3A_1165 = arith.sitofp %mul3A_1164 : vector<16xi32> to vector<16xf32>
      %add3A_1166 = arith.addf %add3A_1157, %convert_element_type3A_1165 : vector<16xf32>
      %mul3A_1167 = arith.constant 0.000000e+00 : f32
      %mul3A_1168 = vector.broadcast %mul3A_1167 : f32 to vector<16xf32>
      %mul3A_1169 = arith.mulf %mul3A_1168, %add3A_1157 : vector<16xf32>
      %select_n3A_1170 = arith.select %eq3A_1161, %add3A_1166, %mul3A_1169 : vector<16xi1>, vector<16xf32>
      %reduce_sum3A_1171 = arith.constant true
      %reduce_sum3A_1172 = vector.broadcast %reduce_sum3A_1171 : i1 to vector<16xi1>
      %reduce_sum3A_1173 = tpu.scan <sum>, %select_n3A_1170 masked %reduce_sum3A_1172 : vector<16xf32>, vector<16xi1> -> vector<16xf32>
      %reduce_sum3A_1174 = vector.extract %reduce_sum3A_1173[15] : f32 from vector<16xf32>
      %add3A_1175 = arith.constant 14.2857141 : f32
      %add3A_1176 = arith.addf %add3A_1175, %reduce_sum3A_1174 : f32
      %mul3A_1177 = arith.mulf %select_n3A_973, %add3A_1176 : f32
      %mul3A_1178 = arith.constant 14.2857141 : f32
      %mul3A_1179 = arith.mulf %add3A_1102, %mul3A_1178 : f32
      %sub3A_1180 = arith.subf %mul3A_1177, %mul3A_1179 : f32
      %ne3A = arith.constant 0.000000e+00 : f32
      %ne3A_1181 = arith.cmpf one, %sub3A_1180, %ne3A : f32
      %jit3A_1182 = arith.constant 1.000000e+00 : f32
      %jit3A_1183 = arith.constant 0.000000e+00 : f32
      %select_n3A_1184 = arith.select %ne3A_1181, %jit3A_1182, %jit3A_1183 : f32
      %lt3A_1185 = arith.constant 19 : i32
      %lt3A_1186 = arith.cmpi slt, %scan3A_75, %lt3A_1185 : i32
      %convert_element_type3A_1187 = arith.extui %lt3A_1186 : i1 to i32
      %cond3A = arith.constant 0 : i32
      %cond3A_1188 = arith.cmpi ne, %convert_element_type3A_1187, %cond3A : i32
      scf.if %cond3A_1188 {
        %add3A_2328 = arith.constant 2 : i32
        %add3A_2329 = arith.addi %add3A_80, %add3A_2328 : i32
        %dma_start3A_2330 = arith.constant 0 : i32
        %dma_start3A_2331 = tpu.memref_slice %arg2[%add3A_2329, %dma_start3A_2330] : memref<1280x4096xf32, #tpu.memory_space<hbm>> -> memref<1x4096xf32, #tpu.memory_space<hbm>>
        %dma_start3A_2332 = tpu.memref_squeeze %dma_start3A_2331 : memref<1x4096xf32, #tpu.memory_space<hbm>> -> memref<4096xf32, #tpu.memory_space<hbm>>
        %dma_start3A_2333 = arith.constant 0 : i32
        %dma_start3A_2334 = tpu.memref_slice %arg2[%add3A_2329, %dma_start3A_2333] : memref<1280x4096xf32, #tpu.memory_space<hbm>> -> memref<1x4096xf32, #tpu.memory_space<hbm>>
        %dma_start3A_2335 = tpu.memref_squeeze %dma_start3A_2334 : memref<1x4096xf32, #tpu.memory_space<hbm>> -> memref<4096xf32, #tpu.memory_space<hbm>>
        tpu.enqueue_dma source(%dma_start3A_2335 : memref<4096xf32, #tpu.memory_space<hbm>>) target(%arg6 : memref<4096xf32, #tpu.memory_space<vmem>>) target_semaphore(%arg11 : memref<!tpu.dma_semaphore, #tpu.memory_space<semaphore_mem>>)
      } else {
      }
      %add3A_1189 = arith.constant 1 : i32
      %add3A_1190 = arith.addi %add3A_80, %add3A_1189 : i32
      %dma_wait3A_1191 = arith.constant 0 : i32
      %dma_wait3A_1192 = tpu.memref_slice %arg2[%add3A_1190, %dma_wait3A_1191] : memref<1280x4096xf32, #tpu.memory_space<hbm>> -> memref<1x4096xf32, #tpu.memory_space<hbm>>
      %dma_wait3A_1193 = tpu.memref_squeeze %dma_wait3A_1192 : memref<1x4096xf32, #tpu.memory_space<hbm>> -> memref<4096xf32, #tpu.memory_space<hbm>>
      %dma_wait3A_1194 = arith.constant 0 : i32
      %dma_wait3A_1195 = tpu.memref_slice %arg2[%add3A_1190, %dma_wait3A_1194] : memref<1280x4096xf32, #tpu.memory_space<hbm>> -> memref<1x4096xf32, #tpu.memory_space<hbm>>
      %dma_wait3A_1196 = tpu.memref_squeeze %dma_wait3A_1195 : memref<1x4096xf32, #tpu.memory_space<hbm>> -> memref<4096xf32, #tpu.memory_space<hbm>>
      tpu.wait_dma2 semaphore(%arg12 : memref<!tpu.dma_semaphore, #tpu.memory_space<semaphore_mem>>) src(%dma_wait3A_1196 : memref<4096xf32, #tpu.memory_space<hbm>>) dst(%arg7 : memref<4096xf32, #tpu.memory_space<vmem>>)
      %add3A_1197 = arith.constant 1 : i32
      %add3A_1198 = arith.addi %add3A_80, %add3A_1197 : i32
      %add3A_1199 = arith.constant 2816 : i32
      %add3A_1200 = arith.addi %add3A_1199, %add3A_1198 : i32
      %broadcast_in_dim3A_1201 = vector.broadcast %add3A_1200 : i32 to vector<16xi32>
      %gather3A_1202 = tpu.vector_load_idx %arg5[%broadcast_in_dim3A_1201] : memref<4096xi32, #tpu.memory_space<vmem>>[vector<16xi32>], vector<16xi32>,
      %scan3A_1203 = arith.constant 0 : i32
      %scan3A_1204 = arith.constant 0 : i32
      %scan3A_1205 = arith.constant 64 : i32
      %scan3A_1206 = arith.addi %scan3A_1204, %scan3A_1205 : i32
      %scan3A_1207 = arith.constant 1 : i32
      %scan3A_1208 = scf.for %scan3A_2328 = %scan3A_1204 to %scan3A_1206 step %scan3A_1207 iter_args(%scan3A_2329 = %scan3A_1203) -> (i32)  : i32 {
        %mul3A_2330 = arith.constant 64 : i32
        %mul3A_2331 = arith.muli %scan3A_2328, %mul3A_2330 : i32
        %multiple_of3A_2332 = tpu.assume_multiple %mul3A_2331, 8 : i32
        %add3A_2333 = arith.constant 0 : i32
        %add3A_2334 = arith.addi %multiple_of3A_2332, %add3A_2333 : i32
        %get3A_2335 = arith.index_cast %add3A_2334 : i32 to index
        %get3A_2336 = tpu.vector_load %arg7[%get3A_2335] {strides = array<i32>} : memref<4096xf32, #tpu.memory_space<vmem>>, vector<16xf32>,
        %get3A_2337 = arith.index_cast %add3A_2334 : i32 to index
        %get3A_2338 = tpu.vector_load %arg5[%get3A_2337] {strides = array<i32>} : memref<4096xi32, #tpu.memory_space<vmem>>, vector<16xi32>,
        %eq3A_2339 = arith.cmpi eq, %get3A_2338, %gather3A_1202 : vector<16xi32>
        %add3A_2340 = arith.constant 1.002000e+00 : f32
        %add3A_2341 = vector.broadcast %add3A_2340 : f32 to vector<16xf32>
        %add3A_2342 = arith.addf %get3A_2336, %add3A_2341 : vector<16xf32>
        %mul3A_2343 = arith.constant 63.8722572 : f32
        %mul3A_2344 = vector.broadcast %mul3A_2343 : f32 to vector<16xf32>
        %mul3A_2345 = arith.mulf %add3A_2342, %mul3A_2344 : vector<16xf32>
        %jit3A_2346 = arith.constant 0.000000e+00 : f32
        %jit3A_2347 = arith.constant 1.270000e+02 : f32
        %max3A_2348 = vector.broadcast %jit3A_2346 : f32 to vector<16xf32>
        %max3A_2349 = arith.maximumf %max3A_2348, %mul3A_2345 : vector<16xf32>
        %min3A_2350 = vector.broadcast %jit3A_2347 : f32 to vector<16xf32>
        %min3A_2351 = arith.minimumf %min3A_2350, %max3A_2349 : vector<16xf32>
        %convert_element_type3A_2352 = arith.fptosi %min3A_2351 : vector<16xf32> to vector<16xi32>
        %add3A_2353 = arith.constant 128 : i32
        %add3A_2354 = vector.broadcast %add3A_2353 : i32 to vector<16xi32>
        %add3A_2355 = arith.addi %convert_element_type3A_2352, %add3A_2354 : vector<16xi32>
        %select_n3A_2356 = arith.select %eq3A_2339, %convert_element_type3A_2352, %add3A_2355 : vector<16xi1>, vector<16xi32>
        %mul3A_2357 = arith.constant 16 : i32
        %mul3A_2358 = vector.broadcast %mul3A_2357 : i32 to vector<16xi32>
        %mul3A_2359 = arith.muli %select_n3A_2356, %mul3A_2358 : vector<16xi32>
        %add3A_2360 = arith.addi %mul3A_2359, %iota3A : vector<16xi32>
        tpu.vector_store_idx %arg8[%add3A_2360], %broadcast_in_dim3A_5 {add = true} : memref<4096xf32, #tpu.memory_space<vmem>>[vector<16xi32>], vector<16xf32>,
        %shift_right_arithmetic3A_2361 = arith.constant 4 : i32
        %shift_right_arithmetic3A_2362 = vector.broadcast %shift_right_arithmetic3A_2361 : i32 to vector<16xi32>
        %shift_right_arithmetic3A_2363 = arith.shrsi %select_n3A_2356, %shift_right_arithmetic3A_2362 : vector<16xi32>
        %mul3A_2364 = arith.constant 16 : i32
        %mul3A_2365 = vector.broadcast %mul3A_2364 : i32 to vector<16xi32>
        %mul3A_2366 = arith.muli %shift_right_arithmetic3A_2363, %mul3A_2365 : vector<16xi32>
        %add3A_2367 = arith.addi %mul3A_2366, %iota3A : vector<16xi32>
        tpu.vector_store_idx %arg9[%add3A_2367], %broadcast_in_dim3A_5 {add = true} : memref<256xf32, #tpu.memory_space<vmem>>[vector<16xi32>], vector<16xf32>,
        %add3A_2368 = arith.constant 16 : i32
        %add3A_2369 = arith.addi %multiple_of3A_2332, %add3A_2368 : i32
        %get3A_2370 = arith.index_cast %add3A_2369 : i32 to index
        %get3A_2371 = tpu.vector_load %arg7[%get3A_2370] {strides = array<i32>} : memref<4096xf32, #tpu.memory_space<vmem>>, vector<16xf32>,
        %get3A_2372 = arith.index_cast %add3A_2369 : i32 to index
        %get3A_2373 = tpu.vector_load %arg5[%get3A_2372] {strides = array<i32>} : memref<4096xi32, #tpu.memory_space<vmem>>, vector<16xi32>,
        %eq3A_2374 = arith.cmpi eq, %get3A_2373, %gather3A_1202 : vector<16xi32>
        %add3A_2375 = arith.constant 1.002000e+00 : f32
        %add3A_2376 = vector.broadcast %add3A_2375 : f32 to vector<16xf32>
        %add3A_2377 = arith.addf %get3A_2371, %add3A_2376 : vector<16xf32>
        %mul3A_2378 = arith.constant 63.8722572 : f32
        %mul3A_2379 = vector.broadcast %mul3A_2378 : f32 to vector<16xf32>
        %mul3A_2380 = arith.mulf %add3A_2377, %mul3A_2379 : vector<16xf32>
        %jit3A_2381 = arith.constant 0.000000e+00 : f32
        %jit3A_2382 = arith.constant 1.270000e+02 : f32
        %max3A_2383 = vector.broadcast %jit3A_2381 : f32 to vector<16xf32>
        %max3A_2384 = arith.maximumf %max3A_2383, %mul3A_2380 : vector<16xf32>
        %min3A_2385 = vector.broadcast %jit3A_2382 : f32 to vector<16xf32>
        %min3A_2386 = arith.minimumf %min3A_2385, %max3A_2384 : vector<16xf32>
        %convert_element_type3A_2387 = arith.fptosi %min3A_2386 : vector<16xf32> to vector<16xi32>
        %add3A_2388 = arith.constant 128 : i32
        %add3A_2389 = vector.broadcast %add3A_2388 : i32 to vector<16xi32>
        %add3A_2390 = arith.addi %convert_element_type3A_2387, %add3A_2389 : vector<16xi32>
        %select_n3A_2391 = arith.select %eq3A_2374, %convert_element_type3A_2387, %add3A_2390 : vector<16xi1>, vector<16xi32>
        %mul3A_2392 = arith.constant 16 : i32
        %mul3A_2393 = vector.broadcast %mul3A_2392 : i32 to vector<16xi32>
        %mul3A_2394 = arith.muli %select_n3A_2391, %mul3A_2393 : vector<16xi32>
        %add3A_2395 = arith.addi %mul3A_2394, %iota3A : vector<16xi32>
        tpu.vector_store_idx %arg8[%add3A_2395], %broadcast_in_dim3A_5 {add = true} : memref<4096xf32, #tpu.memory_space<vmem>>[vector<16xi32>], vector<16xf32>,
        %shift_right_arithmetic3A_2396 = arith.constant 4 : i32
        %shift_right_arithmetic3A_2397 = vector.broadcast %shift_right_arithmetic3A_2396 : i32 to vector<16xi32>
        %shift_right_arithmetic3A_2398 = arith.shrsi %select_n3A_2391, %shift_right_arithmetic3A_2397 : vector<16xi32>
        %mul3A_2399 = arith.constant 16 : i32
        %mul3A_2400 = vector.broadcast %mul3A_2399 : i32 to vector<16xi32>
        %mul3A_2401 = arith.muli %shift_right_arithmetic3A_2398, %mul3A_2400 : vector<16xi32>
        %add3A_2402 = arith.addi %mul3A_2401, %iota3A : vector<16xi32>
        tpu.vector_store_idx %arg9[%add3A_2402], %broadcast_in_dim3A_5 {add = true} : memref<256xf32, #tpu.memory_space<vmem>>[vector<16xi32>], vector<16xf32>,
        %add3A_2403 = arith.constant 32 : i32
        %add3A_2404 = arith.addi %multiple_of3A_2332, %add3A_2403 : i32
        %get3A_2405 = arith.index_cast %add3A_2404 : i32 to index
        %get3A_2406 = tpu.vector_load %arg7[%get3A_2405] {strides = array<i32>} : memref<4096xf32, #tpu.memory_space<vmem>>, vector<16xf32>,
        %get3A_2407 = arith.index_cast %add3A_2404 : i32 to index
        %get3A_2408 = tpu.vector_load %arg5[%get3A_2407] {strides = array<i32>} : memref<4096xi32, #tpu.memory_space<vmem>>, vector<16xi32>,
        %eq3A_2409 = arith.cmpi eq, %get3A_2408, %gather3A_1202 : vector<16xi32>
        %add3A_2410 = arith.constant 1.002000e+00 : f32
        %add3A_2411 = vector.broadcast %add3A_2410 : f32 to vector<16xf32>
        %add3A_2412 = arith.addf %get3A_2406, %add3A_2411 : vector<16xf32>
        %mul3A_2413 = arith.constant 63.8722572 : f32
        %mul3A_2414 = vector.broadcast %mul3A_2413 : f32 to vector<16xf32>
        %mul3A_2415 = arith.mulf %add3A_2412, %mul3A_2414 : vector<16xf32>
        %jit3A_2416 = arith.constant 0.000000e+00 : f32
        %jit3A_2417 = arith.constant 1.270000e+02 : f32
        %max3A_2418 = vector.broadcast %jit3A_2416 : f32 to vector<16xf32>
        %max3A_2419 = arith.maximumf %max3A_2418, %mul3A_2415 : vector<16xf32>
        %min3A_2420 = vector.broadcast %jit3A_2417 : f32 to vector<16xf32>
        %min3A_2421 = arith.minimumf %min3A_2420, %max3A_2419 : vector<16xf32>
        %convert_element_type3A_2422 = arith.fptosi %min3A_2421 : vector<16xf32> to vector<16xi32>
        %add3A_2423 = arith.constant 128 : i32
        %add3A_2424 = vector.broadcast %add3A_2423 : i32 to vector<16xi32>
        %add3A_2425 = arith.addi %convert_element_type3A_2422, %add3A_2424 : vector<16xi32>
        %select_n3A_2426 = arith.select %eq3A_2409, %convert_element_type3A_2422, %add3A_2425 : vector<16xi1>, vector<16xi32>
        %mul3A_2427 = arith.constant 16 : i32
        %mul3A_2428 = vector.broadcast %mul3A_2427 : i32 to vector<16xi32>
        %mul3A_2429 = arith.muli %select_n3A_2426, %mul3A_2428 : vector<16xi32>
        %add3A_2430 = arith.addi %mul3A_2429, %iota3A : vector<16xi32>
        tpu.vector_store_idx %arg8[%add3A_2430], %broadcast_in_dim3A_5 {add = true} : memref<4096xf32, #tpu.memory_space<vmem>>[vector<16xi32>], vector<16xf32>,
        %shift_right_arithmetic3A_2431 = arith.constant 4 : i32
        %shift_right_arithmetic3A_2432 = vector.broadcast %shift_right_arithmetic3A_2431 : i32 to vector<16xi32>
        %shift_right_arithmetic3A_2433 = arith.shrsi %select_n3A_2426, %shift_right_arithmetic3A_2432 : vector<16xi32>
        %mul3A_2434 = arith.constant 16 : i32
        %mul3A_2435 = vector.broadcast %mul3A_2434 : i32 to vector<16xi32>
        %mul3A_2436 = arith.muli %shift_right_arithmetic3A_2433, %mul3A_2435 : vector<16xi32>
        %add3A_2437 = arith.addi %mul3A_2436, %iota3A : vector<16xi32>
        tpu.vector_store_idx %arg9[%add3A_2437], %broadcast_in_dim3A_5 {add = true} : memref<256xf32, #tpu.memory_space<vmem>>[vector<16xi32>], vector<16xf32>,
        %add3A_2438 = arith.constant 48 : i32
        %add3A_2439 = arith.addi %multiple_of3A_2332, %add3A_2438 : i32
        %get3A_2440 = arith.index_cast %add3A_2439 : i32 to index
        %get3A_2441 = tpu.vector_load %arg7[%get3A_2440] {strides = array<i32>} : memref<4096xf32, #tpu.memory_space<vmem>>, vector<16xf32>,
        %get3A_2442 = arith.index_cast %add3A_2439 : i32 to index
        %get3A_2443 = tpu.vector_load %arg5[%get3A_2442] {strides = array<i32>} : memref<4096xi32, #tpu.memory_space<vmem>>, vector<16xi32>,
        %eq3A_2444 = arith.cmpi eq, %get3A_2443, %gather3A_1202 : vector<16xi32>
        %add3A_2445 = arith.constant 1.002000e+00 : f32
        %add3A_2446 = vector.broadcast %add3A_2445 : f32 to vector<16xf32>
        %add3A_2447 = arith.addf %get3A_2441, %add3A_2446 : vector<16xf32>
        %mul3A_2448 = arith.constant 63.8722572 : f32
        %mul3A_2449 = vector.broadcast %mul3A_2448 : f32 to vector<16xf32>
        %mul3A_2450 = arith.mulf %add3A_2447, %mul3A_2449 : vector<16xf32>
        %jit3A_2451 = arith.constant 0.000000e+00 : f32
        %jit3A_2452 = arith.constant 1.270000e+02 : f32
        %max3A_2453 = vector.broadcast %jit3A_2451 : f32 to vector<16xf32>
        %max3A_2454 = arith.maximumf %max3A_2453, %mul3A_2450 : vector<16xf32>
        %min3A_2455 = vector.broadcast %jit3A_2452 : f32 to vector<16xf32>
        %min3A_2456 = arith.minimumf %min3A_2455, %max3A_2454 : vector<16xf32>
        %convert_element_type3A_2457 = arith.fptosi %min3A_2456 : vector<16xf32> to vector<16xi32>
        %add3A_2458 = arith.constant 128 : i32
        %add3A_2459 = vector.broadcast %add3A_2458 : i32 to vector<16xi32>
        %add3A_2460 = arith.addi %convert_element_type3A_2457, %add3A_2459 : vector<16xi32>
        %select_n3A_2461 = arith.select %eq3A_2444, %convert_element_type3A_2457, %add3A_2460 : vector<16xi1>, vector<16xi32>
        %mul3A_2462 = arith.constant 16 : i32
        %mul3A_2463 = vector.broadcast %mul3A_2462 : i32 to vector<16xi32>
        %mul3A_2464 = arith.muli %select_n3A_2461, %mul3A_2463 : vector<16xi32>
        %add3A_2465 = arith.addi %mul3A_2464, %iota3A : vector<16xi32>
        tpu.vector_store_idx %arg8[%add3A_2465], %broadcast_in_dim3A_5 {add = true} : memref<4096xf32, #tpu.memory_space<vmem>>[vector<16xi32>], vector<16xf32>,
        %shift_right_arithmetic3A_2466 = arith.constant 4 : i32
        %shift_right_arithmetic3A_2467 = vector.broadcast %shift_right_arithmetic3A_2466 : i32 to vector<16xi32>
        %shift_right_arithmetic3A_2468 = arith.shrsi %select_n3A_2461, %shift_right_arithmetic3A_2467 : vector<16xi32>
        %mul3A_2469 = arith.constant 16 : i32
        %mul3A_2470 = vector.broadcast %mul3A_2469 : i32 to vector<16xi32>
        %mul3A_2471 = arith.muli %shift_right_arithmetic3A_2468, %mul3A_2470 : vector<16xi32>
        %add3A_2472 = arith.addi %mul3A_2471, %iota3A : vector<16xi32>
        tpu.vector_store_idx %arg9[%add3A_2472], %broadcast_in_dim3A_5 {add = true} : memref<256xf32, #tpu.memory_space<vmem>>[vector<16xi32>], vector<16xf32>,
        %scan3A_2473 = arith.constant 0 : i32
        scf.yield %scan3A_2473 : i32
      }
      %scan3A_1209 = arith.constant 64 : i32
      %get3A_1210 = arith.constant 0 : index
      %get3A_1211 = tpu.vector_load %arg9[%get3A_1210] {strides = array<i32>} : memref<256xf32, #tpu.memory_space<vmem>>, vector<16xf32>,
      %reduce_sum3A_1212 = arith.constant true
      %reduce_sum3A_1213 = vector.broadcast %reduce_sum3A_1212 : i1 to vector<16xi1>
      %reduce_sum3A_1214 = tpu.scan <sum>, %get3A_1211 masked %reduce_sum3A_1213 : vector<16xf32>, vector<16xi1> -> vector<16xf32>
      %reduce_sum3A_1215 = vector.extract %reduce_sum3A_1214[15] : f32 from vector<16xf32>
      %eq3A_1216 = arith.constant 0 : i32
      %eq3A_1217 = vector.broadcast %eq3A_1216 : i32 to vector<16xi32>
      %eq3A_1218 = arith.cmpi eq, %iota3A, %eq3A_1217 : vector<16xi32>
      %broadcast_in_dim3A_1219 = vector.broadcast %reduce_sum3A_1215 : f32 to vector<16xf32>
      %select_n3A_1220 = arith.select %eq3A_1218, %broadcast_in_dim3A_1219, %broadcast_in_dim3A_3 : vector<16xi1>, vector<16xf32>
      %get3A_1221 = arith.constant 16 : index
      %get3A_1222 = tpu.vector_load %arg9[%get3A_1221] {strides = array<i32>} : memref<256xf32, #tpu.memory_space<vmem>>, vector<16xf32>,
      %reduce_sum3A_1223 = arith.constant true
      %reduce_sum3A_1224 = vector.broadcast %reduce_sum3A_1223 : i1 to vector<16xi1>
      %reduce_sum3A_1225 = tpu.scan <sum>, %get3A_1222 masked %reduce_sum3A_1224 : vector<16xf32>, vector<16xi1> -> vector<16xf32>
      %reduce_sum3A_1226 = vector.extract %reduce_sum3A_1225[15] : f32 from vector<16xf32>
      %eq3A_1227 = arith.constant 1 : i32
      %eq3A_1228 = vector.broadcast %eq3A_1227 : i32 to vector<16xi32>
      %eq3A_1229 = arith.cmpi eq, %iota3A, %eq3A_1228 : vector<16xi32>
      %broadcast_in_dim3A_1230 = vector.broadcast %reduce_sum3A_1226 : f32 to vector<16xf32>
      %select_n3A_1231 = arith.select %eq3A_1229, %broadcast_in_dim3A_1230, %select_n3A_1220 : vector<16xi1>, vector<16xf32>
      %get3A_1232 = arith.constant 32 : index
      %get3A_1233 = tpu.vector_load %arg9[%get3A_1232] {strides = array<i32>} : memref<256xf32, #tpu.memory_space<vmem>>, vector<16xf32>,
      %reduce_sum3A_1234 = arith.constant true
      %reduce_sum3A_1235 = vector.broadcast %reduce_sum3A_1234 : i1 to vector<16xi1>
      %reduce_sum3A_1236 = tpu.scan <sum>, %get3A_1233 masked %reduce_sum3A_1235 : vector<16xf32>, vector<16xi1> -> vector<16xf32>
      %reduce_sum3A_1237 = vector.extract %reduce_sum3A_1236[15] : f32 from vector<16xf32>
      %eq3A_1238 = arith.constant 2 : i32
      %eq3A_1239 = vector.broadcast %eq3A_1238 : i32 to vector<16xi32>
      %eq3A_1240 = arith.cmpi eq, %iota3A, %eq3A_1239 : vector<16xi32>
      %broadcast_in_dim3A_1241 = vector.broadcast %reduce_sum3A_1237 : f32 to vector<16xf32>
      %select_n3A_1242 = arith.select %eq3A_1240, %broadcast_in_dim3A_1241, %select_n3A_1231 : vector<16xi1>, vector<16xf32>
      %get3A_1243 = arith.constant 48 : index
      %get3A_1244 = tpu.vector_load %arg9[%get3A_1243] {strides = array<i32>} : memref<256xf32, #tpu.memory_space<vmem>>, vector<16xf32>,
      %reduce_sum3A_1245 = arith.constant true
      %reduce_sum3A_1246 = vector.broadcast %reduce_sum3A_1245 : i1 to vector<16xi1>
      %reduce_sum3A_1247 = tpu.scan <sum>, %get3A_1244 masked %reduce_sum3A_1246 : vector<16xf32>, vector<16xi1> -> vector<16xf32>
      %reduce_sum3A_1248 = vector.extract %reduce_sum3A_1247[15] : f32 from vector<16xf32>
      %eq3A_1249 = arith.constant 3 : i32
      %eq3A_1250 = vector.broadcast %eq3A_1249 : i32 to vector<16xi32>
      %eq3A_1251 = arith.cmpi eq, %iota3A, %eq3A_1250 : vector<16xi32>
      %broadcast_in_dim3A_1252 = vector.broadcast %reduce_sum3A_1248 : f32 to vector<16xf32>
      %select_n3A_1253 = arith.select %eq3A_1251, %broadcast_in_dim3A_1252, %select_n3A_1242 : vector<16xi1>, vector<16xf32>
      %get3A_1254 = arith.constant 64 : index
      %get3A_1255 = tpu.vector_load %arg9[%get3A_1254] {strides = array<i32>} : memref<256xf32, #tpu.memory_space<vmem>>, vector<16xf32>,
      %reduce_sum3A_1256 = arith.constant true
      %reduce_sum3A_1257 = vector.broadcast %reduce_sum3A_1256 : i1 to vector<16xi1>
      %reduce_sum3A_1258 = tpu.scan <sum>, %get3A_1255 masked %reduce_sum3A_1257 : vector<16xf32>, vector<16xi1> -> vector<16xf32>
      %reduce_sum3A_1259 = vector.extract %reduce_sum3A_1258[15] : f32 from vector<16xf32>
      %eq3A_1260 = arith.constant 4 : i32
      %eq3A_1261 = vector.broadcast %eq3A_1260 : i32 to vector<16xi32>
      %eq3A_1262 = arith.cmpi eq, %iota3A, %eq3A_1261 : vector<16xi32>
      %broadcast_in_dim3A_1263 = vector.broadcast %reduce_sum3A_1259 : f32 to vector<16xf32>
      %select_n3A_1264 = arith.select %eq3A_1262, %broadcast_in_dim3A_1263, %select_n3A_1253 : vector<16xi1>, vector<16xf32>
      %get3A_1265 = arith.constant 80 : index
      %get3A_1266 = tpu.vector_load %arg9[%get3A_1265] {strides = array<i32>} : memref<256xf32, #tpu.memory_space<vmem>>, vector<16xf32>,
      %reduce_sum3A_1267 = arith.constant true
      %reduce_sum3A_1268 = vector.broadcast %reduce_sum3A_1267 : i1 to vector<16xi1>
      %reduce_sum3A_1269 = tpu.scan <sum>, %get3A_1266 masked %reduce_sum3A_1268 : vector<16xf32>, vector<16xi1> -> vector<16xf32>
      %reduce_sum3A_1270 = vector.extract %reduce_sum3A_1269[15] : f32 from vector<16xf32>
      %eq3A_1271 = arith.constant 5 : i32
      %eq3A_1272 = vector.broadcast %eq3A_1271 : i32 to vector<16xi32>
      %eq3A_1273 = arith.cmpi eq, %iota3A, %eq3A_1272 : vector<16xi32>
      %broadcast_in_dim3A_1274 = vector.broadcast %reduce_sum3A_1270 : f32 to vector<16xf32>
      %select_n3A_1275 = arith.select %eq3A_1273, %broadcast_in_dim3A_1274, %select_n3A_1264 : vector<16xi1>, vector<16xf32>
      %get3A_1276 = arith.constant 96 : index
      %get3A_1277 = tpu.vector_load %arg9[%get3A_1276] {strides = array<i32>} : memref<256xf32, #tpu.memory_space<vmem>>, vector<16xf32>,
      %reduce_sum3A_1278 = arith.constant true
      %reduce_sum3A_1279 = vector.broadcast %reduce_sum3A_1278 : i1 to vector<16xi1>
      %reduce_sum3A_1280 = tpu.scan <sum>, %get3A_1277 masked %reduce_sum3A_1279 : vector<16xf32>, vector<16xi1> -> vector<16xf32>
      %reduce_sum3A_1281 = vector.extract %reduce_sum3A_1280[15] : f32 from vector<16xf32>
      %eq3A_1282 = arith.constant 6 : i32
      %eq3A_1283 = vector.broadcast %eq3A_1282 : i32 to vector<16xi32>
      %eq3A_1284 = arith.cmpi eq, %iota3A, %eq3A_1283 : vector<16xi32>
      %broadcast_in_dim3A_1285 = vector.broadcast %reduce_sum3A_1281 : f32 to vector<16xf32>
      %select_n3A_1286 = arith.select %eq3A_1284, %broadcast_in_dim3A_1285, %select_n3A_1275 : vector<16xi1>, vector<16xf32>
      %get3A_1287 = arith.constant 112 : index
      %get3A_1288 = tpu.vector_load %arg9[%get3A_1287] {strides = array<i32>} : memref<256xf32, #tpu.memory_space<vmem>>, vector<16xf32>,
      %reduce_sum3A_1289 = arith.constant true
      %reduce_sum3A_1290 = vector.broadcast %reduce_sum3A_1289 : i1 to vector<16xi1>
      %reduce_sum3A_1291 = tpu.scan <sum>, %get3A_1288 masked %reduce_sum3A_1290 : vector<16xf32>, vector<16xi1> -> vector<16xf32>
      %reduce_sum3A_1292 = vector.extract %reduce_sum3A_1291[15] : f32 from vector<16xf32>
      %eq3A_1293 = arith.constant 7 : i32
      %eq3A_1294 = vector.broadcast %eq3A_1293 : i32 to vector<16xi32>
      %eq3A_1295 = arith.cmpi eq, %iota3A, %eq3A_1294 : vector<16xi32>
      %broadcast_in_dim3A_1296 = vector.broadcast %reduce_sum3A_1292 : f32 to vector<16xf32>
      %select_n3A_1297 = arith.select %eq3A_1295, %broadcast_in_dim3A_1296, %select_n3A_1286 : vector<16xi1>, vector<16xf32>
      %get3A_1298 = arith.constant 128 : index
      %get3A_1299 = tpu.vector_load %arg9[%get3A_1298] {strides = array<i32>} : memref<256xf32, #tpu.memory_space<vmem>>, vector<16xf32>,
      %reduce_sum3A_1300 = arith.constant true
      %reduce_sum3A_1301 = vector.broadcast %reduce_sum3A_1300 : i1 to vector<16xi1>
      %reduce_sum3A_1302 = tpu.scan <sum>, %get3A_1299 masked %reduce_sum3A_1301 : vector<16xf32>, vector<16xi1> -> vector<16xf32>
      %reduce_sum3A_1303 = vector.extract %reduce_sum3A_1302[15] : f32 from vector<16xf32>
      %eq3A_1304 = arith.constant 8 : i32
      %eq3A_1305 = vector.broadcast %eq3A_1304 : i32 to vector<16xi32>
      %eq3A_1306 = arith.cmpi eq, %iota3A, %eq3A_1305 : vector<16xi32>
      %broadcast_in_dim3A_1307 = vector.broadcast %reduce_sum3A_1303 : f32 to vector<16xf32>
      %select_n3A_1308 = arith.select %eq3A_1306, %broadcast_in_dim3A_1307, %select_n3A_1297 : vector<16xi1>, vector<16xf32>
      %get3A_1309 = arith.constant 144 : index
      %get3A_1310 = tpu.vector_load %arg9[%get3A_1309] {strides = array<i32>} : memref<256xf32, #tpu.memory_space<vmem>>, vector<16xf32>,
      %reduce_sum3A_1311 = arith.constant true
      %reduce_sum3A_1312 = vector.broadcast %reduce_sum3A_1311 : i1 to vector<16xi1>
      %reduce_sum3A_1313 = tpu.scan <sum>, %get3A_1310 masked %reduce_sum3A_1312 : vector<16xf32>, vector<16xi1> -> vector<16xf32>
      %reduce_sum3A_1314 = vector.extract %reduce_sum3A_1313[15] : f32 from vector<16xf32>
      %eq3A_1315 = arith.constant 9 : i32
      %eq3A_1316 = vector.broadcast %eq3A_1315 : i32 to vector<16xi32>
      %eq3A_1317 = arith.cmpi eq, %iota3A, %eq3A_1316 : vector<16xi32>
      %broadcast_in_dim3A_1318 = vector.broadcast %reduce_sum3A_1314 : f32 to vector<16xf32>
      %select_n3A_1319 = arith.select %eq3A_1317, %broadcast_in_dim3A_1318, %select_n3A_1308 : vector<16xi1>, vector<16xf32>
      %get3A_1320 = arith.constant 160 : index
      %get3A_1321 = tpu.vector_load %arg9[%get3A_1320] {strides = array<i32>} : memref<256xf32, #tpu.memory_space<vmem>>, vector<16xf32>,
      %reduce_sum3A_1322 = arith.constant true
      %reduce_sum3A_1323 = vector.broadcast %reduce_sum3A_1322 : i1 to vector<16xi1>
      %reduce_sum3A_1324 = tpu.scan <sum>, %get3A_1321 masked %reduce_sum3A_1323 : vector<16xf32>, vector<16xi1> -> vector<16xf32>
      %reduce_sum3A_1325 = vector.extract %reduce_sum3A_1324[15] : f32 from vector<16xf32>
      %eq3A_1326 = arith.constant 10 : i32
      %eq3A_1327 = vector.broadcast %eq3A_1326 : i32 to vector<16xi32>
      %eq3A_1328 = arith.cmpi eq, %iota3A, %eq3A_1327 : vector<16xi32>
      %broadcast_in_dim3A_1329 = vector.broadcast %reduce_sum3A_1325 : f32 to vector<16xf32>
      %select_n3A_1330 = arith.select %eq3A_1328, %broadcast_in_dim3A_1329, %select_n3A_1319 : vector<16xi1>, vector<16xf32>
      %get3A_1331 = arith.constant 176 : index
      %get3A_1332 = tpu.vector_load %arg9[%get3A_1331] {strides = array<i32>} : memref<256xf32, #tpu.memory_space<vmem>>, vector<16xf32>,
      %reduce_sum3A_1333 = arith.constant true
      %reduce_sum3A_1334 = vector.broadcast %reduce_sum3A_1333 : i1 to vector<16xi1>
      %reduce_sum3A_1335 = tpu.scan <sum>, %get3A_1332 masked %reduce_sum3A_1334 : vector<16xf32>, vector<16xi1> -> vector<16xf32>
      %reduce_sum3A_1336 = vector.extract %reduce_sum3A_1335[15] : f32 from vector<16xf32>
      %eq3A_1337 = arith.constant 11 : i32
      %eq3A_1338 = vector.broadcast %eq3A_1337 : i32 to vector<16xi32>
      %eq3A_1339 = arith.cmpi eq, %iota3A, %eq3A_1338 : vector<16xi32>
      %broadcast_in_dim3A_1340 = vector.broadcast %reduce_sum3A_1336 : f32 to vector<16xf32>
      %select_n3A_1341 = arith.select %eq3A_1339, %broadcast_in_dim3A_1340, %select_n3A_1330 : vector<16xi1>, vector<16xf32>
      %get3A_1342 = arith.constant 192 : index
      %get3A_1343 = tpu.vector_load %arg9[%get3A_1342] {strides = array<i32>} : memref<256xf32, #tpu.memory_space<vmem>>, vector<16xf32>,
      %reduce_sum3A_1344 = arith.constant true
      %reduce_sum3A_1345 = vector.broadcast %reduce_sum3A_1344 : i1 to vector<16xi1>
      %reduce_sum3A_1346 = tpu.scan <sum>, %get3A_1343 masked %reduce_sum3A_1345 : vector<16xf32>, vector<16xi1> -> vector<16xf32>
      %reduce_sum3A_1347 = vector.extract %reduce_sum3A_1346[15] : f32 from vector<16xf32>
      %eq3A_1348 = arith.constant 12 : i32
      %eq3A_1349 = vector.broadcast %eq3A_1348 : i32 to vector<16xi32>
      %eq3A_1350 = arith.cmpi eq, %iota3A, %eq3A_1349 : vector<16xi32>
      %broadcast_in_dim3A_1351 = vector.broadcast %reduce_sum3A_1347 : f32 to vector<16xf32>
      %select_n3A_1352 = arith.select %eq3A_1350, %broadcast_in_dim3A_1351, %select_n3A_1341 : vector<16xi1>, vector<16xf32>
      %get3A_1353 = arith.constant 208 : index
      %get3A_1354 = tpu.vector_load %arg9[%get3A_1353] {strides = array<i32>} : memref<256xf32, #tpu.memory_space<vmem>>, vector<16xf32>,
      %reduce_sum3A_1355 = arith.constant true
      %reduce_sum3A_1356 = vector.broadcast %reduce_sum3A_1355 : i1 to vector<16xi1>
      %reduce_sum3A_1357 = tpu.scan <sum>, %get3A_1354 masked %reduce_sum3A_1356 : vector<16xf32>, vector<16xi1> -> vector<16xf32>
      %reduce_sum3A_1358 = vector.extract %reduce_sum3A_1357[15] : f32 from vector<16xf32>
      %eq3A_1359 = arith.constant 13 : i32
      %eq3A_1360 = vector.broadcast %eq3A_1359 : i32 to vector<16xi32>
      %eq3A_1361 = arith.cmpi eq, %iota3A, %eq3A_1360 : vector<16xi32>
      %broadcast_in_dim3A_1362 = vector.broadcast %reduce_sum3A_1358 : f32 to vector<16xf32>
      %select_n3A_1363 = arith.select %eq3A_1361, %broadcast_in_dim3A_1362, %select_n3A_1352 : vector<16xi1>, vector<16xf32>
      %get3A_1364 = arith.constant 224 : index
      %get3A_1365 = tpu.vector_load %arg9[%get3A_1364] {strides = array<i32>} : memref<256xf32, #tpu.memory_space<vmem>>, vector<16xf32>,
      %reduce_sum3A_1366 = arith.constant true
      %reduce_sum3A_1367 = vector.broadcast %reduce_sum3A_1366 : i1 to vector<16xi1>
      %reduce_sum3A_1368 = tpu.scan <sum>, %get3A_1365 masked %reduce_sum3A_1367 : vector<16xf32>, vector<16xi1> -> vector<16xf32>
      %reduce_sum3A_1369 = vector.extract %reduce_sum3A_1368[15] : f32 from vector<16xf32>
      %eq3A_1370 = arith.constant 14 : i32
      %eq3A_1371 = vector.broadcast %eq3A_1370 : i32 to vector<16xi32>
      %eq3A_1372 = arith.cmpi eq, %iota3A, %eq3A_1371 : vector<16xi32>
      %broadcast_in_dim3A_1373 = vector.broadcast %reduce_sum3A_1369 : f32 to vector<16xf32>
      %select_n3A_1374 = arith.select %eq3A_1372, %broadcast_in_dim3A_1373, %select_n3A_1363 : vector<16xi1>, vector<16xf32>
      %get3A_1375 = arith.constant 240 : index
      %get3A_1376 = tpu.vector_load %arg9[%get3A_1375] {strides = array<i32>} : memref<256xf32, #tpu.memory_space<vmem>>, vector<16xf32>,
      %reduce_sum3A_1377 = arith.constant true
      %reduce_sum3A_1378 = vector.broadcast %reduce_sum3A_1377 : i1 to vector<16xi1>
      %reduce_sum3A_1379 = tpu.scan <sum>, %get3A_1376 masked %reduce_sum3A_1378 : vector<16xf32>, vector<16xi1> -> vector<16xf32>
      %reduce_sum3A_1380 = vector.extract %reduce_sum3A_1379[15] : f32 from vector<16xf32>
      %eq3A_1381 = arith.constant 15 : i32
      %eq3A_1382 = vector.broadcast %eq3A_1381 : i32 to vector<16xi32>
      %eq3A_1383 = arith.cmpi eq, %iota3A, %eq3A_1382 : vector<16xi32>
      %broadcast_in_dim3A_1384 = vector.broadcast %reduce_sum3A_1380 : f32 to vector<16xf32>
      %select_n3A_1385 = arith.select %eq3A_1383, %broadcast_in_dim3A_1384, %select_n3A_1374 : vector<16xi1>, vector<16xf32>
      %lt3A_1386 = arith.constant 8 : i32
      %lt3A_1387 = vector.broadcast %lt3A_1386 : i32 to vector<16xi32>
      %lt3A_1388 = arith.cmpi slt, %iota3A, %lt3A_1387 : vector<16xi32>
      %jit3A_1389 = arith.constant 0.000000e+00 : f32
      %broadcast_in_dim3A_1390 = vector.broadcast %jit3A_1389 : f32 to vector<16xf32>
      %select_n3A_1391 = arith.select %lt3A_1388, %select_n3A_1385, %broadcast_in_dim3A_1390 : vector<16xi1>, vector<16xf32>
      %reduce_sum3A_1392 = arith.constant true
      %reduce_sum3A_1393 = vector.broadcast %reduce_sum3A_1392 : i1 to vector<16xi1>
      %reduce_sum3A_1394 = tpu.scan <sum>, %select_n3A_1391 masked %reduce_sum3A_1393 : vector<16xf32>, vector<16xi1> -> vector<16xf32>
      %reduce_sum3A_1395 = vector.extract %reduce_sum3A_1394[15] : f32 from vector<16xf32>
      %ge3A_1396 = arith.constant 8 : i32
      %ge3A_1397 = vector.broadcast %ge3A_1396 : i32 to vector<16xi32>
      %ge3A_1398 = arith.cmpi sge, %iota3A, %ge3A_1397 : vector<16xi32>
      %jit3A_1399 = arith.constant 0.000000e+00 : f32
      %broadcast_in_dim3A_1400 = vector.broadcast %jit3A_1399 : f32 to vector<16xf32>
      %select_n3A_1401 = arith.select %ge3A_1398, %select_n3A_1385, %broadcast_in_dim3A_1400 : vector<16xi1>, vector<16xf32>
      %reduce_sum3A_1402 = arith.constant true
      %reduce_sum3A_1403 = vector.broadcast %reduce_sum3A_1402 : i1 to vector<16xi1>
      %reduce_sum3A_1404 = tpu.scan <sum>, %select_n3A_1401 masked %reduce_sum3A_1403 : vector<16xf32>, vector<16xi1> -> vector<16xf32>
      %reduce_sum3A_1405 = vector.extract %reduce_sum3A_1404[15] : f32 from vector<16xf32>
      %lt3A_1406 = arith.constant 8 : i32
      %lt3A_1407 = vector.broadcast %lt3A_1406 : i32 to vector<16xi32>
      %lt3A_1408 = arith.cmpi slt, %iota3A, %lt3A_1407 : vector<16xi32>
      %jit3A_1409 = arith.constant 0.000000e+00 : f32
      %broadcast_in_dim3A_1410 = vector.broadcast %jit3A_1409 : f32 to vector<16xf32>
      %select_n3A_1411 = arith.select %lt3A_1408, %select_n3A_1385, %broadcast_in_dim3A_1410 : vector<16xi1>, vector<16xf32>
      %broadcast_in_dim3A_1412 = arith.constant true
      %broadcast_in_dim3A_1413 = vector.broadcast %broadcast_in_dim3A_1412 : i1 to vector<16xi1>
      %masked_cumsum3A_1414 = tpu.scan <sum>, %select_n3A_1411 masked %broadcast_in_dim3A_1413 : vector<16xf32>, vector<16xi1> -> vector<16xf32>
      %ge3A_1415 = arith.constant 8.000000e+00 : f32
      %ge3A_1416 = vector.broadcast %ge3A_1415 : f32 to vector<16xf32>
      %ge3A_1417 = arith.cmpf oge, %masked_cumsum3A_1414, %ge3A_1416 : vector<16xf32>
      %jit3A_1418 = arith.constant 1 : i32
      %jit3A_1419 = arith.constant 0 : i32
      %broadcast_in_dim3A_1420 = vector.broadcast %jit3A_1418 : i32 to vector<16xi32>
      %broadcast_in_dim3A_1421 = vector.broadcast %jit3A_1419 : i32 to vector<16xi32>
      %select_n3A_1422 = arith.select %ge3A_1417, %broadcast_in_dim3A_1420, %broadcast_in_dim3A_1421 : vector<16xi1>, vector<16xi32>
      %reduce_sum3A_1423 = arith.constant true
      %reduce_sum3A_1424 = vector.broadcast %reduce_sum3A_1423 : i1 to vector<16xi1>
      %reduce_sum3A_1425 = tpu.scan <sum>, %select_n3A_1422 masked %reduce_sum3A_1424 : vector<16xi32>, vector<16xi1> -> vector<16xi32>
      %reduce_sum3A_1426 = vector.extract %reduce_sum3A_1425[15] : i32 from vector<16xi32>
      %gt3A_1427 = arith.constant 0 : i32
      %gt3A_1428 = arith.cmpi sgt, %reduce_sum3A_1426, %gt3A_1427 : i32
      %all_reduce_ffs3A_1429 = tpu.all_reduce %ge3A_1417 {dim = 0 : i64, kind = #tpu.reduction_kind<find_first_set>} : vector<16xi1> -> vector<16xi32>
      %iota3A_1430 = tpu.iota {dimensions = array<i32: 0>} : vector<16xi32>
      %eq3A_1431 = arith.constant 0 : i32
      %eq3A_1432 = vector.broadcast %eq3A_1431 : i32 to vector<16xi32>
      %eq3A_1433 = arith.cmpi eq, %iota3A_1430, %eq3A_1432 : vector<16xi32>
      %mul3A_1434 = arith.constant 0 : i32
      %mul3A_1435 = vector.broadcast %mul3A_1434 : i32 to vector<16xi32>
      %mul3A_1436 = arith.muli %iota3A_1430, %mul3A_1435 : vector<16xi32>
      %add3A_1437 = arith.addi %all_reduce_ffs3A_1429, %mul3A_1436 : vector<16xi32>
      %mul3A_1438 = arith.constant 0 : i32
      %mul3A_1439 = vector.broadcast %mul3A_1438 : i32 to vector<16xi32>
      %mul3A_1440 = arith.muli %mul3A_1439, %all_reduce_ffs3A_1429 : vector<16xi32>
      %select_n3A_1441 = arith.select %eq3A_1433, %add3A_1437, %mul3A_1440 : vector<16xi1>, vector<16xi32>
      %reduce_sum3A_1442 = arith.constant true
      %reduce_sum3A_1443 = vector.broadcast %reduce_sum3A_1442 : i1 to vector<16xi1>
      %reduce_sum3A_1444 = tpu.scan <sum>, %select_n3A_1441 masked %reduce_sum3A_1443 : vector<16xi32>, vector<16xi1> -> vector<16xi32>
      %reduce_sum3A_1445 = vector.extract %reduce_sum3A_1444[15] : i32 from vector<16xi32>
      %min3A_1446 = arith.constant 7 : i32
      %min3A_1447 = arith.minsi %reduce_sum3A_1445, %min3A_1446 : i32
      %select_n3A_1448 = arith.select %ge3A_1417, %broadcast_in_dim3A_3, %select_n3A_1411 : vector<16xi1>, vector<16xf32>
      %reduce_sum3A_1449 = arith.constant true
      %reduce_sum3A_1450 = vector.broadcast %reduce_sum3A_1449 : i1 to vector<16xi1>
      %reduce_sum3A_1451 = tpu.scan <sum>, %select_n3A_1448 masked %reduce_sum3A_1450 : vector<16xf32>, vector<16xi1> -> vector<16xf32>
      %reduce_sum3A_1452 = vector.extract %reduce_sum3A_1451[15] : f32 from vector<16xf32>
      %mul3A_1453 = arith.constant 256 : i32
      %mul3A_1454 = arith.muli %min3A_1447, %mul3A_1453 : i32
      %multiple_of3A_1455 = tpu.assume_multiple %mul3A_1454, 8 : i32
      %add3A_1456 = arith.constant 0 : i32
      %add3A_1457 = arith.addi %multiple_of3A_1455, %add3A_1456 : i32
      %get3A_1458 = arith.index_cast %add3A_1457 : i32 to index
      %get3A_1459 = tpu.vector_load %arg8[%get3A_1458] {strides = array<i32>} : memref<4096xf32, #tpu.memory_space<vmem>>, vector<16xf32>,
      %reduce_sum3A_1460 = arith.constant true
      %reduce_sum3A_1461 = vector.broadcast %reduce_sum3A_1460 : i1 to vector<16xi1>
      %reduce_sum3A_1462 = tpu.scan <sum>, %get3A_1459 masked %reduce_sum3A_1461 : vector<16xf32>, vector<16xi1> -> vector<16xf32>
      %reduce_sum3A_1463 = vector.extract %reduce_sum3A_1462[15] : f32 from vector<16xf32>
      %eq3A_1464 = arith.constant 0 : i32
      %eq3A_1465 = vector.broadcast %eq3A_1464 : i32 to vector<16xi32>
      %eq3A_1466 = arith.cmpi eq, %iota3A, %eq3A_1465 : vector<16xi32>
      %broadcast_in_dim3A_1467 = vector.broadcast %reduce_sum3A_1463 : f32 to vector<16xf32>
      %select_n3A_1468 = arith.select %eq3A_1466, %broadcast_in_dim3A_1467, %broadcast_in_dim3A_3 : vector<16xi1>, vector<16xf32>
      %mul3A_1469 = arith.constant 256 : i32
      %mul3A_1470 = arith.muli %min3A_1447, %mul3A_1469 : i32
      %multiple_of3A_1471 = tpu.assume_multiple %mul3A_1470, 8 : i32
      %add3A_1472 = arith.constant 16 : i32
      %add3A_1473 = arith.addi %multiple_of3A_1471, %add3A_1472 : i32
      %get3A_1474 = arith.index_cast %add3A_1473 : i32 to index
      %get3A_1475 = tpu.vector_load %arg8[%get3A_1474] {strides = array<i32>} : memref<4096xf32, #tpu.memory_space<vmem>>, vector<16xf32>,
      %reduce_sum3A_1476 = arith.constant true
      %reduce_sum3A_1477 = vector.broadcast %reduce_sum3A_1476 : i1 to vector<16xi1>
      %reduce_sum3A_1478 = tpu.scan <sum>, %get3A_1475 masked %reduce_sum3A_1477 : vector<16xf32>, vector<16xi1> -> vector<16xf32>
      %reduce_sum3A_1479 = vector.extract %reduce_sum3A_1478[15] : f32 from vector<16xf32>
      %eq3A_1480 = arith.constant 1 : i32
      %eq3A_1481 = vector.broadcast %eq3A_1480 : i32 to vector<16xi32>
      %eq3A_1482 = arith.cmpi eq, %iota3A, %eq3A_1481 : vector<16xi32>
      %broadcast_in_dim3A_1483 = vector.broadcast %reduce_sum3A_1479 : f32 to vector<16xf32>
      %select_n3A_1484 = arith.select %eq3A_1482, %broadcast_in_dim3A_1483, %select_n3A_1468 : vector<16xi1>, vector<16xf32>
      %mul3A_1485 = arith.constant 256 : i32
      %mul3A_1486 = arith.muli %min3A_1447, %mul3A_1485 : i32
      %multiple_of3A_1487 = tpu.assume_multiple %mul3A_1486, 8 : i32
      %add3A_1488 = arith.constant 32 : i32
      %add3A_1489 = arith.addi %multiple_of3A_1487, %add3A_1488 : i32
      %get3A_1490 = arith.index_cast %add3A_1489 : i32 to index
      %get3A_1491 = tpu.vector_load %arg8[%get3A_1490] {strides = array<i32>} : memref<4096xf32, #tpu.memory_space<vmem>>, vector<16xf32>,
      %reduce_sum3A_1492 = arith.constant true
      %reduce_sum3A_1493 = vector.broadcast %reduce_sum3A_1492 : i1 to vector<16xi1>
      %reduce_sum3A_1494 = tpu.scan <sum>, %get3A_1491 masked %reduce_sum3A_1493 : vector<16xf32>, vector<16xi1> -> vector<16xf32>
      %reduce_sum3A_1495 = vector.extract %reduce_sum3A_1494[15] : f32 from vector<16xf32>
      %eq3A_1496 = arith.constant 2 : i32
      %eq3A_1497 = vector.broadcast %eq3A_1496 : i32 to vector<16xi32>
      %eq3A_1498 = arith.cmpi eq, %iota3A, %eq3A_1497 : vector<16xi32>
      %broadcast_in_dim3A_1499 = vector.broadcast %reduce_sum3A_1495 : f32 to vector<16xf32>
      %select_n3A_1500 = arith.select %eq3A_1498, %broadcast_in_dim3A_1499, %select_n3A_1484 : vector<16xi1>, vector<16xf32>
      %mul3A_1501 = arith.constant 256 : i32
      %mul3A_1502 = arith.muli %min3A_1447, %mul3A_1501 : i32
      %multiple_of3A_1503 = tpu.assume_multiple %mul3A_1502, 8 : i32
      %add3A_1504 = arith.constant 48 : i32
      %add3A_1505 = arith.addi %multiple_of3A_1503, %add3A_1504 : i32
      %get3A_1506 = arith.index_cast %add3A_1505 : i32 to index
      %get3A_1507 = tpu.vector_load %arg8[%get3A_1506] {strides = array<i32>} : memref<4096xf32, #tpu.memory_space<vmem>>, vector<16xf32>,
      %reduce_sum3A_1508 = arith.constant true
      %reduce_sum3A_1509 = vector.broadcast %reduce_sum3A_1508 : i1 to vector<16xi1>
      %reduce_sum3A_1510 = tpu.scan <sum>, %get3A_1507 masked %reduce_sum3A_1509 : vector<16xf32>, vector<16xi1> -> vector<16xf32>
      %reduce_sum3A_1511 = vector.extract %reduce_sum3A_1510[15] : f32 from vector<16xf32>
      %eq3A_1512 = arith.constant 3 : i32
      %eq3A_1513 = vector.broadcast %eq3A_1512 : i32 to vector<16xi32>
      %eq3A_1514 = arith.cmpi eq, %iota3A, %eq3A_1513 : vector<16xi32>
      %broadcast_in_dim3A_1515 = vector.broadcast %reduce_sum3A_1511 : f32 to vector<16xf32>
      %select_n3A_1516 = arith.select %eq3A_1514, %broadcast_in_dim3A_1515, %select_n3A_1500 : vector<16xi1>, vector<16xf32>
      %mul3A_1517 = arith.constant 256 : i32
      %mul3A_1518 = arith.muli %min3A_1447, %mul3A_1517 : i32
      %multiple_of3A_1519 = tpu.assume_multiple %mul3A_1518, 8 : i32
      %add3A_1520 = arith.constant 64 : i32
      %add3A_1521 = arith.addi %multiple_of3A_1519, %add3A_1520 : i32
      %get3A_1522 = arith.index_cast %add3A_1521 : i32 to index
      %get3A_1523 = tpu.vector_load %arg8[%get3A_1522] {strides = array<i32>} : memref<4096xf32, #tpu.memory_space<vmem>>, vector<16xf32>,
      %reduce_sum3A_1524 = arith.constant true
      %reduce_sum3A_1525 = vector.broadcast %reduce_sum3A_1524 : i1 to vector<16xi1>
      %reduce_sum3A_1526 = tpu.scan <sum>, %get3A_1523 masked %reduce_sum3A_1525 : vector<16xf32>, vector<16xi1> -> vector<16xf32>
      %reduce_sum3A_1527 = vector.extract %reduce_sum3A_1526[15] : f32 from vector<16xf32>
      %eq3A_1528 = arith.constant 4 : i32
      %eq3A_1529 = vector.broadcast %eq3A_1528 : i32 to vector<16xi32>
      %eq3A_1530 = arith.cmpi eq, %iota3A, %eq3A_1529 : vector<16xi32>
      %broadcast_in_dim3A_1531 = vector.broadcast %reduce_sum3A_1527 : f32 to vector<16xf32>
      %select_n3A_1532 = arith.select %eq3A_1530, %broadcast_in_dim3A_1531, %select_n3A_1516 : vector<16xi1>, vector<16xf32>
      %mul3A_1533 = arith.constant 256 : i32
      %mul3A_1534 = arith.muli %min3A_1447, %mul3A_1533 : i32
      %multiple_of3A_1535 = tpu.assume_multiple %mul3A_1534, 8 : i32
      %add3A_1536 = arith.constant 80 : i32
      %add3A_1537 = arith.addi %multiple_of3A_1535, %add3A_1536 : i32
      %get3A_1538 = arith.index_cast %add3A_1537 : i32 to index
      %get3A_1539 = tpu.vector_load %arg8[%get3A_1538] {strides = array<i32>} : memref<4096xf32, #tpu.memory_space<vmem>>, vector<16xf32>,
      %reduce_sum3A_1540 = arith.constant true
      %reduce_sum3A_1541 = vector.broadcast %reduce_sum3A_1540 : i1 to vector<16xi1>
      %reduce_sum3A_1542 = tpu.scan <sum>, %get3A_1539 masked %reduce_sum3A_1541 : vector<16xf32>, vector<16xi1> -> vector<16xf32>
      %reduce_sum3A_1543 = vector.extract %reduce_sum3A_1542[15] : f32 from vector<16xf32>
      %eq3A_1544 = arith.constant 5 : i32
      %eq3A_1545 = vector.broadcast %eq3A_1544 : i32 to vector<16xi32>
      %eq3A_1546 = arith.cmpi eq, %iota3A, %eq3A_1545 : vector<16xi32>
      %broadcast_in_dim3A_1547 = vector.broadcast %reduce_sum3A_1543 : f32 to vector<16xf32>
      %select_n3A_1548 = arith.select %eq3A_1546, %broadcast_in_dim3A_1547, %select_n3A_1532 : vector<16xi1>, vector<16xf32>
      %mul3A_1549 = arith.constant 256 : i32
      %mul3A_1550 = arith.muli %min3A_1447, %mul3A_1549 : i32
      %multiple_of3A_1551 = tpu.assume_multiple %mul3A_1550, 8 : i32
      %add3A_1552 = arith.constant 96 : i32
      %add3A_1553 = arith.addi %multiple_of3A_1551, %add3A_1552 : i32
      %get3A_1554 = arith.index_cast %add3A_1553 : i32 to index
      %get3A_1555 = tpu.vector_load %arg8[%get3A_1554] {strides = array<i32>} : memref<4096xf32, #tpu.memory_space<vmem>>, vector<16xf32>,
      %reduce_sum3A_1556 = arith.constant true
      %reduce_sum3A_1557 = vector.broadcast %reduce_sum3A_1556 : i1 to vector<16xi1>
      %reduce_sum3A_1558 = tpu.scan <sum>, %get3A_1555 masked %reduce_sum3A_1557 : vector<16xf32>, vector<16xi1> -> vector<16xf32>
      %reduce_sum3A_1559 = vector.extract %reduce_sum3A_1558[15] : f32 from vector<16xf32>
      %eq3A_1560 = arith.constant 6 : i32
      %eq3A_1561 = vector.broadcast %eq3A_1560 : i32 to vector<16xi32>
      %eq3A_1562 = arith.cmpi eq, %iota3A, %eq3A_1561 : vector<16xi32>
      %broadcast_in_dim3A_1563 = vector.broadcast %reduce_sum3A_1559 : f32 to vector<16xf32>
      %select_n3A_1564 = arith.select %eq3A_1562, %broadcast_in_dim3A_1563, %select_n3A_1548 : vector<16xi1>, vector<16xf32>
      %mul3A_1565 = arith.constant 256 : i32
      %mul3A_1566 = arith.muli %min3A_1447, %mul3A_1565 : i32
      %multiple_of3A_1567 = tpu.assume_multiple %mul3A_1566, 8 : i32
      %add3A_1568 = arith.constant 112 : i32
      %add3A_1569 = arith.addi %multiple_of3A_1567, %add3A_1568 : i32
      %get3A_1570 = arith.index_cast %add3A_1569 : i32 to index
      %get3A_1571 = tpu.vector_load %arg8[%get3A_1570] {strides = array<i32>} : memref<4096xf32, #tpu.memory_space<vmem>>, vector<16xf32>,
      %reduce_sum3A_1572 = arith.constant true
      %reduce_sum3A_1573 = vector.broadcast %reduce_sum3A_1572 : i1 to vector<16xi1>
      %reduce_sum3A_1574 = tpu.scan <sum>, %get3A_1571 masked %reduce_sum3A_1573 : vector<16xf32>, vector<16xi1> -> vector<16xf32>
      %reduce_sum3A_1575 = vector.extract %reduce_sum3A_1574[15] : f32 from vector<16xf32>
      %eq3A_1576 = arith.constant 7 : i32
      %eq3A_1577 = vector.broadcast %eq3A_1576 : i32 to vector<16xi32>
      %eq3A_1578 = arith.cmpi eq, %iota3A, %eq3A_1577 : vector<16xi32>
      %broadcast_in_dim3A_1579 = vector.broadcast %reduce_sum3A_1575 : f32 to vector<16xf32>
      %select_n3A_1580 = arith.select %eq3A_1578, %broadcast_in_dim3A_1579, %select_n3A_1564 : vector<16xi1>, vector<16xf32>
      %mul3A_1581 = arith.constant 256 : i32
      %mul3A_1582 = arith.muli %min3A_1447, %mul3A_1581 : i32
      %multiple_of3A_1583 = tpu.assume_multiple %mul3A_1582, 8 : i32
      %add3A_1584 = arith.constant 128 : i32
      %add3A_1585 = arith.addi %multiple_of3A_1583, %add3A_1584 : i32
      %get3A_1586 = arith.index_cast %add3A_1585 : i32 to index
      %get3A_1587 = tpu.vector_load %arg8[%get3A_1586] {strides = array<i32>} : memref<4096xf32, #tpu.memory_space<vmem>>, vector<16xf32>,
      %reduce_sum3A_1588 = arith.constant true
      %reduce_sum3A_1589 = vector.broadcast %reduce_sum3A_1588 : i1 to vector<16xi1>
      %reduce_sum3A_1590 = tpu.scan <sum>, %get3A_1587 masked %reduce_sum3A_1589 : vector<16xf32>, vector<16xi1> -> vector<16xf32>
      %reduce_sum3A_1591 = vector.extract %reduce_sum3A_1590[15] : f32 from vector<16xf32>
      %eq3A_1592 = arith.constant 8 : i32
      %eq3A_1593 = vector.broadcast %eq3A_1592 : i32 to vector<16xi32>
      %eq3A_1594 = arith.cmpi eq, %iota3A, %eq3A_1593 : vector<16xi32>
      %broadcast_in_dim3A_1595 = vector.broadcast %reduce_sum3A_1591 : f32 to vector<16xf32>
      %select_n3A_1596 = arith.select %eq3A_1594, %broadcast_in_dim3A_1595, %select_n3A_1580 : vector<16xi1>, vector<16xf32>
      %mul3A_1597 = arith.constant 256 : i32
      %mul3A_1598 = arith.muli %min3A_1447, %mul3A_1597 : i32
      %multiple_of3A_1599 = tpu.assume_multiple %mul3A_1598, 8 : i32
      %add3A_1600 = arith.constant 144 : i32
      %add3A_1601 = arith.addi %multiple_of3A_1599, %add3A_1600 : i32
      %get3A_1602 = arith.index_cast %add3A_1601 : i32 to index
      %get3A_1603 = tpu.vector_load %arg8[%get3A_1602] {strides = array<i32>} : memref<4096xf32, #tpu.memory_space<vmem>>, vector<16xf32>,
      %reduce_sum3A_1604 = arith.constant true
      %reduce_sum3A_1605 = vector.broadcast %reduce_sum3A_1604 : i1 to vector<16xi1>
      %reduce_sum3A_1606 = tpu.scan <sum>, %get3A_1603 masked %reduce_sum3A_1605 : vector<16xf32>, vector<16xi1> -> vector<16xf32>
      %reduce_sum3A_1607 = vector.extract %reduce_sum3A_1606[15] : f32 from vector<16xf32>
      %eq3A_1608 = arith.constant 9 : i32
      %eq3A_1609 = vector.broadcast %eq3A_1608 : i32 to vector<16xi32>
      %eq3A_1610 = arith.cmpi eq, %iota3A, %eq3A_1609 : vector<16xi32>
      %broadcast_in_dim3A_1611 = vector.broadcast %reduce_sum3A_1607 : f32 to vector<16xf32>
      %select_n3A_1612 = arith.select %eq3A_1610, %broadcast_in_dim3A_1611, %select_n3A_1596 : vector<16xi1>, vector<16xf32>
      %mul3A_1613 = arith.constant 256 : i32
      %mul3A_1614 = arith.muli %min3A_1447, %mul3A_1613 : i32
      %multiple_of3A_1615 = tpu.assume_multiple %mul3A_1614, 8 : i32
      %add3A_1616 = arith.constant 160 : i32
      %add3A_1617 = arith.addi %multiple_of3A_1615, %add3A_1616 : i32
      %get3A_1618 = arith.index_cast %add3A_1617 : i32 to index
      %get3A_1619 = tpu.vector_load %arg8[%get3A_1618] {strides = array<i32>} : memref<4096xf32, #tpu.memory_space<vmem>>, vector<16xf32>,
      %reduce_sum3A_1620 = arith.constant true
      %reduce_sum3A_1621 = vector.broadcast %reduce_sum3A_1620 : i1 to vector<16xi1>
      %reduce_sum3A_1622 = tpu.scan <sum>, %get3A_1619 masked %reduce_sum3A_1621 : vector<16xf32>, vector<16xi1> -> vector<16xf32>
      %reduce_sum3A_1623 = vector.extract %reduce_sum3A_1622[15] : f32 from vector<16xf32>
      %eq3A_1624 = arith.constant 10 : i32
      %eq3A_1625 = vector.broadcast %eq3A_1624 : i32 to vector<16xi32>
      %eq3A_1626 = arith.cmpi eq, %iota3A, %eq3A_1625 : vector<16xi32>
      %broadcast_in_dim3A_1627 = vector.broadcast %reduce_sum3A_1623 : f32 to vector<16xf32>
      %select_n3A_1628 = arith.select %eq3A_1626, %broadcast_in_dim3A_1627, %select_n3A_1612 : vector<16xi1>, vector<16xf32>
      %mul3A_1629 = arith.constant 256 : i32
      %mul3A_1630 = arith.muli %min3A_1447, %mul3A_1629 : i32
      %multiple_of3A_1631 = tpu.assume_multiple %mul3A_1630, 8 : i32
      %add3A_1632 = arith.constant 176 : i32
      %add3A_1633 = arith.addi %multiple_of3A_1631, %add3A_1632 : i32
      %get3A_1634 = arith.index_cast %add3A_1633 : i32 to index
      %get3A_1635 = tpu.vector_load %arg8[%get3A_1634] {strides = array<i32>} : memref<4096xf32, #tpu.memory_space<vmem>>, vector<16xf32>,
      %reduce_sum3A_1636 = arith.constant true
      %reduce_sum3A_1637 = vector.broadcast %reduce_sum3A_1636 : i1 to vector<16xi1>
      %reduce_sum3A_1638 = tpu.scan <sum>, %get3A_1635 masked %reduce_sum3A_1637 : vector<16xf32>, vector<16xi1> -> vector<16xf32>
      %reduce_sum3A_1639 = vector.extract %reduce_sum3A_1638[15] : f32 from vector<16xf32>
      %eq3A_1640 = arith.constant 11 : i32
      %eq3A_1641 = vector.broadcast %eq3A_1640 : i32 to vector<16xi32>
      %eq3A_1642 = arith.cmpi eq, %iota3A, %eq3A_1641 : vector<16xi32>
      %broadcast_in_dim3A_1643 = vector.broadcast %reduce_sum3A_1639 : f32 to vector<16xf32>
      %select_n3A_1644 = arith.select %eq3A_1642, %broadcast_in_dim3A_1643, %select_n3A_1628 : vector<16xi1>, vector<16xf32>
      %mul3A_1645 = arith.constant 256 : i32
      %mul3A_1646 = arith.muli %min3A_1447, %mul3A_1645 : i32
      %multiple_of3A_1647 = tpu.assume_multiple %mul3A_1646, 8 : i32
      %add3A_1648 = arith.constant 192 : i32
      %add3A_1649 = arith.addi %multiple_of3A_1647, %add3A_1648 : i32
      %get3A_1650 = arith.index_cast %add3A_1649 : i32 to index
      %get3A_1651 = tpu.vector_load %arg8[%get3A_1650] {strides = array<i32>} : memref<4096xf32, #tpu.memory_space<vmem>>, vector<16xf32>,
      %reduce_sum3A_1652 = arith.constant true
      %reduce_sum3A_1653 = vector.broadcast %reduce_sum3A_1652 : i1 to vector<16xi1>
      %reduce_sum3A_1654 = tpu.scan <sum>, %get3A_1651 masked %reduce_sum3A_1653 : vector<16xf32>, vector<16xi1> -> vector<16xf32>
      %reduce_sum3A_1655 = vector.extract %reduce_sum3A_1654[15] : f32 from vector<16xf32>
      %eq3A_1656 = arith.constant 12 : i32
      %eq3A_1657 = vector.broadcast %eq3A_1656 : i32 to vector<16xi32>
      %eq3A_1658 = arith.cmpi eq, %iota3A, %eq3A_1657 : vector<16xi32>
      %broadcast_in_dim3A_1659 = vector.broadcast %reduce_sum3A_1655 : f32 to vector<16xf32>
      %select_n3A_1660 = arith.select %eq3A_1658, %broadcast_in_dim3A_1659, %select_n3A_1644 : vector<16xi1>, vector<16xf32>
      %mul3A_1661 = arith.constant 256 : i32
      %mul3A_1662 = arith.muli %min3A_1447, %mul3A_1661 : i32
      %multiple_of3A_1663 = tpu.assume_multiple %mul3A_1662, 8 : i32
      %add3A_1664 = arith.constant 208 : i32
      %add3A_1665 = arith.addi %multiple_of3A_1663, %add3A_1664 : i32
      %get3A_1666 = arith.index_cast %add3A_1665 : i32 to index
      %get3A_1667 = tpu.vector_load %arg8[%get3A_1666] {strides = array<i32>} : memref<4096xf32, #tpu.memory_space<vmem>>, vector<16xf32>,
      %reduce_sum3A_1668 = arith.constant true
      %reduce_sum3A_1669 = vector.broadcast %reduce_sum3A_1668 : i1 to vector<16xi1>
      %reduce_sum3A_1670 = tpu.scan <sum>, %get3A_1667 masked %reduce_sum3A_1669 : vector<16xf32>, vector<16xi1> -> vector<16xf32>
      %reduce_sum3A_1671 = vector.extract %reduce_sum3A_1670[15] : f32 from vector<16xf32>
      %eq3A_1672 = arith.constant 13 : i32
      %eq3A_1673 = vector.broadcast %eq3A_1672 : i32 to vector<16xi32>
      %eq3A_1674 = arith.cmpi eq, %iota3A, %eq3A_1673 : vector<16xi32>
      %broadcast_in_dim3A_1675 = vector.broadcast %reduce_sum3A_1671 : f32 to vector<16xf32>
      %select_n3A_1676 = arith.select %eq3A_1674, %broadcast_in_dim3A_1675, %select_n3A_1660 : vector<16xi1>, vector<16xf32>
      %mul3A_1677 = arith.constant 256 : i32
      %mul3A_1678 = arith.muli %min3A_1447, %mul3A_1677 : i32
      %multiple_of3A_1679 = tpu.assume_multiple %mul3A_1678, 8 : i32
      %add3A_1680 = arith.constant 224 : i32
      %add3A_1681 = arith.addi %multiple_of3A_1679, %add3A_1680 : i32
      %get3A_1682 = arith.index_cast %add3A_1681 : i32 to index
      %get3A_1683 = tpu.vector_load %arg8[%get3A_1682] {strides = array<i32>} : memref<4096xf32, #tpu.memory_space<vmem>>, vector<16xf32>,
      %reduce_sum3A_1684 = arith.constant true
      %reduce_sum3A_1685 = vector.broadcast %reduce_sum3A_1684 : i1 to vector<16xi1>
      %reduce_sum3A_1686 = tpu.scan <sum>, %get3A_1683 masked %reduce_sum3A_1685 : vector<16xf32>, vector<16xi1> -> vector<16xf32>
      %reduce_sum3A_1687 = vector.extract %reduce_sum3A_1686[15] : f32 from vector<16xf32>
      %eq3A_1688 = arith.constant 14 : i32
      %eq3A_1689 = vector.broadcast %eq3A_1688 : i32 to vector<16xi32>
      %eq3A_1690 = arith.cmpi eq, %iota3A, %eq3A_1689 : vector<16xi32>
      %broadcast_in_dim3A_1691 = vector.broadcast %reduce_sum3A_1687 : f32 to vector<16xf32>
      %select_n3A_1692 = arith.select %eq3A_1690, %broadcast_in_dim3A_1691, %select_n3A_1676 : vector<16xi1>, vector<16xf32>
      %mul3A_1693 = arith.constant 256 : i32
      %mul3A_1694 = arith.muli %min3A_1447, %mul3A_1693 : i32
      %multiple_of3A_1695 = tpu.assume_multiple %mul3A_1694, 8 : i32
      %add3A_1696 = arith.constant 240 : i32
      %add3A_1697 = arith.addi %multiple_of3A_1695, %add3A_1696 : i32
      %get3A_1698 = arith.index_cast %add3A_1697 : i32 to index
      %get3A_1699 = tpu.vector_load %arg8[%get3A_1698] {strides = array<i32>} : memref<4096xf32, #tpu.memory_space<vmem>>, vector<16xf32>,
      %reduce_sum3A_1700 = arith.constant true
      %reduce_sum3A_1701 = vector.broadcast %reduce_sum3A_1700 : i1 to vector<16xi1>
      %reduce_sum3A_1702 = tpu.scan <sum>, %get3A_1699 masked %reduce_sum3A_1701 : vector<16xf32>, vector<16xi1> -> vector<16xf32>
      %reduce_sum3A_1703 = vector.extract %reduce_sum3A_1702[15] : f32 from vector<16xf32>
      %eq3A_1704 = arith.constant 15 : i32
      %eq3A_1705 = vector.broadcast %eq3A_1704 : i32 to vector<16xi32>
      %eq3A_1706 = arith.cmpi eq, %iota3A, %eq3A_1705 : vector<16xi32>
      %broadcast_in_dim3A_1707 = vector.broadcast %reduce_sum3A_1703 : f32 to vector<16xf32>
      %select_n3A_1708 = arith.select %eq3A_1706, %broadcast_in_dim3A_1707, %select_n3A_1692 : vector<16xi1>, vector<16xf32>
      %broadcast_in_dim3A_1709 = arith.constant true
      %broadcast_in_dim3A_1710 = vector.broadcast %broadcast_in_dim3A_1709 : i1 to vector<16xi1>
      %masked_cumsum3A_1711 = tpu.scan <sum>, %select_n3A_1708 masked %broadcast_in_dim3A_1710 : vector<16xf32>, vector<16xi1> -> vector<16xf32>
      %add3A_1712 = vector.broadcast %reduce_sum3A_1452 : f32 to vector<16xf32>
      %add3A_1713 = arith.addf %masked_cumsum3A_1711, %add3A_1712 : vector<16xf32>
      %ge3A_1714 = arith.constant 8.000000e+00 : f32
      %ge3A_1715 = vector.broadcast %ge3A_1714 : f32 to vector<16xf32>
      %ge3A_1716 = arith.cmpf oge, %add3A_1713, %ge3A_1715 : vector<16xf32>
      %all_reduce_ffs3A_1717 = tpu.all_reduce %ge3A_1716 {dim = 0 : i64, kind = #tpu.reduction_kind<find_first_set>} : vector<16xi1> -> vector<16xi32>
      %iota3A_1718 = tpu.iota {dimensions = array<i32: 0>} : vector<16xi32>
      %eq3A_1719 = arith.constant 0 : i32
      %eq3A_1720 = vector.broadcast %eq3A_1719 : i32 to vector<16xi32>
      %eq3A_1721 = arith.cmpi eq, %iota3A_1718, %eq3A_1720 : vector<16xi32>
      %mul3A_1722 = arith.constant 0 : i32
      %mul3A_1723 = vector.broadcast %mul3A_1722 : i32 to vector<16xi32>
      %mul3A_1724 = arith.muli %iota3A_1718, %mul3A_1723 : vector<16xi32>
      %add3A_1725 = arith.addi %all_reduce_ffs3A_1717, %mul3A_1724 : vector<16xi32>
      %mul3A_1726 = arith.constant 0 : i32
      %mul3A_1727 = vector.broadcast %mul3A_1726 : i32 to vector<16xi32>
      %mul3A_1728 = arith.muli %mul3A_1727, %all_reduce_ffs3A_1717 : vector<16xi32>
      %select_n3A_1729 = arith.select %eq3A_1721, %add3A_1725, %mul3A_1728 : vector<16xi1>, vector<16xi32>
      %reduce_sum3A_1730 = arith.constant true
      %reduce_sum3A_1731 = vector.broadcast %reduce_sum3A_1730 : i1 to vector<16xi1>
      %reduce_sum3A_1732 = tpu.scan <sum>, %select_n3A_1729 masked %reduce_sum3A_1731 : vector<16xi32>, vector<16xi1> -> vector<16xi32>
      %reduce_sum3A_1733 = vector.extract %reduce_sum3A_1732[15] : i32 from vector<16xi32>
      %mul3A_1734 = arith.constant 16 : i32
      %mul3A_1735 = arith.muli %min3A_1447, %mul3A_1734 : i32
      %add3A_1736 = arith.addi %mul3A_1735, %reduce_sum3A_1733 : i32
      %select_n3A_1737 = arith.select %ge3A_1716, %broadcast_in_dim3A_3, %select_n3A_1708 : vector<16xi1>, vector<16xf32>
      %reduce_sum3A_1738 = arith.constant true
      %reduce_sum3A_1739 = vector.broadcast %reduce_sum3A_1738 : i1 to vector<16xi1>
      %reduce_sum3A_1740 = tpu.scan <sum>, %select_n3A_1737 masked %reduce_sum3A_1739 : vector<16xf32>, vector<16xi1> -> vector<16xf32>
      %reduce_sum3A_1741 = vector.extract %reduce_sum3A_1740[15] : f32 from vector<16xf32>
      %add3A_1742 = arith.addf %reduce_sum3A_1452, %reduce_sum3A_1741 : f32
      %rev3A_1743 = arith.constant 15 : i32
      %rev3A_1744 = vector.broadcast %rev3A_1743 : i32 to vector<16xi32>
      %rev3A_1745 = tpu.iota {dimensions = array<i32: 0>} : vector<16xi32>
      %rev3A_1746 = arith.subi %rev3A_1744, %rev3A_1745 : vector<16xi32>
      %rev3A_1747 = tpu.dynamic_gather %select_n3A_1385[%rev3A_1746] in [0] : vector<16xf32>, vector<16xi32> -> vector<16xf32>
      %lt3A_1748 = arith.constant 8 : i32
      %lt3A_1749 = vector.broadcast %lt3A_1748 : i32 to vector<16xi32>
      %lt3A_1750 = arith.cmpi slt, %iota3A, %lt3A_1749 : vector<16xi32>
      %jit3A_1751 = arith.constant 0.000000e+00 : f32
      %broadcast_in_dim3A_1752 = vector.broadcast %jit3A_1751 : f32 to vector<16xf32>
      %select_n3A_1753 = arith.select %lt3A_1750, %rev3A_1747, %broadcast_in_dim3A_1752 : vector<16xi1>, vector<16xf32>
      %broadcast_in_dim3A_1754 = arith.constant true
      %broadcast_in_dim3A_1755 = vector.broadcast %broadcast_in_dim3A_1754 : i1 to vector<16xi1>
      %masked_cumsum3A_1756 = tpu.scan <sum>, %select_n3A_1753 masked %broadcast_in_dim3A_1755 : vector<16xf32>, vector<16xi1> -> vector<16xf32>
      %ge3A_1757 = arith.constant 6.400000e+01 : f32
      %ge3A_1758 = vector.broadcast %ge3A_1757 : f32 to vector<16xf32>
      %ge3A_1759 = arith.cmpf oge, %masked_cumsum3A_1756, %ge3A_1758 : vector<16xf32>
      %jit3A_1760 = arith.constant 1 : i32
      %jit3A_1761 = arith.constant 0 : i32
      %broadcast_in_dim3A_1762 = vector.broadcast %jit3A_1760 : i32 to vector<16xi32>
      %broadcast_in_dim3A_1763 = vector.broadcast %jit3A_1761 : i32 to vector<16xi32>
      %select_n3A_1764 = arith.select %ge3A_1759, %broadcast_in_dim3A_1762, %broadcast_in_dim3A_1763 : vector<16xi1>, vector<16xi32>
      %reduce_sum3A_1765 = arith.constant true
      %reduce_sum3A_1766 = vector.broadcast %reduce_sum3A_1765 : i1 to vector<16xi1>
      %reduce_sum3A_1767 = tpu.scan <sum>, %select_n3A_1764 masked %reduce_sum3A_1766 : vector<16xi32>, vector<16xi1> -> vector<16xi32>
      %reduce_sum3A_1768 = vector.extract %reduce_sum3A_1767[15] : i32 from vector<16xi32>
      %gt3A_1769 = arith.constant 0 : i32
      %gt3A_1770 = arith.cmpi sgt, %reduce_sum3A_1768, %gt3A_1769 : i32
      %all_reduce_ffs3A_1771 = tpu.all_reduce %ge3A_1759 {dim = 0 : i64, kind = #tpu.reduction_kind<find_first_set>} : vector<16xi1> -> vector<16xi32>
      %iota3A_1772 = tpu.iota {dimensions = array<i32: 0>} : vector<16xi32>
      %eq3A_1773 = arith.constant 0 : i32
      %eq3A_1774 = vector.broadcast %eq3A_1773 : i32 to vector<16xi32>
      %eq3A_1775 = arith.cmpi eq, %iota3A_1772, %eq3A_1774 : vector<16xi32>
      %mul3A_1776 = arith.constant 0 : i32
      %mul3A_1777 = vector.broadcast %mul3A_1776 : i32 to vector<16xi32>
      %mul3A_1778 = arith.muli %iota3A_1772, %mul3A_1777 : vector<16xi32>
      %add3A_1779 = arith.addi %all_reduce_ffs3A_1771, %mul3A_1778 : vector<16xi32>
      %mul3A_1780 = arith.constant 0 : i32
      %mul3A_1781 = vector.broadcast %mul3A_1780 : i32 to vector<16xi32>
      %mul3A_1782 = arith.muli %mul3A_1781, %all_reduce_ffs3A_1771 : vector<16xi32>
      %select_n3A_1783 = arith.select %eq3A_1775, %add3A_1779, %mul3A_1782 : vector<16xi1>, vector<16xi32>
      %reduce_sum3A_1784 = arith.constant true
      %reduce_sum3A_1785 = vector.broadcast %reduce_sum3A_1784 : i1 to vector<16xi1>
      %reduce_sum3A_1786 = tpu.scan <sum>, %select_n3A_1783 masked %reduce_sum3A_1785 : vector<16xi32>, vector<16xi1> -> vector<16xi32>
      %reduce_sum3A_1787 = vector.extract %reduce_sum3A_1786[15] : i32 from vector<16xi32>
      %sub3A_1788 = arith.constant 15 : i32
      %sub3A_1789 = arith.subi %sub3A_1788, %reduce_sum3A_1787 : i32
      %jit3A_1790 = arith.constant 8 : i32
      %jit3A_1791 = arith.constant 15 : i32
      %max3A_1792 = arith.maxsi %jit3A_1790, %sub3A_1789 : i32
      %min3A_1793 = arith.minsi %jit3A_1791, %max3A_1792 : i32
      %select_n3A_1794 = arith.select %ge3A_1759, %broadcast_in_dim3A_3, %select_n3A_1753 : vector<16xi1>, vector<16xf32>
      %reduce_sum3A_1795 = arith.constant true
      %reduce_sum3A_1796 = vector.broadcast %reduce_sum3A_1795 : i1 to vector<16xi1>
      %reduce_sum3A_1797 = tpu.scan <sum>, %select_n3A_1794 masked %reduce_sum3A_1796 : vector<16xf32>, vector<16xi1> -> vector<16xf32>
      %reduce_sum3A_1798 = vector.extract %reduce_sum3A_1797[15] : f32 from vector<16xf32>
      %mul3A_1799 = arith.constant 256 : i32
      %mul3A_1800 = arith.muli %min3A_1793, %mul3A_1799 : i32
      %multiple_of3A_1801 = tpu.assume_multiple %mul3A_1800, 8 : i32
      %add3A_1802 = arith.constant 0 : i32
      %add3A_1803 = arith.addi %multiple_of3A_1801, %add3A_1802 : i32
      %get3A_1804 = arith.index_cast %add3A_1803 : i32 to index
      %get3A_1805 = tpu.vector_load %arg8[%get3A_1804] {strides = array<i32>} : memref<4096xf32, #tpu.memory_space<vmem>>, vector<16xf32>,
      %reduce_sum3A_1806 = arith.constant true
      %reduce_sum3A_1807 = vector.broadcast %reduce_sum3A_1806 : i1 to vector<16xi1>
      %reduce_sum3A_1808 = tpu.scan <sum>, %get3A_1805 masked %reduce_sum3A_1807 : vector<16xf32>, vector<16xi1> -> vector<16xf32>
      %reduce_sum3A_1809 = vector.extract %reduce_sum3A_1808[15] : f32 from vector<16xf32>
      %eq3A_1810 = arith.constant 0 : i32
      %eq3A_1811 = vector.broadcast %eq3A_1810 : i32 to vector<16xi32>
      %eq3A_1812 = arith.cmpi eq, %iota3A, %eq3A_1811 : vector<16xi32>
      %broadcast_in_dim3A_1813 = vector.broadcast %reduce_sum3A_1809 : f32 to vector<16xf32>
      %select_n3A_1814 = arith.select %eq3A_1812, %broadcast_in_dim3A_1813, %broadcast_in_dim3A_3 : vector<16xi1>, vector<16xf32>
      %mul3A_1815 = arith.constant 256 : i32
      %mul3A_1816 = arith.muli %min3A_1793, %mul3A_1815 : i32
      %multiple_of3A_1817 = tpu.assume_multiple %mul3A_1816, 8 : i32
      %add3A_1818 = arith.constant 16 : i32
      %add3A_1819 = arith.addi %multiple_of3A_1817, %add3A_1818 : i32
      %get3A_1820 = arith.index_cast %add3A_1819 : i32 to index
      %get3A_1821 = tpu.vector_load %arg8[%get3A_1820] {strides = array<i32>} : memref<4096xf32, #tpu.memory_space<vmem>>, vector<16xf32>,
      %reduce_sum3A_1822 = arith.constant true
      %reduce_sum3A_1823 = vector.broadcast %reduce_sum3A_1822 : i1 to vector<16xi1>
      %reduce_sum3A_1824 = tpu.scan <sum>, %get3A_1821 masked %reduce_sum3A_1823 : vector<16xf32>, vector<16xi1> -> vector<16xf32>
      %reduce_sum3A_1825 = vector.extract %reduce_sum3A_1824[15] : f32 from vector<16xf32>
      %eq3A_1826 = arith.constant 1 : i32
      %eq3A_1827 = vector.broadcast %eq3A_1826 : i32 to vector<16xi32>
      %eq3A_1828 = arith.cmpi eq, %iota3A, %eq3A_1827 : vector<16xi32>
      %broadcast_in_dim3A_1829 = vector.broadcast %reduce_sum3A_1825 : f32 to vector<16xf32>
      %select_n3A_1830 = arith.select %eq3A_1828, %broadcast_in_dim3A_1829, %select_n3A_1814 : vector<16xi1>, vector<16xf32>
      %mul3A_1831 = arith.constant 256 : i32
      %mul3A_1832 = arith.muli %min3A_1793, %mul3A_1831 : i32
      %multiple_of3A_1833 = tpu.assume_multiple %mul3A_1832, 8 : i32
      %add3A_1834 = arith.constant 32 : i32
      %add3A_1835 = arith.addi %multiple_of3A_1833, %add3A_1834 : i32
      %get3A_1836 = arith.index_cast %add3A_1835 : i32 to index
      %get3A_1837 = tpu.vector_load %arg8[%get3A_1836] {strides = array<i32>} : memref<4096xf32, #tpu.memory_space<vmem>>, vector<16xf32>,
      %reduce_sum3A_1838 = arith.constant true
      %reduce_sum3A_1839 = vector.broadcast %reduce_sum3A_1838 : i1 to vector<16xi1>
      %reduce_sum3A_1840 = tpu.scan <sum>, %get3A_1837 masked %reduce_sum3A_1839 : vector<16xf32>, vector<16xi1> -> vector<16xf32>
      %reduce_sum3A_1841 = vector.extract %reduce_sum3A_1840[15] : f32 from vector<16xf32>
      %eq3A_1842 = arith.constant 2 : i32
      %eq3A_1843 = vector.broadcast %eq3A_1842 : i32 to vector<16xi32>
      %eq3A_1844 = arith.cmpi eq, %iota3A, %eq3A_1843 : vector<16xi32>
      %broadcast_in_dim3A_1845 = vector.broadcast %reduce_sum3A_1841 : f32 to vector<16xf32>
      %select_n3A_1846 = arith.select %eq3A_1844, %broadcast_in_dim3A_1845, %select_n3A_1830 : vector<16xi1>, vector<16xf32>
      %mul3A_1847 = arith.constant 256 : i32
      %mul3A_1848 = arith.muli %min3A_1793, %mul3A_1847 : i32
      %multiple_of3A_1849 = tpu.assume_multiple %mul3A_1848, 8 : i32
      %add3A_1850 = arith.constant 48 : i32
      %add3A_1851 = arith.addi %multiple_of3A_1849, %add3A_1850 : i32
      %get3A_1852 = arith.index_cast %add3A_1851 : i32 to index
      %get3A_1853 = tpu.vector_load %arg8[%get3A_1852] {strides = array<i32>} : memref<4096xf32, #tpu.memory_space<vmem>>, vector<16xf32>,
      %reduce_sum3A_1854 = arith.constant true
      %reduce_sum3A_1855 = vector.broadcast %reduce_sum3A_1854 : i1 to vector<16xi1>
      %reduce_sum3A_1856 = tpu.scan <sum>, %get3A_1853 masked %reduce_sum3A_1855 : vector<16xf32>, vector<16xi1> -> vector<16xf32>
      %reduce_sum3A_1857 = vector.extract %reduce_sum3A_1856[15] : f32 from vector<16xf32>
      %eq3A_1858 = arith.constant 3 : i32
      %eq3A_1859 = vector.broadcast %eq3A_1858 : i32 to vector<16xi32>
      %eq3A_1860 = arith.cmpi eq, %iota3A, %eq3A_1859 : vector<16xi32>
      %broadcast_in_dim3A_1861 = vector.broadcast %reduce_sum3A_1857 : f32 to vector<16xf32>
      %select_n3A_1862 = arith.select %eq3A_1860, %broadcast_in_dim3A_1861, %select_n3A_1846 : vector<16xi1>, vector<16xf32>
      %mul3A_1863 = arith.constant 256 : i32
      %mul3A_1864 = arith.muli %min3A_1793, %mul3A_1863 : i32
      %multiple_of3A_1865 = tpu.assume_multiple %mul3A_1864, 8 : i32
      %add3A_1866 = arith.constant 64 : i32
      %add3A_1867 = arith.addi %multiple_of3A_1865, %add3A_1866 : i32
      %get3A_1868 = arith.index_cast %add3A_1867 : i32 to index
      %get3A_1869 = tpu.vector_load %arg8[%get3A_1868] {strides = array<i32>} : memref<4096xf32, #tpu.memory_space<vmem>>, vector<16xf32>,
      %reduce_sum3A_1870 = arith.constant true
      %reduce_sum3A_1871 = vector.broadcast %reduce_sum3A_1870 : i1 to vector<16xi1>
      %reduce_sum3A_1872 = tpu.scan <sum>, %get3A_1869 masked %reduce_sum3A_1871 : vector<16xf32>, vector<16xi1> -> vector<16xf32>
      %reduce_sum3A_1873 = vector.extract %reduce_sum3A_1872[15] : f32 from vector<16xf32>
      %eq3A_1874 = arith.constant 4 : i32
      %eq3A_1875 = vector.broadcast %eq3A_1874 : i32 to vector<16xi32>
      %eq3A_1876 = arith.cmpi eq, %iota3A, %eq3A_1875 : vector<16xi32>
      %broadcast_in_dim3A_1877 = vector.broadcast %reduce_sum3A_1873 : f32 to vector<16xf32>
      %select_n3A_1878 = arith.select %eq3A_1876, %broadcast_in_dim3A_1877, %select_n3A_1862 : vector<16xi1>, vector<16xf32>
      %mul3A_1879 = arith.constant 256 : i32
      %mul3A_1880 = arith.muli %min3A_1793, %mul3A_1879 : i32
      %multiple_of3A_1881 = tpu.assume_multiple %mul3A_1880, 8 : i32
      %add3A_1882 = arith.constant 80 : i32
      %add3A_1883 = arith.addi %multiple_of3A_1881, %add3A_1882 : i32
      %get3A_1884 = arith.index_cast %add3A_1883 : i32 to index
      %get3A_1885 = tpu.vector_load %arg8[%get3A_1884] {strides = array<i32>} : memref<4096xf32, #tpu.memory_space<vmem>>, vector<16xf32>,
      %reduce_sum3A_1886 = arith.constant true
      %reduce_sum3A_1887 = vector.broadcast %reduce_sum3A_1886 : i1 to vector<16xi1>
      %reduce_sum3A_1888 = tpu.scan <sum>, %get3A_1885 masked %reduce_sum3A_1887 : vector<16xf32>, vector<16xi1> -> vector<16xf32>
      %reduce_sum3A_1889 = vector.extract %reduce_sum3A_1888[15] : f32 from vector<16xf32>
      %eq3A_1890 = arith.constant 5 : i32
      %eq3A_1891 = vector.broadcast %eq3A_1890 : i32 to vector<16xi32>
      %eq3A_1892 = arith.cmpi eq, %iota3A, %eq3A_1891 : vector<16xi32>
      %broadcast_in_dim3A_1893 = vector.broadcast %reduce_sum3A_1889 : f32 to vector<16xf32>
      %select_n3A_1894 = arith.select %eq3A_1892, %broadcast_in_dim3A_1893, %select_n3A_1878 : vector<16xi1>, vector<16xf32>
      %mul3A_1895 = arith.constant 256 : i32
      %mul3A_1896 = arith.muli %min3A_1793, %mul3A_1895 : i32
      %multiple_of3A_1897 = tpu.assume_multiple %mul3A_1896, 8 : i32
      %add3A_1898 = arith.constant 96 : i32
      %add3A_1899 = arith.addi %multiple_of3A_1897, %add3A_1898 : i32
      %get3A_1900 = arith.index_cast %add3A_1899 : i32 to index
      %get3A_1901 = tpu.vector_load %arg8[%get3A_1900] {strides = array<i32>} : memref<4096xf32, #tpu.memory_space<vmem>>, vector<16xf32>,
      %reduce_sum3A_1902 = arith.constant true
      %reduce_sum3A_1903 = vector.broadcast %reduce_sum3A_1902 : i1 to vector<16xi1>
      %reduce_sum3A_1904 = tpu.scan <sum>, %get3A_1901 masked %reduce_sum3A_1903 : vector<16xf32>, vector<16xi1> -> vector<16xf32>
      %reduce_sum3A_1905 = vector.extract %reduce_sum3A_1904[15] : f32 from vector<16xf32>
      %eq3A_1906 = arith.constant 6 : i32
      %eq3A_1907 = vector.broadcast %eq3A_1906 : i32 to vector<16xi32>
      %eq3A_1908 = arith.cmpi eq, %iota3A, %eq3A_1907 : vector<16xi32>
      %broadcast_in_dim3A_1909 = vector.broadcast %reduce_sum3A_1905 : f32 to vector<16xf32>
      %select_n3A_1910 = arith.select %eq3A_1908, %broadcast_in_dim3A_1909, %select_n3A_1894 : vector<16xi1>, vector<16xf32>
      %mul3A_1911 = arith.constant 256 : i32
      %mul3A_1912 = arith.muli %min3A_1793, %mul3A_1911 : i32
      %multiple_of3A_1913 = tpu.assume_multiple %mul3A_1912, 8 : i32
      %add3A_1914 = arith.constant 112 : i32
      %add3A_1915 = arith.addi %multiple_of3A_1913, %add3A_1914 : i32
      %get3A_1916 = arith.index_cast %add3A_1915 : i32 to index
      %get3A_1917 = tpu.vector_load %arg8[%get3A_1916] {strides = array<i32>} : memref<4096xf32, #tpu.memory_space<vmem>>, vector<16xf32>,
      %reduce_sum3A_1918 = arith.constant true
      %reduce_sum3A_1919 = vector.broadcast %reduce_sum3A_1918 : i1 to vector<16xi1>
      %reduce_sum3A_1920 = tpu.scan <sum>, %get3A_1917 masked %reduce_sum3A_1919 : vector<16xf32>, vector<16xi1> -> vector<16xf32>
      %reduce_sum3A_1921 = vector.extract %reduce_sum3A_1920[15] : f32 from vector<16xf32>
      %eq3A_1922 = arith.constant 7 : i32
      %eq3A_1923 = vector.broadcast %eq3A_1922 : i32 to vector<16xi32>
      %eq3A_1924 = arith.cmpi eq, %iota3A, %eq3A_1923 : vector<16xi32>
      %broadcast_in_dim3A_1925 = vector.broadcast %reduce_sum3A_1921 : f32 to vector<16xf32>
      %select_n3A_1926 = arith.select %eq3A_1924, %broadcast_in_dim3A_1925, %select_n3A_1910 : vector<16xi1>, vector<16xf32>
      %mul3A_1927 = arith.constant 256 : i32
      %mul3A_1928 = arith.muli %min3A_1793, %mul3A_1927 : i32
      %multiple_of3A_1929 = tpu.assume_multiple %mul3A_1928, 8 : i32
      %add3A_1930 = arith.constant 128 : i32
      %add3A_1931 = arith.addi %multiple_of3A_1929, %add3A_1930 : i32
      %get3A_1932 = arith.index_cast %add3A_1931 : i32 to index
      %get3A_1933 = tpu.vector_load %arg8[%get3A_1932] {strides = array<i32>} : memref<4096xf32, #tpu.memory_space<vmem>>, vector<16xf32>,
      %reduce_sum3A_1934 = arith.constant true
      %reduce_sum3A_1935 = vector.broadcast %reduce_sum3A_1934 : i1 to vector<16xi1>
      %reduce_sum3A_1936 = tpu.scan <sum>, %get3A_1933 masked %reduce_sum3A_1935 : vector<16xf32>, vector<16xi1> -> vector<16xf32>
      %reduce_sum3A_1937 = vector.extract %reduce_sum3A_1936[15] : f32 from vector<16xf32>
      %eq3A_1938 = arith.constant 8 : i32
      %eq3A_1939 = vector.broadcast %eq3A_1938 : i32 to vector<16xi32>
      %eq3A_1940 = arith.cmpi eq, %iota3A, %eq3A_1939 : vector<16xi32>
      %broadcast_in_dim3A_1941 = vector.broadcast %reduce_sum3A_1937 : f32 to vector<16xf32>
      %select_n3A_1942 = arith.select %eq3A_1940, %broadcast_in_dim3A_1941, %select_n3A_1926 : vector<16xi1>, vector<16xf32>
      %mul3A_1943 = arith.constant 256 : i32
      %mul3A_1944 = arith.muli %min3A_1793, %mul3A_1943 : i32
      %multiple_of3A_1945 = tpu.assume_multiple %mul3A_1944, 8 : i32
      %add3A_1946 = arith.constant 144 : i32
      %add3A_1947 = arith.addi %multiple_of3A_1945, %add3A_1946 : i32
      %get3A_1948 = arith.index_cast %add3A_1947 : i32 to index
      %get3A_1949 = tpu.vector_load %arg8[%get3A_1948] {strides = array<i32>} : memref<4096xf32, #tpu.memory_space<vmem>>, vector<16xf32>,
      %reduce_sum3A_1950 = arith.constant true
      %reduce_sum3A_1951 = vector.broadcast %reduce_sum3A_1950 : i1 to vector<16xi1>
      %reduce_sum3A_1952 = tpu.scan <sum>, %get3A_1949 masked %reduce_sum3A_1951 : vector<16xf32>, vector<16xi1> -> vector<16xf32>
      %reduce_sum3A_1953 = vector.extract %reduce_sum3A_1952[15] : f32 from vector<16xf32>
      %eq3A_1954 = arith.constant 9 : i32
      %eq3A_1955 = vector.broadcast %eq3A_1954 : i32 to vector<16xi32>
      %eq3A_1956 = arith.cmpi eq, %iota3A, %eq3A_1955 : vector<16xi32>
      %broadcast_in_dim3A_1957 = vector.broadcast %reduce_sum3A_1953 : f32 to vector<16xf32>
      %select_n3A_1958 = arith.select %eq3A_1956, %broadcast_in_dim3A_1957, %select_n3A_1942 : vector<16xi1>, vector<16xf32>
      %mul3A_1959 = arith.constant 256 : i32
      %mul3A_1960 = arith.muli %min3A_1793, %mul3A_1959 : i32
      %multiple_of3A_1961 = tpu.assume_multiple %mul3A_1960, 8 : i32
      %add3A_1962 = arith.constant 160 : i32
      %add3A_1963 = arith.addi %multiple_of3A_1961, %add3A_1962 : i32
      %get3A_1964 = arith.index_cast %add3A_1963 : i32 to index
      %get3A_1965 = tpu.vector_load %arg8[%get3A_1964] {strides = array<i32>} : memref<4096xf32, #tpu.memory_space<vmem>>, vector<16xf32>,
      %reduce_sum3A_1966 = arith.constant true
      %reduce_sum3A_1967 = vector.broadcast %reduce_sum3A_1966 : i1 to vector<16xi1>
      %reduce_sum3A_1968 = tpu.scan <sum>, %get3A_1965 masked %reduce_sum3A_1967 : vector<16xf32>, vector<16xi1> -> vector<16xf32>
      %reduce_sum3A_1969 = vector.extract %reduce_sum3A_1968[15] : f32 from vector<16xf32>
      %eq3A_1970 = arith.constant 10 : i32
      %eq3A_1971 = vector.broadcast %eq3A_1970 : i32 to vector<16xi32>
      %eq3A_1972 = arith.cmpi eq, %iota3A, %eq3A_1971 : vector<16xi32>
      %broadcast_in_dim3A_1973 = vector.broadcast %reduce_sum3A_1969 : f32 to vector<16xf32>
      %select_n3A_1974 = arith.select %eq3A_1972, %broadcast_in_dim3A_1973, %select_n3A_1958 : vector<16xi1>, vector<16xf32>
      %mul3A_1975 = arith.constant 256 : i32
      %mul3A_1976 = arith.muli %min3A_1793, %mul3A_1975 : i32
      %multiple_of3A_1977 = tpu.assume_multiple %mul3A_1976, 8 : i32
      %add3A_1978 = arith.constant 176 : i32
      %add3A_1979 = arith.addi %multiple_of3A_1977, %add3A_1978 : i32
      %get3A_1980 = arith.index_cast %add3A_1979 : i32 to index
      %get3A_1981 = tpu.vector_load %arg8[%get3A_1980] {strides = array<i32>} : memref<4096xf32, #tpu.memory_space<vmem>>, vector<16xf32>,
      %reduce_sum3A_1982 = arith.constant true
      %reduce_sum3A_1983 = vector.broadcast %reduce_sum3A_1982 : i1 to vector<16xi1>
      %reduce_sum3A_1984 = tpu.scan <sum>, %get3A_1981 masked %reduce_sum3A_1983 : vector<16xf32>, vector<16xi1> -> vector<16xf32>
      %reduce_sum3A_1985 = vector.extract %reduce_sum3A_1984[15] : f32 from vector<16xf32>
      %eq3A_1986 = arith.constant 11 : i32
      %eq3A_1987 = vector.broadcast %eq3A_1986 : i32 to vector<16xi32>
      %eq3A_1988 = arith.cmpi eq, %iota3A, %eq3A_1987 : vector<16xi32>
      %broadcast_in_dim3A_1989 = vector.broadcast %reduce_sum3A_1985 : f32 to vector<16xf32>
      %select_n3A_1990 = arith.select %eq3A_1988, %broadcast_in_dim3A_1989, %select_n3A_1974 : vector<16xi1>, vector<16xf32>
      %mul3A_1991 = arith.constant 256 : i32
      %mul3A_1992 = arith.muli %min3A_1793, %mul3A_1991 : i32
      %multiple_of3A_1993 = tpu.assume_multiple %mul3A_1992, 8 : i32
      %add3A_1994 = arith.constant 192 : i32
      %add3A_1995 = arith.addi %multiple_of3A_1993, %add3A_1994 : i32
      %get3A_1996 = arith.index_cast %add3A_1995 : i32 to index
      %get3A_1997 = tpu.vector_load %arg8[%get3A_1996] {strides = array<i32>} : memref<4096xf32, #tpu.memory_space<vmem>>, vector<16xf32>,
      %reduce_sum3A_1998 = arith.constant true
      %reduce_sum3A_1999 = vector.broadcast %reduce_sum3A_1998 : i1 to vector<16xi1>
      %reduce_sum3A_2000 = tpu.scan <sum>, %get3A_1997 masked %reduce_sum3A_1999 : vector<16xf32>, vector<16xi1> -> vector<16xf32>
      %reduce_sum3A_2001 = vector.extract %reduce_sum3A_2000[15] : f32 from vector<16xf32>
      %eq3A_2002 = arith.constant 12 : i32
      %eq3A_2003 = vector.broadcast %eq3A_2002 : i32 to vector<16xi32>
      %eq3A_2004 = arith.cmpi eq, %iota3A, %eq3A_2003 : vector<16xi32>
      %broadcast_in_dim3A_2005 = vector.broadcast %reduce_sum3A_2001 : f32 to vector<16xf32>
      %select_n3A_2006 = arith.select %eq3A_2004, %broadcast_in_dim3A_2005, %select_n3A_1990 : vector<16xi1>, vector<16xf32>
      %mul3A_2007 = arith.constant 256 : i32
      %mul3A_2008 = arith.muli %min3A_1793, %mul3A_2007 : i32
      %multiple_of3A_2009 = tpu.assume_multiple %mul3A_2008, 8 : i32
      %add3A_2010 = arith.constant 208 : i32
      %add3A_2011 = arith.addi %multiple_of3A_2009, %add3A_2010 : i32
      %get3A_2012 = arith.index_cast %add3A_2011 : i32 to index
      %get3A_2013 = tpu.vector_load %arg8[%get3A_2012] {strides = array<i32>} : memref<4096xf32, #tpu.memory_space<vmem>>, vector<16xf32>,
      %reduce_sum3A_2014 = arith.constant true
      %reduce_sum3A_2015 = vector.broadcast %reduce_sum3A_2014 : i1 to vector<16xi1>
      %reduce_sum3A_2016 = tpu.scan <sum>, %get3A_2013 masked %reduce_sum3A_2015 : vector<16xf32>, vector<16xi1> -> vector<16xf32>
      %reduce_sum3A_2017 = vector.extract %reduce_sum3A_2016[15] : f32 from vector<16xf32>
      %eq3A_2018 = arith.constant 13 : i32
      %eq3A_2019 = vector.broadcast %eq3A_2018 : i32 to vector<16xi32>
      %eq3A_2020 = arith.cmpi eq, %iota3A, %eq3A_2019 : vector<16xi32>
      %broadcast_in_dim3A_2021 = vector.broadcast %reduce_sum3A_2017 : f32 to vector<16xf32>
      %select_n3A_2022 = arith.select %eq3A_2020, %broadcast_in_dim3A_2021, %select_n3A_2006 : vector<16xi1>, vector<16xf32>
      %mul3A_2023 = arith.constant 256 : i32
      %mul3A_2024 = arith.muli %min3A_1793, %mul3A_2023 : i32
      %multiple_of3A_2025 = tpu.assume_multiple %mul3A_2024, 8 : i32
      %add3A_2026 = arith.constant 224 : i32
      %add3A_2027 = arith.addi %multiple_of3A_2025, %add3A_2026 : i32
      %get3A_2028 = arith.index_cast %add3A_2027 : i32 to index
      %get3A_2029 = tpu.vector_load %arg8[%get3A_2028] {strides = array<i32>} : memref<4096xf32, #tpu.memory_space<vmem>>, vector<16xf32>,
      %reduce_sum3A_2030 = arith.constant true
      %reduce_sum3A_2031 = vector.broadcast %reduce_sum3A_2030 : i1 to vector<16xi1>
      %reduce_sum3A_2032 = tpu.scan <sum>, %get3A_2029 masked %reduce_sum3A_2031 : vector<16xf32>, vector<16xi1> -> vector<16xf32>
      %reduce_sum3A_2033 = vector.extract %reduce_sum3A_2032[15] : f32 from vector<16xf32>
      %eq3A_2034 = arith.constant 14 : i32
      %eq3A_2035 = vector.broadcast %eq3A_2034 : i32 to vector<16xi32>
      %eq3A_2036 = arith.cmpi eq, %iota3A, %eq3A_2035 : vector<16xi32>
      %broadcast_in_dim3A_2037 = vector.broadcast %reduce_sum3A_2033 : f32 to vector<16xf32>
      %select_n3A_2038 = arith.select %eq3A_2036, %broadcast_in_dim3A_2037, %select_n3A_2022 : vector<16xi1>, vector<16xf32>
      %mul3A_2039 = arith.constant 256 : i32
      %mul3A_2040 = arith.muli %min3A_1793, %mul3A_2039 : i32
      %multiple_of3A_2041 = tpu.assume_multiple %mul3A_2040, 8 : i32
      %add3A_2042 = arith.constant 240 : i32
      %add3A_2043 = arith.addi %multiple_of3A_2041, %add3A_2042 : i32
      %get3A_2044 = arith.index_cast %add3A_2043 : i32 to index
      %get3A_2045 = tpu.vector_load %arg8[%get3A_2044] {strides = array<i32>} : memref<4096xf32, #tpu.memory_space<vmem>>, vector<16xf32>,
      %reduce_sum3A_2046 = arith.constant true
      %reduce_sum3A_2047 = vector.broadcast %reduce_sum3A_2046 : i1 to vector<16xi1>
      %reduce_sum3A_2048 = tpu.scan <sum>, %get3A_2045 masked %reduce_sum3A_2047 : vector<16xf32>, vector<16xi1> -> vector<16xf32>
      %reduce_sum3A_2049 = vector.extract %reduce_sum3A_2048[15] : f32 from vector<16xf32>
      %eq3A_2050 = arith.constant 15 : i32
      %eq3A_2051 = vector.broadcast %eq3A_2050 : i32 to vector<16xi32>
      %eq3A_2052 = arith.cmpi eq, %iota3A, %eq3A_2051 : vector<16xi32>
      %broadcast_in_dim3A_2053 = vector.broadcast %reduce_sum3A_2049 : f32 to vector<16xf32>
      %select_n3A_2054 = arith.select %eq3A_2052, %broadcast_in_dim3A_2053, %select_n3A_2038 : vector<16xi1>, vector<16xf32>
      %rev3A_2055 = arith.constant 15 : i32
      %rev3A_2056 = vector.broadcast %rev3A_2055 : i32 to vector<16xi32>
      %rev3A_2057 = tpu.iota {dimensions = array<i32: 0>} : vector<16xi32>
      %rev3A_2058 = arith.subi %rev3A_2056, %rev3A_2057 : vector<16xi32>
      %rev3A_2059 = tpu.dynamic_gather %select_n3A_2054[%rev3A_2058] in [0] : vector<16xf32>, vector<16xi32> -> vector<16xf32>
      %broadcast_in_dim3A_2060 = arith.constant true
      %broadcast_in_dim3A_2061 = vector.broadcast %broadcast_in_dim3A_2060 : i1 to vector<16xi1>
      %masked_cumsum3A_2062 = tpu.scan <sum>, %rev3A_2059 masked %broadcast_in_dim3A_2061 : vector<16xf32>, vector<16xi1> -> vector<16xf32>
      %add3A_2063 = vector.broadcast %reduce_sum3A_1798 : f32 to vector<16xf32>
      %add3A_2064 = arith.addf %masked_cumsum3A_2062, %add3A_2063 : vector<16xf32>
      %ge3A_2065 = arith.constant 6.400000e+01 : f32
      %ge3A_2066 = vector.broadcast %ge3A_2065 : f32 to vector<16xf32>
      %ge3A_2067 = arith.cmpf oge, %add3A_2064, %ge3A_2066 : vector<16xf32>
      %all_reduce_ffs3A_2068 = tpu.all_reduce %ge3A_2067 {dim = 0 : i64, kind = #tpu.reduction_kind<find_first_set>} : vector<16xi1> -> vector<16xi32>
      %iota3A_2069 = tpu.iota {dimensions = array<i32: 0>} : vector<16xi32>
      %eq3A_2070 = arith.constant 0 : i32
      %eq3A_2071 = vector.broadcast %eq3A_2070 : i32 to vector<16xi32>
      %eq3A_2072 = arith.cmpi eq, %iota3A_2069, %eq3A_2071 : vector<16xi32>
      %mul3A_2073 = arith.constant 0 : i32
      %mul3A_2074 = vector.broadcast %mul3A_2073 : i32 to vector<16xi32>
      %mul3A_2075 = arith.muli %iota3A_2069, %mul3A_2074 : vector<16xi32>
      %add3A_2076 = arith.addi %all_reduce_ffs3A_2068, %mul3A_2075 : vector<16xi32>
      %mul3A_2077 = arith.constant 0 : i32
      %mul3A_2078 = vector.broadcast %mul3A_2077 : i32 to vector<16xi32>
      %mul3A_2079 = arith.muli %mul3A_2078, %all_reduce_ffs3A_2068 : vector<16xi32>
      %select_n3A_2080 = arith.select %eq3A_2072, %add3A_2076, %mul3A_2079 : vector<16xi1>, vector<16xi32>
      %reduce_sum3A_2081 = arith.constant true
      %reduce_sum3A_2082 = vector.broadcast %reduce_sum3A_2081 : i1 to vector<16xi1>
      %reduce_sum3A_2083 = tpu.scan <sum>, %select_n3A_2080 masked %reduce_sum3A_2082 : vector<16xi32>, vector<16xi1> -> vector<16xi32>
      %reduce_sum3A_2084 = vector.extract %reduce_sum3A_2083[15] : i32 from vector<16xi32>
      %sub3A_2085 = arith.constant 8 : i32
      %sub3A_2086 = arith.subi %min3A_1793, %sub3A_2085 : i32
      %mul3A_2087 = arith.constant 16 : i32
      %mul3A_2088 = arith.muli %sub3A_2086, %mul3A_2087 : i32
      %sub3A_2089 = arith.constant 15 : i32
      %sub3A_2090 = arith.subi %sub3A_2089, %reduce_sum3A_2084 : i32
      %add3A_2091 = arith.addi %mul3A_2088, %sub3A_2090 : i32
      %select_n3A_2092 = arith.select %ge3A_2067, %broadcast_in_dim3A_3, %rev3A_2059 : vector<16xi1>, vector<16xf32>
      %reduce_sum3A_2093 = arith.constant true
      %reduce_sum3A_2094 = vector.broadcast %reduce_sum3A_2093 : i1 to vector<16xi1>
      %reduce_sum3A_2095 = tpu.scan <sum>, %select_n3A_2092 masked %reduce_sum3A_2094 : vector<16xf32>, vector<16xi1> -> vector<16xf32>
      %reduce_sum3A_2096 = vector.extract %reduce_sum3A_2095[15] : f32 from vector<16xf32>
      %add3A_2097 = arith.addf %reduce_sum3A_1798, %reduce_sum3A_2096 : f32
      %jit3A_2098 = arith.constant 8.000000e+00 : f32
      %select_n3A_2099 = arith.select %gt3A_1428, %jit3A_2098, %reduce_sum3A_1395 : f32
      %jit3A_2100 = arith.constant 6.400000e+01 : f32
      %select_n3A_2101 = arith.select %gt3A_1770, %jit3A_2100, %reduce_sum3A_1405 : f32
      %jit3A_2102 = arith.constant 128 : i32
      %select_n3A_2103 = arith.select %gt3A_1428, %add3A_1736, %jit3A_2102 : i32
      %jit3A_2104 = arith.constant -1 : i32
      %select_n3A_2105 = arith.select %gt3A_1770, %add3A_2091, %jit3A_2104 : i32
      %scan3A_2106 = arith.constant 0 : i32
      %scan3A_2107 = arith.constant 0 : i32
      %scan3A_2108 = arith.constant 64 : i32
      %scan3A_2109 = arith.addi %scan3A_2107, %scan3A_2108 : i32
      %scan3A_2110 = arith.constant 1 : i32
      %scan3A_2111 = scf.for %scan3A_2328 = %scan3A_2107 to %scan3A_2109 step %scan3A_2110 iter_args(%scan3A_2329 = %scan3A_2106) -> (i32)  : i32 {
        %mul3A_2330 = arith.constant 64 : i32
        %mul3A_2331 = arith.muli %scan3A_2328, %mul3A_2330 : i32
        %multiple_of3A_2332 = tpu.assume_multiple %mul3A_2331, 8 : i32
        %add3A_2333 = arith.constant 0 : i32
        %add3A_2334 = arith.addi %multiple_of3A_2332, %add3A_2333 : i32
        %swap3A_2335 = arith.index_cast %add3A_2334 : i32 to index
        %swap3A_2336 = tpu.vector_load %arg8[%swap3A_2335] {strides = array<i32>} : memref<4096xf32, #tpu.memory_space<vmem>>, vector<16xf32>,
        tpu.vector_store %arg8[%swap3A_2335], %broadcast_in_dim3A_3 {strides = array<i32>} : memref<4096xf32, #tpu.memory_space<vmem>>, vector<16xf32>,
        %add3A_2337 = arith.constant 16 : i32
        %add3A_2338 = arith.addi %multiple_of3A_2332, %add3A_2337 : i32
        %swap3A_2339 = arith.index_cast %add3A_2338 : i32 to index
        %swap3A_2340 = tpu.vector_load %arg8[%swap3A_2339] {strides = array<i32>} : memref<4096xf32, #tpu.memory_space<vmem>>, vector<16xf32>,
        tpu.vector_store %arg8[%swap3A_2339], %broadcast_in_dim3A_3 {strides = array<i32>} : memref<4096xf32, #tpu.memory_space<vmem>>, vector<16xf32>,
        %add3A_2341 = arith.constant 32 : i32
        %add3A_2342 = arith.addi %multiple_of3A_2332, %add3A_2341 : i32
        %swap3A_2343 = arith.index_cast %add3A_2342 : i32 to index
        %swap3A_2344 = tpu.vector_load %arg8[%swap3A_2343] {strides = array<i32>} : memref<4096xf32, #tpu.memory_space<vmem>>, vector<16xf32>,
        tpu.vector_store %arg8[%swap3A_2343], %broadcast_in_dim3A_3 {strides = array<i32>} : memref<4096xf32, #tpu.memory_space<vmem>>, vector<16xf32>,
        %add3A_2345 = arith.constant 48 : i32
        %add3A_2346 = arith.addi %multiple_of3A_2332, %add3A_2345 : i32
        %swap3A_2347 = arith.index_cast %add3A_2346 : i32 to index
        %swap3A_2348 = tpu.vector_load %arg8[%swap3A_2347] {strides = array<i32>} : memref<4096xf32, #tpu.memory_space<vmem>>, vector<16xf32>,
        tpu.vector_store %arg8[%swap3A_2347], %broadcast_in_dim3A_3 {strides = array<i32>} : memref<4096xf32, #tpu.memory_space<vmem>>, vector<16xf32>,
        %scan3A_2349 = arith.constant 0 : i32
        scf.yield %scan3A_2349 : i32
      }
      %scan3A_2112 = arith.constant 64 : i32
      %swap3A_2113 = arith.constant 0 : index
      %swap3A_2114 = tpu.vector_load %arg9[%swap3A_2113] {strides = array<i32>} : memref<256xf32, #tpu.memory_space<vmem>>, vector<16xf32>,
      tpu.vector_store %arg9[%swap3A_2113], %broadcast_in_dim3A_3 {strides = array<i32>} : memref<256xf32, #tpu.memory_space<vmem>>, vector<16xf32>,
      %swap3A_2115 = arith.constant 16 : index
      %swap3A_2116 = tpu.vector_load %arg9[%swap3A_2115] {strides = array<i32>} : memref<256xf32, #tpu.memory_space<vmem>>, vector<16xf32>,
      tpu.vector_store %arg9[%swap3A_2115], %broadcast_in_dim3A_3 {strides = array<i32>} : memref<256xf32, #tpu.memory_space<vmem>>, vector<16xf32>,
      %swap3A_2117 = arith.constant 32 : index
      %swap3A_2118 = tpu.vector_load %arg9[%swap3A_2117] {strides = array<i32>} : memref<256xf32, #tpu.memory_space<vmem>>, vector<16xf32>,
      tpu.vector_store %arg9[%swap3A_2117], %broadcast_in_dim3A_3 {strides = array<i32>} : memref<256xf32, #tpu.memory_space<vmem>>, vector<16xf32>,
      %swap3A_2119 = arith.constant 48 : index
      %swap3A_2120 = tpu.vector_load %arg9[%swap3A_2119] {strides = array<i32>} : memref<256xf32, #tpu.memory_space<vmem>>, vector<16xf32>,
      tpu.vector_store %arg9[%swap3A_2119], %broadcast_in_dim3A_3 {strides = array<i32>} : memref<256xf32, #tpu.memory_space<vmem>>, vector<16xf32>,
      %swap3A_2121 = arith.constant 64 : index
      %swap3A_2122 = tpu.vector_load %arg9[%swap3A_2121] {strides = array<i32>} : memref<256xf32, #tpu.memory_space<vmem>>, vector<16xf32>,
      tpu.vector_store %arg9[%swap3A_2121], %broadcast_in_dim3A_3 {strides = array<i32>} : memref<256xf32, #tpu.memory_space<vmem>>, vector<16xf32>,
      %swap3A_2123 = arith.constant 80 : index
      %swap3A_2124 = tpu.vector_load %arg9[%swap3A_2123] {strides = array<i32>} : memref<256xf32, #tpu.memory_space<vmem>>, vector<16xf32>,
      tpu.vector_store %arg9[%swap3A_2123], %broadcast_in_dim3A_3 {strides = array<i32>} : memref<256xf32, #tpu.memory_space<vmem>>, vector<16xf32>,
      %swap3A_2125 = arith.constant 96 : index
      %swap3A_2126 = tpu.vector_load %arg9[%swap3A_2125] {strides = array<i32>} : memref<256xf32, #tpu.memory_space<vmem>>, vector<16xf32>,
      tpu.vector_store %arg9[%swap3A_2125], %broadcast_in_dim3A_3 {strides = array<i32>} : memref<256xf32, #tpu.memory_space<vmem>>, vector<16xf32>,
      %swap3A_2127 = arith.constant 112 : index
      %swap3A_2128 = tpu.vector_load %arg9[%swap3A_2127] {strides = array<i32>} : memref<256xf32, #tpu.memory_space<vmem>>, vector<16xf32>,
      tpu.vector_store %arg9[%swap3A_2127], %broadcast_in_dim3A_3 {strides = array<i32>} : memref<256xf32, #tpu.memory_space<vmem>>, vector<16xf32>,
      %swap3A_2129 = arith.constant 128 : index
      %swap3A_2130 = tpu.vector_load %arg9[%swap3A_2129] {strides = array<i32>} : memref<256xf32, #tpu.memory_space<vmem>>, vector<16xf32>,
      tpu.vector_store %arg9[%swap3A_2129], %broadcast_in_dim3A_3 {strides = array<i32>} : memref<256xf32, #tpu.memory_space<vmem>>, vector<16xf32>,
      %swap3A_2131 = arith.constant 144 : index
      %swap3A_2132 = tpu.vector_load %arg9[%swap3A_2131] {strides = array<i32>} : memref<256xf32, #tpu.memory_space<vmem>>, vector<16xf32>,
      tpu.vector_store %arg9[%swap3A_2131], %broadcast_in_dim3A_3 {strides = array<i32>} : memref<256xf32, #tpu.memory_space<vmem>>, vector<16xf32>,
      %swap3A_2133 = arith.constant 160 : index
      %swap3A_2134 = tpu.vector_load %arg9[%swap3A_2133] {strides = array<i32>} : memref<256xf32, #tpu.memory_space<vmem>>, vector<16xf32>,
      tpu.vector_store %arg9[%swap3A_2133], %broadcast_in_dim3A_3 {strides = array<i32>} : memref<256xf32, #tpu.memory_space<vmem>>, vector<16xf32>,
      %swap3A_2135 = arith.constant 176 : index
      %swap3A_2136 = tpu.vector_load %arg9[%swap3A_2135] {strides = array<i32>} : memref<256xf32, #tpu.memory_space<vmem>>, vector<16xf32>,
      tpu.vector_store %arg9[%swap3A_2135], %broadcast_in_dim3A_3 {strides = array<i32>} : memref<256xf32, #tpu.memory_space<vmem>>, vector<16xf32>,
      %swap3A_2137 = arith.constant 192 : index
      %swap3A_2138 = tpu.vector_load %arg9[%swap3A_2137] {strides = array<i32>} : memref<256xf32, #tpu.memory_space<vmem>>, vector<16xf32>,
      tpu.vector_store %arg9[%swap3A_2137], %broadcast_in_dim3A_3 {strides = array<i32>} : memref<256xf32, #tpu.memory_space<vmem>>, vector<16xf32>,
      %swap3A_2139 = arith.constant 208 : index
      %swap3A_2140 = tpu.vector_load %arg9[%swap3A_2139] {strides = array<i32>} : memref<256xf32, #tpu.memory_space<vmem>>, vector<16xf32>,
      tpu.vector_store %arg9[%swap3A_2139], %broadcast_in_dim3A_3 {strides = array<i32>} : memref<256xf32, #tpu.memory_space<vmem>>, vector<16xf32>,
      %swap3A_2141 = arith.constant 224 : index
      %swap3A_2142 = tpu.vector_load %arg9[%swap3A_2141] {strides = array<i32>} : memref<256xf32, #tpu.memory_space<vmem>>, vector<16xf32>,
      tpu.vector_store %arg9[%swap3A_2141], %broadcast_in_dim3A_3 {strides = array<i32>} : memref<256xf32, #tpu.memory_space<vmem>>, vector<16xf32>,
      %swap3A_2143 = arith.constant 240 : index
      %swap3A_2144 = tpu.vector_load %arg9[%swap3A_2143] {strides = array<i32>} : memref<256xf32, #tpu.memory_space<vmem>>, vector<16xf32>,
      tpu.vector_store %arg9[%swap3A_2143], %broadcast_in_dim3A_3 {strides = array<i32>} : memref<256xf32, #tpu.memory_space<vmem>>, vector<16xf32>,
      %scan3A_2145 = arith.constant 0 : i32
      %scan3A_2146 = arith.constant 64 : i32
      %scan3A_2147 = arith.addi %scan3A_2145, %scan3A_2146 : i32
      %scan3A_2148 = arith.constant 1 : i32
      %scan3A_2149:3 = scf.for %scan3A_2328 = %scan3A_2145 to %scan3A_2147 step %scan3A_2148 iter_args(%scan3A_2329 = %broadcast_in_dim3A_3, %scan3A_2330 = %broadcast_in_dim3A_3, %scan3A_2331 = %broadcast_in_dim3A_3) -> (vector<16xf32>, vector<16xf32>, vector<16xf32>)  : i32 {
        %mul3A_2332 = arith.constant 64 : i32
        %mul3A_2333 = arith.muli %scan3A_2328, %mul3A_2332 : i32
        %multiple_of3A_2334 = tpu.assume_multiple %mul3A_2333, 8 : i32
        %add3A_2335 = arith.constant 0 : i32
        %add3A_2336 = arith.addi %multiple_of3A_2334, %add3A_2335 : i32
        %get3A_2337 = arith.index_cast %add3A_2336 : i32 to index
        %get3A_2338 = tpu.vector_load %arg7[%get3A_2337] {strides = array<i32>} : memref<4096xf32, #tpu.memory_space<vmem>>, vector<16xf32>,
        %get3A_2339 = arith.index_cast %add3A_2336 : i32 to index
        %get3A_2340 = tpu.vector_load %arg5[%get3A_2339] {strides = array<i32>} : memref<4096xi32, #tpu.memory_space<vmem>>, vector<16xi32>,
        %eq3A_2341 = arith.cmpi eq, %get3A_2340, %gather3A_1202 : vector<16xi32>
        %add3A_2342 = arith.constant 1.002000e+00 : f32
        %add3A_2343 = vector.broadcast %add3A_2342 : f32 to vector<16xf32>
        %add3A_2344 = arith.addf %get3A_2338, %add3A_2343 : vector<16xf32>
        %mul3A_2345 = arith.constant 63.8722572 : f32
        %mul3A_2346 = vector.broadcast %mul3A_2345 : f32 to vector<16xf32>
        %mul3A_2347 = arith.mulf %add3A_2344, %mul3A_2346 : vector<16xf32>
        %jit3A_2348 = arith.constant 0.000000e+00 : f32
        %jit3A_2349 = arith.constant 1.270000e+02 : f32
        %max3A_2350 = vector.broadcast %jit3A_2348 : f32 to vector<16xf32>
        %max3A_2351 = arith.maximumf %max3A_2350, %mul3A_2347 : vector<16xf32>
        %min3A_2352 = vector.broadcast %jit3A_2349 : f32 to vector<16xf32>
        %min3A_2353 = arith.minimumf %min3A_2352, %max3A_2351 : vector<16xf32>
        %convert_element_type3A_2354 = arith.fptosi %min3A_2353 : vector<16xf32> to vector<16xi32>
        %sub3A_2355 = arith.constant 1.000000e+00 : f32
        %sub3A_2356 = vector.broadcast %sub3A_2355 : f32 to vector<16xf32>
        %sub3A_2357 = arith.subf %get3A_2338, %sub3A_2356 : vector<16xf32>
        %mul3A_2358 = arith.constant 14.2857141 : f32
        %mul3A_2359 = vector.broadcast %mul3A_2358 : f32 to vector<16xf32>
        %mul3A_2360 = arith.mulf %sub3A_2357, %mul3A_2359 : vector<16xf32>
        %exp3A_2361 = math.exp %mul3A_2360 : vector<16xf32>
        %lt3A_2362 = vector.broadcast %select_n3A_2103 : i32 to vector<16xi32>
        %lt3A_2363 = arith.cmpi slt, %convert_element_type3A_2354, %lt3A_2362 : vector<16xi32>
        %and3A_2364 = arith.andi %eq3A_2341, %lt3A_2363 : vector<16xi1>
        %not3A = arith.constant dense<true> : vector<16xi1>
        %not3A_2365 = arith.xori %eq3A_2341, %not3A : vector<16xi1>
        %gt3A_2366 = vector.broadcast %select_n3A_2105 : i32 to vector<16xi32>
        %gt3A_2367 = arith.cmpi sgt, %convert_element_type3A_2354, %gt3A_2366 : vector<16xi32>
        %and3A_2368 = arith.andi %not3A_2365, %gt3A_2367 : vector<16xi1>
        %jit3A_2369 = arith.constant 0.000000e+00 : f32
        %broadcast_in_dim3A_2370 = vector.broadcast %jit3A_2369 : f32 to vector<16xf32>
        %select_n3A_2371 = arith.select %and3A_2364, %get3A_2338, %broadcast_in_dim3A_2370 : vector<16xi1>, vector<16xf32>
        %add3A_2372 = arith.addf %scan3A_2329, %select_n3A_2371 : vector<16xf32>
        %jit3A_2373 = arith.constant 0.000000e+00 : f32
        %broadcast_in_dim3A_2374 = vector.broadcast %jit3A_2373 : f32 to vector<16xf32>
        %select_n3A_2375 = arith.select %and3A_2364, %exp3A_2361, %broadcast_in_dim3A_2374 : vector<16xi1>, vector<16xf32>
        %add3A_2376 = arith.addf %scan3A_2330, %select_n3A_2375 : vector<16xf32>
        %jit3A_2377 = arith.constant 0.000000e+00 : f32
        %broadcast_in_dim3A_2378 = vector.broadcast %jit3A_2377 : f32 to vector<16xf32>
        %select_n3A_2379 = arith.select %and3A_2368, %exp3A_2361, %broadcast_in_dim3A_2378 : vector<16xi1>, vector<16xf32>
        %add3A_2380 = arith.addf %scan3A_2331, %select_n3A_2379 : vector<16xf32>
        %add3A_2381 = arith.constant 16 : i32
        %add3A_2382 = arith.addi %multiple_of3A_2334, %add3A_2381 : i32
        %get3A_2383 = arith.index_cast %add3A_2382 : i32 to index
        %get3A_2384 = tpu.vector_load %arg7[%get3A_2383] {strides = array<i32>} : memref<4096xf32, #tpu.memory_space<vmem>>, vector<16xf32>,
        %get3A_2385 = arith.index_cast %add3A_2382 : i32 to index
        %get3A_2386 = tpu.vector_load %arg5[%get3A_2385] {strides = array<i32>} : memref<4096xi32, #tpu.memory_space<vmem>>, vector<16xi32>,
        %eq3A_2387 = arith.cmpi eq, %get3A_2386, %gather3A_1202 : vector<16xi32>
        %add3A_2388 = arith.constant 1.002000e+00 : f32
        %add3A_2389 = vector.broadcast %add3A_2388 : f32 to vector<16xf32>
        %add3A_2390 = arith.addf %get3A_2384, %add3A_2389 : vector<16xf32>
        %mul3A_2391 = arith.constant 63.8722572 : f32
        %mul3A_2392 = vector.broadcast %mul3A_2391 : f32 to vector<16xf32>
        %mul3A_2393 = arith.mulf %add3A_2390, %mul3A_2392 : vector<16xf32>
        %jit3A_2394 = arith.constant 0.000000e+00 : f32
        %jit3A_2395 = arith.constant 1.270000e+02 : f32
        %max3A_2396 = vector.broadcast %jit3A_2394 : f32 to vector<16xf32>
        %max3A_2397 = arith.maximumf %max3A_2396, %mul3A_2393 : vector<16xf32>
        %min3A_2398 = vector.broadcast %jit3A_2395 : f32 to vector<16xf32>
        %min3A_2399 = arith.minimumf %min3A_2398, %max3A_2397 : vector<16xf32>
        %convert_element_type3A_2400 = arith.fptosi %min3A_2399 : vector<16xf32> to vector<16xi32>
        %sub3A_2401 = arith.constant 1.000000e+00 : f32
        %sub3A_2402 = vector.broadcast %sub3A_2401 : f32 to vector<16xf32>
        %sub3A_2403 = arith.subf %get3A_2384, %sub3A_2402 : vector<16xf32>
        %mul3A_2404 = arith.constant 14.2857141 : f32
        %mul3A_2405 = vector.broadcast %mul3A_2404 : f32 to vector<16xf32>
        %mul3A_2406 = arith.mulf %sub3A_2403, %mul3A_2405 : vector<16xf32>
        %exp3A_2407 = math.exp %mul3A_2406 : vector<16xf32>
        %lt3A_2408 = vector.broadcast %select_n3A_2103 : i32 to vector<16xi32>
        %lt3A_2409 = arith.cmpi slt, %convert_element_type3A_2400, %lt3A_2408 : vector<16xi32>
        %and3A_2410 = arith.andi %eq3A_2387, %lt3A_2409 : vector<16xi1>
        %not3A_2411 = arith.constant dense<true> : vector<16xi1>
        %not3A_2412 = arith.xori %eq3A_2387, %not3A_2411 : vector<16xi1>
        %gt3A_2413 = vector.broadcast %select_n3A_2105 : i32 to vector<16xi32>
        %gt3A_2414 = arith.cmpi sgt, %convert_element_type3A_2400, %gt3A_2413 : vector<16xi32>
        %and3A_2415 = arith.andi %not3A_2412, %gt3A_2414 : vector<16xi1>
        %jit3A_2416 = arith.constant 0.000000e+00 : f32
        %broadcast_in_dim3A_2417 = vector.broadcast %jit3A_2416 : f32 to vector<16xf32>
        %select_n3A_2418 = arith.select %and3A_2410, %get3A_2384, %broadcast_in_dim3A_2417 : vector<16xi1>, vector<16xf32>
        %add3A_2419 = arith.addf %add3A_2372, %select_n3A_2418 : vector<16xf32>
        %jit3A_2420 = arith.constant 0.000000e+00 : f32
        %broadcast_in_dim3A_2421 = vector.broadcast %jit3A_2420 : f32 to vector<16xf32>
        %select_n3A_2422 = arith.select %and3A_2410, %exp3A_2407, %broadcast_in_dim3A_2421 : vector<16xi1>, vector<16xf32>
        %add3A_2423 = arith.addf %add3A_2376, %select_n3A_2422 : vector<16xf32>
        %jit3A_2424 = arith.constant 0.000000e+00 : f32
        %broadcast_in_dim3A_2425 = vector.broadcast %jit3A_2424 : f32 to vector<16xf32>
        %select_n3A_2426 = arith.select %and3A_2415, %exp3A_2407, %broadcast_in_dim3A_2425 : vector<16xi1>, vector<16xf32>
        %add3A_2427 = arith.addf %add3A_2380, %select_n3A_2426 : vector<16xf32>
        %add3A_2428 = arith.constant 32 : i32
        %add3A_2429 = arith.addi %multiple_of3A_2334, %add3A_2428 : i32
        %get3A_2430 = arith.index_cast %add3A_2429 : i32 to index
        %get3A_2431 = tpu.vector_load %arg7[%get3A_2430] {strides = array<i32>} : memref<4096xf32, #tpu.memory_space<vmem>>, vector<16xf32>,
        %get3A_2432 = arith.index_cast %add3A_2429 : i32 to index
        %get3A_2433 = tpu.vector_load %arg5[%get3A_2432] {strides = array<i32>} : memref<4096xi32, #tpu.memory_space<vmem>>, vector<16xi32>,
        %eq3A_2434 = arith.cmpi eq, %get3A_2433, %gather3A_1202 : vector<16xi32>
        %add3A_2435 = arith.constant 1.002000e+00 : f32
        %add3A_2436 = vector.broadcast %add3A_2435 : f32 to vector<16xf32>
        %add3A_2437 = arith.addf %get3A_2431, %add3A_2436 : vector<16xf32>
        %mul3A_2438 = arith.constant 63.8722572 : f32
        %mul3A_2439 = vector.broadcast %mul3A_2438 : f32 to vector<16xf32>
        %mul3A_2440 = arith.mulf %add3A_2437, %mul3A_2439 : vector<16xf32>
        %jit3A_2441 = arith.constant 0.000000e+00 : f32
        %jit3A_2442 = arith.constant 1.270000e+02 : f32
        %max3A_2443 = vector.broadcast %jit3A_2441 : f32 to vector<16xf32>
        %max3A_2444 = arith.maximumf %max3A_2443, %mul3A_2440 : vector<16xf32>
        %min3A_2445 = vector.broadcast %jit3A_2442 : f32 to vector<16xf32>
        %min3A_2446 = arith.minimumf %min3A_2445, %max3A_2444 : vector<16xf32>
        %convert_element_type3A_2447 = arith.fptosi %min3A_2446 : vector<16xf32> to vector<16xi32>
        %sub3A_2448 = arith.constant 1.000000e+00 : f32
        %sub3A_2449 = vector.broadcast %sub3A_2448 : f32 to vector<16xf32>
        %sub3A_2450 = arith.subf %get3A_2431, %sub3A_2449 : vector<16xf32>
        %mul3A_2451 = arith.constant 14.2857141 : f32
        %mul3A_2452 = vector.broadcast %mul3A_2451 : f32 to vector<16xf32>
        %mul3A_2453 = arith.mulf %sub3A_2450, %mul3A_2452 : vector<16xf32>
        %exp3A_2454 = math.exp %mul3A_2453 : vector<16xf32>
        %lt3A_2455 = vector.broadcast %select_n3A_2103 : i32 to vector<16xi32>
        %lt3A_2456 = arith.cmpi slt, %convert_element_type3A_2447, %lt3A_2455 : vector<16xi32>
        %and3A_2457 = arith.andi %eq3A_2434, %lt3A_2456 : vector<16xi1>
        %not3A_2458 = arith.constant dense<true> : vector<16xi1>
        %not3A_2459 = arith.xori %eq3A_2434, %not3A_2458 : vector<16xi1>
        %gt3A_2460 = vector.broadcast %select_n3A_2105 : i32 to vector<16xi32>
        %gt3A_2461 = arith.cmpi sgt, %convert_element_type3A_2447, %gt3A_2460 : vector<16xi32>
        %and3A_2462 = arith.andi %not3A_2459, %gt3A_2461 : vector<16xi1>
        %jit3A_2463 = arith.constant 0.000000e+00 : f32
        %broadcast_in_dim3A_2464 = vector.broadcast %jit3A_2463 : f32 to vector<16xf32>
        %select_n3A_2465 = arith.select %and3A_2457, %get3A_2431, %broadcast_in_dim3A_2464 : vector<16xi1>, vector<16xf32>
        %add3A_2466 = arith.addf %add3A_2419, %select_n3A_2465 : vector<16xf32>
        %jit3A_2467 = arith.constant 0.000000e+00 : f32
        %broadcast_in_dim3A_2468 = vector.broadcast %jit3A_2467 : f32 to vector<16xf32>
        %select_n3A_2469 = arith.select %and3A_2457, %exp3A_2454, %broadcast_in_dim3A_2468 : vector<16xi1>, vector<16xf32>
        %add3A_2470 = arith.addf %add3A_2423, %select_n3A_2469 : vector<16xf32>
        %jit3A_2471 = arith.constant 0.000000e+00 : f32
        %broadcast_in_dim3A_2472 = vector.broadcast %jit3A_2471 : f32 to vector<16xf32>
        %select_n3A_2473 = arith.select %and3A_2462, %exp3A_2454, %broadcast_in_dim3A_2472 : vector<16xi1>, vector<16xf32>
        %add3A_2474 = arith.addf %add3A_2427, %select_n3A_2473 : vector<16xf32>
        %add3A_2475 = arith.constant 48 : i32
        %add3A_2476 = arith.addi %multiple_of3A_2334, %add3A_2475 : i32
        %get3A_2477 = arith.index_cast %add3A_2476 : i32 to index
        %get3A_2478 = tpu.vector_load %arg7[%get3A_2477] {strides = array<i32>} : memref<4096xf32, #tpu.memory_space<vmem>>, vector<16xf32>,
        %get3A_2479 = arith.index_cast %add3A_2476 : i32 to index
        %get3A_2480 = tpu.vector_load %arg5[%get3A_2479] {strides = array<i32>} : memref<4096xi32, #tpu.memory_space<vmem>>, vector<16xi32>,
        %eq3A_2481 = arith.cmpi eq, %get3A_2480, %gather3A_1202 : vector<16xi32>
        %add3A_2482 = arith.constant 1.002000e+00 : f32
        %add3A_2483 = vector.broadcast %add3A_2482 : f32 to vector<16xf32>
        %add3A_2484 = arith.addf %get3A_2478, %add3A_2483 : vector<16xf32>
        %mul3A_2485 = arith.constant 63.8722572 : f32
        %mul3A_2486 = vector.broadcast %mul3A_2485 : f32 to vector<16xf32>
        %mul3A_2487 = arith.mulf %add3A_2484, %mul3A_2486 : vector<16xf32>
        %jit3A_2488 = arith.constant 0.000000e+00 : f32
        %jit3A_2489 = arith.constant 1.270000e+02 : f32
        %max3A_2490 = vector.broadcast %jit3A_2488 : f32 to vector<16xf32>
        %max3A_2491 = arith.maximumf %max3A_2490, %mul3A_2487 : vector<16xf32>
        %min3A_2492 = vector.broadcast %jit3A_2489 : f32 to vector<16xf32>
        %min3A_2493 = arith.minimumf %min3A_2492, %max3A_2491 : vector<16xf32>
        %convert_element_type3A_2494 = arith.fptosi %min3A_2493 : vector<16xf32> to vector<16xi32>
        %sub3A_2495 = arith.constant 1.000000e+00 : f32
        %sub3A_2496 = vector.broadcast %sub3A_2495 : f32 to vector<16xf32>
        %sub3A_2497 = arith.subf %get3A_2478, %sub3A_2496 : vector<16xf32>
        %mul3A_2498 = arith.constant 14.2857141 : f32
        %mul3A_2499 = vector.broadcast %mul3A_2498 : f32 to vector<16xf32>
        %mul3A_2500 = arith.mulf %sub3A_2497, %mul3A_2499 : vector<16xf32>
        %exp3A_2501 = math.exp %mul3A_2500 : vector<16xf32>
        %lt3A_2502 = vector.broadcast %select_n3A_2103 : i32 to vector<16xi32>
        %lt3A_2503 = arith.cmpi slt, %convert_element_type3A_2494, %lt3A_2502 : vector<16xi32>
        %and3A_2504 = arith.andi %eq3A_2481, %lt3A_2503 : vector<16xi1>
        %not3A_2505 = arith.constant dense<true> : vector<16xi1>
        %not3A_2506 = arith.xori %eq3A_2481, %not3A_2505 : vector<16xi1>
        %gt3A_2507 = vector.broadcast %select_n3A_2105 : i32 to vector<16xi32>
        %gt3A_2508 = arith.cmpi sgt, %convert_element_type3A_2494, %gt3A_2507 : vector<16xi32>
        %and3A_2509 = arith.andi %not3A_2506, %gt3A_2508 : vector<16xi1>
        %jit3A_2510 = arith.constant 0.000000e+00 : f32
        %broadcast_in_dim3A_2511 = vector.broadcast %jit3A_2510 : f32 to vector<16xf32>
        %select_n3A_2512 = arith.select %and3A_2504, %get3A_2478, %broadcast_in_dim3A_2511 : vector<16xi1>, vector<16xf32>
        %add3A_2513 = arith.addf %add3A_2466, %select_n3A_2512 : vector<16xf32>
        %jit3A_2514 = arith.constant 0.000000e+00 : f32
        %broadcast_in_dim3A_2515 = vector.broadcast %jit3A_2514 : f32 to vector<16xf32>
        %select_n3A_2516 = arith.select %and3A_2504, %exp3A_2501, %broadcast_in_dim3A_2515 : vector<16xi1>, vector<16xf32>
        %add3A_2517 = arith.addf %add3A_2470, %select_n3A_2516 : vector<16xf32>
        %jit3A_2518 = arith.constant 0.000000e+00 : f32
        %broadcast_in_dim3A_2519 = vector.broadcast %jit3A_2518 : f32 to vector<16xf32>
        %select_n3A_2520 = arith.select %and3A_2509, %exp3A_2501, %broadcast_in_dim3A_2519 : vector<16xi1>, vector<16xf32>
        %add3A_2521 = arith.addf %add3A_2474, %select_n3A_2520 : vector<16xf32>
        scf.yield %add3A_2513, %add3A_2517, %add3A_2521 : vector<16xf32>, vector<16xf32>, vector<16xf32>
      }
      %scan3A_2150 = arith.constant 64 : i32
      %reduce_sum3A_2151 = arith.constant true
      %reduce_sum3A_2152 = vector.broadcast %reduce_sum3A_2151 : i1 to vector<16xi1>
      %reduce_sum3A_2153 = tpu.scan <sum>, %scan3A_2149#0 masked %reduce_sum3A_2152 : vector<16xf32>, vector<16xi1> -> vector<16xf32>
      %reduce_sum3A_2154 = vector.extract %reduce_sum3A_2153[15] : f32 from vector<16xf32>
      %reduce_sum3A_2155 = arith.constant true
      %reduce_sum3A_2156 = vector.broadcast %reduce_sum3A_2155 : i1 to vector<16xi1>
      %reduce_sum3A_2157 = tpu.scan <sum>, %scan3A_2149#1 masked %reduce_sum3A_2156 : vector<16xf32>, vector<16xi1> -> vector<16xf32>
      %reduce_sum3A_2158 = vector.extract %reduce_sum3A_2157[15] : f32 from vector<16xf32>
      %reduce_sum3A_2159 = arith.constant true
      %reduce_sum3A_2160 = vector.broadcast %reduce_sum3A_2159 : i1 to vector<16xi1>
      %reduce_sum3A_2161 = tpu.scan <sum>, %scan3A_2149#2 masked %reduce_sum3A_2160 : vector<16xf32>, vector<16xi1> -> vector<16xf32>
      %reduce_sum3A_2162 = vector.extract %reduce_sum3A_2161[15] : f32 from vector<16xf32>
      %convert_element_type3A_2163 = arith.sitofp %select_n3A_2103 : i32 to f32
      %add3A_2164 = arith.constant 5.000000e-01 : f32
      %add3A_2165 = arith.addf %convert_element_type3A_2163, %add3A_2164 : f32
      %mul3A_2166 = arith.constant 0.0156562496 : f32
      %mul3A_2167 = arith.mulf %add3A_2165, %mul3A_2166 : f32
      %sub3A_2168 = arith.constant 1.002000e+00 : f32
      %sub3A_2169 = arith.subf %mul3A_2167, %sub3A_2168 : f32
      %convert_element_type3A_2170 = arith.sitofp %select_n3A_2105 : i32 to f32
      %add3A_2171 = arith.constant 5.000000e-01 : f32
      %add3A_2172 = arith.addf %convert_element_type3A_2170, %add3A_2171 : f32
      %mul3A_2173 = arith.constant 0.0156562496 : f32
      %mul3A_2174 = arith.mulf %add3A_2172, %mul3A_2173 : f32
      %sub3A_2175 = arith.constant 1.002000e+00 : f32
      %sub3A_2176 = arith.subf %mul3A_2174, %sub3A_2175 : f32
      %sub3A_2177 = arith.subf %select_n3A_2099, %add3A_1742 : f32
      %jit3A_2178 = arith.constant 0.000000e+00 : f32
      %select_n3A_2179 = arith.select %gt3A_1428, %sub3A_2177, %jit3A_2178 : f32
      %sub3A_2180 = arith.subf %select_n3A_2101, %add3A_2097 : f32
      %jit3A_2181 = arith.constant 0.000000e+00 : f32
      %select_n3A_2182 = arith.select %gt3A_1770, %sub3A_2180, %jit3A_2181 : f32
      %sub3A_2183 = arith.constant 1.000000e+00 : f32
      %sub3A_2184 = arith.subf %sub3A_2169, %sub3A_2183 : f32
      %mul3A_2185 = arith.constant 14.2857141 : f32
      %mul3A_2186 = arith.mulf %sub3A_2184, %mul3A_2185 : f32
      %broadcast_in_dim3A_2187 = vector.broadcast %mul3A_2186 : f32 to vector<16xf32>
      %exp3A_2188 = math.exp %broadcast_in_dim3A_2187 : vector<16xf32>
      %iota3A_2189 = tpu.iota {dimensions = array<i32: 0>} : vector<16xi32>
      %eq3A_2190 = arith.constant 0 : i32
      %eq3A_2191 = vector.broadcast %eq3A_2190 : i32 to vector<16xi32>
      %eq3A_2192 = arith.cmpi eq, %iota3A_2189, %eq3A_2191 : vector<16xi32>
      %mul3A_2193 = arith.constant 0 : i32
      %mul3A_2194 = vector.broadcast %mul3A_2193 : i32 to vector<16xi32>
      %mul3A_2195 = arith.muli %iota3A_2189, %mul3A_2194 : vector<16xi32>
      %convert_element_type3A_2196 = arith.sitofp %mul3A_2195 : vector<16xi32> to vector<16xf32>
      %add3A_2197 = arith.addf %exp3A_2188, %convert_element_type3A_2196 : vector<16xf32>
      %mul3A_2198 = arith.constant 0.000000e+00 : f32
      %mul3A_2199 = vector.broadcast %mul3A_2198 : f32 to vector<16xf32>
      %mul3A_2200 = arith.mulf %mul3A_2199, %exp3A_2188 : vector<16xf32>
      %select_n3A_2201 = arith.select %eq3A_2192, %add3A_2197, %mul3A_2200 : vector<16xi1>, vector<16xf32>
      %reduce_sum3A_2202 = arith.constant true
      %reduce_sum3A_2203 = vector.broadcast %reduce_sum3A_2202 : i1 to vector<16xi1>
      %reduce_sum3A_2204 = tpu.scan <sum>, %select_n3A_2201 masked %reduce_sum3A_2203 : vector<16xf32>, vector<16xi1> -> vector<16xf32>
      %reduce_sum3A_2205 = vector.extract %reduce_sum3A_2204[15] : f32 from vector<16xf32>
      %sub3A_2206 = arith.constant 1.000000e+00 : f32
      %sub3A_2207 = arith.subf %sub3A_2176, %sub3A_2206 : f32
      %mul3A_2208 = arith.constant 14.2857141 : f32
      %mul3A_2209 = arith.mulf %sub3A_2207, %mul3A_2208 : f32
      %broadcast_in_dim3A_2210 = vector.broadcast %mul3A_2209 : f32 to vector<16xf32>
      %exp3A_2211 = math.exp %broadcast_in_dim3A_2210 : vector<16xf32>
      %iota3A_2212 = tpu.iota {dimensions = array<i32: 0>} : vector<16xi32>
      %eq3A_2213 = arith.constant 0 : i32
      %eq3A_2214 = vector.broadcast %eq3A_2213 : i32 to vector<16xi32>
      %eq3A_2215 = arith.cmpi eq, %iota3A_2212, %eq3A_2214 : vector<16xi32>
      %mul3A_2216 = arith.constant 0 : i32
      %mul3A_2217 = vector.broadcast %mul3A_2216 : i32 to vector<16xi32>
      %mul3A_2218 = arith.muli %iota3A_2212, %mul3A_2217 : vector<16xi32>
      %convert_element_type3A_2219 = arith.sitofp %mul3A_2218 : vector<16xi32> to vector<16xf32>
      %add3A_2220 = arith.addf %exp3A_2211, %convert_element_type3A_2219 : vector<16xf32>
      %mul3A_2221 = arith.constant 0.000000e+00 : f32
      %mul3A_2222 = vector.broadcast %mul3A_2221 : f32 to vector<16xf32>
      %mul3A_2223 = arith.mulf %mul3A_2222, %exp3A_2211 : vector<16xf32>
      %select_n3A_2224 = arith.select %eq3A_2215, %add3A_2220, %mul3A_2223 : vector<16xi1>, vector<16xf32>
      %reduce_sum3A_2225 = arith.constant true
      %reduce_sum3A_2226 = vector.broadcast %reduce_sum3A_2225 : i1 to vector<16xi1>
      %reduce_sum3A_2227 = tpu.scan <sum>, %select_n3A_2224 masked %reduce_sum3A_2226 : vector<16xf32>, vector<16xi1> -> vector<16xf32>
      %reduce_sum3A_2228 = vector.extract %reduce_sum3A_2227[15] : f32 from vector<16xf32>
      %mul3A_2229 = arith.mulf %select_n3A_2179, %sub3A_2169 : f32
      %add3A_2230 = arith.addf %reduce_sum3A_2154, %mul3A_2229 : f32
      %mul3A_2231 = arith.mulf %select_n3A_2179, %reduce_sum3A_2205 : f32
      %add3A_2232 = arith.addf %reduce_sum3A_2158, %mul3A_2231 : f32
      %add3A_2233 = arith.addf %add3A_2232, %reduce_sum3A_2162 : f32
      %mul3A_2234 = arith.mulf %select_n3A_2182, %reduce_sum3A_2228 : f32
      %add3A_2235 = arith.addf %add3A_2233, %mul3A_2234 : f32
      %max3A_2236 = arith.constant 9.99999991E-38 : f32
      %max3A_2237 = arith.maximumf %add3A_2235, %max3A_2236 : f32
      %broadcast_in_dim3A_2238 = vector.broadcast %max3A_2237 : f32 to vector<16xf32>
      %bitcast3A_2239 = vector.bitcast %broadcast_in_dim3A_2238 : vector<16xf32> to vector<16xi32>
      %shift_right_arithmetic3A_2240 = arith.constant 23 : i32
      %shift_right_arithmetic3A_2241 = vector.broadcast %shift_right_arithmetic3A_2240 : i32 to vector<16xi32>
      %shift_right_arithmetic3A_2242 = arith.shrsi %bitcast3A_2239, %shift_right_arithmetic3A_2241 : vector<16xi32>
      %and3A_2243 = arith.constant 255 : i32
      %and3A_2244 = vector.broadcast %and3A_2243 : i32 to vector<16xi32>
      %and3A_2245 = arith.andi %shift_right_arithmetic3A_2242, %and3A_2244 : vector<16xi32>
      %sub3A_2246 = arith.constant 127 : i32
      %sub3A_2247 = vector.broadcast %sub3A_2246 : i32 to vector<16xi32>
      %sub3A_2248 = arith.subi %and3A_2245, %sub3A_2247 : vector<16xi32>
      %and3A_2249 = arith.constant 8388607 : i32
      %and3A_2250 = vector.broadcast %and3A_2249 : i32 to vector<16xi32>
      %and3A_2251 = arith.andi %bitcast3A_2239, %and3A_2250 : vector<16xi32>
      %or3A_2252 = arith.constant 1065353216 : i32
      %or3A_2253 = vector.broadcast %or3A_2252 : i32 to vector<16xi32>
      %or3A_2254 = arith.ori %and3A_2251, %or3A_2253 : vector<16xi32>
      %bitcast3A_2255 = vector.bitcast %or3A_2254 : vector<16xi32> to vector<16xf32>
      %sub3A_2256 = arith.constant 1.000000e+00 : f32
      %sub3A_2257 = vector.broadcast %sub3A_2256 : f32 to vector<16xf32>
      %sub3A_2258 = arith.subf %bitcast3A_2255, %sub3A_2257 : vector<16xf32>
      %add3A_2259 = arith.constant 1.000000e+00 : f32
      %add3A_2260 = vector.broadcast %add3A_2259 : f32 to vector<16xf32>
      %add3A_2261 = arith.addf %bitcast3A_2255, %add3A_2260 : vector<16xf32>
      %div3A_2262 = arith.divf %sub3A_2258, %add3A_2261 : vector<16xf32>
      %mul3A_2263 = arith.mulf %div3A_2262, %div3A_2262 : vector<16xf32>
      %mul3A_2264 = arith.constant 2.000000e+00 : f32
      %mul3A_2265 = vector.broadcast %mul3A_2264 : f32 to vector<16xf32>
      %mul3A_2266 = arith.mulf %mul3A_2265, %div3A_2262 : vector<16xf32>
      %div3A_2267 = arith.constant 9.000000e+00 : f32
      %div3A_2268 = vector.broadcast %div3A_2267 : f32 to vector<16xf32>
      %div3A_2269 = arith.divf %mul3A_2263, %div3A_2268 : vector<16xf32>
      %add3A_2270 = arith.constant 0.142857149 : f32
      %add3A_2271 = vector.broadcast %add3A_2270 : f32 to vector<16xf32>
      %add3A_2272 = arith.addf %add3A_2271, %div3A_2269 : vector<16xf32>
      %mul3A_2273 = arith.mulf %mul3A_2263, %add3A_2272 : vector<16xf32>
      %add3A_2274 = arith.constant 2.000000e-01 : f32
      %add3A_2275 = vector.broadcast %add3A_2274 : f32 to vector<16xf32>
      %add3A_2276 = arith.addf %add3A_2275, %mul3A_2273 : vector<16xf32>
      %mul3A_2277 = arith.mulf %mul3A_2263, %add3A_2276 : vector<16xf32>
      %add3A_2278 = arith.constant 0.333333343 : f32
      %add3A_2279 = vector.broadcast %add3A_2278 : f32 to vector<16xf32>
      %add3A_2280 = arith.addf %add3A_2279, %mul3A_2277 : vector<16xf32>
      %mul3A_2281 = arith.mulf %mul3A_2263, %add3A_2280 : vector<16xf32>
      %add3A_2282 = arith.constant 1.000000e+00 : f32
      %add3A_2283 = vector.broadcast %add3A_2282 : f32 to vector<16xf32>
      %add3A_2284 = arith.addf %add3A_2283, %mul3A_2281 : vector<16xf32>
      %mul3A_2285 = arith.mulf %mul3A_2266, %add3A_2284 : vector<16xf32>
      %convert_element_type3A_2286 = arith.sitofp %sub3A_2248 : vector<16xi32> to vector<16xf32>
      %mul3A_2287 = arith.constant 0.693147182 : f32
      %mul3A_2288 = vector.broadcast %mul3A_2287 : f32 to vector<16xf32>
      %mul3A_2289 = arith.mulf %convert_element_type3A_2286, %mul3A_2288 : vector<16xf32>
      %add3A_2290 = arith.addf %mul3A_2289, %mul3A_2285 : vector<16xf32>
      %iota3A_2291 = tpu.iota {dimensions = array<i32: 0>} : vector<16xi32>
      %eq3A_2292 = arith.constant 0 : i32
      %eq3A_2293 = vector.broadcast %eq3A_2292 : i32 to vector<16xi32>
      %eq3A_2294 = arith.cmpi eq, %iota3A_2291, %eq3A_2293 : vector<16xi32>
      %mul3A_2295 = arith.constant 0 : i32
      %mul3A_2296 = vector.broadcast %mul3A_2295 : i32 to vector<16xi32>
      %mul3A_2297 = arith.muli %iota3A_2291, %mul3A_2296 : vector<16xi32>
      %convert_element_type3A_2298 = arith.sitofp %mul3A_2297 : vector<16xi32> to vector<16xf32>
      %add3A_2299 = arith.addf %add3A_2290, %convert_element_type3A_2298 : vector<16xf32>
      %mul3A_2300 = arith.constant 0.000000e+00 : f32
      %mul3A_2301 = vector.broadcast %mul3A_2300 : f32 to vector<16xf32>
      %mul3A_2302 = arith.mulf %mul3A_2301, %add3A_2290 : vector<16xf32>
      %select_n3A_2303 = arith.select %eq3A_2294, %add3A_2299, %mul3A_2302 : vector<16xi1>, vector<16xf32>
      %reduce_sum3A_2304 = arith.constant true
      %reduce_sum3A_2305 = vector.broadcast %reduce_sum3A_2304 : i1 to vector<16xi1>
      %reduce_sum3A_2306 = tpu.scan <sum>, %select_n3A_2303 masked %reduce_sum3A_2305 : vector<16xf32>, vector<16xi1> -> vector<16xf32>
      %reduce_sum3A_2307 = vector.extract %reduce_sum3A_2306[15] : f32 from vector<16xf32>
      %add3A_2308 = arith.constant 14.2857141 : f32
      %add3A_2309 = arith.addf %add3A_2308, %reduce_sum3A_2307 : f32
      %mul3A_2310 = arith.mulf %select_n3A_2099, %add3A_2309 : f32
      %mul3A_2311 = arith.constant 14.2857141 : f32
      %mul3A_2312 = arith.mulf %add3A_2230, %mul3A_2311 : f32
      %sub3A_2313 = arith.subf %mul3A_2310, %mul3A_2312 : f32
      %ne3A_2314 = arith.constant 0.000000e+00 : f32
      %ne3A_2315 = arith.cmpf one, %sub3A_2313, %ne3A_2314 : f32
      %jit3A_2316 = arith.constant 1.000000e+00 : f32
      %jit3A_2317 = arith.constant 0.000000e+00 : f32
      %select_n3A_2318 = arith.select %ne3A_2315, %jit3A_2316, %jit3A_2317 : f32
      %lt3A_2319 = arith.constant 19 : i32
      %lt3A_2320 = arith.cmpi slt, %scan3A_75, %lt3A_2319 : i32
      %convert_element_type3A_2321 = arith.extui %lt3A_2320 : i1 to i32
      %cond3A_2322 = arith.constant 0 : i32
      %cond3A_2323 = arith.cmpi ne, %convert_element_type3A_2321, %cond3A_2322 : i32
      scf.if %cond3A_2323 {
        %add3A_2328 = arith.constant 3 : i32
        %add3A_2329 = arith.addi %add3A_80, %add3A_2328 : i32
        %dma_start3A_2330 = arith.constant 0 : i32
        %dma_start3A_2331 = tpu.memref_slice %arg2[%add3A_2329, %dma_start3A_2330] : memref<1280x4096xf32, #tpu.memory_space<hbm>> -> memref<1x4096xf32, #tpu.memory_space<hbm>>
        %dma_start3A_2332 = tpu.memref_squeeze %dma_start3A_2331 : memref<1x4096xf32, #tpu.memory_space<hbm>> -> memref<4096xf32, #tpu.memory_space<hbm>>
        %dma_start3A_2333 = arith.constant 0 : i32
        %dma_start3A_2334 = tpu.memref_slice %arg2[%add3A_2329, %dma_start3A_2333] : memref<1280x4096xf32, #tpu.memory_space<hbm>> -> memref<1x4096xf32, #tpu.memory_space<hbm>>
        %dma_start3A_2335 = tpu.memref_squeeze %dma_start3A_2334 : memref<1x4096xf32, #tpu.memory_space<hbm>> -> memref<4096xf32, #tpu.memory_space<hbm>>
        tpu.enqueue_dma source(%dma_start3A_2335 : memref<4096xf32, #tpu.memory_space<hbm>>) target(%arg7 : memref<4096xf32, #tpu.memory_space<vmem>>) target_semaphore(%arg12 : memref<!tpu.dma_semaphore, #tpu.memory_space<semaphore_mem>>)
      } else {
      }
      %add3A_2324 = arith.addf %scan3A_76, %sub3A_1180 : f32
      %add3A_2325 = arith.addf %add3A_2324, %sub3A_2313 : f32
      %add3A_2326 = arith.addf %scan3A_77, %select_n3A_1184 : f32
      %add3A_2327 = arith.addf %add3A_2326, %select_n3A_2318 : f32
      scf.yield %add3A_2325, %add3A_2327 : f32, f32
    }
    %scan3A_63 = arith.constant 20 : i32
    %eq3A = arith.constant 0 : i32
    %eq3A_64 = vector.broadcast %eq3A : i32 to vector<16xi32>
    %eq3A_65 = arith.cmpi eq, %iota3A, %eq3A_64 : vector<16xi32>
    %eq3A_66 = arith.constant 1 : i32
    %eq3A_67 = vector.broadcast %eq3A_66 : i32 to vector<16xi32>
    %eq3A_68 = arith.cmpi eq, %iota3A, %eq3A_67 : vector<16xi32>
    %jit3A = arith.constant 0.000000e+00 : f32
    %broadcast_in_dim3A_69 = vector.broadcast %scan3A_62#1 : f32 to vector<16xf32>
    %broadcast_in_dim3A_70 = vector.broadcast %jit3A : f32 to vector<16xf32>
    %select_n3A = arith.select %eq3A_68, %broadcast_in_dim3A_69, %broadcast_in_dim3A_70 : vector<16xi1>, vector<16xf32>
    %broadcast_in_dim3A_71 = vector.broadcast %scan3A_62#0 : f32 to vector<16xf32>
    %select_n3A_72 = arith.select %eq3A_65, %broadcast_in_dim3A_71, %select_n3A : vector<16xi1>, vector<16xf32>
    %swap3A_73 = arith.constant 0 : index
    %swap3A_74 = tpu.vector_load %arg10[%swap3A_73] {strides = array<i32>} : memref<16xf32, #tpu.memory_space<vmem>>, vector<16xf32>,
    tpu.vector_store %arg10[%swap3A_73], %select_n3A_72 {strides = array<i32>} : memref<16xf32, #tpu.memory_space<vmem>>, vector<16xf32>,
    "tpu.region"() ({
      %run_scoped3A = tpu.sem_alloc : memref<!tpu.dma_semaphore, #tpu.memory_space<semaphore_mem>>
      %dma_start3A_75 = arith.constant 0 : i32
      %dma_start3A_76 = tpu.memref_slice %arg4[%add3A, %dma_start3A_75] : memref<32x16xf32, #tpu.memory_space<hbm>> -> memref<1x16xf32, #tpu.memory_space<hbm>>
      %dma_start3A_77 = tpu.memref_squeeze %dma_start3A_76 : memref<1x16xf32, #tpu.memory_space<hbm>> -> memref<16xf32, #tpu.memory_space<hbm>>
      %dma_start3A_78 = arith.constant 0 : i32
      %dma_start3A_79 = tpu.memref_slice %arg4[%add3A, %dma_start3A_78] : memref<32x16xf32, #tpu.memory_space<hbm>> -> memref<1x16xf32, #tpu.memory_space<hbm>>
      %dma_start3A_80 = tpu.memref_squeeze %dma_start3A_79 : memref<1x16xf32, #tpu.memory_space<hbm>> -> memref<16xf32, #tpu.memory_space<hbm>>
      tpu.enqueue_dma source(%arg10 : memref<16xf32, #tpu.memory_space<vmem>>) target(%dma_start3A_80 : memref<16xf32, #tpu.memory_space<hbm>>) target_semaphore(%run_scoped3A : memref<!tpu.dma_semaphore, #tpu.memory_space<semaphore_mem>>)
      %dma_wait3A = arith.constant 0 : i32
      %dma_wait3A_81 = tpu.memref_slice %arg4[%add3A, %dma_wait3A] : memref<32x16xf32, #tpu.memory_space<hbm>> -> memref<1x16xf32, #tpu.memory_space<hbm>>
      %dma_wait3A_82 = tpu.memref_squeeze %dma_wait3A_81 : memref<1x16xf32, #tpu.memory_space<hbm>> -> memref<16xf32, #tpu.memory_space<hbm>>
      %dma_wait3A_83 = arith.constant 0 : i32
      %dma_wait3A_84 = tpu.memref_slice %arg4[%add3A, %dma_wait3A_83] : memref<32x16xf32, #tpu.memory_space<hbm>> -> memref<1x16xf32, #tpu.memory_space<hbm>>
      %dma_wait3A_85 = tpu.memref_squeeze %dma_wait3A_84 : memref<1x16xf32, #tpu.memory_space<hbm>> -> memref<16xf32, #tpu.memory_space<hbm>>
      tpu.wait_dma2 semaphore(%run_scoped3A : memref<!tpu.dma_semaphore, #tpu.memory_space<semaphore_mem>>) src(%arg10 : memref<16xf32, #tpu.memory_space<vmem>>) dst(%dma_wait3A_85 : memref<16xf32, #tpu.memory_space<hbm>>)
      tpu.yield
    }) : () -> ()
    return
  }
}

module attributes {stable_mosaic.version = 14 : i64} {
  func.func @_tc_sim_body(%arg0: i32, %arg1: memref<256x128xf32, #tpu.memory_space<vmem>>, %arg2: memref<128x4096xf32, #tpu.memory_space<vmem>>, %arg3: memref<256x4096xf32, #tpu.memory_space<vmem>>) attributes {dimension_semantics = [#tpu.dimension_semantics<arbitrary>], iteration_bounds = array<i64: 5>, scalar_prefetch = 0 : i64, scratch_operands = 0 : i64, tpu.core_type = #tpu.core_type<tc>, window_params = [{transform_indices = @transform_0, window_bounds = array<i64: 256, 128>}, {pipeline_mode = #tpu.pipeline_mode<synchronous>, transform_indices = @transform_1, window_bounds = array<i64: 128, 4096>}, {transform_indices = @transform_2, window_bounds = array<i64: 256, 4096>}]} {
    %get3A = arith.constant 0 : index
    %get3A_0 = arith.constant 0 : index
    %get3A_1 = vector.load %arg1[%get3A, %get3A_0] : memref<256x128xf32, #tpu.memory_space<vmem>>, vector<256x128xf32>
    %get3A_2 = arith.constant 0 : index
    %get3A_3 = arith.constant 0 : index
    %get3A_4 = vector.load %arg2[%get3A_2, %get3A_3] : memref<128x4096xf32, #tpu.memory_space<vmem>>, vector<128x4096xf32>
    %mul3A = arith.mulf %get3A_1, %get3A_1 : vector<256x128xf32>
    %reduce_sum3A = arith.constant dense<0.000000e+00> : vector<256xf32>
    %reduce_sum3A_5 = vector.multi_reduction <add>, %mul3A, %reduce_sum3A [1] : vector<256x128xf32> to vector<256xf32>
    %broadcast_in_dim3A = vector.shape_cast %reduce_sum3A_5 : vector<256xf32> to vector<256x1xf32>
    %sqrt3A = math.sqrt %broadcast_in_dim3A : vector<256x1xf32>
    %max3A = arith.constant 9.99999996E-13 : f32
    %max3A_6 = vector.broadcast %max3A : f32 to vector<256x1xf32>
    %max3A_7 = arith.maximumf %sqrt3A, %max3A_6 : vector<256x1xf32>
    %div3A = vector.broadcast %max3A_7 : vector<256x1xf32> to vector<256x128xf32>
    %div3A_8 = arith.divf %get3A_1, %div3A : vector<256x128xf32>
    %mul3A_9 = arith.mulf %get3A_4, %get3A_4 : vector<128x4096xf32>
    %reduce_sum3A_10 = arith.constant dense<0.000000e+00> : vector<4096xf32>
    %reduce_sum3A_11 = vector.multi_reduction <add>, %mul3A_9, %reduce_sum3A_10 [0] : vector<128x4096xf32> to vector<4096xf32>
    %broadcast_in_dim3A_12 = vector.shape_cast %reduce_sum3A_11 : vector<4096xf32> to vector<1x4096xf32>
    %sqrt3A_13 = math.sqrt %broadcast_in_dim3A_12 : vector<1x4096xf32>
    %max3A_14 = arith.constant 9.99999996E-13 : f32
    %max3A_15 = vector.broadcast %max3A_14 : f32 to vector<1x4096xf32>
    %max3A_16 = arith.maximumf %sqrt3A_13, %max3A_15 : vector<1x4096xf32>
    %div3A_17 = vector.broadcast %max3A_16 : vector<1x4096xf32> to vector<128x4096xf32>
    %div3A_18 = arith.divf %get3A_4, %div3A_17 : vector<128x4096xf32>
    %dot_general3A = arith.constant dense<0.000000e+00> : vector<256x4096xf32>
    %dot_general3A_19 = tpu.matmul %div3A_8, %div3A_18, %dot_general3A {dimension_numbers = #tpu.dot_dimension_numbers<[1], [0], [0], [1], [0, 0, 1, 1], [], []>, transpose_lhs_hint = false} : vector<256x128xf32>, vector<128x4096xf32>, vector<256x4096xf32> -> vector<256x4096xf32>
    %swap3A = arith.constant 0 : index
    %swap3A_20 = arith.constant 0 : index
    %swap3A_21 = vector.load %arg3[%swap3A, %swap3A_20] : memref<256x4096xf32, #tpu.memory_space<vmem>>, vector<256x4096xf32>
    tpu.vector_store %arg3[%swap3A, %swap3A_20], %dot_general3A_19 {strides = array<i32>} : memref<256x4096xf32, #tpu.memory_space<vmem>>, vector<256x4096xf32>,
    return
  }
  func.func @transform_0(%arg0: i32) -> (i32, i32) {
    %c0_i32 = arith.constant 0 : i32
    %c0_i32_0 = arith.constant 0 : i32
    return %arg0, %c0_i32 : i32, i32
  }
  func.func @transform_1(%arg0: i32) -> (i32, i32) {
    %c0_i32 = arith.constant 0 : i32
    %c0_i32_0 = arith.constant 0 : i32
    %c0_i32_1 = arith.constant 0 : i32
    return %c0_i32, %c0_i32_0 : i32, i32
  }
  func.func @transform_2(%arg0: i32) -> (i32, i32) {
    %c0_i32 = arith.constant 0 : i32
    %c0_i32_0 = arith.constant 0 : i32
    return %arg0, %c0_i32 : i32, i32
  }
}

module attributes {stable_mosaic.version = 14 : i64} {
  func.func @body(%arg0: i32, %arg1: memref<256x128xf32, #tpu.memory_space<vmem>>, %arg2: memref<128x4096xf32, #tpu.memory_space<vmem>>, %arg3: memref<256x1xf32, #tpu.memory_space<vmem>>, %arg4: memref<1x4096xf32, #tpu.memory_space<vmem>>, %arg5: memref<1x1xf32, #tpu.memory_space<vmem>>, %arg6: memref<1x1xf32, #tpu.memory_space<vmem>>) attributes {dimension_semantics = [#tpu.dimension_semantics<arbitrary>], iteration_bounds = array<i64: 11>, scalar_prefetch = 0 : i64, scratch_operands = 0 : i64, tpu.core_type = #tpu.core_type<tc>, window_params = [{transform_indices = @transform_0, window_bounds = array<i64: 256, 128>}, {pipeline_mode = #tpu.pipeline_mode<synchronous>, transform_indices = @transform_1, window_bounds = array<i64: 128, 4096>}, {transform_indices = @transform_2, window_bounds = array<i64: 256, 1>}, {pipeline_mode = #tpu.pipeline_mode<synchronous>, transform_indices = @transform_3, window_bounds = array<i64: 1, 4096>}, {pipeline_mode = #tpu.pipeline_mode<synchronous>, transform_indices = @transform_4, window_bounds = array<i64: 1, 1>}, {pipeline_mode = #tpu.pipeline_mode<synchronous>, transform_indices = @transform_5, window_bounds = array<i64: 1, 1>}]} {
    %get3A = arith.constant 0 : index
    %get3A_0 = arith.constant 0 : index
    %get3A_1 = vector.load %arg1[%get3A, %get3A_0] : memref<256x128xf32, #tpu.memory_space<vmem>>, vector<256x128xf32>
    %get3A_2 = arith.constant 0 : index
    %get3A_3 = arith.constant 0 : index
    %get3A_4 = vector.load %arg2[%get3A_2, %get3A_3] : memref<128x4096xf32, #tpu.memory_space<vmem>>, vector<128x4096xf32>
    %mul3A = arith.mulf %get3A_1, %get3A_1 : vector<256x128xf32>
    %reduce_sum3A = arith.constant dense<0.000000e+00> : vector<256xf32>
    %reduce_sum3A_5 = vector.multi_reduction <add>, %mul3A, %reduce_sum3A [1] : vector<256x128xf32> to vector<256xf32>
    %broadcast_in_dim3A = vector.shape_cast %reduce_sum3A_5 : vector<256xf32> to vector<256x1xf32>
    %sqrt3A = math.sqrt %broadcast_in_dim3A : vector<256x1xf32>
    %max3A = arith.constant 9.99999996E-13 : f32
    %max3A_6 = vector.broadcast %max3A : f32 to vector<256x1xf32>
    %max3A_7 = arith.maximumf %sqrt3A, %max3A_6 : vector<256x1xf32>
    %div3A = vector.broadcast %max3A_7 : vector<256x1xf32> to vector<256x128xf32>
    %div3A_8 = arith.divf %get3A_1, %div3A : vector<256x128xf32>
    %mul3A_9 = arith.mulf %get3A_4, %get3A_4 : vector<128x4096xf32>
    %reduce_sum3A_10 = arith.constant dense<0.000000e+00> : vector<4096xf32>
    %reduce_sum3A_11 = vector.multi_reduction <add>, %mul3A_9, %reduce_sum3A_10 [0] : vector<128x4096xf32> to vector<4096xf32>
    %broadcast_in_dim3A_12 = vector.shape_cast %reduce_sum3A_11 : vector<4096xf32> to vector<1x4096xf32>
    %sqrt3A_13 = math.sqrt %broadcast_in_dim3A_12 : vector<1x4096xf32>
    %max3A_14 = arith.constant 9.99999996E-13 : f32
    %max3A_15 = vector.broadcast %max3A_14 : f32 to vector<1x4096xf32>
    %max3A_16 = arith.maximumf %sqrt3A_13, %max3A_15 : vector<1x4096xf32>
    %div3A_17 = vector.broadcast %max3A_16 : vector<1x4096xf32> to vector<128x4096xf32>
    %div3A_18 = arith.divf %get3A_4, %div3A_17 : vector<128x4096xf32>
    %dot_general3A = arith.constant dense<0.000000e+00> : vector<256x4096xf32>
    %dot_general3A_19 = tpu.matmul %div3A_8, %div3A_18, %dot_general3A {dimension_numbers = #tpu.dot_dimension_numbers<[1], [0], [0], [1], [0, 0, 1, 1], [], []>, transpose_lhs_hint = false} : vector<256x128xf32>, vector<128x4096xf32>, vector<256x4096xf32> -> vector<256x4096xf32>
    %get3A_20 = arith.constant 0 : index
    %get3A_21 = arith.constant 0 : index
    %get3A_22 = vector.load %arg3[%get3A_20, %get3A_21] : memref<256x1xf32, #tpu.memory_space<vmem>>, vector<256x1xf32>
    %get3A_23 = arith.constant 0 : index
    %get3A_24 = arith.constant 0 : index
    %get3A_25 = vector.load %arg4[%get3A_23, %get3A_24] : memref<1x4096xf32, #tpu.memory_space<vmem>>, vector<1x4096xf32>
    %eq3A = vector.broadcast %get3A_22 : vector<256x1xf32> to vector<256x4096xf32>
    %eq3A_26 = vector.broadcast %get3A_25 : vector<1x4096xf32> to vector<256x4096xf32>
    %eq3A_27 = arith.cmpf oeq, %eq3A, %eq3A_26 : vector<256x4096xf32>
    %jit3A = arith.constant 2.000000e+00 : f32
    %broadcast_in_dim3A_28 = vector.broadcast %jit3A : f32 to vector<256x4096xf32>
    %select_n3A = arith.select %eq3A_27, %dot_general3A_19, %broadcast_in_dim3A_28 : vector<256x4096xi1>, vector<256x4096xf32>
    %jit3A_29 = arith.constant -2.000000e+00 : f32
    %broadcast_in_dim3A_30 = vector.broadcast %jit3A_29 : f32 to vector<256x4096xf32>
    %select_n3A_31 = arith.select %eq3A_27, %broadcast_in_dim3A_30, %dot_general3A_19 : vector<256x4096xi1>, vector<256x4096xf32>
    %jit3A_32 = arith.constant 1.000000e+00 : f32
    %jit3A_33 = arith.constant 0.000000e+00 : f32
    %broadcast_in_dim3A_34 = vector.broadcast %jit3A_32 : f32 to vector<256x4096xf32>
    %broadcast_in_dim3A_35 = vector.broadcast %jit3A_33 : f32 to vector<256x4096xf32>
    %select_n3A_36 = arith.select %eq3A_27, %broadcast_in_dim3A_34, %broadcast_in_dim3A_35 : vector<256x4096xi1>, vector<256x4096xf32>
    %reduce_sum3A_37 = arith.constant dense<0.000000e+00> : vector<256xf32>
    %reduce_sum3A_38 = vector.multi_reduction <add>, %select_n3A_36, %reduce_sum3A_37 [1] : vector<256x4096xf32> to vector<256xf32>
    %broadcast_in_dim3A_39 = vector.shape_cast %reduce_sum3A_38 : vector<256xf32> to vector<256x1xf32>
    %min3A = arith.constant 8.000000e+00 : f32
    %min3A_40 = vector.broadcast %min3A : f32 to vector<256x1xf32>
    %min3A_41 = arith.minimumf %broadcast_in_dim3A_39, %min3A_40 : vector<256x1xf32>
    %sub3A = arith.constant 4.096000e+03 : f32
    %sub3A_42 = vector.broadcast %sub3A : f32 to vector<256x1xf32>
    %sub3A_43 = arith.subf %sub3A_42, %broadcast_in_dim3A_39 : vector<256x1xf32>
    %min3A_44 = arith.constant 6.400000e+01 : f32
    %min3A_45 = vector.broadcast %min3A_44 : f32 to vector<256x1xf32>
    %min3A_46 = arith.minimumf %sub3A_43, %min3A_45 : vector<256x1xf32>
    %broadcast_in_dim3A_47 = arith.constant -1.002000e+00 : f32
    %broadcast_in_dim3A_48 = vector.broadcast %broadcast_in_dim3A_47 : f32 to vector<256x1xf32>
    %broadcast_in_dim3A_49 = arith.constant 1.002000e+00 : f32
    %broadcast_in_dim3A_50 = vector.broadcast %broadcast_in_dim3A_49 : f32 to vector<256x1xf32>
    %scan3A = arith.constant 0 : i32
    %scan3A_51 = arith.constant 13 : i32
    %scan3A_52 = arith.addi %scan3A, %scan3A_51 : i32
    %scan3A_53 = arith.constant 1 : i32
    %scan3A_54:4 = scf.for %scan3A_151 = %scan3A to %scan3A_52 step %scan3A_53 iter_args(%scan3A_152 = %broadcast_in_dim3A_48, %scan3A_153 = %broadcast_in_dim3A_50, %scan3A_154 = %broadcast_in_dim3A_48, %scan3A_155 = %broadcast_in_dim3A_50) -> (vector<256x1xf32>, vector<256x1xf32>, vector<256x1xf32>, vector<256x1xf32>)  : i32 {
      %add3A_156 = arith.addf %scan3A_152, %scan3A_153 : vector<256x1xf32>
      %mul3A_157 = arith.constant 5.000000e-01 : f32
      %mul3A_158 = vector.broadcast %mul3A_157 : f32 to vector<256x1xf32>
      %mul3A_159 = arith.mulf %mul3A_158, %add3A_156 : vector<256x1xf32>
      %add3A_160 = arith.addf %scan3A_154, %scan3A_155 : vector<256x1xf32>
      %mul3A_161 = arith.constant 5.000000e-01 : f32
      %mul3A_162 = vector.broadcast %mul3A_161 : f32 to vector<256x1xf32>
      %mul3A_163 = arith.mulf %mul3A_162, %add3A_160 : vector<256x1xf32>
      %le3A_164 = vector.broadcast %mul3A_159 : vector<256x1xf32> to vector<256x4096xf32>
      %le3A_165 = arith.cmpf ole, %select_n3A, %le3A_164 : vector<256x4096xf32>
      %jit3A_166 = arith.constant 1.000000e+00 : f32
      %jit3A_167 = arith.constant 0.000000e+00 : f32
      %broadcast_in_dim3A_168 = vector.broadcast %jit3A_166 : f32 to vector<256x4096xf32>
      %broadcast_in_dim3A_169 = vector.broadcast %jit3A_167 : f32 to vector<256x4096xf32>
      %select_n3A_170 = arith.select %le3A_165, %broadcast_in_dim3A_168, %broadcast_in_dim3A_169 : vector<256x4096xi1>, vector<256x4096xf32>
      %reduce_sum3A_171 = arith.constant dense<0.000000e+00> : vector<256xf32>
      %reduce_sum3A_172 = vector.multi_reduction <add>, %select_n3A_170, %reduce_sum3A_171 [1] : vector<256x4096xf32> to vector<256xf32>
      %broadcast_in_dim3A_173 = vector.shape_cast %reduce_sum3A_172 : vector<256xf32> to vector<256x1xf32>
      %ge3A_174 = vector.broadcast %mul3A_163 : vector<256x1xf32> to vector<256x4096xf32>
      %ge3A_175 = arith.cmpf oge, %select_n3A_31, %ge3A_174 : vector<256x4096xf32>
      %jit3A_176 = arith.constant 1.000000e+00 : f32
      %jit3A_177 = arith.constant 0.000000e+00 : f32
      %broadcast_in_dim3A_178 = vector.broadcast %jit3A_176 : f32 to vector<256x4096xf32>
      %broadcast_in_dim3A_179 = vector.broadcast %jit3A_177 : f32 to vector<256x4096xf32>
      %select_n3A_180 = arith.select %ge3A_175, %broadcast_in_dim3A_178, %broadcast_in_dim3A_179 : vector<256x4096xi1>, vector<256x4096xf32>
      %reduce_sum3A_181 = arith.constant dense<0.000000e+00> : vector<256xf32>
      %reduce_sum3A_182 = vector.multi_reduction <add>, %select_n3A_180, %reduce_sum3A_181 [1] : vector<256x4096xf32> to vector<256xf32>
      %broadcast_in_dim3A_183 = vector.shape_cast %reduce_sum3A_182 : vector<256xf32> to vector<256x1xf32>
      %ge3A_184 = arith.cmpf oge, %broadcast_in_dim3A_173, %min3A_41 : vector<256x1xf32>
      %select_n3A_185 = arith.select %ge3A_184, %mul3A_159, %scan3A_153 : vector<256x1xi1>, vector<256x1xf32>
      %select_n3A_186 = arith.select %ge3A_184, %scan3A_152, %mul3A_159 : vector<256x1xi1>, vector<256x1xf32>
      %ge3A_187 = arith.cmpf oge, %broadcast_in_dim3A_183, %min3A_46 : vector<256x1xf32>
      %select_n3A_188 = arith.select %ge3A_187, %mul3A_163, %scan3A_154 : vector<256x1xi1>, vector<256x1xf32>
      %select_n3A_189 = arith.select %ge3A_187, %scan3A_155, %mul3A_163 : vector<256x1xi1>, vector<256x1xf32>
      scf.yield %select_n3A_186, %select_n3A_185, %select_n3A_188, %select_n3A_189 : vector<256x1xf32>, vector<256x1xf32>, vector<256x1xf32>, vector<256x1xf32>
    }
    %sub3A_55 = arith.constant 1.000000e+00 : f32
    %sub3A_56 = vector.broadcast %sub3A_55 : f32 to vector<256x4096xf32>
    %sub3A_57 = arith.subf %dot_general3A_19, %sub3A_56 : vector<256x4096xf32>
    %div3A_58 = arith.constant 7.000000e-02 : f32
    %div3A_59 = vector.broadcast %div3A_58 : f32 to vector<256x4096xf32>
    %div3A_60 = arith.divf %sub3A_57, %div3A_59 : vector<256x4096xf32>
    %exp3A = math.exp %div3A_60 : vector<256x4096xf32>
    %le3A = vector.broadcast %scan3A_54#1 : vector<256x1xf32> to vector<256x4096xf32>
    %le3A_61 = arith.cmpf ole, %select_n3A, %le3A : vector<256x4096xf32>
    %jit3A_62 = arith.constant 1.000000e+00 : f32
    %jit3A_63 = arith.constant 0.000000e+00 : f32
    %broadcast_in_dim3A_64 = vector.broadcast %jit3A_62 : f32 to vector<256x4096xf32>
    %broadcast_in_dim3A_65 = vector.broadcast %jit3A_63 : f32 to vector<256x4096xf32>
    %select_n3A_66 = arith.select %le3A_61, %broadcast_in_dim3A_64, %broadcast_in_dim3A_65 : vector<256x4096xi1>, vector<256x4096xf32>
    %reduce_sum3A_67 = arith.constant dense<0.000000e+00> : vector<256xf32>
    %reduce_sum3A_68 = vector.multi_reduction <add>, %select_n3A_66, %reduce_sum3A_67 [1] : vector<256x4096xf32> to vector<256xf32>
    %broadcast_in_dim3A_69 = vector.shape_cast %reduce_sum3A_68 : vector<256xf32> to vector<256x1xf32>
    %sub3A_70 = arith.subf %broadcast_in_dim3A_69, %min3A_41 : vector<256x1xf32>
    %jit3A_71 = arith.constant 0.000000e+00 : f32
    %broadcast_in_dim3A_72 = vector.broadcast %jit3A_71 : f32 to vector<256x4096xf32>
    %select_n3A_73 = arith.select %le3A_61, %dot_general3A_19, %broadcast_in_dim3A_72 : vector<256x4096xi1>, vector<256x4096xf32>
    %reduce_sum3A_74 = arith.constant dense<0.000000e+00> : vector<256xf32>
    %reduce_sum3A_75 = vector.multi_reduction <add>, %select_n3A_73, %reduce_sum3A_74 [1] : vector<256x4096xf32> to vector<256xf32>
    %broadcast_in_dim3A_76 = vector.shape_cast %reduce_sum3A_75 : vector<256xf32> to vector<256x1xf32>
    %mul3A_77 = arith.mulf %sub3A_70, %scan3A_54#1 : vector<256x1xf32>
    %sub3A_78 = arith.subf %broadcast_in_dim3A_76, %mul3A_77 : vector<256x1xf32>
    %jit3A_79 = arith.constant 0.000000e+00 : f32
    %broadcast_in_dim3A_80 = vector.broadcast %jit3A_79 : f32 to vector<256x4096xf32>
    %select_n3A_81 = arith.select %le3A_61, %exp3A, %broadcast_in_dim3A_80 : vector<256x4096xi1>, vector<256x4096xf32>
    %reduce_sum3A_82 = arith.constant dense<0.000000e+00> : vector<256xf32>
    %reduce_sum3A_83 = vector.multi_reduction <add>, %select_n3A_81, %reduce_sum3A_82 [1] : vector<256x4096xf32> to vector<256xf32>
    %broadcast_in_dim3A_84 = vector.shape_cast %reduce_sum3A_83 : vector<256xf32> to vector<256x1xf32>
    %sub3A_85 = arith.constant 1.000000e+00 : f32
    %sub3A_86 = vector.broadcast %sub3A_85 : f32 to vector<256x1xf32>
    %sub3A_87 = arith.subf %scan3A_54#1, %sub3A_86 : vector<256x1xf32>
    %div3A_88 = arith.constant 7.000000e-02 : f32
    %div3A_89 = vector.broadcast %div3A_88 : f32 to vector<256x1xf32>
    %div3A_90 = arith.divf %sub3A_87, %div3A_89 : vector<256x1xf32>
    %exp3A_91 = math.exp %div3A_90 : vector<256x1xf32>
    %mul3A_92 = arith.mulf %sub3A_70, %exp3A_91 : vector<256x1xf32>
    %sub3A_93 = arith.subf %broadcast_in_dim3A_84, %mul3A_92 : vector<256x1xf32>
    %ge3A = vector.broadcast %scan3A_54#2 : vector<256x1xf32> to vector<256x4096xf32>
    %ge3A_94 = arith.cmpf oge, %select_n3A_31, %ge3A : vector<256x4096xf32>
    %jit3A_95 = arith.constant 1.000000e+00 : f32
    %jit3A_96 = arith.constant 0.000000e+00 : f32
    %broadcast_in_dim3A_97 = vector.broadcast %jit3A_95 : f32 to vector<256x4096xf32>
    %broadcast_in_dim3A_98 = vector.broadcast %jit3A_96 : f32 to vector<256x4096xf32>
    %select_n3A_99 = arith.select %ge3A_94, %broadcast_in_dim3A_97, %broadcast_in_dim3A_98 : vector<256x4096xi1>, vector<256x4096xf32>
    %reduce_sum3A_100 = arith.constant dense<0.000000e+00> : vector<256xf32>
    %reduce_sum3A_101 = vector.multi_reduction <add>, %select_n3A_99, %reduce_sum3A_100 [1] : vector<256x4096xf32> to vector<256xf32>
    %broadcast_in_dim3A_102 = vector.shape_cast %reduce_sum3A_101 : vector<256xf32> to vector<256x1xf32>
    %jit3A_103 = arith.constant 0.000000e+00 : f32
    %broadcast_in_dim3A_104 = vector.broadcast %jit3A_103 : f32 to vector<256x4096xf32>
    %select_n3A_105 = arith.select %ge3A_94, %exp3A, %broadcast_in_dim3A_104 : vector<256x4096xi1>, vector<256x4096xf32>
    %reduce_sum3A_106 = arith.constant dense<0.000000e+00> : vector<256xf32>
    %reduce_sum3A_107 = vector.multi_reduction <add>, %select_n3A_105, %reduce_sum3A_106 [1] : vector<256x4096xf32> to vector<256xf32>
    %broadcast_in_dim3A_108 = vector.shape_cast %reduce_sum3A_107 : vector<256xf32> to vector<256x1xf32>
    %sub3A_109 = arith.subf %broadcast_in_dim3A_102, %min3A_46 : vector<256x1xf32>
    %sub3A_110 = arith.constant 1.000000e+00 : f32
    %sub3A_111 = vector.broadcast %sub3A_110 : f32 to vector<256x1xf32>
    %sub3A_112 = arith.subf %scan3A_54#2, %sub3A_111 : vector<256x1xf32>
    %div3A_113 = arith.constant 7.000000e-02 : f32
    %div3A_114 = vector.broadcast %div3A_113 : f32 to vector<256x1xf32>
    %div3A_115 = arith.divf %sub3A_112, %div3A_114 : vector<256x1xf32>
    %exp3A_116 = math.exp %div3A_115 : vector<256x1xf32>
    %mul3A_117 = arith.mulf %sub3A_109, %exp3A_116 : vector<256x1xf32>
    %sub3A_118 = arith.subf %broadcast_in_dim3A_108, %mul3A_117 : vector<256x1xf32>
    %add3A = arith.addf %sub3A_93, %sub3A_118 : vector<256x1xf32>
    %max3A_119 = arith.constant 9.99999991E-38 : f32
    %max3A_120 = vector.broadcast %max3A_119 : f32 to vector<256x1xf32>
    %max3A_121 = arith.maximumf %add3A, %max3A_120 : vector<256x1xf32>
    %log3A = math.log %max3A_121 : vector<256x1xf32>
    %add3A_122 = arith.constant 14.2857141 : f32
    %add3A_123 = vector.broadcast %add3A_122 : f32 to vector<256x1xf32>
    %add3A_124 = arith.addf %add3A_123, %log3A : vector<256x1xf32>
    %mul3A_125 = arith.mulf %min3A_41, %add3A_124 : vector<256x1xf32>
    %div3A_126 = arith.constant 7.000000e-02 : f32
    %div3A_127 = vector.broadcast %div3A_126 : f32 to vector<256x1xf32>
    %div3A_128 = arith.divf %sub3A_78, %div3A_127 : vector<256x1xf32>
    %sub3A_129 = arith.subf %mul3A_125, %div3A_128 : vector<256x1xf32>
    %ne3A = arith.constant 0.000000e+00 : f32
    %ne3A_130 = vector.broadcast %ne3A : f32 to vector<256x1xf32>
    %ne3A_131 = arith.cmpf one, %sub3A_129, %ne3A_130 : vector<256x1xf32>
    %jit3A_132 = arith.constant 1.000000e+00 : f32
    %jit3A_133 = arith.constant 0.000000e+00 : f32
    %broadcast_in_dim3A_134 = vector.broadcast %jit3A_132 : f32 to vector<256x1xf32>
    %broadcast_in_dim3A_135 = vector.broadcast %jit3A_133 : f32 to vector<256x1xf32>
    %select_n3A_136 = arith.select %ne3A_131, %broadcast_in_dim3A_134, %broadcast_in_dim3A_135 : vector<256x1xi1>, vector<256x1xf32>
    %reduce_sum3A_137 = arith.constant dense<0.000000e+00> : vector<1xf32>
    %reduce_sum3A_138 = vector.multi_reduction <add>, %sub3A_129, %reduce_sum3A_137 [0] : vector<256x1xf32> to vector<1xf32>
    %broadcast_in_dim3A_139 = vector.shape_cast %reduce_sum3A_138 : vector<1xf32> to vector<1x1xf32>
    %reduce_sum3A_140 = arith.constant dense<0.000000e+00> : vector<1xf32>
    %reduce_sum3A_141 = vector.multi_reduction <add>, %select_n3A_136, %reduce_sum3A_140 [0] : vector<256x1xf32> to vector<1xf32>
    %broadcast_in_dim3A_142 = vector.shape_cast %reduce_sum3A_141 : vector<1xf32> to vector<1x1xf32>
    %eq3A_143 = arith.constant 0 : i32
    %eq3A_144 = arith.cmpi eq, %arg0, %eq3A_143 : i32
    %convert_element_type3A = arith.extui %eq3A_144 : i1 to i32
    %cond3A = arith.constant 0 : i32
    %cond3A_145 = arith.cmpi ne, %convert_element_type3A, %cond3A : i32
    scf.if %cond3A_145 {
      %swap3A = arith.constant 0 : index
      %swap3A_151 = arith.constant 0 : index
      %swap3A_152 = vector.load %arg5[%swap3A, %swap3A_151] : memref<1x1xf32, #tpu.memory_space<vmem>>, vector<1x1xf32>
      tpu.vector_store %arg5[%swap3A, %swap3A_151], %broadcast_in_dim3A_139 {strides = array<i32>} : memref<1x1xf32, #tpu.memory_space<vmem>>, vector<1x1xf32>,
      %swap3A_153 = arith.constant 0 : index
      %swap3A_154 = arith.constant 0 : index
      %swap3A_155 = vector.load %arg6[%swap3A_153, %swap3A_154] : memref<1x1xf32, #tpu.memory_space<vmem>>, vector<1x1xf32>
      tpu.vector_store %arg6[%swap3A_153, %swap3A_154], %broadcast_in_dim3A_142 {strides = array<i32>} : memref<1x1xf32, #tpu.memory_space<vmem>>, vector<1x1xf32>,
    } else {
    }
    %ne3A_146 = arith.constant 0 : i32
    %ne3A_147 = arith.cmpi ne, %arg0, %ne3A_146 : i32
    %convert_element_type3A_148 = arith.extui %ne3A_147 : i1 to i32
    %cond3A_149 = arith.constant 0 : i32
    %cond3A_150 = arith.cmpi ne, %convert_element_type3A_148, %cond3A_149 : i32
    scf.if %cond3A_150 {
      %get3A_151 = arith.constant 0 : index
      %get3A_152 = arith.constant 0 : index
      %get3A_153 = vector.load %arg5[%get3A_151, %get3A_152] : memref<1x1xf32, #tpu.memory_space<vmem>>, vector<1x1xf32>
      %add3A_154 = arith.addf %get3A_153, %broadcast_in_dim3A_139 : vector<1x1xf32>
      %swap3A = arith.constant 0 : index
      %swap3A_155 = arith.constant 0 : index
      %swap3A_156 = vector.load %arg5[%swap3A, %swap3A_155] : memref<1x1xf32, #tpu.memory_space<vmem>>, vector<1x1xf32>
      tpu.vector_store %arg5[%swap3A, %swap3A_155], %add3A_154 {strides = array<i32>} : memref<1x1xf32, #tpu.memory_space<vmem>>, vector<1x1xf32>,
      %get3A_157 = arith.constant 0 : index
      %get3A_158 = arith.constant 0 : index
      %get3A_159 = vector.load %arg6[%get3A_157, %get3A_158] : memref<1x1xf32, #tpu.memory_space<vmem>>, vector<1x1xf32>
      %add3A_160 = arith.addf %get3A_159, %broadcast_in_dim3A_142 : vector<1x1xf32>
      %swap3A_161 = arith.constant 0 : index
      %swap3A_162 = arith.constant 0 : index
      %swap3A_163 = vector.load %arg6[%swap3A_161, %swap3A_162] : memref<1x1xf32, #tpu.memory_space<vmem>>, vector<1x1xf32>
      tpu.vector_store %arg6[%swap3A_161, %swap3A_162], %add3A_160 {strides = array<i32>} : memref<1x1xf32, #tpu.memory_space<vmem>>, vector<1x1xf32>,
    } else {
    }
    return
  }
  func.func @transform_0(%arg0: i32) -> (i32, i32) {
    %c0_i32 = arith.constant 0 : i32
    %c0_i32_0 = arith.constant 0 : i32
    return %arg0, %c0_i32 : i32, i32
  }
  func.func @transform_1(%arg0: i32) -> (i32, i32) {
    %c0_i32 = arith.constant 0 : i32
    %c0_i32_0 = arith.constant 0 : i32
    %c0_i32_1 = arith.constant 0 : i32
    return %c0_i32, %c0_i32_0 : i32, i32
  }
  func.func @transform_2(%arg0: i32) -> (i32, i32) {
    %c0_i32 = arith.constant 0 : i32
    %c0_i32_0 = arith.constant 0 : i32
    return %arg0, %c0_i32 : i32, i32
  }
  func.func @transform_3(%arg0: i32) -> (i32, i32) {
    %c0_i32 = arith.constant 0 : i32
    %c0_i32_0 = arith.constant 0 : i32
    %c0_i32_1 = arith.constant 0 : i32
    return %c0_i32, %c0_i32_0 : i32, i32
  }
  func.func @transform_4(%arg0: i32) -> (i32, i32) {
    %c0_i32 = arith.constant 0 : i32
    %c0_i32_0 = arith.constant 0 : i32
    %c0_i32_1 = arith.constant 0 : i32
    return %c0_i32, %c0_i32_0 : i32, i32
  }
  func.func @transform_5(%arg0: i32) -> (i32, i32) {
    %c0_i32 = arith.constant 0 : i32
    %c0_i32_0 = arith.constant 0 : i32
    %c0_i32_1 = arith.constant 0 : i32
    return %c0_i32, %c0_i32_0 : i32, i32
  }
}

</mosaic_0001>

<sc_bundles>
// kernel: kernel.5.cloned.1.call-start
scs
__scs_entry_jumppad:
0x0: {  	(pc) =	sbr.rel $0x88, $3  }
0x1: {  	(tag) =	ssettag $0x0;
	lr =	simm.s32 $0x1  }
0x2: {  	[smem:$0x3F9E] =	sst lr;
	_ =	strace $0xD0000000  }
0x3: {  	_ = 	snop  }
0x4: {  	_ = 	snop  }
0x5: {  	_ = 	snop  }
0x6: {  	_ = 	snop  }
0x7: {  	_ = 	snop  }
__scs_overlays_trampoline_lowered:
0x8: {  	[smem:$0x3FAD] =	sst s0  }
0x9: {  	[smem:$0x3FAE] =	sst s1  }
0xa: {  	[smem:$0x3FAF] =	sst s2  }
0xb: {  	[smem:$0x3FB0] =	sst s3  }
0xc: {  	[smem:$0x3FB1] =	sst s4  }
0xd: {  	[smem:$0x3FB2] =	sst s5  }
0xe: {  	[smem:$0x3FB3] =	sst s6  }
0xf: {  	[smem:$0x3FB4] =	sst s7  }
0x10: {  	[smem:$0x3FB5] =	sst s8  }
0x11: {  	[smem:$0x3FB6] =	sst s9;
	s0 =	simm.s32 @!p0 $0x0  }
0x12: {  	s1 =	sld [smem:$0x3F9C];
	s0 =	simm.s32 @p0 $0x1  }
0x13: {  	[smem:$0x3FB7] =	sst s0;
	s0 =	simm.s32 @!p1 $0x0  }
0x14: {  	s2 =	sld [smem:$0x3F9B];
	s0 =	simm.s32 @p1 $0x1  }
0x15: {  	[smem:$0x3FB8] =	sst s0;
	s0 =	simm.s32 @!p2 $0x0  }
0x16: {  	s3 =	sld [smem:$0x3FDB];
	s0 =	simm.s32 @p2 $0x1  }
0x17: {  	s4 =	simm.s32 $0x1BF5;
	[smem:$0x3FBA] =	sst s0  }
0x18: {  	s0 =	sld [smem:$0x3F9D];
	_ =	swait.ge [sflag:s4], $0x0  }
0x19: {  	s7 =	sld [smem:$0x3F9E]  }
0x1a: {  	s8 =	sadd.s32 $0xFFFFE003, lr  }
0x1b: {  	s9 =	sadd.s32 $0xFFFFFEF7, lr;
	s5 =	simm.s32 $0xFFFFFFFF;
	p2 =	slt.u32 s8, $0xFFFFF086  }
0x1c: {  	p1 =	slt.u32 s9, $0xF7A;
	s5 =	simm.s32 @!p2 $0x0  }
0x1d: {  	s5 =	simm.s32 @p1 $0x1;
	p0 =	seq.s32 s7, s2  }
0x1e: {  	s7 =	smul.u32 @!p0 $0xF7A, s2;
	p2 =	seq.s32 @!p0 s5, $0x0  }
0x1f: {  	s9 =	smul.u32 $0xF7A, s1;
	s8 =	simm.s32 @!p0 $0x1BF5;
	p2 =	por !p2, p0  }
0x20: {  	[sflag:s8] =	ssyncset.s32 @!p0 $0xFFFFF086;
	s6 =	sadd.s32 @!p0 s3, s7;
	s7 =	simm.s32 @!p0 $0x108  }
0x21: {  	s3 =	sadd.s32 s3, s9;
	s6 =	sadd.s32 @!p0 $0x88, s6;
	s7 =	simm.s32 @p2 $0x1082  }
0x22: {  	[simem:s7], [sflag:s8] =	dma.local @!p0 [hbm:s6], $0xF7A  }
0x23: {  	s9 =	sor.u32 $0xD0000000, s2;
	s6 =	simm.s32 $0x108;
	_ =	swait.ge @!p0 [sflag:s8], $0x0  }
0x24: {  	s3 =	sadd.s32 $0x88, s3;
	s6 =	simm.s32 @!p1 $0x1082;
	[sflag:s4] =	ssyncset.s32 $0xFFFFF086  }
0x25: {  	[simem:s6], [sflag:s4] =	dma.local [hbm:s3], $0xF7A  }
0x26: {  	[smem:$0x3F9E] =	sst s1;
	(tag) =	ssettag s2;
	_ =	strace s9  }
0x27: {  	s1 =	sld [smem:$0x3FAE]  }
0x28: {  	s2 =	sld [smem:$0x3FAF]  }
0x29: {  	s4 =	sld [smem:$0x3FB1]  }
0x2a: {  	p0 =	seq.s32 s5, $0x0;
	s5 =	sld [smem:$0x3FB2]  }
0x2b: {  	s6 =	sld [smem:$0x3FB3]  }
0x2c: {  	s7 =	sld [smem:$0x3FB4]  }
0x2d: {  	s3 =	simm.s32 $0x108;
	s8 =	sld [smem:$0x3FB5]  }
0x2e: {  	s3 =	simm.s32 @!p0 $0x1082;
	s9 =	sld [smem:$0x3FB6]  }
0x2f: {  	lr =	sadd.s32 s0, s3;
	s0 =	sld [smem:$0x3FAD]  }
0x30: {  	s3 =	sld [smem:$0x3FB0]  }
0x31: {  	[smem:$0x3FB9] =	sst s10  }
0x32: {  	s10 =	sld [smem:$0x3FB7];
	_ =	sdelay $0x3  }
0x33: {  	p0 =	seq.s32 s10, $0x1;
	s10 =	sld [smem:$0x3FB9];
	_ =	sdelay $0x3  }
0x34: {  	[smem:$0x3FB9] =	sst s10  }
0x35: {  	s10 =	sld [smem:$0x3FB8];
	_ =	sdelay $0x3  }
0x36: {  	p1 =	seq.s32 s10, $0x1;
	s10 =	sld [smem:$0x3FB9];
	_ =	sdelay $0x3  }
0x37: {  	[smem:$0x3FB9] =	sst s10  }
0x38: {  	s10 =	sld [smem:$0x3FBA]  }
0x39: {  	_ = 	snop;
	(pc) =	sbr.ind lr, $3  }
0x3a: {  	_ = 	snop  }
0x3b: {  	_ = 	snop  }
0x3c: {  	p2 =	seq.s32 s10, $0x1;
	s10 =	sld [smem:$0x3FB9]  }
0x3d: {  	_ =	shalt  }
0x3e: {  	_ =	shalt  }
0x3f: {  	_ =	shalt  }
0x40: {  	_ =	shalt  }
0x41: {  	_ =	shalt  }
0x42: {  	_ =	shalt  }
0x43: {  	_ =	shalt  }
0x44: {  	_ =	shalt  }
0x45: {  	_ =	shalt  }
0x46: {  	_ =	shalt  }
0x47: {  	_ =	shalt  }
0x48: {  	_ =	shalt  }
0x49: {  	_ =	shalt  }
0x4a: {  	_ =	shalt  }
0x4b: {  	_ =	shalt  }
0x4c: {  	_ =	shalt  }
0x4d: {  	_ =	shalt  }
0x4e: {  	_ =	shalt  }
0x4f: {  	_ =	shalt  }
0x50: {  	_ =	shalt  }
0x51: {  	_ =	shalt  }
0x52: {  	_ =	shalt  }
0x53: {  	_ =	shalt  }
0x54: {  	_ =	shalt  }
0x55: {  	_ =	shalt  }
0x56: {  	_ =	shalt  }
0x57: {  	_ =	shalt  }
0x58: {  	_ =	shalt  }
0x59: {  	_ =	shalt  }
0x5a: {  	_ =	shalt  }
0x5b: {  	_ =	shalt  }
0x5c: {  	_ =	shalt  }
0x5d: {  	_ =	shalt  }
0x5e: {  	_ =	shalt  }
0x5f: {  	_ =	shalt  }
0x60: {  	_ =	shalt  }
0x61: {  	_ =	shalt  }
0x62: {  	_ =	shalt  }
0x63: {  	_ =	shalt  }
0x64: {  	_ =	shalt  }
0x65: {  	_ =	shalt  }
0x66: {  	_ =	shalt  }
0x67: {  	_ =	shalt  }
0x68: {  	_ =	shalt  }
0x69: {  	_ =	shalt  }
0x6a: {  	_ =	shalt  }
0x6b: {  	_ =	shalt  }
0x6c: {  	_ =	shalt  }
0x6d: {  	_ =	shalt  }
0x6e: {  	_ =	shalt  }
0x6f: {  	_ =	shalt  }
0x70: {  	_ =	shalt  }
0x71: {  	_ =	shalt  }
0x72: {  	_ =	shalt  }
0x73: {  	_ =	shalt  }
0x74: {  	_ =	shalt  }
0x75: {  	_ =	shalt  }
0x76: {  	_ =	shalt  }
0x77: {  	_ =	shalt  }
0x78: {  	_ =	shalt  }
0x79: {  	_ =	shalt  }
0x7a: {  	_ =	shalt  }
0x7b: {  	_ =	shalt  }
0x7c: {  	_ =	shalt  }
0x7d: {  	_ =	shalt  }
0x7e: {  	_ =	shalt  }
0x7f: {  	_ =	shalt  }
0x80: {  	_ =	shalt  }
0x81: {  	_ =	shalt  }
0x82: {  	_ =	shalt  }
0x83: {  	_ =	shalt  }
0x84: {  	_ =	shalt  }
0x85: {  	_ =	shalt  }
0x86: {  	_ =	shalt  }
0x87: {  	_ =	shalt  }
.Lfunc_end0:
.L_simem_size_0:
called_computation_lowered:
.L_overlay_start_0:
0x88: {  	s2 =	sld [smem:$0x3FD9]  }
0x89: {  	s3 =	sld [smem:$0x3FFE];
	_ =	sdelay $0x1  }
0x8a: {  	s1 =	srdreg.scid  }
0x8b: {  	s0 =	sand.u32 $0x1, s1  }
0x8c: {  	s17 =	sshll.u32 s0, $0xA;
	s2 =	sadd.s32 s3, s2  }
0x8d: {  	s2 =	sadd.s32 s2, s17  }
0x8e: {  	[smem:$0x3FC5] =	sst s2  }
0x8f: {  	_ = 	snop  }
0x90: {  	s2 =	sld [smem:$0x3FC7];
	(tm) =	ssettm $0x1  }
0x91: {  	s18 =	sld [smem:$0x3FFB];
	_ =	sdelay $0x3  }
0x92: {  	_ =	strace s18  }
0x93: {  	s3 =	sld [smem:$0x3FFC];
	_ =	sdelay $0x3  }
0x94: {  	_ =	strace s3  }
0x95: {  	s3 =	sld [smem:$0x3FFD];
	_ =	sdelay $0x3  }
0x96: {  	_ =	strace s3  }
0x97: {  	_ =	strace $0x8FFFFFFF  }
0x98: {  	s19 =	sld [smem:$0x3FDB];
	_ =	sdelay $0x1  }
0x99: {  	s4 =	simm.s32 $_scs_section_size  }
0x9a: {  	s5 =	simm.s32 $_size__tile_overlayer_lowered;
	s6 =	simm.s32 $_tile_overlayer_lowered  }
0x9b: {  	s22 =	simm.s32 $0x1BFF;
	s21 =	sshll.u32 s6, $0x1;
	s3 =	sadd.s32 s4, s19  }
0x9c: {  	s7 =	simm.s32 $0x0;
	s20 =	sshll.u32 s5, $0x1;
	s5 =	sadd.s32 s21, s3  }
0x9d: {  	[timem:s7], [sflag:s22] =	dma.local [hbm:s5], s20  }
0x9e: {  	_ =	swait.ge [sflag:s22], s20  }
0x9f: {  	s4 =	ssub.s32 $0x0, s20;
	[sflag:s22] =	ssyncset.done $0x0  }
0xa0: {  	[sflag:s22] =	ssyncadd.s32 s4;
	_ =	sdelay $0x1  }
0xa1: {  	s23 =	simm.s32 $0x1B8B  }
0xa2: {  	_ =	swait.ge [sflag:s23], $0x1  }
0xa3: {  	[sflag:s23] =	ssyncset.done $0x0  }
0xa4: {  	s25 =	simm.s32 $0x1B8E;
	s24 =	sld [smem:$0x3FFE];
	[sflag:s23] =	ssyncadd.s32 $0xFFFFFFFF  }
0xa5: {  	s26 =	simm.s32 $execute0_lowered;
	[smem:$0x3FD2] =	sst s25  }
0xa6: {  	s5 =	sshll.u32 s26, $0x1;
	_ =	strace $0x80000046;
	[dreg:$0x1] =	wrdreg $0xFFFFFFFF  }
0xa7: {  	s28 =	simm.s32 $_size_execute0_lowered;
	s3 =	sadd.s32 s3, s5;
	[dreg:$0x0] =	wrdreg $0x0  }
0xa8: {  	s5 =	sshll.u32 s28, $0x1;
	[dreg:$0x2] =	wrdreg s3  }
0xa9: {  	[dreg:$0x3] =	wrdreg s5  }
0xaa: {  	[dreg:$0x4] =	wrdreg $0xC0  }
0xab: {  	_ =	task [dreg:s7], $0x5FFFF  }
0xac: {  	[dreg:$0x1] =	wrdreg $0xFFFFFFFF  }
0xad: {  	[dreg:$0x0] =	wrdreg $0x60  }
0xae: {  	[dreg:$0x2] =	wrdreg s24  }
0xaf: {  	[dreg:$0x3] =	wrdreg s2  }
0xb0: {  	[dreg:$0x4] =	wrdreg $0x9  }
0xb1: {  	_ =	task.clear_ibuf [dreg:s7], $0x5FFFF;
	_ =	strace $0x90000046  }
0xb2: {  	s29 =	simm.s32 $0x9;
	_ =	strace $0x80000048  }
0xb3: {  	_ =	swait.ge [sflag:s29], $0x1  }
0xb4: {  	[sflag:s29] =	ssyncadd.s32 $0xFFFFFFFF  }
0xb5: {  	_ =	strace $0x90000048  }
0xb6: {  	_ =	sfence  }
0xb7: {  	s30 =	sld [smem:$0x0];
	_ =	sdelay $0x2  }
0xb8: {  	s31 =	sshll.u32 s1, $0xD;
	s1 =	sshrl.u32 s1, $0x2  }
0xb9: {  	s3 =	sand.u32 $0x4000, s31;
	s1 =	sadd.s32 s1, s30  }
0xba: {  	s0 =	sor.u32 s3, s0;
	s1 =	sshll.u32 s1, $0x11  }
0xbb: {  	s0 =	sor.u32 s1, s0  }
0xbc: {  	s0 =	sadd.s32 $0x8F2B, s0  }
0xbd: {  	[sflag:s0] =	ssyncadd.remote.s32 $0x1  }
0xbe: {  	_ =	sfence.sel $0xFFFF  }
0xbf: {  	[dreg:$0x0] =	wrdreg $0xFFFFFFFF;
	(pc) =	sbr.abs _section_cstart, $3  }
0xc0: {  	[dreg:$0x1] =	wrdreg $0xFFFFFFFF  }
0xc1: {  	_ =	task.clear_ibuf [dreg:s7], $0x2FFFF;
	_ =	strace $0x9FFFFFFF  }
0xc2: {  	(tm) =	ssettm $0x7FFFFFFF  }
0xc3: {  	_ =	shalt  }
tec
execute0_lowered:
.L_overlay_start_1:
0x0: {  	(tag) =	ssettag $0x1  }
0x1: {  	s2 =	simm.s32 $0x0;
	vm1 =	vmmov $0x3;
	v3 =	vimm.s32 $0x0  }
0x2: {  	[smem:$0x7FF] =	sst s2;
	v3 =	vsel vm1, $0xFFFFFFFF, v3  }
0x3: {  	s0 =	rddreg [dreg:$0x0];
	vm11 =	vmmov $0x7;
	_ =	strace $0x80000047;
	[tilespmem:$0x1FF10] =	vst v3;
	v3 =	vimm.s32 $0x0  }
0x4: {  	v3 =	vsel vm11, $0xFFFFFFFF, v3  }
0x5: {  	vm12 =	vmmov $0xf;
	[tilespmem:$0x1FF20] =	vst v3;
	v3 =	vimm.s32 $0x0  }
0x6: {  	v0 =	vimm.f32 $9.000000000e+00;
	v1 =	vlaneseq.u32;
	v3 =	vsel vm12, $0xFFFFFFFF, v3  }
0x7: {  	vm13 =	vmmov $0x1f;
	vm14 =	vmmov $0x3f;
	[tilespmem:$0x1FF30] =	vst v3;
	v3 =	vimm.s32 $0x0  }
0x8: {  	v4 =	vimm.s32 $0x0;
	vm11 =	vmmov $0x7ff;
	v3 =	vsel vm13, $0xFFFFFFFF, v3  }
0x9: {  	vm15 =	vmmov $0x7f;
	v4 =	vsel vm11, $0xFFFFFFFF, v4;
	[tilespmem:$0x1FF40] =	vst v3;
	v3 =	vimm.s32 $0x0  }
0xa: {  	[tilespmem:$0x1FFA0] =	vst v4;
	vm12 =	vmmov $0xfff;
	v4 =	vimm.s32 $0x0;
	v3 =	vsel vm14, $0xFFFFFFFF, v3  }
0xb: {  	(erf) = vrcp.f32 v0;
	v4 =	vsel vm12, $0xFFFFFFFF, v4;
	[tilespmem:$0x1FF50] =	vst v3;
	v3 =	vimm.s32 $0x0  }
0xc: {  	[tilespmem:$0x1FFB0] =	vst v4;
	vm13 =	vmmov $0x1fff;
	v4 =	vimm.s32 $0x0;
	v3 =	vsel vm15, $0xFFFFFFFF, v3  }
0xd: {  	s4 =	srdreg.scid;
	s1 =	stileid.u32;
	vm0 =	vmmov $0xff;
	s10 =	simm.s32 $0x3;
	v4 =	vsel vm13, $0xFFFFFFFF, v4;
	[tilespmem:$0x1FF60] =	vst v3;
	v3 =	vimm.s32 $0x0  }
0xe: {  	s11 =	simm.s32 $0x80;
	s12 =	simm.s32 $0x400;
	s14 =	simm.s32 $0x2000;
	[tilespmem:$0x1FFC0] =	vst v4;
	vm14 =	vmmov $0x3fff;
	v4 =	vimm.s32 $0x0;
	v3 =	vsel vm0, $0xFFFFFFFF, v3  }
0xf: {  	vm9 =	vmmov $0x1ff;
	s15 =	simm.s32 $0x1;
	s16 =	simm.s32 $0x3000;
	s17 =	simm.s32 $0x4000;
	v4 =	vsel vm14, $0xFFFFFFFF, v4;
	[tilespmem:$0x1FF70] =	vst v3;
	v3 =	vimm.s32 $0x0  }
0x10: {  	vm7 =	vmmov $0x1;
	vm10 =	vmmov $0x3ff;
	s18 =	simm.s32 $0x2;
	s4 =	sand.u32 $0x1, s4;
	s5 =	sshll.u32 s1, $0x1;
	[tilespmem:$0x1FFD0] =	vst v4;
	v3 =	vsel vm9, $0xFFFFFFFF, v3  }
.Ltmp0:
0x11: {  	s20 =	simm.s32 $0x0;
	s6 =	sor.u32 s4, s5;
	vm15 =	vmmov $0x7fff;
	v4 =	vimm.s32 $0x0;
	[tilespmem:$0x1FF80] =	vst v3;
	v3 =	vimm.s32 $0x0;
	(pc) =	sbr.rel .LBB2_1-.Ltmp0, $4  }
0x12: {  	v6 =	vimm.s32 $0x0;
	s31 =	ssub.s32 $0x2, s4;
	s4 =	sadd.s32 $0x200, s0;
	s7 =	smul.u32 $0x5000, s6;
	v4 =	vsel vm15, $0xFFFFFFFF, v4;
	v3 =	vsel vm10, $0xFFFFFFFF, v3  }
0x13: {  	v6 =	vsel vm7, $0xFFFFFFFF, v6;
	s8 =	sshll.u32 s6, $0x4;
	s9 =	sshrl.u32 s31, $0x1;
	s6 =	smul.u32 $0x28, s6;
	[tilespmem:$0x1FF90] =	vst v3;
	v3 =	vmul.u32 $0xFFFFFFFF, v1  }
0x14: {  	v2 =	vimm.f32 $1.000000000e+00;
	[tilespmem:$0x1FFF0] =	vst v6;
	s0 =	sadd.s32 s8, s0;
	s9 =	ssub.s32 s31, s9;
	s5 =	sadd.s32 s4, s7  }
0x15: {  	v5 =	vimm.s32 $0x0;
	v0 =	vimm.f32 $0.0e+00;
	s8 =	sadd.s32 $0xA0200, s0;
	s9 =	smax.u32 s9, $0x1;
	s7 =	sadd.s32 $0x10, s5;
	[tilespmem:$0x1FFE0] =	vst v4;
	v4 =	vpop (erf);
	v3 =	vadd.s32 $0xF, v3  }
.LBB2_18:
0x16: {  	s0 =	sadd.f32 s0, s26;
	_ =	sdelay $0x1  }
0x17: {  	s1 =	sadd.f32 s29, s28;
	vm0 =	vcmask $0x300;
	v6 =	vmov s0  }
0x18: {  	vm15 =	vcmask $0x704;
	s20 =	sadd.s32 $0x1, s20;
	v6 =	vnsel vm0, $0x0, v6  }
0x19: {  	p0 =	sne.s32 s20, s9;
	v6 =	vsel vm15, s1, v6  }
.Ltmp1:
0x1a: {  	s2 =	simm.s32 $0x0;
	s31 =	simm.s32 $0x4100;
	[tilespmem:$0x4100] =	vst v6;
	(pc) =	sbr.rel @!p0 .LBB2_19-.Ltmp1, $4  }
0x1b: {  	[hbm4b:s8+s2] =	stream.linear.scatter [tilespmem:s31], [sflag:$0x3], $0x80, $0x38;
	[tilespmem:$0x4180] =	vst v63  }
0x1c: {  	_ =	swait.ge [sflag:s10], $0x80  }
0x1d: {  	[sflag:s10] =	ssyncset.done $0x0  }
0x1e: {  	[sflag:s10] =	ssyncadd.s32 $0xFFFFFF80  }
.LBB2_1:
0x1f: {  	s0 =	rddreg [dreg:$0x1]  }
0x20: {  	[tilespmem:s2], [sflag:$0x3] =	stream.linear.gather [hbm4b:s0+s2], $0x1000, $0x38;
	[tilespmem:$0x4180] =	vst v63  }
0x21: {  	_ =	swait.ge [sflag:s10], $0x1000  }
0x22: {  	[sflag:s10] =	ssyncset.done $0x0  }
0x23: {  	s21 =	simm.s32 $0x100;
	s0 =	simm.s32 $0x0;
	[sflag:s10] =	ssyncadd.s32 $0xFFFFF000  }
.LBB2_2:
0x24: {  	p0 =	sne.s32 s21, $0x3F00;
	[tilespmem:s0+$0x3030] =	vst v0;
	s22 =	smov.u32 s21;
	s21 =	sadd.s32 $0x100, s21  }
.Ltmp2:
0x25: {  	[tilespmem:s0+$0x3020] =	vst v0;
	(pc) =	sbr.rel @p0 .LBB2_2-.Ltmp2, $3  }
0x26: {  	[tilespmem:s0+$0x3000] =	vst v0  }
0x27: {  	[tilespmem:s0+$0x3010] =	vst v0;
	_ =	sdelay $0x1  }
0x28: {  	s0 =	sshra.s32 s22, $0x2  }
0x29: {  	[tilespmem:s0+$0x3030] =	vst v0  }
0x2a: {  	[tilespmem:s0+$0x3020] =	vst v0  }
0x2b: {  	[tilespmem:s0+$0x3000] =	vst v0  }
0x2c: {  	[tilespmem:s0+$0x3010] =	vst v0  }
0x2d: {  	[tilespmem:$0x4000] =	vst v0  }
0x2e: {  	[tilespmem:$0x4010] =	vst v0  }
0x2f: {  	[tilespmem:$0x4020] =	vst v0  }
0x30: {  	[tilespmem:$0x4030] =	vst v0  }
0x31: {  	[tilespmem:$0x4040] =	vst v0  }
0x32: {  	[tilespmem:$0x4050] =	vst v0  }
0x33: {  	[tilespmem:$0x4060] =	vst v0  }
0x34: {  	[tilespmem:$0x4070] =	vst v0  }
0x35: {  	[tilespmem:$0x4080] =	vst v0  }
0x36: {  	[tilespmem:$0x4090] =	vst v0  }
0x37: {  	[tilespmem:$0x40A0] =	vst v0  }
0x38: {  	[tilespmem:$0x40B0] =	vst v0  }
0x39: {  	[tilespmem:$0x40C0] =	vst v0  }
0x3a: {  	[tilespmem:$0x40D0] =	vst v0  }
0x3b: {  	[tilespmem:$0x40E0] =	vst v0  }
0x3c: {  	s31 =	simm.s32 $0x1000;
	s21 =	simm.s32 $0x0;
	[tilespmem:$0x40F0] =	vst v0  }
0x3d: {  	[tilespmem:s31], [sflag:$0x1] =	stream.strided.gather [hbm4b:s5+s11], $0x1000, s12, s11, $0x38;
	[tilespmem:$0x4180] =	vst v63  }
0x3e: {  	s23 =	simm.f32 $0.0e+00;
	s24 =	simm.f32 $0.0e+00;
	s22 =	simm.s32 $0x0  }
0x3f: {  	[tilespmem:s14], [sflag:$0x2] =	stream.strided.gather [hbm4b:s7+s11], $0x1000, s12, s11, $0x38;
	[tilespmem:$0x4180] =	vst v63  }
.LBB2_4:
0x40: {  	s0 =	sshll.u32 s22, $0x1  }
0x41: {  	s25 =	sadd.s32 s6, s0  }
0x42: {  	s0 =	sadd.s32 $0xB00, s25  }
0x43: {  	v6 =	vmov s0  }
0x44: {  	v6 =	vand.u32 $0xFFFFFFFE, v6  }
0x45: {  	v6 =	vbroadcast v6, $0x0;
	_ =	sdelay $0x2  }
0x46: {  	_ =	swait.ge [sflag:s15], $0x1000  }
0x47: {  	[sflag:s15] =	ssyncset.done $0x0  }
0x48: {  	[sflag:s15] =	ssyncadd.s32 $0xFFFFF000  }
0x49: {  	v6 =	vld.idx.msk [tilespmem:v6+s21+$0x0], $0xffff;
	_ =	sdelay $0x3  }
0x4a: {  	s0 =	simm.s32 $0x0  }
.LBB2_5:
0x4b: {  	s26 =	sshra.s32 s0, $0x2  }
0x4c: {  	v7 =	vld [tilespmem:s26+$0x1000];
	_ =	sdelay $0x4  }
0x4d: {  	v7 =	vadd.f32 $1.001999970e+00, v7;
	_ =	sdelay $0x1  }
0x4e: {  	v7 =	vmul.f32 $6.387225720e+01, v7;
	_ =	sdelay $0x1  }
0x4f: {  	v8 =	vld [tilespmem:s26+$0x0];
	v7 =	vmax.f32 v7, $0.0e+00  }
0x50: {  	v7 =	vmin.f32 v7, $1.270000000e+02  }
0x51: {  	v7 =	vtrunc.f32 v7  }
0x52: {  	v7 =	vcvt.f32.s32 v7;
	_ =	sdelay $0x1  }
0x53: {  	vm1 =	veq.s32 v8, v6;
	v8 =	vadd.s32 $0x80, v7  }
0x54: {  	v7 =	vsel vm1, v7, v8  }
0x55: {  	v8 =	vshll.u32 v7, $0x4  }
0x56: {  	v7 =	vand.u32 $0xFFFFFFF0, v7;
	v8 =	vor.u32 v1, v8  }
0x57: {  	v7 =	vor.u32 v1, v7;
	_ =	sdelay $0x3  }
0x58: {  	[tilespmem:v8+s16+$0x0] =	vst.idx.add.f32.msk $0xffff, v2  }
0x59: {  	[tilespmem:v7+s17+$0x0] =	vst.idx.add.f32.msk $0xffff, v2  }
0x5a: {  	v7 =	vld [tilespmem:s26+$0x1010];
	_ =	sdelay $0x4  }
0x5b: {  	v7 =	vadd.f32 $1.001999970e+00, v7;
	_ =	sdelay $0x1  }
0x5c: {  	v7 =	vmul.f32 $6.387225720e+01, v7;
	_ =	sdelay $0x1  }
0x5d: {  	v8 =	vld [tilespmem:s26+$0x10];
	v7 =	vmax.f32 v7, $0.0e+00  }
0x5e: {  	v7 =	vmin.f32 v7, $1.270000000e+02  }
0x5f: {  	v7 =	vtrunc.f32 v7  }
0x60: {  	v7 =	vcvt.f32.s32 v7;
	_ =	sdelay $0x1  }
0x61: {  	vm13 =	veq.s32 v8, v6;
	v8 =	vadd.s32 $0x80, v7  }
0x62: {  	v7 =	vsel vm13, v7, v8  }
0x63: {  	v8 =	vshll.u32 v7, $0x4  }
0x64: {  	v7 =	vand.u32 $0xFFFFFFF0, v7;
	v8 =	vor.u32 v1, v8  }
0x65: {  	v7 =	vor.u32 v1, v7;
	_ =	sdelay $0x3  }
0x66: {  	[tilespmem:v8+s16+$0x0] =	vst.idx.add.f32.msk $0xffff, v2  }
0x67: {  	[tilespmem:v7+s17+$0x0] =	vst.idx.add.f32.msk $0xffff, v2  }
0x68: {  	v7 =	vld [tilespmem:s26+$0x1020];
	_ =	sdelay $0x4  }
0x69: {  	v7 =	vadd.f32 $1.001999970e+00, v7;
	_ =	sdelay $0x1  }
0x6a: {  	v7 =	vmul.f32 $6.387225720e+01, v7;
	_ =	sdelay $0x1  }
0x6b: {  	v8 =	vld [tilespmem:s26+$0x20];
	v7 =	vmax.f32 v7, $0.0e+00  }
0x6c: {  	v7 =	vmin.f32 v7, $1.270000000e+02  }
0x6d: {  	v7 =	vtrunc.f32 v7  }
0x6e: {  	v7 =	vcvt.f32.s32 v7;
	_ =	sdelay $0x1  }
0x6f: {  	vm14 =	veq.s32 v8, v6;
	v8 =	vadd.s32 $0x80, v7  }
0x70: {  	v7 =	vsel vm14, v7, v8  }
0x71: {  	v8 =	vshll.u32 v7, $0x4  }
0x72: {  	v7 =	vand.u32 $0xFFFFFFF0, v7;
	v8 =	vor.u32 v1, v8  }
0x73: {  	v7 =	vor.u32 v1, v7;
	_ =	sdelay $0x3  }
0x74: {  	[tilespmem:v8+s16+$0x0] =	vst.idx.add.f32.msk $0xffff, v2  }
0x75: {  	[tilespmem:v7+s17+$0x0] =	vst.idx.add.f32.msk $0xffff, v2  }
0x76: {  	v7 =	vld [tilespmem:s26+$0x1030];
	_ =	sdelay $0x4  }
0x77: {  	v7 =	vadd.f32 $1.001999970e+00, v7;
	_ =	sdelay $0x1  }
0x78: {  	v7 =	vmul.f32 $6.387225720e+01, v7;
	_ =	sdelay $0x1  }
0x79: {  	v8 =	vld [tilespmem:s26+$0x30];
	v7 =	vmax.f32 v7, $0.0e+00  }
0x7a: {  	v7 =	vmin.f32 v7, $1.270000000e+02  }
0x7b: {  	v7 =	vtrunc.f32 v7  }
0x7c: {  	v7 =	vcvt.f32.s32 v7;
	_ =	sdelay $0x1  }
0x7d: {  	vm15 =	veq.s32 v8, v6;
	v8 =	vadd.s32 $0x80, v7  }
0x7e: {  	v7 =	vsel vm15, v7, v8  }
0x7f: {  	v8 =	vshll.u32 v7, $0x4  }
0x80: {  	v7 =	vand.u32 $0xFFFFFFF0, v7;
	v8 =	vor.u32 v1, v8  }
0x81: {  	p0 =	sne.s32 s0, $0x3F00;
	v7 =	vor.u32 v1, v7  }
.Ltmp3:
0x82: {  	_ = 	snop;
	(pc) =	sbr.rel @p0 .LBB2_5-.Ltmp3, $3  }
0x83: {  	_ =	sdelay $0x1  }
0x84: {  	[tilespmem:v8+s16+$0x0] =	vst.idx.add.f32.msk $0xffff, v2  }
0x85: {  	s0 =	sadd.s32 $0x100, s0;
	[tilespmem:v7+s17+$0x0] =	vst.idx.add.f32.msk $0xffff, v2  }
0x86: {  	v7 =	vld [tilespmem:$0x4000]  }
0x87: {  	v8 =	vld [tilespmem:$0x4010]  }
0x88: {  	v9 =	vld [tilespmem:$0x4020]  }
0x89: {  	v10 =	vld [tilespmem:$0x4030]  }
0x8a: {  	v11 =	vld [tilespmem:$0x4040]  }
0x8b: {  	(xrf2) =	vadd.scan.msk.f32 $0xffff, v7;
	v7 =	vld [tilespmem:$0x4050]  }
0x8c: {  	(xrf2) =	vadd.scan.msk.f32 $0xffff, v8;
	v8 =	vld [tilespmem:$0x4060]  }
0x8d: {  	(xrf2) =	vadd.scan.msk.f32 $0xffff, v9;
	v9 =	vld [tilespmem:$0x4070]  }
0x8e: {  	(xrf2) =	vadd.scan.msk.f32 $0xffff, v10;
	v10 =	vld [tilespmem:$0x4080]  }
0x8f: {  	(xrf2) =	vadd.scan.msk.f32 $0xffff, v11;
	v11 =	vld [tilespmem:$0x4090]  }
0x90: {  	(xrf2) =	vadd.scan.msk.f32 $0xffff, v7;
	v7 =	vld [tilespmem:$0x40A0]  }
0x91: {  	(xrf2) =	vadd.scan.msk.f32 $0xffff, v8;
	v8 =	vld [tilespmem:$0x40B0]  }
0x92: {  	(xrf2) =	vadd.scan.msk.f32 $0xffff, v9;
	v9 =	vld [tilespmem:$0x40C0]  }
0x93: {  	(xrf2) =	vadd.scan.msk.f32 $0xffff, v10;
	v10 =	vld [tilespmem:$0x40D0]  }
0x94: {  	(xrf2) =	vadd.scan.msk.f32 $0xffff, v11;
	v11 =	vld [tilespmem:$0x40E0]  }
0x95: {  	v12, _, _ =	vpop (xrf2);
	(xrf2) =	vadd.scan.msk.f32 $0xffff, v7  }
0x96: {  	v7, _, _ =	vpop (xrf2);
	(xrf2) =	vadd.scan.msk.f32 $0xffff, v8  }
0x97: {  	v8 =	vbroadcast v12, $0xF;
	v12, _, _ =	vpop (xrf2);
	(xrf2) =	vadd.scan.msk.f32 $0xffff, v9  }
0x98: {  	v13, _, _ =	vpop (xrf2);
	(xrf2) =	vadd.scan.msk.f32 $0xffff, v10  }
0x99: {  	v10, _, _ =	vpop (xrf2);
	(xrf2) =	vadd.scan.msk.f32 $0xffff, v11;
	v11 =	vld [tilespmem:$0x1FF10];
	_ =	sdelay $0x2  }
0x9a: {  	v7 =	vbroadcast v7, $0xF  }
0x9b: {  	v12 =	vbroadcast v12, $0xF  }
0x9c: {  	v7 =	vsel vm7, v8, v7;
	vm1 =	vnez.u8 v11  }
0x9d: {  	v7 =	vsel vm1, v7, v12;
	v12 =	vld [tilespmem:$0x1FF20];
	_ =	sdelay $0x4  }
0x9e: {  	vm4 =	vnez.u8 v12;
	v12 =	vld [tilespmem:$0x1FF30]  }
0x9f: {  	v9 =	vld [tilespmem:$0x40F0];
	_ =	sdelay $0x1  }
0xa0: {  	v8 =	vbroadcast v13, $0xF  }
0xa1: {  	v10 =	vbroadcast v10, $0xF;
	v11, _, _ =	vpop (xrf2)  }
0xa2: {  	v7 =	vsel vm4, v7, v8;
	v8 =	vbroadcast v11, $0xF;
	v11, _, _ =	vpop (xrf2);
	vm5 =	vnez.u8 v12  }
0xa3: {  	v7 =	vsel vm5, v7, v10;
	v10 =	vbroadcast v11, $0xF;
	v11, _, _ =	vpop (xrf2);
	(xrf2) =	vadd.scan.msk.f32 $0xffff, v9;
	v9 =	vld [tilespmem:$0x1FF40];
	_ =	sdelay $0x4  }
0xa4: {  	vm6 =	vnez.u8 v9  }
0xa5: {  	v7 =	vsel vm6, v7, v8;
	v8 =	vbroadcast v11, $0xF;
	v11 =	vld [tilespmem:$0x1FF50];
	_ =	sdelay $0x4  }
0xa6: {  	vm8 =	vnez.u8 v11;
	v11 =	vld [tilespmem:$0x1FF60];
	_ =	sdelay $0x4  }
0xa7: {  	vm9 =	vnez.u8 v11;
	v11 =	vld [tilespmem:$0x1FF70];
	_ =	sdelay $0x4  }
0xa8: {  	vm0 =	vnez.u8 v11;
	v11 =	vld [tilespmem:$0x1FF80];
	_ =	sdelay $0x4  }
0xa9: {  	vm10 =	vnez.u8 v11;
	v11 =	vld [tilespmem:$0x1FF90];
	_ =	sdelay $0x4  }
0xaa: {  	vm11 =	vnez.u8 v11;
	v11 =	vld [tilespmem:$0x1FFA0];
	_ =	sdelay $0x3  }
0xab: {  	v9, _, _ =	vpop (xrf2)  }
0xac: {  	v9 =	vbroadcast v9, $0xF;
	v7 =	vsel vm8, v7, v10;
	v10, _, _ =	vpop (xrf2);
	vm12 =	vnez.u8 v11;
	v11 =	vld [tilespmem:$0x1FFB0]  }
0xad: {  	v7 =	vsel vm9, v7, v8;
	v8 =	vbroadcast v10, $0xF;
	v10, _, _ =	vpop (xrf2)  }
0xae: {  	v7 =	vsel vm0, v7, v9;
	v9 =	vbroadcast v10, $0xF;
	v10, _, _ =	vpop (xrf2)  }
0xaf: {  	v7 =	vsel vm10, v7, v8;
	v8 =	vbroadcast v10, $0xF;
	v10, _, _ =	vpop (xrf2)  }
0xb0: {  	v7 =	vsel vm11, v7, v9;
	v9 =	vbroadcast v10, $0xF;
	v10, _, _ =	vpop (xrf2)  }
0xb1: {  	v7 =	vsel vm12, v7, v8;
	v8 =	vbroadcast v10, $0xF;
	v10, _, _ =	vpop (xrf2);
	vm13 =	vnez.u8 v11  }
0xb2: {  	v7 =	vsel vm13, v7, v9;
	v9 =	vbroadcast v10, $0xF;
	v10 =	vld [tilespmem:$0x1FFC0];
	_ =	sdelay $0x4  }
0xb3: {  	vm14 =	vnez.u8 v10  }
0xb4: {  	v7 =	vsel vm14, v7, v8;
	v8 =	vld [tilespmem:$0x1FFD0];
	_ =	sdelay $0x4  }
0xb5: {  	vm15 =	vnez.u8 v8  }
0xb6: {  	v7 =	vsel vm15, v7, v9;
	v9 =	vld [tilespmem:$0x1FFE0];
	_ =	sdelay $0x4  }
0xb7: {  	v8, _, _ =	vpop (xrf2);
	vm2 =	vnez.u8 v9  }
0xb8: {  	v9 =	vsel vm2, v7, v8  }
0xb9: {  	v8 =	vnsel vm0, $0x0, v9  }
0xba: {  	(xrf2) =	vadd.scan.msk.f32 $0xffff, v8;
	_ =	sdelay $0x9  }
0xbb: {  	v7, _, _ =	vpop (xrf2)  }
0xbc: {  	vm3 =	vge.f32 v7, $8.000000000e+00  }
0xbd: {  	v10 =	vmctz.xlane vm3;
	_ =	sdelay $0x1  }
0xbe: {  	v10 =	vnsel vm7, $0x0, v10  }
0xbf: {  	(xrf0) =	vadd.scan.msk.s32 $0xffff, v10;
	_ =	sdelay $0x5  }
0xc0: {  	v10, _, _ =	vpop (xrf0)  }
0xc1: {  	(v2sf) =	vpush v10, $0xF;
	_ =	sdelay $0xe  }
0xc2: {  	s26 =	spop (v2sf)  }
0xc3: {  	p0 =	slt.s32 s26, $0x7  }
0xc4: {  	s26 =	simm.s32 @!p0 $0x7  }
0xc5: {  	s0 =	sshll.u32 s26, $0xA  }
0xc6: {  	s0 =	sshra.s32 s0, $0x2  }
0xc7: {  	v10 =	vld [tilespmem:s0+$0x3000]  }
0xc8: {  	v13 =	vimm.s32 $0x0;
	v11 =	vld [tilespmem:s0+$0x3010]  }
0xc9: {  	v13 =	vsel vm3, $0xFFFFFFFF, v13;
	v12 =	vld [tilespmem:s0+$0x3020]  }
0xca: {  	v8 =	vsel vm3, $0x0, v8;
	[tilespmem:$0x1FF00] =	vst v13;
	v13 =	vld [tilespmem:s0+$0x3030]  }
0xcb: {  	(xrf2) =	vadd.scan.msk.f32 $0xffff, v8;
	v8 =	vld [tilespmem:s0+$0x3040]  }
0xcc: {  	(xrf2) =	vadd.scan.msk.f32 $0xffff, v10;
	v10 =	vld [tilespmem:s0+$0x3050]  }
0xcd: {  	(xrf2) =	vadd.scan.msk.f32 $0xffff, v11;
	v11 =	vld [tilespmem:s0+$0x3060]  }
0xce: {  	(xrf2) =	vadd.scan.msk.f32 $0xffff, v12  }
0xcf: {  	v12 =	vld [tilespmem:s0+$0x3070];
	(xrf2) =	vadd.scan.msk.f32 $0xffff, v13  }
0xd0: {  	v13 =	vld [tilespmem:s0+$0x3080];
	(xrf2) =	vadd.scan.msk.f32 $0xffff, v8  }
0xd1: {  	v14 =	vld [tilespmem:s0+$0x3090];
	(xrf2) =	vadd.scan.msk.f32 $0xffff, v10  }
0xd2: {  	v10 =	vld [tilespmem:s0+$0x30A0];
	(xrf2) =	vadd.scan.msk.f32 $0xffff, v11  }
0xd3: {  	v11 =	vld [tilespmem:s0+$0x30B0]  }
0xd4: {  	(xrf2) =	vadd.scan.msk.f32 $0xffff, v12;
	v12 =	vld [tilespmem:s0+$0x30C0]  }
0xd5: {  	v8, _, _ =	vpop (xrf2);
	(xrf2) =	vadd.scan.msk.f32 $0xffff, v13;
	v13 =	vld [tilespmem:s0+$0x30D0]  }
0xd6: {  	(xrf2) =	vadd.scan.msk.f32 $0xffff, v14;
	v14 =	vld [tilespmem:s0+$0x30E0];
	v15, _, _ =	vpop (xrf2)  }
0xd7: {  	(xrf2) =	vadd.scan.msk.f32 $0xffff, v10;
	v10, _, _ =	vpop (xrf2)  }
0xd8: {  	(xrf2) =	vadd.scan.msk.f32 $0xffff, v11;
	v11 =	vbroadcast v15, $0xF;
	v10 =	vbroadcast v10, $0xF;
	v15, _, _ =	vpop (xrf2)  }
0xd9: {  	(xrf2) =	vadd.scan.msk.f32 $0xffff, v12;
	v15 =	vbroadcast v15, $0xF;
	v16, _, _ =	vpop (xrf2)  }
0xda: {  	(xrf2) =	vadd.scan.msk.f32 $0xffff, v13;
	v10 =	vsel vm7, v11, v10;
	v11 =	vbroadcast v16, $0xF;
	v13, _, _ =	vpop (xrf2)  }
0xdb: {  	v12 =	vld [tilespmem:s0+$0x30F0];
	(xrf2) =	vadd.scan.msk.f32 $0xffff, v14;
	v10 =	vsel vm1, v10, v15;
	v13 =	vbroadcast v13, $0xF;
	v14, _, _ =	vpop (xrf2)  }
0xdc: {  	v10 =	vsel vm4, v10, v11;
	v11 =	vbroadcast v14, $0xF;
	v14, _, _ =	vpop (xrf2)  }
0xdd: {  	v10 =	vsel vm5, v10, v13;
	v13 =	vbroadcast v14, $0xF;
	_ =	sdelay $0x1  }
0xde: {  	v14, _, _ =	vpop (xrf2)  }
0xdf: {  	(xrf2) =	vadd.scan.msk.f32 $0xffff, v12;
	v10 =	vsel vm6, v10, v11;
	v11 =	vbroadcast v14, $0xF;
	v12, _, _ =	vpop (xrf2)  }
0xe0: {  	v10 =	vsel vm8, v10, v13;
	v12 =	vbroadcast v12, $0xF;
	v13, _, _ =	vpop (xrf2)  }
0xe1: {  	v10 =	vsel vm9, v10, v11;
	v11 =	vbroadcast v13, $0xF;
	v13, _, _ =	vpop (xrf2)  }
0xe2: {  	v10 =	vsel vm0, v10, v12;
	v12 =	vbroadcast v13, $0xF;
	v13, _, _ =	vpop (xrf2)  }
0xe3: {  	v10 =	vsel vm10, v10, v11;
	v11 =	vbroadcast v13, $0xF;
	v13, _, _ =	vpop (xrf2)  }
0xe4: {  	v10 =	vsel vm11, v10, v12;
	v12 =	vbroadcast v13, $0xF;
	v13, _, _ =	vpop (xrf2)  }
0xe5: {  	v10 =	vsel vm12, v10, v11;
	v11 =	vbroadcast v13, $0xF  }
0xe6: {  	v13, _, _ =	vpop (xrf2)  }
0xe7: {  	v10 =	vsel vm13, v10, v12;
	v12 =	vbroadcast v13, $0xF  }
0xe8: {  	v10 =	vsel vm14, v10, v11  }
0xe9: {  	v10 =	vsel vm15, v10, v12;
	v12 =	vperm.xlane v9, v3;
	v11, _, _ =	vpop (xrf2)  }
0xea: {  	v9 =	vsel vm2, v10, v11  }
0xeb: {  	v10 =	vnsel vm0, $0x0, v12;
	(xrf2) =	vadd.scan.msk.f32 $0xffff, v9  }
0xec: {  	(xrf2) =	vadd.scan.msk.f32 $0xffff, v10;
	_ =	sdelay $0x8  }
0xed: {  	v12, _, _ =	vpop (xrf2)  }
0xee: {  	v11, _, _ =	vpop (xrf2)  }
0xef: {  	vm3 =	vge.f32 v11, $6.400000000e+01  }
0xf0: {  	v11 =	vmctz.xlane vm3;
	_ =	sdelay $0x1  }
0xf1: {  	v11 =	vnsel vm7, $0x0, v11  }
0xf2: {  	(xrf0) =	vadd.scan.msk.s32 $0xffff, v11;
	_ =	sdelay $0x5  }
0xf3: {  	v11, _, _ =	vpop (xrf0)  }
0xf4: {  	(v2sf) =	vpush v11, $0xF;
	_ =	sdelay $0xe  }
0xf5: {  	s31 =	spop (v2sf)  }
0xf6: {  	s0 =	ssub.s32 $0xF, s31  }
0xf7: {  	p0 =	sgt.s32 s0, $0x8  }
0xf8: {  	s0 =	simm.s32 @!p0 $0x8  }
0xf9: {  	s28 =	smin.u32 s0, $0xF  }
0xfa: {  	s0 =	sshll.u32 s28, $0x8  }
0xfb: {  	v11 =	vld [tilespmem:s0+$0x3000]  }
0xfc: {  	v13 =	vld [tilespmem:s0+$0x3010]  }
0xfd: {  	v14 =	vld [tilespmem:s0+$0x3020]  }
0xfe: {  	v10 =	vsel vm3, $0x0, v10;
	v15 =	vld [tilespmem:s0+$0x3030]  }
0xff: {  	(xrf2) =	vadd.scan.msk.f32 $0xffff, v10;
	v10 =	vld [tilespmem:s0+$0x3040]  }
0x100: {  	(xrf2) =	vadd.scan.msk.f32 $0xffff, v11;
	v11 =	vld [tilespmem:s0+$0x3050]  }
0x101: {  	(xrf2) =	vadd.scan.msk.f32 $0xffff, v13;
	v13 =	vld [tilespmem:s0+$0x3060]  }
0x102: {  	(xrf2) =	vadd.scan.msk.f32 $0xffff, v14;
	v14 =	vld [tilespmem:s0+$0x3070]  }
0x103: {  	(xrf2) =	vadd.scan.msk.f32 $0xffff, v15;
	v15 =	vld [tilespmem:s0+$0x3080]  }
0x104: {  	v54 =	vld [tilespmem:s0+$0x3090];
	(xrf2) =	vadd.scan.msk.f32 $0xffff, v10  }
0x105: {  	(xrf2) =	vadd.scan.msk.f32 $0xffff, v11;
	v11 =	vld [tilespmem:s0+$0x30A0]  }
0x106: {  	(xrf2) =	vadd.scan.msk.f32 $0xffff, v13;
	v13 =	vld [tilespmem:s0+$0x30B0]  }
0x107: {  	(xrf2) =	vadd.scan.msk.f32 $0xffff, v14;
	v14 =	vld [tilespmem:s0+$0x30C0]  }
0x108: {  	(xrf2) =	vadd.scan.msk.f32 $0xffff, v15;
	v15 =	vld [tilespmem:s0+$0x30D0]  }
0x109: {  	v10, _, _ =	vpop (xrf2);
	(xrf2) =	vadd.scan.msk.f32 $0xffff, v54  }
0x10a: {  	v17, _, _ =	vpop (xrf2);
	(xrf2) =	vadd.scan.msk.f32 $0xffff, v11  }
0x10b: {  	v55 =	vld [tilespmem:s0+$0x30E0];
	v11, _, _ =	vpop (xrf2);
	(xrf2) =	vadd.scan.msk.f32 $0xffff, v13  }
0x10c: {  	v13 =	vbroadcast v17, $0xF;
	v11 =	vbroadcast v11, $0xF;
	v56, _, _ =	vpop (xrf2);
	(xrf2) =	vadd.scan.msk.f32 $0xffff, v14  }
0x10d: {  	v18, _, _ =	vpop (xrf2);
	(xrf2) =	vadd.scan.msk.f32 $0xffff, v15;
	v15 =	vbroadcast v56, $0xF  }
0x10e: {  	v14 =	vld [tilespmem:s0+$0x30F0];
	v11 =	vsel vm7, v13, v11;
	v13 =	vbroadcast v18, $0xF;
	v57, _, _ =	vpop (xrf2)  }
0x10f: {  	v58, _, _ =	vpop (xrf2);
	v11 =	vsel vm1, v11, v15;
	v15 =	vbroadcast v57, $0xF  }
0x110: {  	(xrf2) =	vadd.scan.msk.f32 $0xffff, v55;
	v59, _, _ =	vpop (xrf2);
	v11 =	vsel vm4, v11, v13  }
0x111: {  	v13 =	vbroadcast v58, $0xF;
	v11 =	vsel vm5, v11, v15;
	v15 =	vbroadcast v59, $0xF  }
0x112: {  	v60, _, _ =	vpop (xrf2)  }
0x113: {  	(xrf2) =	vadd.scan.msk.f32 $0xffff, v14;
	v14, _, _ =	vpop (xrf2);
	v11 =	vsel vm6, v11, v13;
	v13 =	vbroadcast v60, $0xF  }
0x114: {  	v61, _, _ =	vpop (xrf2);
	v11 =	vsel vm8, v11, v15;
	v14 =	vbroadcast v14, $0xF  }
0x115: {  	v11 =	vsel vm9, v11, v13;
	v13 =	vbroadcast v61, $0xF;
	v15, _, _ =	vpop (xrf2)  }
0x116: {  	v11 =	vsel vm0, v11, v14;
	v62, _, _ =	vpop (xrf2);
	v14 =	vbroadcast v15, $0xF  }
0x117: {  	v11 =	vsel vm10, v11, v13;
	v15, _, _ =	vpop (xrf2);
	v13 =	vbroadcast v62, $0xF  }
0x118: {  	v63, _, _ =	vpop (xrf2);
	v11 =	vsel vm11, v11, v14  }
0x119: {  	v14 =	vbroadcast v15, $0xF;
	v11 =	vsel vm12, v11, v13;
	v13 =	vbroadcast v63, $0xF  }
0x11a: {  	v15, _, _ =	vpop (xrf2)  }
0x11b: {  	v11 =	vsel vm13, v11, v14;
	v14 =	vbroadcast v15, $0xF  }
0x11c: {  	v11 =	vsel vm14, v11, v13  }
0x11d: {  	v11 =	vsel vm15, v11, v14;
	v13, _, _ =	vpop (xrf2)  }
0x11e: {  	v11 =	vsel vm2, v11, v13  }
0x11f: {  	v11 =	vperm.xlane v11, v3;
	_ =	sdelay $0x1  }
0x120: {  	(xrf2) =	vadd.scan.msk.f32 $0xffff, v11;
	_ =	sdelay $0x8  }
0x121: {  	v14 =	vbroadcast v10, $0xF;
	v13 =	vbroadcast v8, $0xF  }
0x122: {  	v15, _, _ =	vpop (xrf2)  }
0x123: {  	v12 =	vadd.f32 v12, v13;
	v13 =	vadd.f32 v15, v14;
	_ =	sdelay $0x1  }
0x124: {  	vm1 =	vge.f32 v12, $8.000000000e+00;
	vm15 =	vge.f32 v13, $6.400000000e+01  }
0x125: {  	s29 =	simm.s32 $0x100;
	s0 =	simm.s32 $0x0;
	v13 =	vmctz.xlane vm1;
	v12 =	vmctz.xlane vm15  }
.LBB2_7:
0x126: {  	p0 =	sne.s32 s29, $0x3F00;
	[tilespmem:s0+$0x3030] =	vst v0;
	s30 =	smov.u32 s29;
	s29 =	sadd.s32 $0x100, s29  }
.Ltmp4:
0x127: {  	[tilespmem:s0+$0x3020] =	vst v0;
	(pc) =	sbr.rel @p0 .LBB2_7-.Ltmp4, $3  }
0x128: {  	[tilespmem:s0+$0x3000] =	vst v0  }
0x129: {  	[tilespmem:s0+$0x3010] =	vst v0;
	_ =	sdelay $0x1  }
0x12a: {  	s0 =	sshra.s32 s30, $0x2  }
0x12b: {  	[tilespmem:s0+$0x3030] =	vst v0  }
0x12c: {  	v14 =	vld [tilespmem:$0x1FF00];
	[tilespmem:s0+$0x3020] =	vst v0  }
0x12d: {  	[tilespmem:s0+$0x3000] =	vst v0  }
0x12e: {  	[tilespmem:s0+$0x3010] =	vst v0;
	v16 =	vimm.f32 $0.0e+00  }
0x12f: {  	[tilespmem:$0x4000] =	vst v16  }
0x130: {  	[tilespmem:$0x4010] =	vst v16  }
0x131: {  	[tilespmem:$0x4020] =	vst v16;
	vm0 =	vnez.u8 v14  }
0x132: {  	[tilespmem:$0x4030] =	vst v16;
	v14 =	vsel vm0, $0x1, v5  }
0x133: {  	[tilespmem:$0x4040] =	vst v16;
	(xrf0) =	vadd.scan.msk.s32 $0xffff, v14;
	v14 =	vld [tilespmem:$0x1FFF0]  }
0x134: {  	[tilespmem:$0x4050] =	vst v16  }
0x135: {  	[tilespmem:$0x4060] =	vst v16  }
0x136: {  	[tilespmem:$0x4070] =	vst v16  }
0x137: {  	[tilespmem:$0x4080] =	vst v16  }
0x138: {  	[tilespmem:$0x4090] =	vst v16;
	vm7 =	vnez.u8 v14  }
0x139: {  	[tilespmem:$0x40A0] =	vst v16;
	v13 =	vnsel vm7, $0x0, v13  }
0x13a: {  	[tilespmem:$0x40B0] =	vst v16;
	(xrf0) =	vadd.scan.msk.s32 $0xffff, v13;
	v13 =	vsel vm3, $0x1, v5  }
0x13b: {  	[tilespmem:$0x40C0] =	vst v16;
	v12 =	vnsel vm7, $0x0, v12;
	(xrf0) =	vadd.scan.msk.s32 $0xffff, v13  }
0x13c: {  	[tilespmem:$0x40D0] =	vst v16;
	(xrf0) =	vadd.scan.msk.s32 $0xffff, v12  }
0x13d: {  	[tilespmem:$0x40E0] =	vst v16  }
0x13e: {  	s19 =	simm.s32 $0x0;
	[tilespmem:$0x40F0] =	vst v16  }
0x13f: {  	v17 =	vld [tilespmem:s19+$0x1030];
	v12, _, _ =	vpop (xrf0)  }
0x140: {  	v18 =	vld [tilespmem:s19+$0x1020];
	(v2sf) =	vpush v12, $0xF;
	v13, _, _ =	vpop (xrf0)  }
0x141: {  	v22 =	vld [tilespmem:s19+$0x1000];
	v12, _, _ =	vpop (xrf0);
	(v2sf) =	vpush v13, $0xF  }
0x142: {  	v21 =	vld [tilespmem:s19+$0x1010];
	(v2sf) =	vpush v12, $0xF;
	v12, _, _ =	vpop (xrf0)  }
0x143: {  	(v2sf) =	vpush v12, $0xF  }
0x144: {  	v14 =	vld [tilespmem:s19+$0x20]  }
0x145: {  	v23 =	vld [tilespmem:s19+$0x10];
	v19 =	vadd.f32 $1.001999970e+00, v17  }
0x146: {  	v20 =	vadd.f32 $1.001999970e+00, v18;
	v24 =	vadd.f32 $1.001999970e+00, v22  }
0x147: {  	v25 =	vadd.f32 $-1.000000000e+00, v18;
	v26 =	vadd.f32 $-1.000000000e+00, v21  }
0x148: {  	v27 =	vadd.f32 $-1.000000000e+00, v22;
	v19 =	vmul.f32 $6.387225720e+01, v19;
	v20 =	vmul.f32 $6.387225720e+01, v20;
	v12 =	vld [tilespmem:s19+$0x30]  }
0x149: {  	v24 =	vmul.f32 $6.387225720e+01, v24;
	vm2 =	veq.s32 v14, v6;
	v14 =	vadd.f32 $-1.000000000e+00, v17  }
0x14a: {  	vm4 =	veq.s32 v23, v6;
	v23 =	vmul.f32 $1.428571410e+01, v26;
	v25 =	vmul.f32 $1.428571410e+01, v25  }
0x14b: {  	v26 =	vmul.f32 $1.428571410e+01, v27;
	v14 =	vmul.f32 $1.428571410e+01, v14  }
0x14c: {  	v20 =	vmax.f32 v20, $0.0e+00;
	v19 =	vmax.f32 v19, $0.0e+00;
	v23 =	vmul.f32 $1.442695020e+00, v23  }
0x14d: {  	v29 =	vmul.f32 $1.442695020e+00, v14;
	vm3 =	veq.s32 v12, v6;
	v12 =	vadd.f32 $1.001999970e+00, v21  }
0x14e: {  	v24 =	vmax.f32 v24, $0.0e+00;
	v25 =	vmul.f32 $1.442695020e+00, v25;
	v26 =	vmul.f32 $1.442695020e+00, v26  }
0x14f: {  	v27 =	vld [tilespmem:s19+$0x0];
	v19 =	vmin.f32 v19, $1.270000000e+02;
	(erf) = vpow2.f32 v29;
	v12 =	vmul.f32 $6.387225720e+01, v12;
	s29 =	spop (v2sf)  }
0x150: {  	v20 =	vmin.f32 v20, $1.270000000e+02;
	v19 =	vtrunc.f32 v19;
	(erf) = vpow2.f32 v26;
	s30 =	spop (v2sf)  }
0x151: {  	v30 =	vtrunc.f32 v20;
	v20 =	vmin.f32 v24, $1.270000000e+02;
	v28 =	vmax.f32 v12, $0.0e+00;
	s31 =	spop (v2sf)  }
0x152: {  	s28 =	sshll.u32 s28, $0x4;
	s26 =	sshll.u32 s26, $0x4;
	v26 =	vtrunc.f32 v20;
	(erf) = vpow2.f32 v25;
	v28 =	vmin.f32 v28, $1.270000000e+02;
	s2 =	spop (v2sf)  }
0x153: {  	v25 =	vcvt.f32.s32 v19;
	p1 =	sgt.s32 s29, $0x0;
	v24 =	vtrunc.f32 v28;
	s2 =	ssub.s32 s28, s2;
	s28 =	sadd.s32 s26, s30  }
0x154: {  	vm6 =	veq.s32 v27, v6;
	(erf) = vpow2.f32 v23;
	v23 =	vcvt.f32.s32 v24;
	p0 =	sgt.s32 s31, $0x0;
	s26 =	sadd.s32 $0xFFFFFF8F, s2;
	s28 =	simm.s32 @!p1 $0x80  }
0x155: {  	v26 =	vcvt.f32.s32 v26;
	v24 =	vcvt.f32.s32 v30;
	s26 =	simm.s32 @!p0 $0xFFFFFFFF;
	v15 =	vmov s28  }
0x156: {  	v13 =	vmov s26;
	vm5 =	vgt.s32 v15, v25;
	vm9 =	vgt.s32 v15, v23  }
0x157: {  	vm10 =	vgt.s32 v15, v24;
	vm12 =	vgt.s32 v15, v26;
	vm8 =	vge.s32 v13, v25  }
0x158: {  	vm13 =	vge.s32 v13, v26;
	vm14 =	vge.s32 v13, v23;
	vm5 =	vmand vm3, vm5;
	v25 =	vpop (erf)  }
0x159: {  	vm3 =	vmor vm3, vm8;
	vm8 =	vmand vm6, vm12;
	vm6 =	vmor vm6, vm13;
	v23 =	vpop (erf)  }
0x15a: {  	vm11 =	vge.s32 v13, v24;
	v24 =	vnsel vm8, $0x0, v23;
	v23 =	vsel vm6, $0x0, v23  }
0x15b: {  	s29 =	simm.s32 $0x40;
	vm10 =	vmand vm2, vm10;
	vm9 =	vmand vm4, vm9;
	v22 =	vnsel vm8, $0x0, v22  }
0x15c: {  	v12 =	vld [tilespmem:s29+$0x1030];
	vm2 =	vmor vm2, vm11;
	vm4 =	vmor vm4, vm14;
	v26 =	vpop (erf);
	v22 =	vadd.f32 v22, v16  }
0x15d: {  	v14 =	vld [tilespmem:s29+$0x1020];
	v21 =	vnsel vm9, $0x0, v21;
	v24 =	vadd.f32 v24, v16;
	v16 =	vadd.f32 v23, v16;
	v23 =	vpop (erf)  }
0x15e: {  	v27 =	vadd.f32 v21, v22;
	v22 =	vld [tilespmem:s29+$0x30];
	v21 =	vnsel vm9, $0x0, v23;
	v23 =	vsel vm4, $0x0, v23  }
0x15f: {  	v24 =	vadd.f32 v21, v24;
	v23 =	vadd.f32 v23, v16;
	v16 =	vnsel vm10, $0x0, v18;
	v21 =	vld [tilespmem:s29+$0x20]  }
0x160: {  	v18 =	vadd.f32 v16, v27;
	v27 =	vnsel vm10, $0x0, v26;
	v26 =	vsel vm2, $0x0, v26;
	v16 =	vld [tilespmem:s29+$0x1010]  }
0x161: {  	v20 =	vadd.f32 $1.001999970e+00, v12;
	v23 =	vadd.f32 v26, v23;
	v26 =	vnsel vm5, $0x0, v17;
	v17 =	vld [tilespmem:s29+$0x1000]  }
0x162: {  	v19 =	vadd.f32 $1.001999970e+00, v14;
	v24 =	vadd.f32 v27, v24  }
0x163: {  	s30 =	simm.s32 $0x200;
	v18 =	vadd.f32 v26, v18;
	v26 =	vnsel vm5, $0x0, v25;
	v25 =	vsel vm3, $0x0, v25  }
.LBB2_9:
0x164: {  	p2 =	sne.s32 s30, $0x3F00;
	v27 =	vld [tilespmem:s29+$0x10];
	vm2 =	veq.s32 v22, v6;
	v24 =	vadd.f32 v26, v24;
	v23 =	vadd.f32 v25, v23  }
0x165: {  	vm3 =	veq.s32 v21, v6;
	v21 =	vadd.f32 $-1.000000000e+00, v12;
	v22 =	vadd.f32 $1.001999970e+00, v16  }
0x166: {  	v26 =	vadd.f32 $-1.000000000e+00, v14;
	v20 =	vmul.f32 $6.387225720e+01, v20;
	v25 =	vadd.f32 $1.001999970e+00, v17  }
0x167: {  	v19 =	vmul.f32 $6.387225720e+01, v19;
	v28 =	vadd.f32 $-1.000000000e+00, v16;
	v22 =	vmul.f32 $6.387225720e+01, v22  }
0x168: {  	v29 =	vadd.f32 $-1.000000000e+00, v17;
	v21 =	vmul.f32 $1.428571410e+01, v21;
	v25 =	vmul.f32 $6.387225720e+01, v25  }
0x169: {  	v26 =	vmul.f32 $1.428571410e+01, v26;
	vm4 =	veq.s32 v27, v6;
	v27 =	vmul.f32 $1.428571410e+01, v28  }
0x16a: {  	v19 =	vmax.f32 v19, $0.0e+00;
	v20 =	vmax.f32 v20, $0.0e+00;
	v28 =	vmul.f32 $1.428571410e+01, v29  }
0x16b: {  	v21 =	vmul.f32 $1.442695020e+00, v21;
	v22 =	vmax.f32 v22, $0.0e+00;
	v25 =	vmax.f32 v25, $0.0e+00;
	v29 =	vld [tilespmem:s29+$0x0];
	s29 =	sshra.s32 s30, $0x2  }
0x16c: {  	v20 =	vmin.f32 v20, $1.270000000e+02;
	v26 =	vmul.f32 $1.442695020e+00, v26;
	v27 =	vmul.f32 $1.442695020e+00, v27;
	v30 =	vld [tilespmem:s29+$0x1030]  }
0x16d: {  	v19 =	vmin.f32 v19, $1.270000000e+02;
	v32 =	vtrunc.f32 v20;
	v28 =	vmul.f32 $1.442695020e+00, v28;
	v31 =	vld [tilespmem:s29+$0x1020]  }
0x16e: {  	v20 =	vmin.f32 v22, $1.270000000e+02;
	v22 =	vtrunc.f32 v19;
	(erf) = vpow2.f32 v21  }
0x16f: {  	v19 =	vmin.f32 v25, $1.270000000e+02;
	v21 =	vtrunc.f32 v20;
	(erf) = vpow2.f32 v28  }
0x170: {  	v25 =	vtrunc.f32 v19;
	vm8 =	veq.s32 v29, v6;
	(erf) = vpow2.f32 v26  }
0x171: {  	v26 =	vcvt.f32.s32 v32;
	v20 =	vadd.f32 $1.001999970e+00, v30;
	(erf) = vpow2.f32 v27  }
0x172: {  	v22 =	vcvt.f32.s32 v22;
	v21 =	vcvt.f32.s32 v21;
	v19 =	vadd.f32 $1.001999970e+00, v31  }
0x173: {  	v25 =	vcvt.f32.s32 v25;
	vm5 =	vgt.s32 v15, v26;
	vm9 =	vge.s32 v13, v26  }
0x174: {  	vm6 =	vgt.s32 v15, v22;
	vm11 =	vge.s32 v13, v22;
	vm10 =	vgt.s32 v15, v21  }
0x175: {  	vm12 =	vgt.s32 v15, v25;
	vm13 =	vge.s32 v13, v25;
	vm14 =	vge.s32 v13, v21  }
0x176: {  	vm6 =	vmand vm3, vm6;
	vm5 =	vmand vm2, vm5;
	vm2 =	vmor vm2, vm9  }
0x177: {  	vm3 =	vmor vm3, vm11;
	vm10 =	vmand vm4, vm10;
	vm9 =	vmand vm8, vm12;
	v25 =	vpop (erf)  }
0x178: {  	vm4 =	vmor vm4, vm14;
	vm8 =	vmor vm8, vm13;
	v17 =	vnsel vm9, $0x0, v17;
	v21 =	vpop (erf)  }
0x179: {  	v17 =	vadd.f32 v17, v18;
	v18 =	vnsel vm9, $0x0, v21;
	v21 =	vsel vm8, $0x0, v21;
	v26 =	vpop (erf)  }
0x17a: {  	v16 =	vnsel vm10, $0x0, v16;
	v22 =	vld [tilespmem:s29+$0x30];
	v18 =	vadd.f32 v18, v24;
	v23 =	vadd.f32 v21, v23;
	v24 =	vpop (erf)  }
.Ltmp5:
0x17b: {  	v27 =	vadd.f32 v16, v17;
	v21 =	vld [tilespmem:s29+$0x20];
	v17 =	vnsel vm10, $0x0, v24;
	v24 =	vsel vm4, $0x0, v24;
	(pc) =	sbr.rel @p2 .LBB2_9-.Ltmp5, $4  }
0x17c: {  	v16 =	vld [tilespmem:s29+$0x1010];
	v18 =	vadd.f32 v17, v18;
	v23 =	vadd.f32 v24, v23;
	v24 =	vnsel vm6, $0x0, v14;
	v14 =	vmovc v31  }
0x17d: {  	v17 =	vld [tilespmem:s29+$0x1000];
	v27 =	vadd.f32 v24, v27;
	v24 =	vnsel vm6, $0x0, v26;
	v26 =	vsel vm3, $0x0, v26  }
0x17e: {  	v24 =	vadd.f32 v24, v18;
	v23 =	vadd.f32 v26, v23;
	v18 =	vnsel vm5, $0x0, v12;
	v12 =	vmovc v30  }
0x17f: {  	s30 =	sadd.s32 $0x100, s30;
	v26 =	vnsel vm5, $0x0, v25;
	v25 =	vsel vm2, $0x0, v25;
	v18 =	vadd.f32 v18, v27  }
0x180: {  	vm2 =	veq.s32 v22, v6  }
0x181: {  	v39 =	vadd.f32 $-1.000000000e+00, v12;
	v20 =	vmul.f32 $6.387225720e+01, v20;
	v31 =	vadd.f32 $-1.000000000e+00, v14  }
0x182: {  	v19 =	vmul.f32 $6.387225720e+01, v19;
	v24 =	vadd.f32 v26, v24;
	v23 =	vadd.f32 v25, v23  }
0x183: {  	vm6 =	veq.s32 v21, v6;
	v27 =	vadd.f32 $1.001999970e+00, v16;
	v30 =	vadd.f32 $-1.000000000e+00, v16  }
0x184: {  	s0 =	scvt.s32.f32 s28;
	v9 =	vsel vm1, $0x0, v9;
	v28 =	vadd.f32 $1.001999970e+00, v17;
	v29 =	vadd.f32 $-1.000000000e+00, v17  }
0x185: {  	v42 =	vld [tilespmem:s29+$0x10];
	v22 =	vmul.f32 $1.428571410e+01, v39;
	v41 =	vmul.f32 $1.428571410e+01, v31;
	v19 =	vmax.f32 v19, $0.0e+00  }
0x186: {  	v43 =	vld [tilespmem:s29+$0x0];
	v20 =	vmax.f32 v20, $0.0e+00;
	s0 =	sadd.f32 $5.000000000e-01, s0;
	v27 =	vmul.f32 $6.387225720e+01, v27;
	v40 =	vmul.f32 $1.428571410e+01, v30  }
0x187: {  	v20 =	vmin.f32 v20, $1.270000000e+02;
	v28 =	vmul.f32 $6.387225720e+01, v28;
	v29 =	vmul.f32 $1.428571410e+01, v29  }
0x188: {  	v19 =	vmin.f32 v19, $1.270000000e+02;
	v22 =	vmul.f32 $1.442695020e+00, v22;
	v25 =	vmul.f32 $1.442695020e+00, v41;
	s0 =	smul.f32 $1.565624960e-02, s0  }
0x189: {  	s2 =	scvt.s32.f32 s26;
	v11 =	vsel vm15, $0x0, v11;
	v20 =	vtrunc.f32 v20;
	v19 =	vtrunc.f32 v19  }
0x18a: {  	v27 =	vmax.f32 v27, $0.0e+00;
	v26 =	vmul.f32 $1.442695020e+00, v40;
	vm5 =	veq.s32 v42, v6;
	s26 =	sadd.f32 $-1.001999970e+00, s0  }
0x18b: {  	s30 =	sadd.f32 $5.000000000e-01, s2;
	v20 =	vcvt.f32.s32 v20;
	vm8 =	veq.s32 v43, v6;
	v29 =	vmul.f32 $1.442695020e+00, v29  }
0x18c: {  	(erf) = vpow2.f32 v22;
	v28 =	vmax.f32 v28, $0.0e+00;
	v27 =	vmin.f32 v27, $1.270000000e+02;
	s31 =	sadd.f32 $-1.000000000e+00, s26  }
0x18d: {  	v19 =	vcvt.f32.s32 v19;
	s0 =	smul.f32 $1.565624960e-02, s30;
	v28 =	vmin.f32 v28, $1.270000000e+02;
	v27 =	vtrunc.f32 v27  }
0x18e: {  	vm3 =	vgt.s32 v15, v20;
	vm9 =	vge.s32 v13, v20;
	(erf) = vpow2.f32 v29;
	s2 =	smul.f32 $1.428571410e+01, s31  }
0x18f: {  	vm4 =	vgt.s32 v15, v19;
	v6 =	vcvt.f32.s32 v27;
	(erf) = vpow2.f32 v25  }
0x190: {  	v44 =	vtrunc.f32 v28;
	s0 =	sadd.f32 $-1.001999970e+00, s0;
	(erf) = vpow2.f32 v26;
	v45 =	vmov s2  }
0x191: {  	vm10 =	vgt.s32 v15, v6;
	vm14 =	vge.s32 v13, v6;
	v6 =	vmul.f32 $1.442695020e+00, v45  }
0x192: {  	vm11 =	vge.s32 v13, v19;
	vm4 =	vmand vm6, vm4;
	v21 =	vcvt.f32.s32 v44;
	s0 =	sadd.f32 $-1.000000000e+00, s0  }
0x193: {  	vm3 =	vmand vm2, vm3;
	vm2 =	vmor vm2, vm9;
	v6 =	vbroadcast v6, $0x0  }
0x194: {  	vm6 =	vmor vm6, vm11;
	v54 =	vnsel vm4, $0x0, v14;
	vm12 =	vgt.s32 v15, v21;
	s0 =	smul.f32 $1.428571410e+01, s0  }
0x195: {  	vm13 =	vge.s32 v13, v21;
	vm10 =	vmand vm5, vm10;
	v46 =	vpop (erf);
	(erf) = vpow2.f32 v6  }
0x196: {  	vm5 =	vmor vm5, vm14;
	vm12 =	vmand vm8, vm12;
	v6 =	vmov s0  }
0x197: {  	vm8 =	vmor vm8, vm13;
	v47 =	vnsel vm12, $0x0, v17;
	v48 =	vpop (erf);
	v6 =	vmul.f32 $1.442695020e+00, v6  }
0x198: {  	v51 =	vnsel vm10, $0x0, v16;
	v15 =	vadd.f32 v47, v18;
	v49 =	vnsel vm12, $0x0, v48;
	v50 =	vpop (erf)  }
0x199: {  	v17 =	vsel vm8, $0x0, v48;
	v18 =	vadd.f32 v49, v24;
	v52 =	vpop (erf);
	v6 =	vbroadcast v6, $0x0  }
0x19a: {  	v15 =	vadd.f32 v51, v15;
	v17 =	vadd.f32 v17, v23;
	v53 =	vnsel vm10, $0x0, v52  }
0x19b: {  	v20 =	vsel vm5, $0x0, v52;
	v16 =	vadd.f32 v53, v18;
	(erf) = vpow2.f32 v6  }
0x19c: {  	v14 =	vadd.f32 v54, v15;
	v17 =	vadd.f32 v20, v17;
	v6 =	vnsel vm4, $0x0, v50  }
0x19d: {  	v56 =	vnsel vm3, $0x0, v12;
	v55 =	vsel vm6, $0x0, v50;
	v6 =	vadd.f32 v6, v16  }
0x19e: {  	(xrf2) =	vadd.scan.msk.f32 $0xffff, v9;
	v58 =	vnsel vm3, $0x0, v46;
	v57 =	vadd.f32 v56, v14;
	v15 =	vadd.f32 v55, v17;
	v59 =	vpop (erf)  }
0x19f: {  	(xrf2) =	vadd.scan.msk.f32 $0xffff, v11;
	v6 =	vadd.f32 v58, v6;
	v61 =	vadd.f32 $0.0e+00, v59;
	v11 =	vmul.f32 $0.0e+00, v59  }
0x1a0: {  	v13 =	vsel vm2, $0x0, v46;
	(xrf2) =	vadd.scan.msk.f32 $0xffff, v57  }
0x1a1: {  	v60 =	vadd.f32 v13, v15;
	(xrf2) =	vadd.scan.msk.f32 $0xffff, v6;
	v6 =	vsel vm7, v61, v11;
	_ =	sdelay $0x1  }
0x1a2: {  	(xrf2) =	vadd.scan.msk.f32 $0xffff, v60  }
0x1a3: {  	(xrf2) =	vadd.scan.msk.f32 $0xffff, v6;
	v6 =	vpop (erf)  }
0x1a4: {  	v62 =	vadd.f32 $0.0e+00, v6;
	v6 =	vmul.f32 $0.0e+00, v6;
	_ =	sdelay $0x1  }
0x1a5: {  	(v2sf) =	vpush v7, $0xF;
	v6 =	vsel vm7, v62, v6  }
0x1a6: {  	(v2sf) =	vpush v8, $0xF;
	v7, _, _ =	vpop (xrf2);
	(xrf2) =	vadd.scan.msk.f32 $0xffff, v6  }
0x1a7: {  	(v2sf) =	vpush v7, $0xF  }
0x1a8: {  	(v2sf) =	vpush v10, $0xF;
	v6, _, _ =	vpop (xrf2)  }
0x1a9: {  	v7, _, _ =	vpop (xrf2);
	(v2sf) =	vpush v6, $0xF  }
0x1aa: {  	v6, _, _ =	vpop (xrf2);
	(v2sf) =	vpush v7, $0xF  }
0x1ab: {  	v7, _, _ =	vpop (xrf2);
	(v2sf) =	vpush v6, $0xF  }
0x1ac: {  	v6, _, _ =	vpop (xrf2);
	(v2sf) =	vpush v7, $0xF  }
0x1ad: {  	(v2sf) =	vpush v6, $0xF;
	_ =	sdelay $0x2  }
0x1ae: {  	v6, _, _ =	vpop (xrf2)  }
0x1af: {  	(v2sf) =	vpush v6, $0xF;
	_ =	sdelay $0x2  }
0x1b0: {  	s0 =	spop (v2sf)  }
0x1b1: {  	s1 =	spop (v2sf)  }
0x1b2: {  	s28 =	spop (v2sf)  }
0x1b3: {  	s3 =	spop (v2sf)  }
0x1b4: {  	s2 =	sadd.f32 s28, s1;
	s30 =	spop (v2sf)  }
0x1b5: {  	s31 =	spop (v2sf)  }
0x1b6: {  	s2 =	ssub.f32 $8.000000000e+00, s2;
	s28 =	spop (v2sf)  }
0x1b7: {  	s1 =	spop (v2sf)  }
0x1b8: {  	s2 =	simm.s32 @!p1 $0x0;
	s29 =	sadd.f32 s30, s3;
	s13 =	spop (v2sf)  }
0x1b9: {  	s13 =	smul.f32 s13, s2  }
0x1ba: {  	s29 =	ssub.f32 $6.400000000e+01, s29  }
0x1bb: {  	s13 =	sadd.f32 s28, s13  }
0x1bc: {  	s29 =	simm.s32 @!p0 $0x0;
	s28 =	spop (v2sf)  }
0x1bd: {  	s1 =	sadd.f32 s1, s13;
	s19 =	smul.f32 s28, s29  }
0x1be: {  	_ = 	snop  }
0x1bf: {  	s1 =	sadd.f32 s1, s19;
	_ =	sdelay $0x1  }
0x1c0: {  	s1 =	smax.f32 s1, $9.999999910e-38  }
0x1c1: {  	v6 =	vmov s1  }
0x1c2: {  	v6 =	vbroadcast v6, $0x0;
	_ =	sdelay $0x1  }
0x1c3: {  	v7 =	vand.u32 $0x7FFFFF, v6  }
0x1c4: {  	v7 =	vor.u32 $0x3F800000, v7  }
0x1c5: {  	v8 =	vadd.f32 $1.000000000e+00, v7;
	_ =	sdelay $0x1  }
0x1c6: {  	(erf) = vrcp.f32 v8;
	_ =	sdelay $0x7  }
0x1c7: {  	v7 =	vadd.f32 $-1.000000000e+00, v7  }
0x1c8: {  	v8 =	vpop (erf)  }
0x1c9: {  	v7 =	vmul.f32 v8, v7;
	_ =	sdelay $0x1  }
0x1ca: {  	v8 =	vmul.f32 v7, v7;
	_ =	sdelay $0x1  }
0x1cb: {  	v63 =	vmul.f32 v8, v4;
	_ =	sdelay $0x1  }
0x1cc: {  	v9 =	vadd.f32 $1.428571490e-01, v63;
	_ =	sdelay $0x1  }
0x1cd: {  	v9 =	vmul.f32 v9, v8;
	_ =	sdelay $0x1  }
0x1ce: {  	v9 =	vadd.f32 $2.000000030e-01, v9;
	_ =	sdelay $0x1  }
0x1cf: {  	v9 =	vmul.f32 v9, v8;
	_ =	sdelay $0x1  }
0x1d0: {  	v9 =	vadd.f32 $3.333333430e-01, v9  }
0x1d1: {  	v6 =	vshrl.u32 v6, $0x17  }
0x1d2: {  	v6 =	vand.u32 $0xFF, v6;
	v8 =	vmul.f32 v9, v8  }
0x1d3: {  	v6 =	vadd.s32 $0xFFFFFF81, v6  }
0x1d4: {  	v6 =	vcvt.s32.f32 v6;
	v7 =	vadd.f32 v7, v7;
	v8 =	vadd.f32 $1.000000000e+00, v8;
	_ =	sdelay $0x1  }
0x1d5: {  	v6 =	vmul.f32 $6.931471820e-01, v6;
	v7 =	vmul.f32 v8, v7;
	_ =	sdelay $0x1  }
0x1d6: {  	v6 =	vadd.f32 v7, v6;
	_ =	sdelay $0x1  }
0x1d7: {  	v7 =	vadd.f32 $0.0e+00, v6;
	v6 =	vmul.f32 $0.0e+00, v6;
	_ =	sdelay $0x1  }
0x1d8: {  	v6 =	vsel vm7, v7, v6  }
0x1d9: {  	(xrf2) =	vadd.scan.msk.f32 $0xffff, v6;
	_ =	sdelay $0x9  }
0x1da: {  	v6, _, _ =	vpop (xrf2)  }
0x1db: {  	(v2sf) =	vpush v6, $0xF;
	_ =	sdelay $0xc  }
0x1dc: {  	s29 =	smul.f32 s2, s26;
	_ =	sdelay $0x1  }
0x1dd: {  	s1 =	sadd.f32 s31, s29;
	s30 =	spop (v2sf)  }
0x1de: {  	p0 =	seq.s32 s22, $0x13;
	s2 =	sadd.f32 $1.428571410e+01, s30  }
0x1df: {  	s0 =	simm.s32 @p1 $0x41000000;
	s13 =	sadd.s32 @!p0 $0x2, s25;
	s1 =	smul.f32 $1.428571410e+01, s1  }
0x1e0: {  	s28 =	simm.s32 @!p0 $0x1000;
	s0 =	smul.f32 s2, s0;
	s2 =	sshll.u32 @!p0 s13, $0x4  }
0x1e1: {  	s31 =	sadd.s32 $0xB01, s25;
	s13 =	sshll.u32 @!p0 s13, $0x9;
	s2 =	sand.u32 @!p0 $0x60, s2  }
0x1e2: {  	s13 =	sand.u32 @!p0 $0xFFFF000, s13;
	s2 =	sadd.s32 @!p0 s4, s2;
	s26 =	ssub.f32 s0, s1  }
0x1e3: {  	v6 =	vmov s31;
	s0 =	sadd.s32 @!p0 s13, s2;
	s2 =	simm.s32 @!p0 $0x80;
	s13 =	simm.s32 @!p0 $0x400  }
0x1e4: {  	[tilespmem:s28], [sflag:$0x1] =	stream.strided.gather @!p0 [hbm4b:s0+s2], $0x1000, s13, s2, $0x38;
	[tilespmem:$0x4180] =	vst v63  }
0x1e5: {  	_ =	swait.ge [sflag:s18], $0x1000  }
0x1e6: {  	[sflag:s18] =	ssyncset.done $0x0  }
0x1e7: {  	s0 =	simm.s32 $0x0;
	[sflag:s18] =	ssyncadd.s32 $0xFFFFF000  }
0x1e8: {  	v6 =	vld.idx.msk [tilespmem:v6+s0+$0x0], $0xffff  }
0x1e9: {  	p1 =	slt.f32 s26, $0.0e+00  }
0x1ea: {  	p2 =	sgt.f32 s26, $0.0e+00;
	s28 =	simm.f32 $1.000000000e+00  }
0x1eb: {  	s28 =	simm.s32 @!p1 $0x0  }
0x1ec: {  	s28 =	simm.s32 @p2 $0x3F800000  }
.LBB2_11:
0x1ed: {  	s1 =	sshra.s32 s0, $0x2  }
0x1ee: {  	v7 =	vld [tilespmem:s1+$0x2000];
	_ =	sdelay $0x4  }
0x1ef: {  	v7 =	vadd.f32 $1.001999970e+00, v7;
	_ =	sdelay $0x1  }
0x1f0: {  	v7 =	vmul.f32 $6.387225720e+01, v7;
	_ =	sdelay $0x1  }
0x1f1: {  	v8 =	vld [tilespmem:s1+$0x0];
	v7 =	vmax.f32 v7, $0.0e+00  }
0x1f2: {  	v7 =	vmin.f32 v7, $1.270000000e+02  }
0x1f3: {  	v7 =	vtrunc.f32 v7  }
0x1f4: {  	v7 =	vcvt.f32.s32 v7;
	_ =	sdelay $0x1  }
0x1f5: {  	vm1 =	veq.s32 v8, v6;
	v8 =	vadd.s32 $0x80, v7  }
0x1f6: {  	v7 =	vsel vm1, v7, v8  }
0x1f7: {  	v8 =	vshll.u32 v7, $0x4  }
0x1f8: {  	v7 =	vand.u32 $0xFFFFFFF0, v7;
	v8 =	vor.u32 v1, v8  }
0x1f9: {  	v7 =	vor.u32 v1, v7;
	_ =	sdelay $0x3  }
0x1fa: {  	[tilespmem:v8+s16+$0x0] =	vst.idx.add.f32.msk $0xffff, v2  }
0x1fb: {  	[tilespmem:v7+s17+$0x0] =	vst.idx.add.f32.msk $0xffff, v2  }
0x1fc: {  	v7 =	vld [tilespmem:s1+$0x2010];
	_ =	sdelay $0x4  }
0x1fd: {  	v7 =	vadd.f32 $1.001999970e+00, v7;
	_ =	sdelay $0x1  }
0x1fe: {  	v7 =	vmul.f32 $6.387225720e+01, v7;
	_ =	sdelay $0x1  }
0x1ff: {  	v8 =	vld [tilespmem:s1+$0x10];
	v7 =	vmax.f32 v7, $0.0e+00  }
0x200: {  	v7 =	vmin.f32 v7, $1.270000000e+02  }
0x201: {  	v7 =	vtrunc.f32 v7  }
0x202: {  	v7 =	vcvt.f32.s32 v7;
	_ =	sdelay $0x1  }
0x203: {  	vm13 =	veq.s32 v8, v6;
	v8 =	vadd.s32 $0x80, v7  }
0x204: {  	v7 =	vsel vm13, v7, v8  }
0x205: {  	v8 =	vshll.u32 v7, $0x4  }
0x206: {  	v7 =	vand.u32 $0xFFFFFFF0, v7;
	v8 =	vor.u32 v1, v8  }
0x207: {  	v7 =	vor.u32 v1, v7;
	_ =	sdelay $0x3  }
0x208: {  	[tilespmem:v8+s16+$0x0] =	vst.idx.add.f32.msk $0xffff, v2  }
0x209: {  	[tilespmem:v7+s17+$0x0] =	vst.idx.add.f32.msk $0xffff, v2  }
0x20a: {  	v7 =	vld [tilespmem:s1+$0x2020];
	_ =	sdelay $0x4  }
0x20b: {  	v7 =	vadd.f32 $1.001999970e+00, v7;
	_ =	sdelay $0x1  }
0x20c: {  	v7 =	vmul.f32 $6.387225720e+01, v7;
	_ =	sdelay $0x1  }
0x20d: {  	v8 =	vld [tilespmem:s1+$0x20];
	v7 =	vmax.f32 v7, $0.0e+00  }
0x20e: {  	v7 =	vmin.f32 v7, $1.270000000e+02  }
0x20f: {  	v7 =	vtrunc.f32 v7  }
0x210: {  	v7 =	vcvt.f32.s32 v7;
	_ =	sdelay $0x1  }
0x211: {  	vm14 =	veq.s32 v8, v6;
	v8 =	vadd.s32 $0x80, v7  }
0x212: {  	v7 =	vsel vm14, v7, v8  }
0x213: {  	v8 =	vshll.u32 v7, $0x4  }
0x214: {  	v7 =	vand.u32 $0xFFFFFFF0, v7;
	v8 =	vor.u32 v1, v8  }
0x215: {  	v7 =	vor.u32 v1, v7;
	_ =	sdelay $0x3  }
0x216: {  	[tilespmem:v8+s16+$0x0] =	vst.idx.add.f32.msk $0xffff, v2  }
0x217: {  	[tilespmem:v7+s17+$0x0] =	vst.idx.add.f32.msk $0xffff, v2  }
0x218: {  	v7 =	vld [tilespmem:s1+$0x2030];
	_ =	sdelay $0x4  }
0x219: {  	v7 =	vadd.f32 $1.001999970e+00, v7;
	_ =	sdelay $0x1  }
0x21a: {  	v7 =	vmul.f32 $6.387225720e+01, v7;
	_ =	sdelay $0x1  }
0x21b: {  	v8 =	vld [tilespmem:s1+$0x30];
	v7 =	vmax.f32 v7, $0.0e+00  }
0x21c: {  	v7 =	vmin.f32 v7, $1.270000000e+02  }
0x21d: {  	v7 =	vtrunc.f32 v7  }
0x21e: {  	v7 =	vcvt.f32.s32 v7;
	_ =	sdelay $0x1  }
0x21f: {  	vm15 =	veq.s32 v8, v6;
	v8 =	vadd.s32 $0x80, v7  }
0x220: {  	v7 =	vsel vm15, v7, v8  }
0x221: {  	v8 =	vshll.u32 v7, $0x4  }
0x222: {  	v7 =	vand.u32 $0xFFFFFFF0, v7;
	v8 =	vor.u32 v1, v8  }
0x223: {  	p1 =	sne.s32 s0, $0x3F00;
	v7 =	vor.u32 v1, v7  }
.Ltmp6:
0x224: {  	_ = 	snop;
	(pc) =	sbr.rel @p1 .LBB2_11-.Ltmp6, $3  }
0x225: {  	_ =	sdelay $0x1  }
0x226: {  	[tilespmem:v8+s16+$0x0] =	vst.idx.add.f32.msk $0xffff, v2  }
0x227: {  	s0 =	sadd.s32 $0x100, s0;
	[tilespmem:v7+s17+$0x0] =	vst.idx.add.f32.msk $0xffff, v2  }
0x228: {  	v7 =	vld [tilespmem:$0x4000]  }
0x229: {  	v8 =	vld [tilespmem:$0x4010]  }
0x22a: {  	v9 =	vld [tilespmem:$0x4020]  }
0x22b: {  	v10 =	vld [tilespmem:$0x4030]  }
0x22c: {  	v11 =	vld [tilespmem:$0x4040]  }
0x22d: {  	(xrf2) =	vadd.scan.msk.f32 $0xffff, v7;
	v7 =	vld [tilespmem:$0x4050]  }
0x22e: {  	(xrf2) =	vadd.scan.msk.f32 $0xffff, v8;
	v8 =	vld [tilespmem:$0x4060]  }
0x22f: {  	(xrf2) =	vadd.scan.msk.f32 $0xffff, v9;
	v9 =	vld [tilespmem:$0x4070]  }
0x230: {  	(xrf2) =	vadd.scan.msk.f32 $0xffff, v10;
	v10 =	vld [tilespmem:$0x4080]  }
0x231: {  	(xrf2) =	vadd.scan.msk.f32 $0xffff, v11;
	v11 =	vld [tilespmem:$0x4090]  }
0x232: {  	(xrf2) =	vadd.scan.msk.f32 $0xffff, v7;
	v7 =	vld [tilespmem:$0x40A0]  }
0x233: {  	(xrf2) =	vadd.scan.msk.f32 $0xffff, v8;
	v8 =	vld [tilespmem:$0x40B0]  }
0x234: {  	(xrf2) =	vadd.scan.msk.f32 $0xffff, v9;
	v9 =	vld [tilespmem:$0x40C0]  }
0x235: {  	(xrf2) =	vadd.scan.msk.f32 $0xffff, v10;
	v10 =	vld [tilespmem:$0x40D0]  }
0x236: {  	(xrf2) =	vadd.scan.msk.f32 $0xffff, v11;
	v11 =	vld [tilespmem:$0x40E0]  }
0x237: {  	v12, _, _ =	vpop (xrf2);
	(xrf2) =	vadd.scan.msk.f32 $0xffff, v7  }
0x238: {  	v7, _, _ =	vpop (xrf2);
	(xrf2) =	vadd.scan.msk.f32 $0xffff, v8  }
0x239: {  	v8 =	vbroadcast v12, $0xF;
	v12, _, _ =	vpop (xrf2);
	(xrf2) =	vadd.scan.msk.f32 $0xffff, v9  }
0x23a: {  	v13, _, _ =	vpop (xrf2);
	(xrf2) =	vadd.scan.msk.f32 $0xffff, v10  }
0x23b: {  	v10, _, _ =	vpop (xrf2);
	(xrf2) =	vadd.scan.msk.f32 $0xffff, v11;
	v11 =	vld [tilespmem:$0x1FF10];
	_ =	sdelay $0x2  }
0x23c: {  	v7 =	vbroadcast v7, $0xF  }
0x23d: {  	v12 =	vbroadcast v12, $0xF  }
0x23e: {  	v7 =	vsel vm7, v8, v7;
	vm1 =	vnez.u8 v11  }
0x23f: {  	v7 =	vsel vm1, v7, v12;
	v12 =	vld [tilespmem:$0x1FF20];
	_ =	sdelay $0x4  }
0x240: {  	vm4 =	vnez.u8 v12;
	v12 =	vld [tilespmem:$0x1FF30]  }
0x241: {  	v9 =	vld [tilespmem:$0x40F0];
	_ =	sdelay $0x1  }
0x242: {  	v8 =	vbroadcast v13, $0xF  }
0x243: {  	v10 =	vbroadcast v10, $0xF;
	v11, _, _ =	vpop (xrf2)  }
0x244: {  	v7 =	vsel vm4, v7, v8;
	v8 =	vbroadcast v11, $0xF;
	v11, _, _ =	vpop (xrf2);
	vm5 =	vnez.u8 v12  }
0x245: {  	v7 =	vsel vm5, v7, v10;
	v10 =	vbroadcast v11, $0xF;
	v11, _, _ =	vpop (xrf2);
	(xrf2) =	vadd.scan.msk.f32 $0xffff, v9;
	v9 =	vld [tilespmem:$0x1FF40];
	_ =	sdelay $0x4  }
0x246: {  	vm6 =	vnez.u8 v9  }
0x247: {  	v7 =	vsel vm6, v7, v8;
	v8 =	vbroadcast v11, $0xF;
	v11 =	vld [tilespmem:$0x1FF50];
	_ =	sdelay $0x4  }
0x248: {  	vm8 =	vnez.u8 v11;
	v11 =	vld [tilespmem:$0x1FF60];
	_ =	sdelay $0x4  }
0x249: {  	vm9 =	vnez.u8 v11;
	v11 =	vld [tilespmem:$0x1FF70];
	_ =	sdelay $0x4  }
0x24a: {  	vm0 =	vnez.u8 v11;
	v11 =	vld [tilespmem:$0x1FF80];
	_ =	sdelay $0x4  }
0x24b: {  	vm10 =	vnez.u8 v11;
	v11 =	vld [tilespmem:$0x1FF90];
	_ =	sdelay $0x4  }
0x24c: {  	vm11 =	vnez.u8 v11;
	v11 =	vld [tilespmem:$0x1FFA0];
	_ =	sdelay $0x3  }
0x24d: {  	v9, _, _ =	vpop (xrf2)  }
0x24e: {  	v9 =	vbroadcast v9, $0xF;
	v7 =	vsel vm8, v7, v10;
	v10, _, _ =	vpop (xrf2);
	vm12 =	vnez.u8 v11;
	v11 =	vld [tilespmem:$0x1FFB0]  }
0x24f: {  	v7 =	vsel vm9, v7, v8;
	v8 =	vbroadcast v10, $0xF;
	v10, _, _ =	vpop (xrf2)  }
0x250: {  	v7 =	vsel vm0, v7, v9;
	v9 =	vbroadcast v10, $0xF;
	v10, _, _ =	vpop (xrf2)  }
0x251: {  	v7 =	vsel vm10, v7, v8;
	v8 =	vbroadcast v10, $0xF;
	v10, _, _ =	vpop (xrf2)  }
0x252: {  	v7 =	vsel vm11, v7, v9;
	v9 =	vbroadcast v10, $0xF;
	v10, _, _ =	vpop (xrf2)  }
0x253: {  	v7 =	vsel vm12, v7, v8;
	v8 =	vbroadcast v10, $0xF;
	v10, _, _ =	vpop (xrf2);
	vm13 =	vnez.u8 v11  }
0x254: {  	v7 =	vsel vm13, v7, v9;
	v9 =	vbroadcast v10, $0xF;
	v10 =	vld [tilespmem:$0x1FFC0];
	_ =	sdelay $0x4  }
0x255: {  	vm14 =	vnez.u8 v10  }
0x256: {  	v7 =	vsel vm14, v7, v8;
	v8 =	vld [tilespmem:$0x1FFD0];
	_ =	sdelay $0x4  }
0x257: {  	vm15 =	vnez.u8 v8  }
0x258: {  	v7 =	vsel vm15, v7, v9;
	v9 =	vld [tilespmem:$0x1FFE0];
	_ =	sdelay $0x4  }
0x259: {  	v8, _, _ =	vpop (xrf2);
	vm2 =	vnez.u8 v9  }
0x25a: {  	v9 =	vsel vm2, v7, v8  }
0x25b: {  	v8 =	vnsel vm0, $0x0, v9  }
0x25c: {  	(xrf2) =	vadd.scan.msk.f32 $0xffff, v8;
	_ =	sdelay $0x9  }
0x25d: {  	v7, _, _ =	vpop (xrf2)  }
0x25e: {  	vm3 =	vge.f32 v7, $8.000000000e+00  }
0x25f: {  	v10 =	vmctz.xlane vm3;
	_ =	sdelay $0x1  }
0x260: {  	v10 =	vnsel vm7, $0x0, v10  }
0x261: {  	(xrf0) =	vadd.scan.msk.s32 $0xffff, v10;
	_ =	sdelay $0x5  }
0x262: {  	v10, _, _ =	vpop (xrf0)  }
0x263: {  	(v2sf) =	vpush v10, $0xF;
	_ =	sdelay $0xe  }
0x264: {  	s29 =	spop (v2sf)  }
0x265: {  	p1 =	slt.s32 s29, $0x7  }
0x266: {  	s29 =	simm.s32 @!p1 $0x7  }
0x267: {  	s0 =	sshll.u32 s29, $0xA  }
0x268: {  	s0 =	sshra.s32 s0, $0x2  }
0x269: {  	v10 =	vld [tilespmem:s0+$0x3000]  }
0x26a: {  	v13 =	vimm.s32 $0x0;
	v11 =	vld [tilespmem:s0+$0x3010]  }
0x26b: {  	v13 =	vsel vm3, $0xFFFFFFFF, v13;
	v12 =	vld [tilespmem:s0+$0x3020]  }
0x26c: {  	v8 =	vsel vm3, $0x0, v8;
	[tilespmem:$0x1FEF0] =	vst v13;
	v13 =	vld [tilespmem:s0+$0x3030]  }
0x26d: {  	(xrf2) =	vadd.scan.msk.f32 $0xffff, v8;
	v8 =	vld [tilespmem:s0+$0x3040]  }
0x26e: {  	(xrf2) =	vadd.scan.msk.f32 $0xffff, v10;
	v10 =	vld [tilespmem:s0+$0x3050]  }
0x26f: {  	(xrf2) =	vadd.scan.msk.f32 $0xffff, v11;
	v11 =	vld [tilespmem:s0+$0x3060]  }
0x270: {  	(xrf2) =	vadd.scan.msk.f32 $0xffff, v12  }
0x271: {  	v12 =	vld [tilespmem:s0+$0x3070];
	(xrf2) =	vadd.scan.msk.f32 $0xffff, v13  }
0x272: {  	v13 =	vld [tilespmem:s0+$0x3080];
	(xrf2) =	vadd.scan.msk.f32 $0xffff, v8  }
0x273: {  	v14 =	vld [tilespmem:s0+$0x3090];
	(xrf2) =	vadd.scan.msk.f32 $0xffff, v10  }
0x274: {  	v10 =	vld [tilespmem:s0+$0x30A0];
	(xrf2) =	vadd.scan.msk.f32 $0xffff, v11  }
0x275: {  	v11 =	vld [tilespmem:s0+$0x30B0]  }
0x276: {  	(xrf2) =	vadd.scan.msk.f32 $0xffff, v12;
	v12 =	vld [tilespmem:s0+$0x30C0]  }
0x277: {  	v8, _, _ =	vpop (xrf2);
	(xrf2) =	vadd.scan.msk.f32 $0xffff, v13;
	v13 =	vld [tilespmem:s0+$0x30D0]  }
0x278: {  	(xrf2) =	vadd.scan.msk.f32 $0xffff, v14;
	v14 =	vld [tilespmem:s0+$0x30E0];
	v15, _, _ =	vpop (xrf2)  }
0x279: {  	(xrf2) =	vadd.scan.msk.f32 $0xffff, v10;
	v10, _, _ =	vpop (xrf2)  }
0x27a: {  	(xrf2) =	vadd.scan.msk.f32 $0xffff, v11;
	v11 =	vbroadcast v15, $0xF;
	v10 =	vbroadcast v10, $0xF;
	v15, _, _ =	vpop (xrf2)  }
0x27b: {  	(xrf2) =	vadd.scan.msk.f32 $0xffff, v12;
	v15 =	vbroadcast v15, $0xF;
	v16, _, _ =	vpop (xrf2)  }
0x27c: {  	(xrf2) =	vadd.scan.msk.f32 $0xffff, v13;
	v10 =	vsel vm7, v11, v10;
	v11 =	vbroadcast v16, $0xF;
	v13, _, _ =	vpop (xrf2)  }
0x27d: {  	v12 =	vld [tilespmem:s0+$0x30F0];
	(xrf2) =	vadd.scan.msk.f32 $0xffff, v14;
	v10 =	vsel vm1, v10, v15;
	v13 =	vbroadcast v13, $0xF;
	v14, _, _ =	vpop (xrf2)  }
0x27e: {  	v10 =	vsel vm4, v10, v11;
	v11 =	vbroadcast v14, $0xF;
	v14, _, _ =	vpop (xrf2)  }
0x27f: {  	v10 =	vsel vm5, v10, v13;
	v13 =	vbroadcast v14, $0xF;
	_ =	sdelay $0x1  }
0x280: {  	v14, _, _ =	vpop (xrf2)  }
0x281: {  	(xrf2) =	vadd.scan.msk.f32 $0xffff, v12;
	v10 =	vsel vm6, v10, v11;
	v11 =	vbroadcast v14, $0xF;
	v12, _, _ =	vpop (xrf2)  }
0x282: {  	v10 =	vsel vm8, v10, v13;
	v12 =	vbroadcast v12, $0xF;
	v13, _, _ =	vpop (xrf2)  }
0x283: {  	v10 =	vsel vm9, v10, v11;
	v11 =	vbroadcast v13, $0xF;
	v13, _, _ =	vpop (xrf2)  }
0x284: {  	v10 =	vsel vm0, v10, v12;
	v12 =	vbroadcast v13, $0xF;
	v13, _, _ =	vpop (xrf2)  }
0x285: {  	v10 =	vsel vm10, v10, v11;
	v11 =	vbroadcast v13, $0xF;
	v13, _, _ =	vpop (xrf2)  }
0x286: {  	v10 =	vsel vm11, v10, v12;
	v12 =	vbroadcast v13, $0xF;
	v13, _, _ =	vpop (xrf2)  }
0x287: {  	v10 =	vsel vm12, v10, v11;
	v11 =	vbroadcast v13, $0xF  }
0x288: {  	v13, _, _ =	vpop (xrf2)  }
0x289: {  	v10 =	vsel vm13, v10, v12;
	v12 =	vbroadcast v13, $0xF  }
0x28a: {  	v10 =	vsel vm14, v10, v11  }
0x28b: {  	v10 =	vsel vm15, v10, v12;
	v12 =	vperm.xlane v9, v3;
	v11, _, _ =	vpop (xrf2)  }
0x28c: {  	v9 =	vsel vm2, v10, v11  }
0x28d: {  	v10 =	vnsel vm0, $0x0, v12;
	(xrf2) =	vadd.scan.msk.f32 $0xffff, v9  }
0x28e: {  	(xrf2) =	vadd.scan.msk.f32 $0xffff, v10;
	_ =	sdelay $0x8  }
0x28f: {  	v12, _, _ =	vpop (xrf2)  }
0x290: {  	v11, _, _ =	vpop (xrf2)  }
0x291: {  	vm3 =	vge.f32 v11, $6.400000000e+01  }
0x292: {  	v11 =	vmctz.xlane vm3;
	_ =	sdelay $0x1  }
0x293: {  	v11 =	vnsel vm7, $0x0, v11  }
0x294: {  	(xrf0) =	vadd.scan.msk.s32 $0xffff, v11;
	_ =	sdelay $0x5  }
0x295: {  	v11, _, _ =	vpop (xrf0)  }
0x296: {  	(v2sf) =	vpush v11, $0xF;
	_ =	sdelay $0xe  }
0x297: {  	s19 =	spop (v2sf)  }
0x298: {  	s0 =	ssub.s32 $0xF, s19  }
0x299: {  	p1 =	sgt.s32 s0, $0x8  }
0x29a: {  	s0 =	simm.s32 @!p1 $0x8  }
0x29b: {  	s30 =	smin.u32 s0, $0xF  }
0x29c: {  	s0 =	sshll.u32 s30, $0x8  }
0x29d: {  	v11 =	vld [tilespmem:s0+$0x3000]  }
0x29e: {  	v13 =	vld [tilespmem:s0+$0x3010]  }
0x29f: {  	v14 =	vld [tilespmem:s0+$0x3020]  }
0x2a0: {  	v10 =	vsel vm3, $0x0, v10;
	v15 =	vld [tilespmem:s0+$0x3030]  }
0x2a1: {  	(xrf2) =	vadd.scan.msk.f32 $0xffff, v10;
	v10 =	vld [tilespmem:s0+$0x3040]  }
0x2a2: {  	(xrf2) =	vadd.scan.msk.f32 $0xffff, v11;
	v11 =	vld [tilespmem:s0+$0x3050]  }
0x2a3: {  	(xrf2) =	vadd.scan.msk.f32 $0xffff, v13;
	v13 =	vld [tilespmem:s0+$0x3060]  }
0x2a4: {  	(xrf2) =	vadd.scan.msk.f32 $0xffff, v14;
	v14 =	vld [tilespmem:s0+$0x3070]  }
0x2a5: {  	(xrf2) =	vadd.scan.msk.f32 $0xffff, v15;
	v15 =	vld [tilespmem:s0+$0x3080]  }
0x2a6: {  	v54 =	vld [tilespmem:s0+$0x3090];
	(xrf2) =	vadd.scan.msk.f32 $0xffff, v10  }
0x2a7: {  	(xrf2) =	vadd.scan.msk.f32 $0xffff, v11;
	v11 =	vld [tilespmem:s0+$0x30A0]  }
0x2a8: {  	(xrf2) =	vadd.scan.msk.f32 $0xffff, v13;
	v13 =	vld [tilespmem:s0+$0x30B0]  }
0x2a9: {  	(xrf2) =	vadd.scan.msk.f32 $0xffff, v14;
	v14 =	vld [tilespmem:s0+$0x30C0]  }
0x2aa: {  	(xrf2) =	vadd.scan.msk.f32 $0xffff, v15;
	v15 =	vld [tilespmem:s0+$0x30D0]  }
0x2ab: {  	v10, _, _ =	vpop (xrf2);
	(xrf2) =	vadd.scan.msk.f32 $0xffff, v54  }
0x2ac: {  	v17, _, _ =	vpop (xrf2);
	(xrf2) =	vadd.scan.msk.f32 $0xffff, v11  }
0x2ad: {  	v55 =	vld [tilespmem:s0+$0x30E0];
	v11, _, _ =	vpop (xrf2);
	(xrf2) =	vadd.scan.msk.f32 $0xffff, v13  }
0x2ae: {  	v13 =	vbroadcast v17, $0xF;
	v11 =	vbroadcast v11, $0xF;
	v56, _, _ =	vpop (xrf2);
	(xrf2) =	vadd.scan.msk.f32 $0xffff, v14  }
0x2af: {  	v18, _, _ =	vpop (xrf2);
	(xrf2) =	vadd.scan.msk.f32 $0xffff, v15;
	v15 =	vbroadcast v56, $0xF  }
0x2b0: {  	v14 =	vld [tilespmem:s0+$0x30F0];
	v11 =	vsel vm7, v13, v11;
	v13 =	vbroadcast v18, $0xF;
	v57, _, _ =	vpop (xrf2)  }
0x2b1: {  	v58, _, _ =	vpop (xrf2);
	v11 =	vsel vm1, v11, v15;
	v15 =	vbroadcast v57, $0xF  }
0x2b2: {  	(xrf2) =	vadd.scan.msk.f32 $0xffff, v55;
	v59, _, _ =	vpop (xrf2);
	v11 =	vsel vm4, v11, v13  }
0x2b3: {  	v13 =	vbroadcast v58, $0xF;
	v11 =	vsel vm5, v11, v15;
	v15 =	vbroadcast v59, $0xF  }
0x2b4: {  	v60, _, _ =	vpop (xrf2)  }
0x2b5: {  	(xrf2) =	vadd.scan.msk.f32 $0xffff, v14;
	v14, _, _ =	vpop (xrf2);
	v11 =	vsel vm6, v11, v13;
	v13 =	vbroadcast v60, $0xF  }
0x2b6: {  	v61, _, _ =	vpop (xrf2);
	v11 =	vsel vm8, v11, v15;
	v14 =	vbroadcast v14, $0xF  }
0x2b7: {  	v11 =	vsel vm9, v11, v13;
	v13 =	vbroadcast v61, $0xF;
	v15, _, _ =	vpop (xrf2)  }
0x2b8: {  	v11 =	vsel vm0, v11, v14;
	v62, _, _ =	vpop (xrf2);
	v14 =	vbroadcast v15, $0xF  }
0x2b9: {  	v11 =	vsel vm10, v11, v13;
	v15, _, _ =	vpop (xrf2);
	v13 =	vbroadcast v62, $0xF  }
0x2ba: {  	v63, _, _ =	vpop (xrf2);
	v11 =	vsel vm11, v11, v14  }
0x2bb: {  	v14 =	vbroadcast v15, $0xF;
	v11 =	vsel vm12, v11, v13;
	v13 =	vbroadcast v63, $0xF  }
0x2bc: {  	v15, _, _ =	vpop (xrf2)  }
0x2bd: {  	v11 =	vsel vm13, v11, v14;
	v14 =	vbroadcast v15, $0xF  }
0x2be: {  	v11 =	vsel vm14, v11, v13  }
0x2bf: {  	v11 =	vsel vm15, v11, v14;
	v13, _, _ =	vpop (xrf2)  }
0x2c0: {  	v11 =	vsel vm2, v11, v13  }
0x2c1: {  	v11 =	vperm.xlane v11, v3;
	_ =	sdelay $0x1  }
0x2c2: {  	(xrf2) =	vadd.scan.msk.f32 $0xffff, v11;
	_ =	sdelay $0x8  }
0x2c3: {  	v14 =	vbroadcast v10, $0xF;
	v13 =	vbroadcast v8, $0xF  }
0x2c4: {  	v15, _, _ =	vpop (xrf2)  }
0x2c5: {  	v12 =	vadd.f32 v12, v13;
	v13 =	vadd.f32 v15, v14;
	_ =	sdelay $0x1  }
0x2c6: {  	vm1 =	vge.f32 v12, $8.000000000e+00;
	vm15 =	vge.f32 v13, $6.400000000e+01  }
0x2c7: {  	s31 =	simm.s32 $0x100;
	s0 =	simm.s32 $0x0;
	v13 =	vmctz.xlane vm1;
	v12 =	vmctz.xlane vm15  }
.LBB2_13:
0x2c8: {  	p1 =	sne.s32 s31, $0x3F00;
	[tilespmem:s0+$0x3030] =	vst v0;
	s1 =	smov.u32 s31;
	s31 =	sadd.s32 $0x100, s31  }
.Ltmp7:
0x2c9: {  	[tilespmem:s0+$0x3020] =	vst v0;
	(pc) =	sbr.rel @p1 .LBB2_13-.Ltmp7, $3  }
0x2ca: {  	[tilespmem:s0+$0x3000] =	vst v0  }
0x2cb: {  	[tilespmem:s0+$0x3010] =	vst v0;
	_ =	sdelay $0x1  }
0x2cc: {  	s0 =	sshra.s32 s1, $0x2  }
0x2cd: {  	[tilespmem:s0+$0x3030] =	vst v0  }
0x2ce: {  	v14 =	vld [tilespmem:$0x1FEF0];
	[tilespmem:s0+$0x3020] =	vst v0  }
0x2cf: {  	[tilespmem:s0+$0x3000] =	vst v0  }
0x2d0: {  	[tilespmem:s0+$0x3010] =	vst v0;
	v16 =	vimm.f32 $0.0e+00  }
0x2d1: {  	[tilespmem:$0x4000] =	vst v16  }
0x2d2: {  	[tilespmem:$0x4010] =	vst v16  }
0x2d3: {  	[tilespmem:$0x4020] =	vst v16;
	vm0 =	vnez.u8 v14  }
0x2d4: {  	[tilespmem:$0x4030] =	vst v16;
	v14 =	vsel vm0, $0x1, v5  }
0x2d5: {  	[tilespmem:$0x4040] =	vst v16;
	(xrf0) =	vadd.scan.msk.s32 $0xffff, v14;
	v14 =	vld [tilespmem:$0x1FFF0]  }
0x2d6: {  	[tilespmem:$0x4050] =	vst v16  }
0x2d7: {  	[tilespmem:$0x4060] =	vst v16  }
0x2d8: {  	[tilespmem:$0x4070] =	vst v16  }
0x2d9: {  	[tilespmem:$0x4080] =	vst v16  }
0x2da: {  	[tilespmem:$0x4090] =	vst v16;
	vm7 =	vnez.u8 v14  }
0x2db: {  	[tilespmem:$0x40A0] =	vst v16;
	v13 =	vnsel vm7, $0x0, v13  }
0x2dc: {  	[tilespmem:$0x40B0] =	vst v16;
	(xrf0) =	vadd.scan.msk.s32 $0xffff, v13;
	v13 =	vsel vm3, $0x1, v5  }
0x2dd: {  	[tilespmem:$0x40C0] =	vst v16;
	v12 =	vnsel vm7, $0x0, v12;
	(xrf0) =	vadd.scan.msk.s32 $0xffff, v13  }
0x2de: {  	[tilespmem:$0x40D0] =	vst v16;
	(xrf0) =	vadd.scan.msk.s32 $0xffff, v12  }
0x2df: {  	[tilespmem:$0x40E0] =	vst v16  }
0x2e0: {  	s3 =	simm.s32 $0x0;
	[tilespmem:$0x40F0] =	vst v16  }
0x2e1: {  	v17 =	vld [tilespmem:s3+$0x2030];
	v12, _, _ =	vpop (xrf0)  }
0x2e2: {  	v18 =	vld [tilespmem:s3+$0x2020];
	(v2sf) =	vpush v12, $0xF;
	v13, _, _ =	vpop (xrf0)  }
0x2e3: {  	v22 =	vld [tilespmem:s3+$0x2000];
	v12, _, _ =	vpop (xrf0);
	(v2sf) =	vpush v13, $0xF  }
0x2e4: {  	v21 =	vld [tilespmem:s3+$0x2010];
	(v2sf) =	vpush v12, $0xF;
	v12, _, _ =	vpop (xrf0)  }
0x2e5: {  	(v2sf) =	vpush v12, $0xF  }
0x2e6: {  	v14 =	vld [tilespmem:s3+$0x20]  }
0x2e7: {  	v23 =	vld [tilespmem:s3+$0x10];
	v19 =	vadd.f32 $1.001999970e+00, v17  }
0x2e8: {  	v20 =	vadd.f32 $1.001999970e+00, v18;
	v24 =	vadd.f32 $1.001999970e+00, v22  }
0x2e9: {  	v25 =	vadd.f32 $-1.000000000e+00, v18;
	v26 =	vadd.f32 $-1.000000000e+00, v21  }
0x2ea: {  	v27 =	vadd.f32 $-1.000000000e+00, v22;
	v19 =	vmul.f32 $6.387225720e+01, v19;
	v20 =	vmul.f32 $6.387225720e+01, v20;
	v12 =	vld [tilespmem:s3+$0x30]  }
0x2eb: {  	v24 =	vmul.f32 $6.387225720e+01, v24;
	vm2 =	veq.s32 v14, v6;
	v14 =	vadd.f32 $-1.000000000e+00, v17  }
0x2ec: {  	vm4 =	veq.s32 v23, v6;
	v23 =	vmul.f32 $1.428571410e+01, v26;
	v25 =	vmul.f32 $1.428571410e+01, v25  }
0x2ed: {  	v26 =	vmul.f32 $1.428571410e+01, v27;
	v14 =	vmul.f32 $1.428571410e+01, v14  }
0x2ee: {  	v20 =	vmax.f32 v20, $0.0e+00;
	v19 =	vmax.f32 v19, $0.0e+00;
	v23 =	vmul.f32 $1.442695020e+00, v23  }
0x2ef: {  	v29 =	vmul.f32 $1.442695020e+00, v14;
	vm3 =	veq.s32 v12, v6;
	v12 =	vadd.f32 $1.001999970e+00, v21  }
0x2f0: {  	v24 =	vmax.f32 v24, $0.0e+00;
	v25 =	vmul.f32 $1.442695020e+00, v25;
	v26 =	vmul.f32 $1.442695020e+00, v26  }
0x2f1: {  	v27 =	vld [tilespmem:s3+$0x0];
	v19 =	vmin.f32 v19, $1.270000000e+02;
	(erf) = vpow2.f32 v29;
	v12 =	vmul.f32 $6.387225720e+01, v12;
	s1 =	spop (v2sf)  }
0x2f2: {  	v20 =	vmin.f32 v20, $1.270000000e+02;
	v19 =	vtrunc.f32 v19;
	(erf) = vpow2.f32 v26;
	s2 =	spop (v2sf)  }
0x2f3: {  	v30 =	vtrunc.f32 v20;
	v20 =	vmin.f32 v24, $1.270000000e+02;
	v28 =	vmax.f32 v12, $0.0e+00;
	s13 =	spop (v2sf)  }
0x2f4: {  	s30 =	sshll.u32 s30, $0x4;
	s29 =	sshll.u32 s29, $0x4;
	v26 =	vtrunc.f32 v20;
	(erf) = vpow2.f32 v25;
	v28 =	vmin.f32 v28, $1.270000000e+02;
	s31 =	spop (v2sf)  }
0x2f5: {  	v25 =	vcvt.f32.s32 v19;
	p1 =	sgt.s32 s1, $0x0;
	v24 =	vtrunc.f32 v28;
	s19 =	ssub.s32 s30, s31;
	s30 =	sadd.s32 s29, s2  }
0x2f6: {  	vm6 =	veq.s32 v27, v6;
	(erf) = vpow2.f32 v23;
	v23 =	vcvt.f32.s32 v24;
	p2 =	sgt.s32 s13, $0x0;
	s29 =	sadd.s32 $0xFFFFFF8F, s19;
	s30 =	simm.s32 @!p1 $0x80  }
0x2f7: {  	v26 =	vcvt.f32.s32 v26;
	v24 =	vcvt.f32.s32 v30;
	s29 =	simm.s32 @!p2 $0xFFFFFFFF;
	v15 =	vmov s30  }
0x2f8: {  	v13 =	vmov s29;
	vm5 =	vgt.s32 v15, v25;
	vm9 =	vgt.s32 v15, v23  }
0x2f9: {  	vm10 =	vgt.s32 v15, v24;
	vm12 =	vgt.s32 v15, v26;
	vm8 =	vge.s32 v13, v25  }
0x2fa: {  	vm13 =	vge.s32 v13, v26;
	vm14 =	vge.s32 v13, v23;
	vm5 =	vmand vm3, vm5;
	v25 =	vpop (erf)  }
0x2fb: {  	vm3 =	vmor vm3, vm8;
	vm8 =	vmand vm6, vm12;
	vm6 =	vmor vm6, vm13;
	v23 =	vpop (erf)  }
0x2fc: {  	vm11 =	vge.s32 v13, v24;
	v24 =	vnsel vm8, $0x0, v23;
	v23 =	vsel vm6, $0x0, v23  }
0x2fd: {  	s31 =	simm.s32 $0x40;
	vm10 =	vmand vm2, vm10;
	vm9 =	vmand vm4, vm9;
	v22 =	vnsel vm8, $0x0, v22  }
0x2fe: {  	v12 =	vld [tilespmem:s31+$0x2030];
	vm2 =	vmor vm2, vm11;
	vm4 =	vmor vm4, vm14;
	v26 =	vpop (erf);
	v22 =	vadd.f32 v22, v16  }
0x2ff: {  	v14 =	vld [tilespmem:s31+$0x2020];
	v21 =	vnsel vm9, $0x0, v21;
	v24 =	vadd.f32 v24, v16;
	v16 =	vadd.f32 v23, v16;
	v23 =	vpop (erf)  }
0x300: {  	v27 =	vadd.f32 v21, v22;
	v22 =	vld [tilespmem:s31+$0x30];
	v21 =	vnsel vm9, $0x0, v23;
	v23 =	vsel vm4, $0x0, v23  }
0x301: {  	v24 =	vadd.f32 v21, v24;
	v23 =	vadd.f32 v23, v16;
	v16 =	vnsel vm10, $0x0, v18;
	v21 =	vld [tilespmem:s31+$0x20]  }
0x302: {  	v18 =	vadd.f32 v16, v27;
	v27 =	vnsel vm10, $0x0, v26;
	v26 =	vsel vm2, $0x0, v26;
	v16 =	vld [tilespmem:s31+$0x2010]  }
0x303: {  	v20 =	vadd.f32 $1.001999970e+00, v12;
	v23 =	vadd.f32 v26, v23;
	v26 =	vnsel vm5, $0x0, v17;
	v17 =	vld [tilespmem:s31+$0x2000]  }
0x304: {  	v19 =	vadd.f32 $1.001999970e+00, v14;
	v24 =	vadd.f32 v27, v24  }
0x305: {  	s0 =	simm.s32 $0x200;
	v18 =	vadd.f32 v26, v18;
	v26 =	vnsel vm5, $0x0, v25;
	v25 =	vsel vm3, $0x0, v25  }
.LBB2_15:
0x306: {  	p3 =	sne.s32 s0, $0x3F00;
	v27 =	vld [tilespmem:s31+$0x10];
	vm2 =	veq.s32 v22, v6;
	v24 =	vadd.f32 v26, v24;
	v23 =	vadd.f32 v25, v23  }
0x307: {  	vm3 =	veq.s32 v21, v6;
	v21 =	vadd.f32 $-1.000000000e+00, v12;
	v22 =	vadd.f32 $1.001999970e+00, v16  }
0x308: {  	v26 =	vadd.f32 $-1.000000000e+00, v14;
	v20 =	vmul.f32 $6.387225720e+01, v20;
	v25 =	vadd.f32 $1.001999970e+00, v17  }
0x309: {  	v19 =	vmul.f32 $6.387225720e+01, v19;
	v28 =	vadd.f32 $-1.000000000e+00, v16;
	v22 =	vmul.f32 $6.387225720e+01, v22  }
0x30a: {  	v29 =	vadd.f32 $-1.000000000e+00, v17;
	v21 =	vmul.f32 $1.428571410e+01, v21;
	v25 =	vmul.f32 $6.387225720e+01, v25  }
0x30b: {  	v26 =	vmul.f32 $1.428571410e+01, v26;
	vm4 =	veq.s32 v27, v6;
	v27 =	vmul.f32 $1.428571410e+01, v28  }
0x30c: {  	v19 =	vmax.f32 v19, $0.0e+00;
	v20 =	vmax.f32 v20, $0.0e+00;
	v28 =	vmul.f32 $1.428571410e+01, v29  }
0x30d: {  	v21 =	vmul.f32 $1.442695020e+00, v21;
	v22 =	vmax.f32 v22, $0.0e+00;
	v25 =	vmax.f32 v25, $0.0e+00;
	v29 =	vld [tilespmem:s31+$0x0];
	s31 =	sshra.s32 s0, $0x2  }
0x30e: {  	v20 =	vmin.f32 v20, $1.270000000e+02;
	v26 =	vmul.f32 $1.442695020e+00, v26;
	v27 =	vmul.f32 $1.442695020e+00, v27;
	v30 =	vld [tilespmem:s31+$0x2030]  }
0x30f: {  	v19 =	vmin.f32 v19, $1.270000000e+02;
	v32 =	vtrunc.f32 v20;
	v28 =	vmul.f32 $1.442695020e+00, v28;
	v31 =	vld [tilespmem:s31+$0x2020]  }
0x310: {  	v20 =	vmin.f32 v22, $1.270000000e+02;
	v22 =	vtrunc.f32 v19;
	(erf) = vpow2.f32 v21  }
0x311: {  	v19 =	vmin.f32 v25, $1.270000000e+02;
	v21 =	vtrunc.f32 v20;
	(erf) = vpow2.f32 v28  }
0x312: {  	v25 =	vtrunc.f32 v19;
	vm8 =	veq.s32 v29, v6;
	(erf) = vpow2.f32 v26  }
0x313: {  	v26 =	vcvt.f32.s32 v32;
	v20 =	vadd.f32 $1.001999970e+00, v30;
	(erf) = vpow2.f32 v27  }
0x314: {  	v22 =	vcvt.f32.s32 v22;
	v21 =	vcvt.f32.s32 v21;
	v19 =	vadd.f32 $1.001999970e+00, v31  }
0x315: {  	v25 =	vcvt.f32.s32 v25;
	vm5 =	vgt.s32 v15, v26;
	vm9 =	vge.s32 v13, v26  }
0x316: {  	vm6 =	vgt.s32 v15, v22;
	vm11 =	vge.s32 v13, v22;
	vm10 =	vgt.s32 v15, v21  }
0x317: {  	vm12 =	vgt.s32 v15, v25;
	vm13 =	vge.s32 v13, v25;
	vm14 =	vge.s32 v13, v21  }
0x318: {  	vm6 =	vmand vm3, vm6;
	vm5 =	vmand vm2, vm5;
	vm2 =	vmor vm2, vm9  }
0x319: {  	vm3 =	vmor vm3, vm11;
	vm10 =	vmand vm4, vm10;
	vm9 =	vmand vm8, vm12;
	v25 =	vpop (erf)  }
0x31a: {  	vm4 =	vmor vm4, vm14;
	vm8 =	vmor vm8, vm13;
	v17 =	vnsel vm9, $0x0, v17;
	v21 =	vpop (erf)  }
0x31b: {  	v17 =	vadd.f32 v17, v18;
	v18 =	vnsel vm9, $0x0, v21;
	v21 =	vsel vm8, $0x0, v21;
	v26 =	vpop (erf)  }
0x31c: {  	v16 =	vnsel vm10, $0x0, v16;
	v22 =	vld [tilespmem:s31+$0x30];
	v18 =	vadd.f32 v18, v24;
	v23 =	vadd.f32 v21, v23;
	v24 =	vpop (erf)  }
.Ltmp8:
0x31d: {  	v27 =	vadd.f32 v16, v17;
	v21 =	vld [tilespmem:s31+$0x20];
	v17 =	vnsel vm10, $0x0, v24;
	v24 =	vsel vm4, $0x0, v24;
	(pc) =	sbr.rel @p3 .LBB2_15-.Ltmp8, $4  }
0x31e: {  	v16 =	vld [tilespmem:s31+$0x2010];
	v18 =	vadd.f32 v17, v18;
	v23 =	vadd.f32 v24, v23;
	v24 =	vnsel vm6, $0x0, v14;
	v14 =	vmovc v31  }
0x31f: {  	v17 =	vld [tilespmem:s31+$0x2000];
	v27 =	vadd.f32 v24, v27;
	v24 =	vnsel vm6, $0x0, v26;
	v26 =	vsel vm3, $0x0, v26  }
0x320: {  	v24 =	vadd.f32 v24, v18;
	v23 =	vadd.f32 v26, v23;
	v18 =	vnsel vm5, $0x0, v12;
	v12 =	vmovc v30  }
0x321: {  	s0 =	sadd.s32 $0x100, s0;
	v26 =	vnsel vm5, $0x0, v25;
	v25 =	vsel vm2, $0x0, v25;
	v18 =	vadd.f32 v18, v27  }
0x322: {  	vm2 =	veq.s32 v22, v6  }
0x323: {  	v38 =	vadd.f32 $-1.000000000e+00, v12;
	v20 =	vmul.f32 $6.387225720e+01, v20;
	v31 =	vadd.f32 $-1.000000000e+00, v14  }
0x324: {  	v19 =	vmul.f32 $6.387225720e+01, v19;
	v24 =	vadd.f32 v26, v24;
	v23 =	vadd.f32 v25, v23  }
0x325: {  	vm6 =	veq.s32 v21, v6;
	v27 =	vadd.f32 $1.001999970e+00, v16;
	v30 =	vadd.f32 $-1.000000000e+00, v16  }
0x326: {  	s0 =	scvt.s32.f32 s30;
	v9 =	vsel vm1, $0x0, v9;
	v28 =	vadd.f32 $1.001999970e+00, v17;
	v29 =	vadd.f32 $-1.000000000e+00, v17  }
0x327: {  	v41 =	vld [tilespmem:s31+$0x10];
	v22 =	vmul.f32 $1.428571410e+01, v38;
	v40 =	vmul.f32 $1.428571410e+01, v31;
	v19 =	vmax.f32 v19, $0.0e+00  }
0x328: {  	v42 =	vld [tilespmem:s31+$0x0];
	v20 =	vmax.f32 v20, $0.0e+00;
	s0 =	sadd.f32 $5.000000000e-01, s0;
	v27 =	vmul.f32 $6.387225720e+01, v27;
	v39 =	vmul.f32 $1.428571410e+01, v30  }
0x329: {  	v20 =	vmin.f32 v20, $1.270000000e+02;
	v28 =	vmul.f32 $6.387225720e+01, v28;
	v29 =	vmul.f32 $1.428571410e+01, v29  }
0x32a: {  	v19 =	vmin.f32 v19, $1.270000000e+02;
	v22 =	vmul.f32 $1.442695020e+00, v22;
	v25 =	vmul.f32 $1.442695020e+00, v40;
	s0 =	smul.f32 $1.565624960e-02, s0  }
0x32b: {  	s1 =	scvt.s32.f32 s29;
	v11 =	vsel vm15, $0x0, v11;
	v20 =	vtrunc.f32 v20;
	v19 =	vtrunc.f32 v19  }
0x32c: {  	v27 =	vmax.f32 v27, $0.0e+00;
	v26 =	vmul.f32 $1.442695020e+00, v39;
	vm5 =	veq.s32 v41, v6;
	s29 =	sadd.f32 $-1.001999970e+00, s0  }
0x32d: {  	s3 =	sadd.f32 $5.000000000e-01, s1;
	v20 =	vcvt.f32.s32 v20;
	vm8 =	veq.s32 v42, v6;
	v29 =	vmul.f32 $1.442695020e+00, v29  }
0x32e: {  	(erf) = vpow2.f32 v22;
	v28 =	vmax.f32 v28, $0.0e+00;
	v27 =	vmin.f32 v27, $1.270000000e+02;
	s13 =	sadd.f32 $-1.000000000e+00, s29  }
0x32f: {  	v19 =	vcvt.f32.s32 v19;
	s0 =	smul.f32 $1.565624960e-02, s3;
	v28 =	vmin.f32 v28, $1.270000000e+02;
	v27 =	vtrunc.f32 v27  }
0x330: {  	vm3 =	vgt.s32 v15, v20;
	vm9 =	vge.s32 v13, v20;
	(erf) = vpow2.f32 v29;
	s1 =	smul.f32 $1.428571410e+01, s13  }
0x331: {  	vm4 =	vgt.s32 v15, v19;
	v6 =	vcvt.f32.s32 v27;
	(erf) = vpow2.f32 v25  }
0x332: {  	v43 =	vtrunc.f32 v28;
	s0 =	sadd.f32 $-1.001999970e+00, s0;
	(erf) = vpow2.f32 v26;
	v44 =	vmov s1  }
0x333: {  	vm10 =	vgt.s32 v15, v6;
	vm14 =	vge.s32 v13, v6;
	v6 =	vmul.f32 $1.442695020e+00, v44  }
0x334: {  	vm11 =	vge.s32 v13, v19;
	vm4 =	vmand vm6, vm4;
	v21 =	vcvt.f32.s32 v43;
	s0 =	sadd.f32 $-1.000000000e+00, s0  }
0x335: {  	vm3 =	vmand vm2, vm3;
	vm2 =	vmor vm2, vm9;
	v6 =	vbroadcast v6, $0x0  }
0x336: {  	vm6 =	vmor vm6, vm11;
	v53 =	vnsel vm4, $0x0, v14;
	vm12 =	vgt.s32 v15, v21;
	s0 =	smul.f32 $1.428571410e+01, s0  }
0x337: {  	vm13 =	vge.s32 v13, v21;
	vm10 =	vmand vm5, vm10;
	v45 =	vpop (erf);
	(erf) = vpow2.f32 v6  }
0x338: {  	vm5 =	vmor vm5, vm14;
	vm12 =	vmand vm8, vm12;
	v6 =	vmov s0  }
0x339: {  	vm8 =	vmor vm8, vm13;
	v46 =	vnsel vm12, $0x0, v17;
	v47 =	vpop (erf);
	v6 =	vmul.f32 $1.442695020e+00, v6  }
0x33a: {  	v50 =	vnsel vm10, $0x0, v16;
	v15 =	vadd.f32 v46, v18;
	v48 =	vnsel vm12, $0x0, v47;
	v49 =	vpop (erf)  }
0x33b: {  	v17 =	vsel vm8, $0x0, v47;
	v18 =	vadd.f32 v48, v24;
	v51 =	vpop (erf);
	v6 =	vbroadcast v6, $0x0  }
0x33c: {  	v15 =	vadd.f32 v50, v15;
	v17 =	vadd.f32 v17, v23;
	v52 =	vnsel vm10, $0x0, v51  }
0x33d: {  	v20 =	vsel vm5, $0x0, v51;
	v16 =	vadd.f32 v52, v18;
	(erf) = vpow2.f32 v6  }
0x33e: {  	v14 =	vadd.f32 v53, v15;
	v17 =	vadd.f32 v20, v17;
	v6 =	vnsel vm4, $0x0, v49  }
0x33f: {  	v55 =	vnsel vm3, $0x0, v12;
	v54 =	vsel vm6, $0x0, v49;
	v6 =	vadd.f32 v6, v16  }
0x340: {  	(xrf2) =	vadd.scan.msk.f32 $0xffff, v9;
	v57 =	vnsel vm3, $0x0, v45;
	v56 =	vadd.f32 v55, v14;
	v15 =	vadd.f32 v54, v17;
	v58 =	vpop (erf)  }
0x341: {  	(xrf2) =	vadd.scan.msk.f32 $0xffff, v11;
	v6 =	vadd.f32 v57, v6;
	v60 =	vadd.f32 $0.0e+00, v58;
	v11 =	vmul.f32 $0.0e+00, v58  }
0x342: {  	v13 =	vsel vm2, $0x0, v45;
	(xrf2) =	vadd.scan.msk.f32 $0xffff, v56  }
0x343: {  	v59 =	vadd.f32 v13, v15;
	(xrf2) =	vadd.scan.msk.f32 $0xffff, v6;
	v6 =	vsel vm7, v60, v11;
	_ =	sdelay $0x1  }
0x344: {  	(xrf2) =	vadd.scan.msk.f32 $0xffff, v59  }
0x345: {  	(xrf2) =	vadd.scan.msk.f32 $0xffff, v6;
	v6 =	vpop (erf)  }
0x346: {  	v61 =	vadd.f32 $0.0e+00, v6;
	v6 =	vmul.f32 $0.0e+00, v6;
	_ =	sdelay $0x1  }
0x347: {  	(v2sf) =	vpush v7, $0xF;
	v6 =	vsel vm7, v61, v6  }
0x348: {  	(v2sf) =	vpush v8, $0xF;
	v7, _, _ =	vpop (xrf2);
	(xrf2) =	vadd.scan.msk.f32 $0xffff, v6  }
0x349: {  	(v2sf) =	vpush v7, $0xF  }
0x34a: {  	(v2sf) =	vpush v10, $0xF;
	v6, _, _ =	vpop (xrf2)  }
0x34b: {  	v7, _, _ =	vpop (xrf2);
	(v2sf) =	vpush v6, $0xF  }
0x34c: {  	v6, _, _ =	vpop (xrf2);
	(v2sf) =	vpush v7, $0xF  }
0x34d: {  	v7, _, _ =	vpop (xrf2);
	(v2sf) =	vpush v6, $0xF  }
0x34e: {  	v6, _, _ =	vpop (xrf2);
	(v2sf) =	vpush v7, $0xF  }
0x34f: {  	(v2sf) =	vpush v6, $0xF;
	_ =	sdelay $0x2  }
0x350: {  	v6, _, _ =	vpop (xrf2)  }
0x351: {  	(v2sf) =	vpush v6, $0xF;
	_ =	sdelay $0x2  }
0x352: {  	s0 =	spop (v2sf)  }
0x353: {  	s19 =	spop (v2sf)  }
0x354: {  	s2 =	spop (v2sf)  }
0x355: {  	s13 =	spop (v2sf)  }
0x356: {  	s1 =	sadd.f32 s2, s19;
	s30 =	spop (v2sf)  }
0x357: {  	s31 =	spop (v2sf)  }
0x358: {  	s1 =	ssub.f32 $8.000000000e+00, s1;
	s2 =	spop (v2sf)  }
0x359: {  	s19 =	spop (v2sf)  }
0x35a: {  	s1 =	simm.s32 @!p1 $0x0;
	s13 =	sadd.f32 s30, s13;
	s3 =	spop (v2sf)  }
0x35b: {  	s3 =	smul.f32 s3, s1  }
0x35c: {  	s13 =	ssub.f32 $6.400000000e+01, s13  }
0x35d: {  	s2 =	sadd.f32 s2, s3  }
0x35e: {  	s13 =	simm.s32 @!p2 $0x0;
	s30 =	spop (v2sf)  }
0x35f: {  	s2 =	sadd.f32 s19, s2;
	s3 =	smul.f32 s30, s13  }
0x360: {  	_ = 	snop  }
0x361: {  	s2 =	sadd.f32 s2, s3;
	_ =	sdelay $0x1  }
0x362: {  	s2 =	smax.f32 s2, $9.999999910e-38  }
0x363: {  	v6 =	vmov s2  }
0x364: {  	v6 =	vbroadcast v6, $0x0;
	_ =	sdelay $0x1  }
0x365: {  	v7 =	vand.u32 $0x7FFFFF, v6  }
0x366: {  	v7 =	vor.u32 $0x3F800000, v7  }
0x367: {  	v62 =	vadd.f32 $1.000000000e+00, v7;
	_ =	sdelay $0x1  }
0x368: {  	(erf) = vrcp.f32 v62;
	_ =	sdelay $0x7  }
0x369: {  	v7 =	vadd.f32 $-1.000000000e+00, v7  }
0x36a: {  	v8 =	vpop (erf)  }
0x36b: {  	v7 =	vmul.f32 v8, v7;
	_ =	sdelay $0x1  }
0x36c: {  	v8 =	vmul.f32 v7, v7;
	_ =	sdelay $0x1  }
0x36d: {  	v63 =	vmul.f32 v8, v4;
	_ =	sdelay $0x1  }
0x36e: {  	v9 =	vadd.f32 $1.428571490e-01, v63;
	_ =	sdelay $0x1  }
0x36f: {  	v9 =	vmul.f32 v9, v8;
	_ =	sdelay $0x1  }
0x370: {  	v9 =	vadd.f32 $2.000000030e-01, v9;
	_ =	sdelay $0x1  }
0x371: {  	v9 =	vmul.f32 v9, v8;
	_ =	sdelay $0x1  }
0x372: {  	v9 =	vadd.f32 $3.333333430e-01, v9  }
0x373: {  	v6 =	vshrl.u32 v6, $0x17  }
0x374: {  	v6 =	vand.u32 $0xFF, v6;
	v8 =	vmul.f32 v9, v8  }
0x375: {  	v6 =	vadd.s32 $0xFFFFFF81, v6  }
0x376: {  	v6 =	vcvt.s32.f32 v6;
	v7 =	vadd.f32 v7, v7;
	v8 =	vadd.f32 $1.000000000e+00, v8;
	_ =	sdelay $0x1  }
0x377: {  	v6 =	vmul.f32 $6.931471820e-01, v6;
	v7 =	vmul.f32 v8, v7;
	_ =	sdelay $0x1  }
0x378: {  	v6 =	vadd.f32 v7, v6;
	_ =	sdelay $0x1  }
0x379: {  	v7 =	vadd.f32 $0.0e+00, v6;
	v6 =	vmul.f32 $0.0e+00, v6;
	_ =	sdelay $0x1  }
0x37a: {  	v6 =	vsel vm7, v7, v6  }
0x37b: {  	(xrf2) =	vadd.scan.msk.f32 $0xffff, v6;
	_ =	sdelay $0x9  }
0x37c: {  	v6, _, _ =	vpop (xrf2)  }
0x37d: {  	(v2sf) =	vpush v6, $0xF;
	_ =	sdelay $0xc  }
0x37e: {  	s1 =	smul.f32 s1, s29;
	_ =	sdelay $0x1  }
0x37f: {  	s1 =	sadd.f32 s31, s1;
	s30 =	spop (v2sf)  }
0x380: {  	s2 =	sadd.f32 $1.428571410e+01, s30  }
0x381: {  	s0 =	simm.s32 @p1 $0x41000000;
	s1 =	smul.f32 $1.428571410e+01, s1  }
0x382: {  	s0 =	smul.f32 s2, s0;
	_ =	sdelay $0x1  }
0x383: {  	s0 =	ssub.f32 s0, s1;
	_ =	sdelay $0x1  }
.Ltmp9:
0x384: {  	p1 =	slt.f32 s0, $0.0e+00;
	(pc) =	sbr.rel @p0 .LBB2_18-.Ltmp9, $4  }
0x385: {  	s26 =	sadd.f32 s26, s24;
	s29 =	simm.f32 $1.000000000e+00;
	p2 =	sgt.f32 s0, $0.0e+00  }
0x386: {  	s28 =	sadd.f32 s28, s23;
	s29 =	simm.s32 @!p1 $0x0  }
0x387: {  	s24 =	sadd.f32 s0, s26;
	s29 =	simm.s32 @p2 $0x3F800000  }
0x388: {  	s23 =	sadd.f32 s29, s28  }
0x389: {  	s0 =	sadd.s32 $0x3, s25  }
.Ltmp10:
0x38a: {  	s1 =	sshll.u32 s0, $0x4;
	(pc) =	sbr.rel .LBB2_4-.Ltmp10, $4  }
0x38b: {  	s0 =	sshll.u32 s0, $0x9;
	s1 =	sand.u32 $0x70, s1  }
0x38c: {  	s0 =	sand.u32 $0xFFFF000, s0;
	s1 =	sadd.s32 s4, s1  }
0x38d: {  	s22 =	sadd.s32 $0x1, s22;
	s0 =	sadd.s32 s0, s1  }
0x38e: {  	[tilespmem:s14], [sflag:$0x2] =	stream.strided.gather [hbm4b:s0+s11], $0x1000, s12, s11, $0x38;
	[tilespmem:$0x4180] =	vst v63  }
.LBB2_19:
0x38f: {  	_ =	sfence.sel $0x180000  }
0x390: {  	[bflag:$0x0] =	sbarrier.arrive $0xFFFF  }
0x391: {  	_ =	strace $0x90000047  }
0x392: {  	s0 =	stileid.u32;
	[bflag:$0x2] =	sbarrier.arrive $0xFFFF  }
0x393: {  	p0 =	sne.s32 s0, $0x0;
	s0 =	rddreg [dreg:$0x2]  }
0x394: {  	s0 =	sadd.s32 @!p0 $0x100000, s0  }
0x395: {  	[sflag:s0] =	ssyncadd.tile.s32 @!p0 $0x1;
	_ =	shalt  }
.Lfunc_end2:
_tile_overlayer_lowered:
.L_overlay_start_2:
0x396: {  	(tag) =	ssettag $0x2  }
0x397: {  	s0 =	rddreg [dreg:$0x0];
	s2 =	stileid.u32  }
0x398: {  	s1 =	rddreg [dreg:$0x1];
	p0 =	sne.s32 s2, $0x0  }
0x399: {  	s3 =	rddreg [dreg:$0x2];
	[bflag:$0x3] =	sbarrier.arrive $0xFFFF;
	s2 =	simm.s32 @!p0 $0x1C03  }
0x39a: {  	[timem:s3], [sflag:s2] =	dma.local @!p0 [hbm:s0], s1  }
0x39b: {  	s0 =	simm.s32 @!p0 $0x3  }
0x39c: {  	_ =	swait.ge @!p0 [sflag:s0], s1  }
0x39d: {  	s1 =	ssub.s32 @!p0 $0x0, s1;
	[sflag:s0] =	ssyncset.done @!p0 $0x0  }
0x39e: {  	[sflag:s0] =	ssyncadd.s32 @!p0 s1  }
0x39f: {  	[bflag:$0x3] =	sbarrier.arrive $0xFFFF  }
0x3a0: {  	_ =	shalt  }

</sc_bundles>
